<compile_context>
chip_gen: v7x
topology: tpu7x:2x2x1
jax: 0.10.2.dev20260603
libtpu: 0.0.44.dev20260713+nightly
codegen_flags: <defaults>
</compile_context>

<pallas_src>
import functools

import jax
import jax.numpy as jnp
from jax import lax
from jax.experimental import pallas as pl
from jax.experimental.pallas import tpu as pltpu
from jax.experimental.pallas import tpu_sc as plsc

N = 10000
E = 320000
D = 128
NC = 2
NS = 16
NW = NC * NS
EPW = E // NW
CB = 400
NCHB = EPW // CB
CE = 112
NCH = 89
TAIL = EPW - NCH * CE
RT = 640
ZROWS = 80

_mesh = plsc.VectorSubcoreMesh(core_axis_name="c", subcore_axis_name="s")
_sc_params = pltpu.CompilerParams(needs_layout_passes=False)


def _pre_body(f_ref, w4_ref, gw_ref, gb_ref,
              ps0_ref, pn0_ref, ps1_ref, pn1_ref, pmax_ref, gate_ref):
    f = f_ref[...]
    p = lax.dot_general(w4_ref[...], f, (((0,), (1,)), ((), ())),
                        preferred_element_type=jnp.float32)
    ps0_ref[...] = p[0]
    pn0_ref[...] = p[1]
    ps1_ref[...] = p[2]
    pn1_ref[...] = p[3]
    pm0 = jnp.max(p[1])
    pm1 = jnp.max(p[3])
    pmax_ref[...] = jnp.stack([jnp.full((16,), pm0, jnp.float32),
                               jnp.full((16,), pm1, jnp.float32)])
    g = jnp.dot(f, gw_ref[...], preferred_element_type=jnp.float32)
    gate_ref[...] = jax.nn.sigmoid(g + gb_ref[...][None, :])


def _dense_pre(features, w4, gate_w, gate_b):
    return pl.pallas_call(
        _pre_body,
        out_shape=[
            jax.ShapeDtypeStruct((N,), jnp.float32),
            jax.ShapeDtypeStruct((N,), jnp.float32),
            jax.ShapeDtypeStruct((N,), jnp.float32),
            jax.ShapeDtypeStruct((N,), jnp.float32),
            jax.ShapeDtypeStruct((2, 16), jnp.float32),
            jax.ShapeDtypeStruct((N, D), jnp.float32),
        ],
    )(features, w4, gate_w, gate_b)


def _scalar_body(ps0_hbm, pn0_hbm, ps1_hbm, pn1_hbm, pmax_hbm,
                 row_hbm, col_hbm,
                 ex0_hbm, ex1_hbm, sp0_hbm, sp1_hbm,
                 ps0, pn0, ps1, pn1, pmaxv, s0, s1, rowv, colv, ex0v, ex1v,
                 sem_in, sem_out):
    cid = lax.axis_index("c")
    sid = lax.axis_index("s")
    wid = sid * NC + cid

    pltpu.sync_copy(ps0_hbm, ps0)
    pltpu.sync_copy(pn0_hbm, pn0)
    pltpu.sync_copy(ps1_hbm, ps1)
    pltpu.sync_copy(pn1_hbm, pn1)
    pltpu.sync_copy(pmax_hbm, pmaxv)

    def zbody(i, _):
        z = jnp.zeros((16,), jnp.float32)
        s0[pl.ds(i * 16, 16)] = z
        s1[pl.ds(i * 16, 16)] = z
        return 0
    lax.fori_loop(0, N // 16, zbody, 0)

    pm0 = pmaxv[0]
    pm1 = pmaxv[1]
    base0 = wid * EPW

    def start_in(k, b):
        base = base0 + k * CB
        pltpu.async_copy(row_hbm.at[pl.ds(base, CB)], rowv[b], sem_in[b])
        pltpu.async_copy(col_hbm.at[pl.ds(base, CB)], colv[b], sem_in[b])

    def drain_in(k, b):
        base = base0 + k * CB
        pltpu.make_async_copy(row_hbm.at[pl.ds(base, CB)], rowv[b],
                              sem_in[b]).wait()
        pltpu.make_async_copy(col_hbm.at[pl.ds(base, CB)], colv[b],
                              sem_in[b]).wait()

    def drain_out(k, b):
        base = base0 + k * CB
        pltpu.make_async_copy(ex0v[b], ex0_hbm.at[pl.ds(base, CB)],
                              sem_out[b]).wait()
        pltpu.make_async_copy(ex1v[b], ex1_hbm.at[pl.ds(base, CB)],
                              sem_out[b]).wait()

    def compute(b):
        def g_body(q, _):
            for u in range(5):
                g = q * 5 + u
                r16 = rowv[b][pl.ds(g * 16, 16)]
                c16 = colv[b][pl.ds(g * 16, 16)]
                a0 = plsc.load_gather(ps0, [r16])
                b0 = plsc.load_gather(pn0, [c16])
                a1 = plsc.load_gather(ps1, [r16])
                b1 = plsc.load_gather(pn1, [c16])
                e0 = a0 + b0
                e0 = jnp.where(e0 >= 0.0, e0, 0.2 * e0)
                t0 = a0 + pm0
                m0 = jnp.where(t0 >= 0.0, t0, 0.2 * t0)
                x0 = jnp.exp(e0 - m0)
                e1 = a1 + b1
                e1 = jnp.where(e1 >= 0.0, e1, 0.2 * e1)
                t1 = a1 + pm1
                m1 = jnp.where(t1 >= 0.0, t1, 0.2 * t1)
                x1 = jnp.exp(e1 - m1)
                plsc.addupdate_scatter(s0, [r16], x0)
                plsc.addupdate_scatter(s1, [r16], x1)
                ex0v[b][pl.ds(g * 16, 16)] = x0
                ex1v[b][pl.ds(g * 16, 16)] = x1
            return 0
        lax.fori_loop(0, CB // 80, g_body, 0)

    start_in(0, 0)
    start_in(1, 1)

    def pair_body(k2, _):
        for b in (0, 1):
            k = k2 * 2 + b
            drain_in(k, b)

            @pl.when(k >= 2)
            def _():
                drain_out(k - 2, b)
            compute(b)
            base = base0 + k * CB
            pltpu.async_copy(ex0v[b], ex0_hbm.at[pl.ds(base, CB)], sem_out[b])
            pltpu.async_copy(ex1v[b], ex1_hbm.at[pl.ds(base, CB)], sem_out[b])

            @pl.when(k + 2 < NCHB)
            def _():
                start_in(k + 2, b)
        return 0
    lax.fori_loop(0, NCHB // 2, pair_body, 0)

    k = NCHB - 1
    drain_in(k, 0)
    drain_out(k - 2, 0)
    compute(0)
    base = base0 + k * CB
    pltpu.async_copy(ex0v[0], ex0_hbm.at[pl.ds(base, CB)], sem_out[0])
    pltpu.async_copy(ex1v[0], ex1_hbm.at[pl.ds(base, CB)], sem_out[0])
    drain_out(k - 1, 1)
    drain_out(k, 0)

    pltpu.sync_copy(s0, sp0_hbm.at[pl.ds(wid * N, N)])
    pltpu.sync_copy(s1, sp1_hbm.at[pl.ds(wid * N, N)])


_scalar_pass = functools.partial(
    pl.kernel,
    out_type=[
        jax.ShapeDtypeStruct((E,), jnp.float32),
        jax.ShapeDtypeStruct((E,), jnp.float32),
        jax.ShapeDtypeStruct((NW * N,), jnp.float32),
        jax.ShapeDtypeStruct((NW * N,), jnp.float32),
    ],
    mesh=_mesh,
    scratch_types=[
        pltpu.VMEM((N,), jnp.float32),
        pltpu.VMEM((N,), jnp.float32),
        pltpu.VMEM((N,), jnp.float32),
        pltpu.VMEM((N,), jnp.float32),
        pltpu.VMEM((2, 16), jnp.float32),
        pltpu.VMEM((N,), jnp.float32),
        pltpu.VMEM((N,), jnp.float32),
        [pltpu.VMEM((CB,), jnp.int32)] * 2,
        [pltpu.VMEM((CB,), jnp.int32)] * 2,
        [pltpu.VMEM((CB,), jnp.float32)] * 2,
        [pltpu.VMEM((CB,), jnp.float32)] * 2,
        [pltpu.SemaphoreType.DMA] * 2,
        [pltpu.SemaphoreType.DMA] * 2,
    ],
    compiler_params=_sc_params,
)(_scalar_body)


def _combine_body(sp0_ref, sp1_ref, c0_ref, c1_ref):
    s0 = jnp.sum(sp0_ref[...], axis=0)
    s1 = jnp.sum(sp1_ref[...], axis=0)
    c0_ref[...] = 0.5 / jnp.where(s0 == 0.0, 1.0, s0)
    c1_ref[...] = 0.5 / jnp.where(s1 == 0.0, 1.0, s1)


def _combine(sp0, sp1):
    return pl.pallas_call(
        _combine_body,
        out_shape=[jax.ShapeDtypeStruct((N,), jnp.float32),
                   jax.ShapeDtypeStruct((N,), jnp.float32)],
    )(sp0.reshape(NW, N), sp1.reshape(NW, N))


def _heavy_body(ex0_hbm, ex1_hbm, row_hbm, col_hbm, c0_hbm, c1_hbm,
                feat_hbm, out_hbm,
                c0, c1, rowi, coli, ex0v, ex1v, abarv, scidx, rows,
                scidxt, accum,
                sem_meta, sem_gat, sem_scat, sem_t):
    cid = lax.axis_index("c")
    sid = lax.axis_index("s")
    wid = sid * NC + cid

    pltpu.sync_copy(c0_hbm, c0)
    pltpu.sync_copy(c1_hbm, c1)

    def zb(i, _):
        r = i // 8
        j = i % 8
        rows[0][r, pl.ds(j * 16, 16)] = jnp.zeros((16,), jnp.float32)
        return 0
    lax.fori_loop(0, ZROWS * 8, zb, 0)

    r0 = sid * RT
    nzc = jnp.where(sid == NS - 1, 5, 8)

    def za(i, _):
        pltpu.sync_copy(rows[0].at[pl.ds(0, ZROWS)],
                        accum.at[pl.ds(r0 + i * ZROWS, ZROWS)])
        return 0
    lax.fori_loop(0, nzc, za, 0)

    plsc.subcore_barrier()

    base0 = wid * EPW

    def start_meta(k, b):
        base = base0 + k * CE
        pltpu.async_copy(row_hbm.at[pl.ds(base, CE)], rowi[b], sem_meta[b])
        pltpu.async_copy(col_hbm.at[pl.ds(base, CE)], coli[b], sem_meta[b])
        pltpu.async_copy(ex0_hbm.at[pl.ds(base, CE)], ex0v[b], sem_meta[b])
        pltpu.async_copy(ex1_hbm.at[pl.ds(base, CE)], ex1v[b], sem_meta[b])

    def drain_meta(k, b):
        base = base0 + k * CE
        pltpu.make_async_copy(row_hbm.at[pl.ds(base, CE)], rowi[b],
                              sem_meta[b]).wait()
        pltpu.make_async_copy(col_hbm.at[pl.ds(base, CE)], coli[b],
                              sem_meta[b]).wait()
        pltpu.make_async_copy(ex0_hbm.at[pl.ds(base, CE)], ex0v[b],
                              sem_meta[b]).wait()
        pltpu.make_async_copy(ex1_hbm.at[pl.ds(base, CE)], ex1v[b],
                              sem_meta[b]).wait()

    def calc_abar(b):
        def ab(g, _):
            r16 = rowi[b][pl.ds(g * 16, 16)]
            c0g = plsc.load_gather(c0, [r16])
            c1g = plsc.load_gather(c1, [r16])
            abarv[b][pl.ds(g * 16, 16)] = (
                ex0v[b][pl.ds(g * 16, 16)] * c0g +
                ex1v[b][pl.ds(g * 16, 16)] * c1g)
            return 0
        lax.fori_loop(0, CE // 16, ab, 0)

    def scale_rows(rowsref, abarref, nedge):
        def sc(q, _):
            for u in range(4):
                e = q * 4 + u
                spl = plsc.load_gather(abarref,
                                       [jnp.full((16,), e, jnp.int32)])
                for j in range(8):
                    rowsref[e, pl.ds(j * 16, 16)] = (
                        rowsref[e, pl.ds(j * 16, 16)] * spl)
            return 0
        lax.fori_loop(0, nedge // 4, sc, 0)

    start_meta(0, 0)
    drain_meta(0, 0)
    calc_abar(0)
    pltpu.async_copy(feat_hbm.at[coli[0]], rows[0], sem_gat[0])
    start_meta(1, 1)

    def pair_body(k2, _):
        for b in (0, 1):
            k = k2 * 2 + b
            nb = 1 - b

            @pl.when(k + 1 < NCH)
            def _():
                drain_meta(k + 1, nb)
                calc_abar(nb)

                @pl.when(k >= 1)
                def _():
                    pltpu.make_async_copy(rows[nb], accum.at[scidx[nb]],
                                          sem_scat[nb]).wait()
                pltpu.async_copy(feat_hbm.at[coli[nb]], rows[nb], sem_gat[nb])

            pltpu.make_async_copy(feat_hbm.at[coli[b]], rows[b],
                                  sem_gat[b]).wait()

            scale_rows(rows[b], abarv[b], CE)

            def cpi(g, _):
                scidx[b][pl.ds(g * 16, 16)] = rowi[b][pl.ds(g * 16, 16)]
                return 0
            lax.fori_loop(0, CE // 16, cpi, 0)
            pltpu.async_copy(rows[b], accum.at[scidx[b]], sem_scat[b],
                             add=True)

            @pl.when(k + 2 < NCH)
            def _():
                start_meta(k + 2, b)
        return 0
    lax.fori_loop(0, NCH // 2, pair_body, 0)

    pltpu.make_async_copy(feat_hbm.at[coli[0]], rows[0], sem_gat[0]).wait()
    scale_rows(rows[0], abarv[0], CE)

    def cpl(g, _):
        scidx[0][pl.ds(g * 16, 16)] = rowi[0][pl.ds(g * 16, 16)]
        return 0
    lax.fori_loop(0, CE // 16, cpl, 0)
    pltpu.async_copy(rows[0], accum.at[scidx[0]], sem_scat[0], add=True)

    pltpu.make_async_copy(rows[0], accum.at[scidx[0]], sem_scat[0]).wait()
    pltpu.make_async_copy(rows[1], accum.at[scidx[1]], sem_scat[1]).wait()

    tbase = base0 + NCH * CE
    pltpu.sync_copy(row_hbm.at[pl.ds(tbase, TAIL)], rowi[1].at[pl.ds(0, TAIL)])
    pltpu.sync_copy(col_hbm.at[pl.ds(tbase, TAIL)], coli[1].at[pl.ds(0, TAIL)])
    pltpu.sync_copy(ex0_hbm.at[pl.ds(tbase, TAIL)], ex0v[1].at[pl.ds(0, TAIL)])
    pltpu.sync_copy(ex1_hbm.at[pl.ds(tbase, TAIL)], ex1v[1].at[pl.ds(0, TAIL)])

    def abt(g, _):
        r16 = rowi[1][pl.ds(g * 16, 16)]
        abarv[1][pl.ds(g * 16, 16)] = (
            ex0v[1][pl.ds(g * 16, 16)] * plsc.load_gather(c0, [r16]) +
            ex1v[1][pl.ds(g * 16, 16)] * plsc.load_gather(c1, [r16]))
        scidxt[pl.ds(g * 16, 16)] = r16
        return 0
    lax.fori_loop(0, TAIL // 16, abt, 0)
    pltpu.async_copy(feat_hbm.at[coli[1].at[pl.ds(0, TAIL)]],
                     rows[0].at[pl.ds(0, TAIL)], sem_t).wait()
    scale_rows(rows[0], abarv[1], TAIL)
    pltpu.sync_copy(rows[0].at[pl.ds(0, TAIL)], accum.at[scidxt], add=True)

    plsc.subcore_barrier()

    def outb(i, _):
        rr = r0 + i * ZROWS
        pltpu.sync_copy(accum.at[pl.ds(rr, ZROWS)], rows[0].at[pl.ds(0, ZROWS)])
        pltpu.sync_copy(rows[0].at[pl.ds(0, ZROWS)],
                        out_hbm.at[pl.ds(cid * N + rr, ZROWS)])
        return 0
    lax.fori_loop(0, nzc, outb, 0)


_heavy = functools.partial(
    pl.kernel,
    out_type=jax.ShapeDtypeStruct((NC * N, D), jnp.float32),
    mesh=_mesh,
    scratch_types=[
        pltpu.VMEM((N,), jnp.float32),
        pltpu.VMEM((N,), jnp.float32),
        [pltpu.VMEM((CE,), jnp.int32)] * 2,
        [pltpu.VMEM((CE,), jnp.int32)] * 2,
        [pltpu.VMEM((CE,), jnp.float32)] * 2,
        [pltpu.VMEM((CE,), jnp.float32)] * 2,
        [pltpu.VMEM((CE,), jnp.float32)] * 2,
        [pltpu.VMEM((CE,), jnp.int32)] * 2,
        [pltpu.VMEM((CE, D), jnp.float32)] * 2,
        pltpu.VMEM((TAIL,), jnp.int32),
        pltpu.VMEM_SHARED((N, D), jnp.float32),
        [pltpu.SemaphoreType.DMA] * 2,
        [pltpu.SemaphoreType.DMA] * 2,
        [pltpu.SemaphoreType.DMA] * 2,
        pltpu.SemaphoreType.DMA,
    ],
    compiler_params=_sc_params,
)(_heavy_body)


def _final_body(acc_ref, gate_ref, f_ref, out_ref):
    agg = jax.nn.relu(acc_ref[0] + acc_ref[1])
    g = gate_ref[...]
    out_ref[...] = agg * g + f_ref[...] * (1.0 - g)


def _final(acc, gate, features):
    return pl.pallas_call(
        _final_body,
        out_shape=jax.ShapeDtypeStruct((N, D), jnp.float32),
    )(acc, gate, features)


def kernel(adj_indices, features, self_kernels, attn_kernels, gate_weight,
           gate_bias):
    idx = adj_indices[0].astype(jnp.int32)
    row = idx[:, 0]
    col = idx[:, 1]
    a_self = attn_kernels[:, :D] * self_kernels
    a_nbr = attn_kernels[:, D:] * self_kernels
    w4 = jnp.stack([a_self[0], a_nbr[0], a_self[1], a_nbr[1]], axis=1)

    ps0, pn0, ps1, pn1, pmax, gate = _dense_pre(features, w4, gate_weight,
                                                gate_bias)
    ex0, ex1, sp0, sp1 = _scalar_pass(ps0, pn0, ps1, pn1, pmax, row, col)
    c0, c1 = _combine(sp0, sp1)
    acc = _heavy(ex0, ex1, row, col, c0, c1, features)
    return _final(acc.reshape(NC, N, D), gate, features)

# --- scband reference (transcript-rebuilt; emitter-appended) ---
"""Pipeline reference for scband-gatlayer-67740224192705 (READ-ONLY COPY).

The authoritative reference and input builder live on the scoring server;
editing this copy changes nothing except your own understanding.
"""

import jax, jax.numpy as jnp
import numpy as np

N = 10000
E = 320000
D = 128
H = 2

def setup_inputs(seed: int = 0) -> dict:
    key = jax.random.key(seed)
    k1, k2, k3, k4, k5 = jax.random.split(key, 5)
    adj_indices = jax.random.randint(k1, (1, E, 2), 0, N).astype(jnp.int64)
    features = jax.random.normal(k2, (N, D), dtype=jnp.float32)
    # self_kernels: initializer 'ones' per the original module
    self_kernels = jnp.ones((H, D), dtype=jnp.float32)
    # attn_kernels: glorot_uniform-ish
    lim_a = np.sqrt(6.0 / (1 + 2 * D))
    attn_kernels = jax.random.uniform(k3, (H, 2 * D), dtype=jnp.float32, minval=-lim_a, maxval=lim_a)
    lim_g = np.sqrt(6.0 / (D + D))
    gate_weight = jax.random.uniform(k4, (D, D), dtype=jnp.float32, minval=-lim_g, maxval=lim_g)
    gate_bias = jax.random.uniform(k5, (D,), dtype=jnp.float32, minval=-lim_g, maxval=lim_g)
    return {"adj_indices": adj_indices, "features": features, "self_kernels": self_kernels,
            "attn_kernels": attn_kernels, "gate_weight": gate_weight, "gate_bias": gate_bias}


def reference(adj_indices, features, self_kernels, attn_kernels, gate_weight, gate_bias):
    idx = adj_indices[0]              # [E, 2]
    row = idx[:, 0]                   # source / row of sparse adj
    col = idx[:, 1]                   # neighbor / column
    n = features.shape[0]
    outs = []
    for head in range(H):
        h = features * self_kernels[head][None, :]          # [N, D]
        self_h = jnp.take(h, row, axis=0)                   # [E, D]
        nbr_h = jnp.take(h, col, axis=0)                    # [E, D]
        edge_h = jnp.concatenate([self_h, nbr_h], axis=1)   # [E, 2D]
        e = edge_h @ attn_kernels[head]                      # [E]
        e = jax.nn.leaky_relu(e, negative_slope=0.2)         # tf.nn.leaky_relu default alpha=0.2
        # sparse softmax grouped by row (tf.sparse.softmax semantics)
        m = jax.ops.segment_max(e, row, num_segments=n)
        m = jnp.where(jnp.isfinite(m), m, 0.0)
        ex = jnp.exp(e - jnp.take(m, row, axis=0))
        s = jax.ops.segment_sum(ex, row, num_segments=n)
        s = jnp.where(s == 0.0, 1.0, s)
        a = ex / jnp.take(s, row, axis=0)                    # [E]
        # sparse_dense_matmul(att, h): out[i] = sum_e a[e] * h[col[e]] for row[e] == i
        out = jax.ops.segment_sum(a[:, None] * nbr_h, row, num_segments=n)
        outs.append(out)
    outputs = jnp.stack(outs, axis=1)                        # [N, H, D]
    outputs = jnp.mean(outputs, axis=1)                      # [N, D]
    outputs = jax.nn.relu(outputs)
    # highway gate
    gate = jax.nn.sigmoid(features @ gate_weight + gate_bias)
    outputs = outputs * gate + features * (1.0 - gate)
    return outputs

if __name__ == "__main__":
    import jax
    _d = setup_inputs()
    print(jax.jit(kernel)(*tuple(_d.values())))

</pallas_src>

<mosaic_0001>
#map = affine_map<(d0, d1) -> (0)>
#map1 = affine_map<(d0, d1) -> (0, 0)>
module attributes {stable_mosaic.version = 14 : i64} {
  func.func @_heavy_body(%arg0: i32, %arg1: i32, %arg2: memref<320000xf32, #tpu.memory_space<hbm>>, %arg3: memref<320000xf32, #tpu.memory_space<hbm>>, %arg4: memref<320000xi32, #tpu.memory_space<hbm>>, %arg5: memref<320000xi32, #tpu.memory_space<hbm>>, %arg6: memref<10000xf32, #tpu.memory_space<hbm>>, %arg7: memref<10000xf32, #tpu.memory_space<hbm>>, %arg8: memref<10000x128xf32, #tpu.memory_space<hbm>>, %arg9: memref<20000x128xf32, #tpu.memory_space<hbm>>, %arg10: memref<10000xf32, #tpu.memory_space<vmem>>, %arg11: memref<10000xf32, #tpu.memory_space<vmem>>, %arg12: memref<112xi32, #tpu.memory_space<vmem>>, %arg13: memref<112xi32, #tpu.memory_space<vmem>>, %arg14: memref<112xi32, #tpu.memory_space<vmem>>, %arg15: memref<112xi32, #tpu.memory_space<vmem>>, %arg16: memref<112xf32, #tpu.memory_space<vmem>>, %arg17: memref<112xf32, #tpu.memory_space<vmem>>, %arg18: memref<112xf32, #tpu.memory_space<vmem>>, %arg19: memref<112xf32, #tpu.memory_space<vmem>>, %arg20: memref<112xf32, #tpu.memory_space<vmem>>, %arg21: memref<112xf32, #tpu.memory_space<vmem>>, %arg22: memref<112xi32, #tpu.memory_space<vmem>>, %arg23: memref<112xi32, #tpu.memory_space<vmem>>, %arg24: memref<112x128xf32, #tpu.memory_space<vmem>>, %arg25: memref<112x128xf32, #tpu.memory_space<vmem>>, %arg26: memref<32xi32, #tpu.memory_space<vmem>>, %arg27: memref<10000x128xf32, #tpu.memory_space<vmem_shared>>, %arg28: memref<!tpu.dma_semaphore, #tpu.memory_space<semaphore_mem>>, %arg29: memref<!tpu.dma_semaphore, #tpu.memory_space<semaphore_mem>>, %arg30: memref<!tpu.dma_semaphore, #tpu.memory_space<semaphore_mem>>, %arg31: memref<!tpu.dma_semaphore, #tpu.memory_space<semaphore_mem>>, %arg32: memref<!tpu.dma_semaphore, #tpu.memory_space<semaphore_mem>>, %arg33: memref<!tpu.dma_semaphore, #tpu.memory_space<semaphore_mem>>, %arg34: memref<!tpu.dma_semaphore, #tpu.memory_space<semaphore_mem>>) attributes {dimension_semantics = [#tpu.dimension_semantics<core_parallel>, #tpu.dimension_semantics<subcore_parallel>], iteration_bounds = array<i64: 2, 16>, scalar_prefetch = 0 : i64, scratch_operands = 25 : i64, tpu.core_type = #tpu.core_type<sc_vector_subcore>, window_params = [{transform_indices = #map}, {transform_indices = #map}, {transform_indices = #map}, {transform_indices = #map}, {transform_indices = #map}, {transform_indices = #map}, {transform_indices = #map1}, {transform_indices = #map1}]} {
    %mul3A = arith.constant 2 : i32
    %mul3A_0 = arith.muli %arg1, %mul3A : i32
    %add3A = arith.addi %mul3A_0, %arg0 : i32
    "tpu.region"() ({
      %run_scoped3A = tpu.sem_alloc : memref<!tpu.dma_semaphore, #tpu.memory_space<semaphore_mem>>
      tpu.enqueue_dma source(%arg6 : memref<10000xf32, #tpu.memory_space<hbm>>) target(%arg10 : memref<10000xf32, #tpu.memory_space<vmem>>) target_semaphore(%run_scoped3A : memref<!tpu.dma_semaphore, #tpu.memory_space<semaphore_mem>>)
      tpu.wait_dma2 semaphore(%run_scoped3A : memref<!tpu.dma_semaphore, #tpu.memory_space<semaphore_mem>>) src(%arg6 : memref<10000xf32, #tpu.memory_space<hbm>>) dst(%arg10 : memref<10000xf32, #tpu.memory_space<vmem>>)
      tpu.yield
    }) : () -> ()
    "tpu.region"() ({
      %run_scoped3A = tpu.sem_alloc : memref<!tpu.dma_semaphore, #tpu.memory_space<semaphore_mem>>
      tpu.enqueue_dma source(%arg7 : memref<10000xf32, #tpu.memory_space<hbm>>) target(%arg11 : memref<10000xf32, #tpu.memory_space<vmem>>) target_semaphore(%run_scoped3A : memref<!tpu.dma_semaphore, #tpu.memory_space<semaphore_mem>>)
      tpu.wait_dma2 semaphore(%run_scoped3A : memref<!tpu.dma_semaphore, #tpu.memory_space<semaphore_mem>>) src(%arg7 : memref<10000xf32, #tpu.memory_space<hbm>>) dst(%arg11 : memref<10000xf32, #tpu.memory_space<vmem>>)
      tpu.yield
    }) : () -> ()
    %scan3A = arith.constant 0 : i32
    %scan3A_1 = arith.constant 0 : i32
    %scan3A_2 = arith.constant 640 : i32
    %scan3A_3 = arith.addi %scan3A_1, %scan3A_2 : i32
    %scan3A_4 = arith.constant 1 : i32
    %scan3A_5 = scf.for %scan3A_140 = %scan3A_1 to %scan3A_3 step %scan3A_4 iter_args(%scan3A_141 = %scan3A) -> (i32)  : i32 {
      %jit3A_142 = arith.constant 8 : i32
      %div3A = arith.divsi %scan3A_140, %jit3A_142 : i32
      %sign3A = arith.constant 0 : i32
      %sign3A_143 = arith.cmpi sgt, %scan3A_140, %sign3A : i32
      %sign3A_144 = arith.extui %sign3A_143 : i1 to i32
      %sign3A_145 = arith.constant 0 : i32
      %sign3A_146 = arith.cmpi slt, %scan3A_140, %sign3A_145 : i32
      %sign3A_147 = arith.extui %sign3A_146 : i1 to i32
      %sign3A_148 = arith.subi %sign3A_144, %sign3A_147 : i32
      %sign3A_149 = arith.constant 0 : i32
      %sign3A_150 = arith.cmpi sgt, %jit3A_142, %sign3A_149 : i32
      %sign3A_151 = arith.extui %sign3A_150 : i1 to i32
      %sign3A_152 = arith.constant 0 : i32
      %sign3A_153 = arith.cmpi slt, %jit3A_142, %sign3A_152 : i32
      %sign3A_154 = arith.extui %sign3A_153 : i1 to i32
      %sign3A_155 = arith.subi %sign3A_151, %sign3A_154 : i32
      %ne3A = arith.cmpi ne, %sign3A_148, %sign3A_155 : i32
      %rem3A = arith.remsi %scan3A_140, %jit3A_142 : i32
      %ne3A_156 = arith.constant 0 : i32
      %ne3A_157 = arith.cmpi ne, %rem3A, %ne3A_156 : i32
      %and3A = arith.andi %ne3A, %ne3A_157 : i1
      %sub3A = arith.constant 1 : i32
      %sub3A_158 = arith.subi %div3A, %sub3A : i32
      %select_n3A_159 = arith.select %and3A, %sub3A_158, %div3A : i32
      %jit3A_160 = arith.constant 8 : i32
      %eq3A_161 = arith.constant 0 : i32
      %eq3A_162 = arith.cmpi eq, %jit3A_160, %eq3A_161 : i32
      %jit3A_163 = arith.constant 1 : i32
      %select_n3A_164 = arith.select %eq3A_162, %jit3A_163, %jit3A_160 : i32
      %rem3A_165 = arith.remsi %scan3A_140, %select_n3A_164 : i32
      %ne3A_166 = arith.constant 0 : i32
      %ne3A_167 = arith.cmpi ne, %rem3A_165, %ne3A_166 : i32
      %lt3A = arith.constant 0 : i32
      %lt3A_168 = arith.cmpi slt, %rem3A_165, %lt3A : i32
      %lt3A_169 = arith.constant 0 : i32
      %lt3A_170 = arith.cmpi slt, %select_n3A_164, %lt3A_169 : i32
      %ne3A_171 = arith.xori %lt3A_168, %lt3A_170 : i1
      %and3A_172 = arith.andi %ne3A_171, %ne3A_167 : i1
      %add3A_173 = arith.addi %rem3A_165, %select_n3A_164 : i32
      %select_n3A_174 = arith.select %and3A_172, %add3A_173, %rem3A_165 : i32
      %broadcast_in_dim3A = arith.constant 0.000000e+00 : f32
      %broadcast_in_dim3A_175 = vector.broadcast %broadcast_in_dim3A : f32 to vector<16xf32>
      %mul3A_176 = arith.constant 16 : i32
      %mul3A_177 = arith.muli %select_n3A_174, %mul3A_176 : i32
      %swap3A = arith.index_cast %select_n3A_159 : i32 to index
      %swap3A_178 = arith.index_cast %mul3A_177 : i32 to index
      %swap3A_179 = tpu.vector_load %arg24[%swap3A, %swap3A_178] {strides = array<i32>} : memref<112x128xf32, #tpu.memory_space<vmem>>, vector<16xf32>,
      tpu.vector_store %arg24[%swap3A, %swap3A_178], %broadcast_in_dim3A_175 {strides = array<i32>} : memref<112x128xf32, #tpu.memory_space<vmem>>, vector<16xf32>,
      %scan3A_180 = arith.constant 0 : i32
      scf.yield %scan3A_180 : i32
    }
    %scan3A_6 = arith.constant 640 : i32
    %mul3A_7 = arith.constant 640 : i32
    %mul3A_8 = arith.muli %arg1, %mul3A_7 : i32
    %eq3A = arith.constant 15 : i32
    %eq3A_9 = arith.cmpi eq, %arg1, %eq3A : i32
    %jit3A = arith.constant 5 : i32
    %jit3A_10 = arith.constant 8 : i32
    %select_n3A = arith.select %eq3A_9, %jit3A, %jit3A_10 : i32
    %while3A = arith.constant 0 : i32
    %while3A_11 = arith.constant 0 : i32
    %while3A_12 = arith.subi %select_n3A, %while3A : i32
    %while3A_13 = arith.addi %while3A, %while3A_12 : i32
    %while3A_14 = arith.constant 1 : i32
    %while3A_15 = arith.divsi %while3A_12, %while3A_14 : i32
    %while3A_16 = arith.muli %while3A_15, %while3A_14 : i32
    %while3A_17 = arith.addi %while3A, %while3A_16 : i32
    %while3A_18 = arith.constant 1 : i32
    %while3A_19 = scf.for %while3A_140 = %while3A to %while3A_17 step %while3A_18 iter_args(%while3A_141 = %while3A_11) -> (i32)  : i32 {
      %mul3A_142 = arith.constant 80 : i32
      %mul3A_143 = arith.muli %while3A_140, %mul3A_142 : i32
      %add3A_144 = arith.addi %mul3A_8, %mul3A_143 : i32
      "tpu.region"() ({
        %run_scoped3A = tpu.sem_alloc : memref<!tpu.dma_semaphore, #tpu.memory_space<semaphore_mem>>
        %dma_start3A_146 = arith.constant 0 : i32
        %dma_start3A_147 = arith.constant 0 : i32
        %dma_start3A_148 = tpu.memref_slice %arg24[%dma_start3A_146, %dma_start3A_147] : memref<112x128xf32, #tpu.memory_space<vmem>> -> memref<80x128xf32, #tpu.memory_space<vmem>>
        %dma_start3A_149 = arith.constant 0 : i32
        %dma_start3A_150 = tpu.memref_slice %arg27[%add3A_144, %dma_start3A_149] : memref<10000x128xf32, #tpu.memory_space<vmem_shared>> -> memref<80x128xf32, #tpu.memory_space<vmem_shared>>
        %dma_start3A_151 = arith.constant 0 : i32
        %dma_start3A_152 = tpu.memref_slice %arg27[%add3A_144, %dma_start3A_151] : memref<10000x128xf32, #tpu.memory_space<vmem_shared>> -> memref<80x128xf32, #tpu.memory_space<vmem_shared>>
        %dma_start3A_153 = arith.constant 0 : i32
        %dma_start3A_154 = arith.constant 0 : i32
        %dma_start3A_155 = tpu.memref_slice %arg24[%dma_start3A_153, %dma_start3A_154] : memref<112x128xf32, #tpu.memory_space<vmem>> -> memref<80x128xf32, #tpu.memory_space<vmem>>
        tpu.enqueue_dma source(%dma_start3A_155 : memref<80x128xf32, #tpu.memory_space<vmem>>) target(%dma_start3A_152 : memref<80x128xf32, #tpu.memory_space<vmem_shared>>) target_semaphore(%run_scoped3A : memref<!tpu.dma_semaphore, #tpu.memory_space<semaphore_mem>>)
        %dma_wait3A_156 = arith.constant 0 : i32
        %dma_wait3A_157 = arith.constant 0 : i32
        %dma_wait3A_158 = tpu.memref_slice %arg24[%dma_wait3A_156, %dma_wait3A_157] : memref<112x128xf32, #tpu.memory_space<vmem>> -> memref<80x128xf32, #tpu.memory_space<vmem>>
        %dma_wait3A_159 = arith.constant 0 : i32
        %dma_wait3A_160 = tpu.memref_slice %arg27[%add3A_144, %dma_wait3A_159] : memref<10000x128xf32, #tpu.memory_space<vmem_shared>> -> memref<80x128xf32, #tpu.memory_space<vmem_shared>>
        %dma_wait3A_161 = arith.constant 0 : i32
        %dma_wait3A_162 = tpu.memref_slice %arg27[%add3A_144, %dma_wait3A_161] : memref<10000x128xf32, #tpu.memory_space<vmem_shared>> -> memref<80x128xf32, #tpu.memory_space<vmem_shared>>
        %dma_wait3A_163 = arith.constant 0 : i32
        %dma_wait3A_164 = arith.constant 0 : i32
        %dma_wait3A_165 = tpu.memref_slice %arg24[%dma_wait3A_163, %dma_wait3A_164] : memref<112x128xf32, #tpu.memory_space<vmem>> -> memref<80x128xf32, #tpu.memory_space<vmem>>
        tpu.wait_dma2 semaphore(%run_scoped3A : memref<!tpu.dma_semaphore, #tpu.memory_space<semaphore_mem>>) src(%dma_wait3A_165 : memref<80x128xf32, #tpu.memory_space<vmem>>) dst(%dma_wait3A_162 : memref<80x128xf32, #tpu.memory_space<vmem_shared>>)
        tpu.yield
      }) : () -> ()
      %while3A_145 = arith.constant 0 : i32
      scf.yield %while3A_145 : i32
    }
    %while3A_20 = arith.constant 1 : i32
    %while3A_21 = scf.for %while3A_140 = %while3A_17 to %while3A_13 step %while3A_20 iter_args(%while3A_141 = %while3A_19) -> (i32)  : i32 {
      %mul3A_142 = arith.constant 80 : i32
      %mul3A_143 = arith.muli %while3A_140, %mul3A_142 : i32
      %add3A_144 = arith.addi %mul3A_8, %mul3A_143 : i32
      "tpu.region"() ({
        %run_scoped3A = tpu.sem_alloc : memref<!tpu.dma_semaphore, #tpu.memory_space<semaphore_mem>>
        %dma_start3A_146 = arith.constant 0 : i32
        %dma_start3A_147 = arith.constant 0 : i32
        %dma_start3A_148 = tpu.memref_slice %arg24[%dma_start3A_146, %dma_start3A_147] : memref<112x128xf32, #tpu.memory_space<vmem>> -> memref<80x128xf32, #tpu.memory_space<vmem>>
        %dma_start3A_149 = arith.constant 0 : i32
        %dma_start3A_150 = tpu.memref_slice %arg27[%add3A_144, %dma_start3A_149] : memref<10000x128xf32, #tpu.memory_space<vmem_shared>> -> memref<80x128xf32, #tpu.memory_space<vmem_shared>>
        %dma_start3A_151 = arith.constant 0 : i32
        %dma_start3A_152 = tpu.memref_slice %arg27[%add3A_144, %dma_start3A_151] : memref<10000x128xf32, #tpu.memory_space<vmem_shared>> -> memref<80x128xf32, #tpu.memory_space<vmem_shared>>
        %dma_start3A_153 = arith.constant 0 : i32
        %dma_start3A_154 = arith.constant 0 : i32
        %dma_start3A_155 = tpu.memref_slice %arg24[%dma_start3A_153, %dma_start3A_154] : memref<112x128xf32, #tpu.memory_space<vmem>> -> memref<80x128xf32, #tpu.memory_space<vmem>>
        tpu.enqueue_dma source(%dma_start3A_155 : memref<80x128xf32, #tpu.memory_space<vmem>>) target(%dma_start3A_152 : memref<80x128xf32, #tpu.memory_space<vmem_shared>>) target_semaphore(%run_scoped3A : memref<!tpu.dma_semaphore, #tpu.memory_space<semaphore_mem>>)
        %dma_wait3A_156 = arith.constant 0 : i32
        %dma_wait3A_157 = arith.constant 0 : i32
        %dma_wait3A_158 = tpu.memref_slice %arg24[%dma_wait3A_156, %dma_wait3A_157] : memref<112x128xf32, #tpu.memory_space<vmem>> -> memref<80x128xf32, #tpu.memory_space<vmem>>
        %dma_wait3A_159 = arith.constant 0 : i32
        %dma_wait3A_160 = tpu.memref_slice %arg27[%add3A_144, %dma_wait3A_159] : memref<10000x128xf32, #tpu.memory_space<vmem_shared>> -> memref<80x128xf32, #tpu.memory_space<vmem_shared>>
        %dma_wait3A_161 = arith.constant 0 : i32
        %dma_wait3A_162 = tpu.memref_slice %arg27[%add3A_144, %dma_wait3A_161] : memref<10000x128xf32, #tpu.memory_space<vmem_shared>> -> memref<80x128xf32, #tpu.memory_space<vmem_shared>>
        %dma_wait3A_163 = arith.constant 0 : i32
        %dma_wait3A_164 = arith.constant 0 : i32
        %dma_wait3A_165 = tpu.memref_slice %arg24[%dma_wait3A_163, %dma_wait3A_164] : memref<112x128xf32, #tpu.memory_space<vmem>> -> memref<80x128xf32, #tpu.memory_space<vmem>>
        tpu.wait_dma2 semaphore(%run_scoped3A : memref<!tpu.dma_semaphore, #tpu.memory_space<semaphore_mem>>) src(%dma_wait3A_165 : memref<80x128xf32, #tpu.memory_space<vmem>>) dst(%dma_wait3A_162 : memref<80x128xf32, #tpu.memory_space<vmem_shared>>)
        tpu.yield
      }) : () -> ()
      %while3A_145 = arith.constant 0 : i32
      scf.yield %while3A_145 : i32
    }
    %barrier3A = arith.constant 0 : index
    tpu.barrier barrier_id(%barrier3A)
    %mul3A_22 = arith.constant 10000 : i32
    %mul3A_23 = arith.muli %add3A, %mul3A_22 : i32
    %add3A_24 = arith.constant 0 : i32
    %add3A_25 = arith.addi %mul3A_23, %add3A_24 : i32
    %dma_start3A = tpu.memref_slice %arg4[%add3A_25] : memref<320000xi32, #tpu.memory_space<hbm>> -> memref<112xi32, #tpu.memory_space<hbm>>
    %dma_start3A_26 = tpu.memref_slice %arg4[%add3A_25] : memref<320000xi32, #tpu.memory_space<hbm>> -> memref<112xi32, #tpu.memory_space<hbm>>
    tpu.enqueue_dma source(%dma_start3A_26 : memref<112xi32, #tpu.memory_space<hbm>>) target(%arg12 : memref<112xi32, #tpu.memory_space<vmem>>) target_semaphore(%arg28 : memref<!tpu.dma_semaphore, #tpu.memory_space<semaphore_mem>>)
    %dma_start3A_27 = tpu.memref_slice %arg5[%add3A_25] : memref<320000xi32, #tpu.memory_space<hbm>> -> memref<112xi32, #tpu.memory_space<hbm>>
    %dma_start3A_28 = tpu.memref_slice %arg5[%add3A_25] : memref<320000xi32, #tpu.memory_space<hbm>> -> memref<112xi32, #tpu.memory_space<hbm>>
    tpu.enqueue_dma source(%dma_start3A_28 : memref<112xi32, #tpu.memory_space<hbm>>) target(%arg14 : memref<112xi32, #tpu.memory_space<vmem>>) target_semaphore(%arg28 : memref<!tpu.dma_semaphore, #tpu.memory_space<semaphore_mem>>)
    %dma_start3A_29 = tpu.memref_slice %arg2[%add3A_25] : memref<320000xf32, #tpu.memory_space<hbm>> -> memref<112xf32, #tpu.memory_space<hbm>>
    %dma_start3A_30 = tpu.memref_slice %arg2[%add3A_25] : memref<320000xf32, #tpu.memory_space<hbm>> -> memref<112xf32, #tpu.memory_space<hbm>>
    tpu.enqueue_dma source(%dma_start3A_30 : memref<112xf32, #tpu.memory_space<hbm>>) target(%arg16 : memref<112xf32, #tpu.memory_space<vmem>>) target_semaphore(%arg28 : memref<!tpu.dma_semaphore, #tpu.memory_space<semaphore_mem>>)
    %dma_start3A_31 = tpu.memref_slice %arg3[%add3A_25] : memref<320000xf32, #tpu.memory_space<hbm>> -> memref<112xf32, #tpu.memory_space<hbm>>
    %dma_start3A_32 = tpu.memref_slice %arg3[%add3A_25] : memref<320000xf32, #tpu.memory_space<hbm>> -> memref<112xf32, #tpu.memory_space<hbm>>
    tpu.enqueue_dma source(%dma_start3A_32 : memref<112xf32, #tpu.memory_space<hbm>>) target(%arg18 : memref<112xf32, #tpu.memory_space<vmem>>) target_semaphore(%arg28 : memref<!tpu.dma_semaphore, #tpu.memory_space<semaphore_mem>>)
    %add3A_33 = arith.constant 0 : i32
    %add3A_34 = arith.addi %mul3A_23, %add3A_33 : i32
    %dma_wait3A = tpu.memref_slice %arg4[%add3A_34] : memref<320000xi32, #tpu.memory_space<hbm>> -> memref<112xi32, #tpu.memory_space<hbm>>
    %dma_wait3A_35 = tpu.memref_slice %arg4[%add3A_34] : memref<320000xi32, #tpu.memory_space<hbm>> -> memref<112xi32, #tpu.memory_space<hbm>>
    tpu.wait_dma2 semaphore(%arg28 : memref<!tpu.dma_semaphore, #tpu.memory_space<semaphore_mem>>) src(%dma_wait3A_35 : memref<112xi32, #tpu.memory_space<hbm>>) dst(%arg12 : memref<112xi32, #tpu.memory_space<vmem>>)
    %dma_wait3A_36 = tpu.memref_slice %arg5[%add3A_34] : memref<320000xi32, #tpu.memory_space<hbm>> -> memref<112xi32, #tpu.memory_space<hbm>>
    %dma_wait3A_37 = tpu.memref_slice %arg5[%add3A_34] : memref<320000xi32, #tpu.memory_space<hbm>> -> memref<112xi32, #tpu.memory_space<hbm>>
    tpu.wait_dma2 semaphore(%arg28 : memref<!tpu.dma_semaphore, #tpu.memory_space<semaphore_mem>>) src(%dma_wait3A_37 : memref<112xi32, #tpu.memory_space<hbm>>) dst(%arg14 : memref<112xi32, #tpu.memory_space<vmem>>)
    %dma_wait3A_38 = tpu.memref_slice %arg2[%add3A_34] : memref<320000xf32, #tpu.memory_space<hbm>> -> memref<112xf32, #tpu.memory_space<hbm>>
    %dma_wait3A_39 = tpu.memref_slice %arg2[%add3A_34] : memref<320000xf32, #tpu.memory_space<hbm>> -> memref<112xf32, #tpu.memory_space<hbm>>
    tpu.wait_dma2 semaphore(%arg28 : memref<!tpu.dma_semaphore, #tpu.memory_space<semaphore_mem>>) src(%dma_wait3A_39 : memref<112xf32, #tpu.memory_space<hbm>>) dst(%arg16 : memref<112xf32, #tpu.memory_space<vmem>>)
    %dma_wait3A_40 = tpu.memref_slice %arg3[%add3A_34] : memref<320000xf32, #tpu.memory_space<hbm>> -> memref<112xf32, #tpu.memory_space<hbm>>
    %dma_wait3A_41 = tpu.memref_slice %arg3[%add3A_34] : memref<320000xf32, #tpu.memory_space<hbm>> -> memref<112xf32, #tpu.memory_space<hbm>>
    tpu.wait_dma2 semaphore(%arg28 : memref<!tpu.dma_semaphore, #tpu.memory_space<semaphore_mem>>) src(%dma_wait3A_41 : memref<112xf32, #tpu.memory_space<hbm>>) dst(%arg18 : memref<112xf32, #tpu.memory_space<vmem>>)
    %scan3A_42 = arith.constant 0 : i32
    %scan3A_43 = arith.constant 0 : i32
    %scan3A_44 = arith.constant 7 : i32
    %scan3A_45 = arith.addi %scan3A_43, %scan3A_44 : i32
    %scan3A_46 = arith.constant 1 : i32
    %scan3A_47 = scf.for %scan3A_140 = %scan3A_43 to %scan3A_45 step %scan3A_46 iter_args(%scan3A_141 = %scan3A_42) -> (i32)  : i32 {
      %mul3A_142 = arith.constant 16 : i32
      %mul3A_143 = arith.muli %scan3A_140, %mul3A_142 : i32
      %get3A = arith.index_cast %mul3A_143 : i32 to index
      %get3A_144 = tpu.vector_load %arg12[%get3A] {strides = array<i32>} : memref<112xi32, #tpu.memory_space<vmem>>, vector<16xi32>,
      %gather3A = tpu.vector_load_idx %arg10[%get3A_144] : memref<10000xf32, #tpu.memory_space<vmem>>[vector<16xi32>], vector<16xf32>,
      %gather3A_145 = tpu.vector_load_idx %arg11[%get3A_144] : memref<10000xf32, #tpu.memory_space<vmem>>[vector<16xi32>], vector<16xf32>,
      %mul3A_146 = arith.constant 16 : i32
      %mul3A_147 = arith.muli %scan3A_140, %mul3A_146 : i32
      %get3A_148 = arith.index_cast %mul3A_147 : i32 to index
      %get3A_149 = tpu.vector_load %arg16[%get3A_148] {strides = array<i32>} : memref<112xf32, #tpu.memory_space<vmem>>, vector<16xf32>,
      %mul3A_150 = arith.mulf %get3A_149, %gather3A : vector<16xf32>
      %mul3A_151 = arith.constant 16 : i32
      %mul3A_152 = arith.muli %scan3A_140, %mul3A_151 : i32
      %get3A_153 = arith.index_cast %mul3A_152 : i32 to index
      %get3A_154 = tpu.vector_load %arg18[%get3A_153] {strides = array<i32>} : memref<112xf32, #tpu.memory_space<vmem>>, vector<16xf32>,
      %mul3A_155 = arith.mulf %get3A_154, %gather3A_145 : vector<16xf32>
      %add3A_156 = arith.addf %mul3A_150, %mul3A_155 : vector<16xf32>
      %mul3A_157 = arith.constant 16 : i32
      %mul3A_158 = arith.muli %scan3A_140, %mul3A_157 : i32
      %swap3A = arith.index_cast %mul3A_158 : i32 to index
      %swap3A_159 = tpu.vector_load %arg20[%swap3A] {strides = array<i32>} : memref<112xf32, #tpu.memory_space<vmem>>, vector<16xf32>,
      tpu.vector_store %arg20[%swap3A], %add3A_156 {strides = array<i32>} : memref<112xf32, #tpu.memory_space<vmem>>, vector<16xf32>,
      %scan3A_160 = arith.constant 0 : i32
      scf.yield %scan3A_160 : i32
    }
    %scan3A_48 = arith.constant 7 : i32
    %dma_start3A_49 = arith.constant 0 : i32
    %dma_start3A_50 = arith.constant 0 : i32
    %dma_start3A_51 = tpu.memref_slice %arg8[%dma_start3A_49, %dma_start3A_50] : memref<10000x128xf32, #tpu.memory_space<hbm>> -> memref<10000x128xf32, #tpu.memory_space<hbm>>
    tpu.enqueue_indirect_dma source(%dma_start3A_51 : memref<10000x128xf32, #tpu.memory_space<hbm>>) target(%arg24 : memref<112x128xf32, #tpu.memory_space<vmem>>) offsets(%arg14 : memref<112xi32, #tpu.memory_space<vmem>>) semaphore(%arg30 : memref<!tpu.dma_semaphore, #tpu.memory_space<semaphore_mem>>)
    %add3A_52 = arith.constant 112 : i32
    %add3A_53 = arith.addi %mul3A_23, %add3A_52 : i32
    %dma_start3A_54 = tpu.memref_slice %arg4[%add3A_53] : memref<320000xi32, #tpu.memory_space<hbm>> -> memref<112xi32, #tpu.memory_space<hbm>>
    %dma_start3A_55 = tpu.memref_slice %arg4[%add3A_53] : memref<320000xi32, #tpu.memory_space<hbm>> -> memref<112xi32, #tpu.memory_space<hbm>>
    tpu.enqueue_dma source(%dma_start3A_55 : memref<112xi32, #tpu.memory_space<hbm>>) target(%arg13 : memref<112xi32, #tpu.memory_space<vmem>>) target_semaphore(%arg29 : memref<!tpu.dma_semaphore, #tpu.memory_space<semaphore_mem>>)
    %dma_start3A_56 = tpu.memref_slice %arg5[%add3A_53] : memref<320000xi32, #tpu.memory_space<hbm>> -> memref<112xi32, #tpu.memory_space<hbm>>
    %dma_start3A_57 = tpu.memref_slice %arg5[%add3A_53] : memref<320000xi32, #tpu.memory_space<hbm>> -> memref<112xi32, #tpu.memory_space<hbm>>
    tpu.enqueue_dma source(%dma_start3A_57 : memref<112xi32, #tpu.memory_space<hbm>>) target(%arg15 : memref<112xi32, #tpu.memory_space<vmem>>) target_semaphore(%arg29 : memref<!tpu.dma_semaphore, #tpu.memory_space<semaphore_mem>>)
    %dma_start3A_58 = tpu.memref_slice %arg2[%add3A_53] : memref<320000xf32, #tpu.memory_space<hbm>> -> memref<112xf32, #tpu.memory_space<hbm>>
    %dma_start3A_59 = tpu.memref_slice %arg2[%add3A_53] : memref<320000xf32, #tpu.memory_space<hbm>> -> memref<112xf32, #tpu.memory_space<hbm>>
    tpu.enqueue_dma source(%dma_start3A_59 : memref<112xf32, #tpu.memory_space<hbm>>) target(%arg17 : memref<112xf32, #tpu.memory_space<vmem>>) target_semaphore(%arg29 : memref<!tpu.dma_semaphore, #tpu.memory_space<semaphore_mem>>)
    %dma_start3A_60 = tpu.memref_slice %arg3[%add3A_53] : memref<320000xf32, #tpu.memory_space<hbm>> -> memref<112xf32, #tpu.memory_space<hbm>>
    %dma_start3A_61 = tpu.memref_slice %arg3[%add3A_53] : memref<320000xf32, #tpu.memory_space<hbm>> -> memref<112xf32, #tpu.memory_space<hbm>>
    tpu.enqueue_dma source(%dma_start3A_61 : memref<112xf32, #tpu.memory_space<hbm>>) target(%arg19 : memref<112xf32, #tpu.memory_space<vmem>>) target_semaphore(%arg29 : memref<!tpu.dma_semaphore, #tpu.memory_space<semaphore_mem>>)
    %scan3A_62 = arith.constant 0 : i32
    %scan3A_63 = arith.constant 0 : i32
    %scan3A_64 = arith.constant 44 : i32
    %scan3A_65 = arith.addi %scan3A_63, %scan3A_64 : i32
    %scan3A_66 = arith.constant 1 : i32
    %scan3A_67 = scf.for %scan3A_140 = %scan3A_63 to %scan3A_65 step %scan3A_66 iter_args(%scan3A_141 = %scan3A_62) -> (i32)  : i32 {
      %mul3A_142 = arith.constant 2 : i32
      %mul3A_143 = arith.muli %scan3A_140, %mul3A_142 : i32
      %add3A_144 = arith.constant 0 : i32
      %add3A_145 = arith.addi %mul3A_143, %add3A_144 : i32
      %add3A_146 = arith.constant 1 : i32
      %add3A_147 = arith.addi %add3A_145, %add3A_146 : i32
      %lt3A = arith.constant 89 : i32
      %lt3A_148 = arith.cmpi slt, %add3A_147, %lt3A : i32
      %convert_element_type3A = arith.extui %lt3A_148 : i1 to i32
      %cond3A = arith.constant 0 : i32
      %cond3A_149 = arith.cmpi ne, %convert_element_type3A, %cond3A : i32
      scf.if %cond3A_149 {
        %add3A_216 = arith.constant 1 : i32
        %add3A_217 = arith.addi %add3A_145, %add3A_216 : i32
        %mul3A_218 = arith.constant 112 : i32
        %mul3A_219 = arith.muli %add3A_217, %mul3A_218 : i32
        %add3A_220 = arith.addi %mul3A_23, %mul3A_219 : i32
        %dma_wait3A_221 = tpu.memref_slice %arg4[%add3A_220] : memref<320000xi32, #tpu.memory_space<hbm>> -> memref<112xi32, #tpu.memory_space<hbm>>
        %dma_wait3A_222 = tpu.memref_slice %arg4[%add3A_220] : memref<320000xi32, #tpu.memory_space<hbm>> -> memref<112xi32, #tpu.memory_space<hbm>>
        tpu.wait_dma2 semaphore(%arg29 : memref<!tpu.dma_semaphore, #tpu.memory_space<semaphore_mem>>) src(%dma_wait3A_222 : memref<112xi32, #tpu.memory_space<hbm>>) dst(%arg13 : memref<112xi32, #tpu.memory_space<vmem>>)
        %dma_wait3A_223 = tpu.memref_slice %arg5[%add3A_220] : memref<320000xi32, #tpu.memory_space<hbm>> -> memref<112xi32, #tpu.memory_space<hbm>>
        %dma_wait3A_224 = tpu.memref_slice %arg5[%add3A_220] : memref<320000xi32, #tpu.memory_space<hbm>> -> memref<112xi32, #tpu.memory_space<hbm>>
        tpu.wait_dma2 semaphore(%arg29 : memref<!tpu.dma_semaphore, #tpu.memory_space<semaphore_mem>>) src(%dma_wait3A_224 : memref<112xi32, #tpu.memory_space<hbm>>) dst(%arg15 : memref<112xi32, #tpu.memory_space<vmem>>)
        %dma_wait3A_225 = tpu.memref_slice %arg2[%add3A_220] : memref<320000xf32, #tpu.memory_space<hbm>> -> memref<112xf32, #tpu.memory_space<hbm>>
        %dma_wait3A_226 = tpu.memref_slice %arg2[%add3A_220] : memref<320000xf32, #tpu.memory_space<hbm>> -> memref<112xf32, #tpu.memory_space<hbm>>
        tpu.wait_dma2 semaphore(%arg29 : memref<!tpu.dma_semaphore, #tpu.memory_space<semaphore_mem>>) src(%dma_wait3A_226 : memref<112xf32, #tpu.memory_space<hbm>>) dst(%arg17 : memref<112xf32, #tpu.memory_space<vmem>>)
        %dma_wait3A_227 = tpu.memref_slice %arg3[%add3A_220] : memref<320000xf32, #tpu.memory_space<hbm>> -> memref<112xf32, #tpu.memory_space<hbm>>
        %dma_wait3A_228 = tpu.memref_slice %arg3[%add3A_220] : memref<320000xf32, #tpu.memory_space<hbm>> -> memref<112xf32, #tpu.memory_space<hbm>>
        tpu.wait_dma2 semaphore(%arg29 : memref<!tpu.dma_semaphore, #tpu.memory_space<semaphore_mem>>) src(%dma_wait3A_228 : memref<112xf32, #tpu.memory_space<hbm>>) dst(%arg19 : memref<112xf32, #tpu.memory_space<vmem>>)
        %scan3A_229 = arith.constant 0 : i32
        %scan3A_230 = arith.constant 0 : i32
        %scan3A_231 = arith.constant 7 : i32
        %scan3A_232 = arith.addi %scan3A_230, %scan3A_231 : i32
        %scan3A_233 = arith.constant 1 : i32
        %scan3A_234 = scf.for %scan3A_243 = %scan3A_230 to %scan3A_232 step %scan3A_233 iter_args(%scan3A_244 = %scan3A_229) -> (i32)  : i32 {
          %mul3A_245 = arith.constant 16 : i32
          %mul3A_246 = arith.muli %scan3A_243, %mul3A_245 : i32
          %get3A = arith.index_cast %mul3A_246 : i32 to index
          %get3A_247 = tpu.vector_load %arg13[%get3A] {strides = array<i32>} : memref<112xi32, #tpu.memory_space<vmem>>, vector<16xi32>,
          %gather3A = tpu.vector_load_idx %arg10[%get3A_247] : memref<10000xf32, #tpu.memory_space<vmem>>[vector<16xi32>], vector<16xf32>,
          %gather3A_248 = tpu.vector_load_idx %arg11[%get3A_247] : memref<10000xf32, #tpu.memory_space<vmem>>[vector<16xi32>], vector<16xf32>,
          %mul3A_249 = arith.constant 16 : i32
          %mul3A_250 = arith.muli %scan3A_243, %mul3A_249 : i32
          %get3A_251 = arith.index_cast %mul3A_250 : i32 to index
          %get3A_252 = tpu.vector_load %arg17[%get3A_251] {strides = array<i32>} : memref<112xf32, #tpu.memory_space<vmem>>, vector<16xf32>,
          %mul3A_253 = arith.mulf %get3A_252, %gather3A : vector<16xf32>
          %mul3A_254 = arith.constant 16 : i32
          %mul3A_255 = arith.muli %scan3A_243, %mul3A_254 : i32
          %get3A_256 = arith.index_cast %mul3A_255 : i32 to index
          %get3A_257 = tpu.vector_load %arg19[%get3A_256] {strides = array<i32>} : memref<112xf32, #tpu.memory_space<vmem>>, vector<16xf32>,
          %mul3A_258 = arith.mulf %get3A_257, %gather3A_248 : vector<16xf32>
          %add3A_259 = arith.addf %mul3A_253, %mul3A_258 : vector<16xf32>
          %mul3A_260 = arith.constant 16 : i32
          %mul3A_261 = arith.muli %scan3A_243, %mul3A_260 : i32
          %swap3A = arith.index_cast %mul3A_261 : i32 to index
          %swap3A_262 = tpu.vector_load %arg21[%swap3A] {strides = array<i32>} : memref<112xf32, #tpu.memory_space<vmem>>, vector<16xf32>,
          tpu.vector_store %arg21[%swap3A], %add3A_259 {strides = array<i32>} : memref<112xf32, #tpu.memory_space<vmem>>, vector<16xf32>,
          %scan3A_263 = arith.constant 0 : i32
          scf.yield %scan3A_263 : i32
        }
        %scan3A_235 = arith.constant 7 : i32
        %ge3A = arith.constant 1 : i32
        %ge3A_236 = arith.cmpi sge, %add3A_145, %ge3A : i32
        %convert_element_type3A_237 = arith.extui %ge3A_236 : i1 to i32
        %cond3A_238 = arith.constant 0 : i32
        %cond3A_239 = arith.cmpi ne, %convert_element_type3A_237, %cond3A_238 : i32
        scf.if %cond3A_239 {
          %dma_wait3A_243 = arith.constant 0 : i32
          %dma_wait3A_244 = arith.constant 0 : i32
          %dma_wait3A_245 = tpu.memref_slice %arg27[%dma_wait3A_243, %dma_wait3A_244] : memref<10000x128xf32, #tpu.memory_space<vmem_shared>> -> memref<10000x128xf32, #tpu.memory_space<vmem_shared>>
          tpu.wait_indirect_dma semaphore(%arg33 : memref<!tpu.dma_semaphore, #tpu.memory_space<semaphore_mem>>) src(%arg25 : memref<112x128xf32, #tpu.memory_space<vmem>>) dst(%dma_wait3A_245 : memref<10000x128xf32, #tpu.memory_space<vmem_shared>>)
        } else {
        }
        %dma_start3A_240 = arith.constant 0 : i32
        %dma_start3A_241 = arith.constant 0 : i32
        %dma_start3A_242 = tpu.memref_slice %arg8[%dma_start3A_240, %dma_start3A_241] : memref<10000x128xf32, #tpu.memory_space<hbm>> -> memref<10000x128xf32, #tpu.memory_space<hbm>>
        tpu.enqueue_indirect_dma source(%dma_start3A_242 : memref<10000x128xf32, #tpu.memory_space<hbm>>) target(%arg25 : memref<112x128xf32, #tpu.memory_space<vmem>>) offsets(%arg15 : memref<112xi32, #tpu.memory_space<vmem>>) semaphore(%arg31 : memref<!tpu.dma_semaphore, #tpu.memory_space<semaphore_mem>>)
      } else {
      }
      %dma_wait3A_150 = arith.constant 0 : i32
      %dma_wait3A_151 = arith.constant 0 : i32
      %dma_wait3A_152 = tpu.memref_slice %arg8[%dma_wait3A_150, %dma_wait3A_151] : memref<10000x128xf32, #tpu.memory_space<hbm>> -> memref<10000x128xf32, #tpu.memory_space<hbm>>
      tpu.wait_indirect_dma semaphore(%arg30 : memref<!tpu.dma_semaphore, #tpu.memory_space<semaphore_mem>>) src(%dma_wait3A_152 : memref<10000x128xf32, #tpu.memory_space<hbm>>) dst(%arg24 : memref<112x128xf32, #tpu.memory_space<vmem>>)
      %scan3A_153 = arith.constant 0 : i32
      %scan3A_154 = arith.constant 0 : i32
      %scan3A_155 = arith.constant 28 : i32
      %scan3A_156 = arith.addi %scan3A_154, %scan3A_155 : i32
      %scan3A_157 = arith.constant 1 : i32
      %scan3A_158 = scf.for %scan3A_216 = %scan3A_154 to %scan3A_156 step %scan3A_157 iter_args(%scan3A_217 = %scan3A_153) -> (i32)  : i32 {
        %mul3A_218 = arith.constant 4 : i32
        %mul3A_219 = arith.muli %scan3A_216, %mul3A_218 : i32
        %add3A_220 = arith.constant 0 : i32
        %add3A_221 = arith.addi %mul3A_219, %add3A_220 : i32
        %broadcast_in_dim3A = vector.broadcast %add3A_221 : i32 to vector<16xi32>
        %gather3A = tpu.vector_load_idx %arg20[%broadcast_in_dim3A] : memref<112xf32, #tpu.memory_space<vmem>>[vector<16xi32>], vector<16xf32>,
        %get3A = arith.index_cast %add3A_221 : i32 to index
        %get3A_222 = arith.constant 0 : index
        %get3A_223 = tpu.vector_load %arg24[%get3A, %get3A_222] {strides = array<i32>} : memref<112x128xf32, #tpu.memory_space<vmem>>, vector<16xf32>,
        %mul3A_224 = arith.mulf %get3A_223, %gather3A : vector<16xf32>
        %swap3A = arith.index_cast %add3A_221 : i32 to index
        %swap3A_225 = arith.constant 0 : index
        %swap3A_226 = tpu.vector_load %arg24[%swap3A, %swap3A_225] {strides = array<i32>} : memref<112x128xf32, #tpu.memory_space<vmem>>, vector<16xf32>,
        tpu.vector_store %arg24[%swap3A, %swap3A_225], %mul3A_224 {strides = array<i32>} : memref<112x128xf32, #tpu.memory_space<vmem>>, vector<16xf32>,
        %get3A_227 = arith.index_cast %add3A_221 : i32 to index
        %get3A_228 = arith.constant 16 : index
        %get3A_229 = tpu.vector_load %arg24[%get3A_227, %get3A_228] {strides = array<i32>} : memref<112x128xf32, #tpu.memory_space<vmem>>, vector<16xf32>,
        %mul3A_230 = arith.mulf %get3A_229, %gather3A : vector<16xf32>
        %swap3A_231 = arith.index_cast %add3A_221 : i32 to index
        %swap3A_232 = arith.constant 16 : index
        %swap3A_233 = tpu.vector_load %arg24[%swap3A_231, %swap3A_232] {strides = array<i32>} : memref<112x128xf32, #tpu.memory_space<vmem>>, vector<16xf32>,
        tpu.vector_store %arg24[%swap3A_231, %swap3A_232], %mul3A_230 {strides = array<i32>} : memref<112x128xf32, #tpu.memory_space<vmem>>, vector<16xf32>,
        %get3A_234 = arith.index_cast %add3A_221 : i32 to index
        %get3A_235 = arith.constant 32 : index
        %get3A_236 = tpu.vector_load %arg24[%get3A_234, %get3A_235] {strides = array<i32>} : memref<112x128xf32, #tpu.memory_space<vmem>>, vector<16xf32>,
        %mul3A_237 = arith.mulf %get3A_236, %gather3A : vector<16xf32>
        %swap3A_238 = arith.index_cast %add3A_221 : i32 to index
        %swap3A_239 = arith.constant 32 : index
        %swap3A_240 = tpu.vector_load %arg24[%swap3A_238, %swap3A_239] {strides = array<i32>} : memref<112x128xf32, #tpu.memory_space<vmem>>, vector<16xf32>,
        tpu.vector_store %arg24[%swap3A_238, %swap3A_239], %mul3A_237 {strides = array<i32>} : memref<112x128xf32, #tpu.memory_space<vmem>>, vector<16xf32>,
        %get3A_241 = arith.index_cast %add3A_221 : i32 to index
        %get3A_242 = arith.constant 48 : index
        %get3A_243 = tpu.vector_load %arg24[%get3A_241, %get3A_242] {strides = array<i32>} : memref<112x128xf32, #tpu.memory_space<vmem>>, vector<16xf32>,
        %mul3A_244 = arith.mulf %get3A_243, %gather3A : vector<16xf32>
        %swap3A_245 = arith.index_cast %add3A_221 : i32 to index
        %swap3A_246 = arith.constant 48 : index
        %swap3A_247 = tpu.vector_load %arg24[%swap3A_245, %swap3A_246] {strides = array<i32>} : memref<112x128xf32, #tpu.memory_space<vmem>>, vector<16xf32>,
        tpu.vector_store %arg24[%swap3A_245, %swap3A_246], %mul3A_244 {strides = array<i32>} : memref<112x128xf32, #tpu.memory_space<vmem>>, vector<16xf32>,
        %get3A_248 = arith.index_cast %add3A_221 : i32 to index
        %get3A_249 = arith.constant 64 : index
        %get3A_250 = tpu.vector_load %arg24[%get3A_248, %get3A_249] {strides = array<i32>} : memref<112x128xf32, #tpu.memory_space<vmem>>, vector<16xf32>,
        %mul3A_251 = arith.mulf %get3A_250, %gather3A : vector<16xf32>
        %swap3A_252 = arith.index_cast %add3A_221 : i32 to index
        %swap3A_253 = arith.constant 64 : index
        %swap3A_254 = tpu.vector_load %arg24[%swap3A_252, %swap3A_253] {strides = array<i32>} : memref<112x128xf32, #tpu.memory_space<vmem>>, vector<16xf32>,
        tpu.vector_store %arg24[%swap3A_252, %swap3A_253], %mul3A_251 {strides = array<i32>} : memref<112x128xf32, #tpu.memory_space<vmem>>, vector<16xf32>,
        %get3A_255 = arith.index_cast %add3A_221 : i32 to index
        %get3A_256 = arith.constant 80 : index
        %get3A_257 = tpu.vector_load %arg24[%get3A_255, %get3A_256] {strides = array<i32>} : memref<112x128xf32, #tpu.memory_space<vmem>>, vector<16xf32>,
        %mul3A_258 = arith.mulf %get3A_257, %gather3A : vector<16xf32>
        %swap3A_259 = arith.index_cast %add3A_221 : i32 to index
        %swap3A_260 = arith.constant 80 : index
        %swap3A_261 = tpu.vector_load %arg24[%swap3A_259, %swap3A_260] {strides = array<i32>} : memref<112x128xf32, #tpu.memory_space<vmem>>, vector<16xf32>,
        tpu.vector_store %arg24[%swap3A_259, %swap3A_260], %mul3A_258 {strides = array<i32>} : memref<112x128xf32, #tpu.memory_space<vmem>>, vector<16xf32>,
        %get3A_262 = arith.index_cast %add3A_221 : i32 to index
        %get3A_263 = arith.constant 96 : index
        %get3A_264 = tpu.vector_load %arg24[%get3A_262, %get3A_263] {strides = array<i32>} : memref<112x128xf32, #tpu.memory_space<vmem>>, vector<16xf32>,
        %mul3A_265 = arith.mulf %get3A_264, %gather3A : vector<16xf32>
        %swap3A_266 = arith.index_cast %add3A_221 : i32 to index
        %swap3A_267 = arith.constant 96 : index
        %swap3A_268 = tpu.vector_load %arg24[%swap3A_266, %swap3A_267] {strides = array<i32>} : memref<112x128xf32, #tpu.memory_space<vmem>>, vector<16xf32>,
        tpu.vector_store %arg24[%swap3A_266, %swap3A_267], %mul3A_265 {strides = array<i32>} : memref<112x128xf32, #tpu.memory_space<vmem>>, vector<16xf32>,
        %get3A_269 = arith.index_cast %add3A_221 : i32 to index
        %get3A_270 = arith.constant 112 : index
        %get3A_271 = tpu.vector_load %arg24[%get3A_269, %get3A_270] {strides = array<i32>} : memref<112x128xf32, #tpu.memory_space<vmem>>, vector<16xf32>,
        %mul3A_272 = arith.mulf %get3A_271, %gather3A : vector<16xf32>
        %swap3A_273 = arith.index_cast %add3A_221 : i32 to index
        %swap3A_274 = arith.constant 112 : index
        %swap3A_275 = tpu.vector_load %arg24[%swap3A_273, %swap3A_274] {strides = array<i32>} : memref<112x128xf32, #tpu.memory_space<vmem>>, vector<16xf32>,
        tpu.vector_store %arg24[%swap3A_273, %swap3A_274], %mul3A_272 {strides = array<i32>} : memref<112x128xf32, #tpu.memory_space<vmem>>, vector<16xf32>,
        %mul3A_276 = arith.constant 4 : i32
        %mul3A_277 = arith.muli %scan3A_216, %mul3A_276 : i32
        %add3A_278 = arith.constant 1 : i32
        %add3A_279 = arith.addi %mul3A_277, %add3A_278 : i32
        %broadcast_in_dim3A_280 = vector.broadcast %add3A_279 : i32 to vector<16xi32>
        %gather3A_281 = tpu.vector_load_idx %arg20[%broadcast_in_dim3A_280] : memref<112xf32, #tpu.memory_space<vmem>>[vector<16xi32>], vector<16xf32>,
        %get3A_282 = arith.index_cast %add3A_279 : i32 to index
        %get3A_283 = arith.constant 0 : index
        %get3A_284 = tpu.vector_load %arg24[%get3A_282, %get3A_283] {strides = array<i32>} : memref<112x128xf32, #tpu.memory_space<vmem>>, vector<16xf32>,
        %mul3A_285 = arith.mulf %get3A_284, %gather3A_281 : vector<16xf32>
        %swap3A_286 = arith.index_cast %add3A_279 : i32 to index
        %swap3A_287 = arith.constant 0 : index
        %swap3A_288 = tpu.vector_load %arg24[%swap3A_286, %swap3A_287] {strides = array<i32>} : memref<112x128xf32, #tpu.memory_space<vmem>>, vector<16xf32>,
        tpu.vector_store %arg24[%swap3A_286, %swap3A_287], %mul3A_285 {strides = array<i32>} : memref<112x128xf32, #tpu.memory_space<vmem>>, vector<16xf32>,
        %get3A_289 = arith.index_cast %add3A_279 : i32 to index
        %get3A_290 = arith.constant 16 : index
        %get3A_291 = tpu.vector_load %arg24[%get3A_289, %get3A_290] {strides = array<i32>} : memref<112x128xf32, #tpu.memory_space<vmem>>, vector<16xf32>,
        %mul3A_292 = arith.mulf %get3A_291, %gather3A_281 : vector<16xf32>
        %swap3A_293 = arith.index_cast %add3A_279 : i32 to index
        %swap3A_294 = arith.constant 16 : index
        %swap3A_295 = tpu.vector_load %arg24[%swap3A_293, %swap3A_294] {strides = array<i32>} : memref<112x128xf32, #tpu.memory_space<vmem>>, vector<16xf32>,
        tpu.vector_store %arg24[%swap3A_293, %swap3A_294], %mul3A_292 {strides = array<i32>} : memref<112x128xf32, #tpu.memory_space<vmem>>, vector<16xf32>,
        %get3A_296 = arith.index_cast %add3A_279 : i32 to index
        %get3A_297 = arith.constant 32 : index
        %get3A_298 = tpu.vector_load %arg24[%get3A_296, %get3A_297] {strides = array<i32>} : memref<112x128xf32, #tpu.memory_space<vmem>>, vector<16xf32>,
        %mul3A_299 = arith.mulf %get3A_298, %gather3A_281 : vector<16xf32>
        %swap3A_300 = arith.index_cast %add3A_279 : i32 to index
        %swap3A_301 = arith.constant 32 : index
        %swap3A_302 = tpu.vector_load %arg24[%swap3A_300, %swap3A_301] {strides = array<i32>} : memref<112x128xf32, #tpu.memory_space<vmem>>, vector<16xf32>,
        tpu.vector_store %arg24[%swap3A_300, %swap3A_301], %mul3A_299 {strides = array<i32>} : memref<112x128xf32, #tpu.memory_space<vmem>>, vector<16xf32>,
        %get3A_303 = arith.index_cast %add3A_279 : i32 to index
        %get3A_304 = arith.constant 48 : index
        %get3A_305 = tpu.vector_load %arg24[%get3A_303, %get3A_304] {strides = array<i32>} : memref<112x128xf32, #tpu.memory_space<vmem>>, vector<16xf32>,
        %mul3A_306 = arith.mulf %get3A_305, %gather3A_281 : vector<16xf32>
        %swap3A_307 = arith.index_cast %add3A_279 : i32 to index
        %swap3A_308 = arith.constant 48 : index
        %swap3A_309 = tpu.vector_load %arg24[%swap3A_307, %swap3A_308] {strides = array<i32>} : memref<112x128xf32, #tpu.memory_space<vmem>>, vector<16xf32>,
        tpu.vector_store %arg24[%swap3A_307, %swap3A_308], %mul3A_306 {strides = array<i32>} : memref<112x128xf32, #tpu.memory_space<vmem>>, vector<16xf32>,
        %get3A_310 = arith.index_cast %add3A_279 : i32 to index
        %get3A_311 = arith.constant 64 : index
        %get3A_312 = tpu.vector_load %arg24[%get3A_310, %get3A_311] {strides = array<i32>} : memref<112x128xf32, #tpu.memory_space<vmem>>, vector<16xf32>,
        %mul3A_313 = arith.mulf %get3A_312, %gather3A_281 : vector<16xf32>
        %swap3A_314 = arith.index_cast %add3A_279 : i32 to index
        %swap3A_315 = arith.constant 64 : index
        %swap3A_316 = tpu.vector_load %arg24[%swap3A_314, %swap3A_315] {strides = array<i32>} : memref<112x128xf32, #tpu.memory_space<vmem>>, vector<16xf32>,
        tpu.vector_store %arg24[%swap3A_314, %swap3A_315], %mul3A_313 {strides = array<i32>} : memref<112x128xf32, #tpu.memory_space<vmem>>, vector<16xf32>,
        %get3A_317 = arith.index_cast %add3A_279 : i32 to index
        %get3A_318 = arith.constant 80 : index
        %get3A_319 = tpu.vector_load %arg24[%get3A_317, %get3A_318] {strides = array<i32>} : memref<112x128xf32, #tpu.memory_space<vmem>>, vector<16xf32>,
        %mul3A_320 = arith.mulf %get3A_319, %gather3A_281 : vector<16xf32>
        %swap3A_321 = arith.index_cast %add3A_279 : i32 to index
        %swap3A_322 = arith.constant 80 : index
        %swap3A_323 = tpu.vector_load %arg24[%swap3A_321, %swap3A_322] {strides = array<i32>} : memref<112x128xf32, #tpu.memory_space<vmem>>, vector<16xf32>,
        tpu.vector_store %arg24[%swap3A_321, %swap3A_322], %mul3A_320 {strides = array<i32>} : memref<112x128xf32, #tpu.memory_space<vmem>>, vector<16xf32>,
        %get3A_324 = arith.index_cast %add3A_279 : i32 to index
        %get3A_325 = arith.constant 96 : index
        %get3A_326 = tpu.vector_load %arg24[%get3A_324, %get3A_325] {strides = array<i32>} : memref<112x128xf32, #tpu.memory_space<vmem>>, vector<16xf32>,
        %mul3A_327 = arith.mulf %get3A_326, %gather3A_281 : vector<16xf32>
        %swap3A_328 = arith.index_cast %add3A_279 : i32 to index
        %swap3A_329 = arith.constant 96 : index
        %swap3A_330 = tpu.vector_load %arg24[%swap3A_328, %swap3A_329] {strides = array<i32>} : memref<112x128xf32, #tpu.memory_space<vmem>>, vector<16xf32>,
        tpu.vector_store %arg24[%swap3A_328, %swap3A_329], %mul3A_327 {strides = array<i32>} : memref<112x128xf32, #tpu.memory_space<vmem>>, vector<16xf32>,
        %get3A_331 = arith.index_cast %add3A_279 : i32 to index
        %get3A_332 = arith.constant 112 : index
        %get3A_333 = tpu.vector_load %arg24[%get3A_331, %get3A_332] {strides = array<i32>} : memref<112x128xf32, #tpu.memory_space<vmem>>, vector<16xf32>,
        %mul3A_334 = arith.mulf %get3A_333, %gather3A_281 : vector<16xf32>
        %swap3A_335 = arith.index_cast %add3A_279 : i32 to index
        %swap3A_336 = arith.constant 112 : index
        %swap3A_337 = tpu.vector_load %arg24[%swap3A_335, %swap3A_336] {strides = array<i32>} : memref<112x128xf32, #tpu.memory_space<vmem>>, vector<16xf32>,
        tpu.vector_store %arg24[%swap3A_335, %swap3A_336], %mul3A_334 {strides = array<i32>} : memref<112x128xf32, #tpu.memory_space<vmem>>, vector<16xf32>,
        %mul3A_338 = arith.constant 4 : i32
        %mul3A_339 = arith.muli %scan3A_216, %mul3A_338 : i32
        %add3A_340 = arith.constant 2 : i32
        %add3A_341 = arith.addi %mul3A_339, %add3A_340 : i32
        %broadcast_in_dim3A_342 = vector.broadcast %add3A_341 : i32 to vector<16xi32>
        %gather3A_343 = tpu.vector_load_idx %arg20[%broadcast_in_dim3A_342] : memref<112xf32, #tpu.memory_space<vmem>>[vector<16xi32>], vector<16xf32>,
        %get3A_344 = arith.index_cast %add3A_341 : i32 to index
        %get3A_345 = arith.constant 0 : index
        %get3A_346 = tpu.vector_load %arg24[%get3A_344, %get3A_345] {strides = array<i32>} : memref<112x128xf32, #tpu.memory_space<vmem>>, vector<16xf32>,
        %mul3A_347 = arith.mulf %get3A_346, %gather3A_343 : vector<16xf32>
        %swap3A_348 = arith.index_cast %add3A_341 : i32 to index
        %swap3A_349 = arith.constant 0 : index
        %swap3A_350 = tpu.vector_load %arg24[%swap3A_348, %swap3A_349] {strides = array<i32>} : memref<112x128xf32, #tpu.memory_space<vmem>>, vector<16xf32>,
        tpu.vector_store %arg24[%swap3A_348, %swap3A_349], %mul3A_347 {strides = array<i32>} : memref<112x128xf32, #tpu.memory_space<vmem>>, vector<16xf32>,
        %get3A_351 = arith.index_cast %add3A_341 : i32 to index
        %get3A_352 = arith.constant 16 : index
        %get3A_353 = tpu.vector_load %arg24[%get3A_351, %get3A_352] {strides = array<i32>} : memref<112x128xf32, #tpu.memory_space<vmem>>, vector<16xf32>,
        %mul3A_354 = arith.mulf %get3A_353, %gather3A_343 : vector<16xf32>
        %swap3A_355 = arith.index_cast %add3A_341 : i32 to index
        %swap3A_356 = arith.constant 16 : index
        %swap3A_357 = tpu.vector_load %arg24[%swap3A_355, %swap3A_356] {strides = array<i32>} : memref<112x128xf32, #tpu.memory_space<vmem>>, vector<16xf32>,
        tpu.vector_store %arg24[%swap3A_355, %swap3A_356], %mul3A_354 {strides = array<i32>} : memref<112x128xf32, #tpu.memory_space<vmem>>, vector<16xf32>,
        %get3A_358 = arith.index_cast %add3A_341 : i32 to index
        %get3A_359 = arith.constant 32 : index
        %get3A_360 = tpu.vector_load %arg24[%get3A_358, %get3A_359] {strides = array<i32>} : memref<112x128xf32, #tpu.memory_space<vmem>>, vector<16xf32>,
        %mul3A_361 = arith.mulf %get3A_360, %gather3A_343 : vector<16xf32>
        %swap3A_362 = arith.index_cast %add3A_341 : i32 to index
        %swap3A_363 = arith.constant 32 : index
        %swap3A_364 = tpu.vector_load %arg24[%swap3A_362, %swap3A_363] {strides = array<i32>} : memref<112x128xf32, #tpu.memory_space<vmem>>, vector<16xf32>,
        tpu.vector_store %arg24[%swap3A_362, %swap3A_363], %mul3A_361 {strides = array<i32>} : memref<112x128xf32, #tpu.memory_space<vmem>>, vector<16xf32>,
        %get3A_365 = arith.index_cast %add3A_341 : i32 to index
        %get3A_366 = arith.constant 48 : index
        %get3A_367 = tpu.vector_load %arg24[%get3A_365, %get3A_366] {strides = array<i32>} : memref<112x128xf32, #tpu.memory_space<vmem>>, vector<16xf32>,
        %mul3A_368 = arith.mulf %get3A_367, %gather3A_343 : vector<16xf32>
        %swap3A_369 = arith.index_cast %add3A_341 : i32 to index
        %swap3A_370 = arith.constant 48 : index
        %swap3A_371 = tpu.vector_load %arg24[%swap3A_369, %swap3A_370] {strides = array<i32>} : memref<112x128xf32, #tpu.memory_space<vmem>>, vector<16xf32>,
        tpu.vector_store %arg24[%swap3A_369, %swap3A_370], %mul3A_368 {strides = array<i32>} : memref<112x128xf32, #tpu.memory_space<vmem>>, vector<16xf32>,
        %get3A_372 = arith.index_cast %add3A_341 : i32 to index
        %get3A_373 = arith.constant 64 : index
        %get3A_374 = tpu.vector_load %arg24[%get3A_372, %get3A_373] {strides = array<i32>} : memref<112x128xf32, #tpu.memory_space<vmem>>, vector<16xf32>,
        %mul3A_375 = arith.mulf %get3A_374, %gather3A_343 : vector<16xf32>
        %swap3A_376 = arith.index_cast %add3A_341 : i32 to index
        %swap3A_377 = arith.constant 64 : index
        %swap3A_378 = tpu.vector_load %arg24[%swap3A_376, %swap3A_377] {strides = array<i32>} : memref<112x128xf32, #tpu.memory_space<vmem>>, vector<16xf32>,
        tpu.vector_store %arg24[%swap3A_376, %swap3A_377], %mul3A_375 {strides = array<i32>} : memref<112x128xf32, #tpu.memory_space<vmem>>, vector<16xf32>,
        %get3A_379 = arith.index_cast %add3A_341 : i32 to index
        %get3A_380 = arith.constant 80 : index
        %get3A_381 = tpu.vector_load %arg24[%get3A_379, %get3A_380] {strides = array<i32>} : memref<112x128xf32, #tpu.memory_space<vmem>>, vector<16xf32>,
        %mul3A_382 = arith.mulf %get3A_381, %gather3A_343 : vector<16xf32>
        %swap3A_383 = arith.index_cast %add3A_341 : i32 to index
        %swap3A_384 = arith.constant 80 : index
        %swap3A_385 = tpu.vector_load %arg24[%swap3A_383, %swap3A_384] {strides = array<i32>} : memref<112x128xf32, #tpu.memory_space<vmem>>, vector<16xf32>,
        tpu.vector_store %arg24[%swap3A_383, %swap3A_384], %mul3A_382 {strides = array<i32>} : memref<112x128xf32, #tpu.memory_space<vmem>>, vector<16xf32>,
        %get3A_386 = arith.index_cast %add3A_341 : i32 to index
        %get3A_387 = arith.constant 96 : index
        %get3A_388 = tpu.vector_load %arg24[%get3A_386, %get3A_387] {strides = array<i32>} : memref<112x128xf32, #tpu.memory_space<vmem>>, vector<16xf32>,
        %mul3A_389 = arith.mulf %get3A_388, %gather3A_343 : vector<16xf32>
        %swap3A_390 = arith.index_cast %add3A_341 : i32 to index
        %swap3A_391 = arith.constant 96 : index
        %swap3A_392 = tpu.vector_load %arg24[%swap3A_390, %swap3A_391] {strides = array<i32>} : memref<112x128xf32, #tpu.memory_space<vmem>>, vector<16xf32>,
        tpu.vector_store %arg24[%swap3A_390, %swap3A_391], %mul3A_389 {strides = array<i32>} : memref<112x128xf32, #tpu.memory_space<vmem>>, vector<16xf32>,
        %get3A_393 = arith.index_cast %add3A_341 : i32 to index
        %get3A_394 = arith.constant 112 : index
        %get3A_395 = tpu.vector_load %arg24[%get3A_393, %get3A_394] {strides = array<i32>} : memref<112x128xf32, #tpu.memory_space<vmem>>, vector<16xf32>,
        %mul3A_396 = arith.mulf %get3A_395, %gather3A_343 : vector<16xf32>
        %swap3A_397 = arith.index_cast %add3A_341 : i32 to index
        %swap3A_398 = arith.constant 112 : index
        %swap3A_399 = tpu.vector_load %arg24[%swap3A_397, %swap3A_398] {strides = array<i32>} : memref<112x128xf32, #tpu.memory_space<vmem>>, vector<16xf32>,
        tpu.vector_store %arg24[%swap3A_397, %swap3A_398], %mul3A_396 {strides = array<i32>} : memref<112x128xf32, #tpu.memory_space<vmem>>, vector<16xf32>,
        %mul3A_400 = arith.constant 4 : i32
        %mul3A_401 = arith.muli %scan3A_216, %mul3A_400 : i32
        %add3A_402 = arith.constant 3 : i32
        %add3A_403 = arith.addi %mul3A_401, %add3A_402 : i32
        %broadcast_in_dim3A_404 = vector.broadcast %add3A_403 : i32 to vector<16xi32>
        %gather3A_405 = tpu.vector_load_idx %arg20[%broadcast_in_dim3A_404] : memref<112xf32, #tpu.memory_space<vmem>>[vector<16xi32>], vector<16xf32>,
        %get3A_406 = arith.index_cast %add3A_403 : i32 to index
        %get3A_407 = arith.constant 0 : index
        %get3A_408 = tpu.vector_load %arg24[%get3A_406, %get3A_407] {strides = array<i32>} : memref<112x128xf32, #tpu.memory_space<vmem>>, vector<16xf32>,
        %mul3A_409 = arith.mulf %get3A_408, %gather3A_405 : vector<16xf32>
        %swap3A_410 = arith.index_cast %add3A_403 : i32 to index
        %swap3A_411 = arith.constant 0 : index
        %swap3A_412 = tpu.vector_load %arg24[%swap3A_410, %swap3A_411] {strides = array<i32>} : memref<112x128xf32, #tpu.memory_space<vmem>>, vector<16xf32>,
        tpu.vector_store %arg24[%swap3A_410, %swap3A_411], %mul3A_409 {strides = array<i32>} : memref<112x128xf32, #tpu.memory_space<vmem>>, vector<16xf32>,
        %get3A_413 = arith.index_cast %add3A_403 : i32 to index
        %get3A_414 = arith.constant 16 : index
        %get3A_415 = tpu.vector_load %arg24[%get3A_413, %get3A_414] {strides = array<i32>} : memref<112x128xf32, #tpu.memory_space<vmem>>, vector<16xf32>,
        %mul3A_416 = arith.mulf %get3A_415, %gather3A_405 : vector<16xf32>
        %swap3A_417 = arith.index_cast %add3A_403 : i32 to index
        %swap3A_418 = arith.constant 16 : index
        %swap3A_419 = tpu.vector_load %arg24[%swap3A_417, %swap3A_418] {strides = array<i32>} : memref<112x128xf32, #tpu.memory_space<vmem>>, vector<16xf32>,
        tpu.vector_store %arg24[%swap3A_417, %swap3A_418], %mul3A_416 {strides = array<i32>} : memref<112x128xf32, #tpu.memory_space<vmem>>, vector<16xf32>,
        %get3A_420 = arith.index_cast %add3A_403 : i32 to index
        %get3A_421 = arith.constant 32 : index
        %get3A_422 = tpu.vector_load %arg24[%get3A_420, %get3A_421] {strides = array<i32>} : memref<112x128xf32, #tpu.memory_space<vmem>>, vector<16xf32>,
        %mul3A_423 = arith.mulf %get3A_422, %gather3A_405 : vector<16xf32>
        %swap3A_424 = arith.index_cast %add3A_403 : i32 to index
        %swap3A_425 = arith.constant 32 : index
        %swap3A_426 = tpu.vector_load %arg24[%swap3A_424, %swap3A_425] {strides = array<i32>} : memref<112x128xf32, #tpu.memory_space<vmem>>, vector<16xf32>,
        tpu.vector_store %arg24[%swap3A_424, %swap3A_425], %mul3A_423 {strides = array<i32>} : memref<112x128xf32, #tpu.memory_space<vmem>>, vector<16xf32>,
        %get3A_427 = arith.index_cast %add3A_403 : i32 to index
        %get3A_428 = arith.constant 48 : index
        %get3A_429 = tpu.vector_load %arg24[%get3A_427, %get3A_428] {strides = array<i32>} : memref<112x128xf32, #tpu.memory_space<vmem>>, vector<16xf32>,
        %mul3A_430 = arith.mulf %get3A_429, %gather3A_405 : vector<16xf32>
        %swap3A_431 = arith.index_cast %add3A_403 : i32 to index
        %swap3A_432 = arith.constant 48 : index
        %swap3A_433 = tpu.vector_load %arg24[%swap3A_431, %swap3A_432] {strides = array<i32>} : memref<112x128xf32, #tpu.memory_space<vmem>>, vector<16xf32>,
        tpu.vector_store %arg24[%swap3A_431, %swap3A_432], %mul3A_430 {strides = array<i32>} : memref<112x128xf32, #tpu.memory_space<vmem>>, vector<16xf32>,
        %get3A_434 = arith.index_cast %add3A_403 : i32 to index
        %get3A_435 = arith.constant 64 : index
        %get3A_436 = tpu.vector_load %arg24[%get3A_434, %get3A_435] {strides = array<i32>} : memref<112x128xf32, #tpu.memory_space<vmem>>, vector<16xf32>,
        %mul3A_437 = arith.mulf %get3A_436, %gather3A_405 : vector<16xf32>
        %swap3A_438 = arith.index_cast %add3A_403 : i32 to index
        %swap3A_439 = arith.constant 64 : index
        %swap3A_440 = tpu.vector_load %arg24[%swap3A_438, %swap3A_439] {strides = array<i32>} : memref<112x128xf32, #tpu.memory_space<vmem>>, vector<16xf32>,
        tpu.vector_store %arg24[%swap3A_438, %swap3A_439], %mul3A_437 {strides = array<i32>} : memref<112x128xf32, #tpu.memory_space<vmem>>, vector<16xf32>,
        %get3A_441 = arith.index_cast %add3A_403 : i32 to index
        %get3A_442 = arith.constant 80 : index
        %get3A_443 = tpu.vector_load %arg24[%get3A_441, %get3A_442] {strides = array<i32>} : memref<112x128xf32, #tpu.memory_space<vmem>>, vector<16xf32>,
        %mul3A_444 = arith.mulf %get3A_443, %gather3A_405 : vector<16xf32>
        %swap3A_445 = arith.index_cast %add3A_403 : i32 to index
        %swap3A_446 = arith.constant 80 : index
        %swap3A_447 = tpu.vector_load %arg24[%swap3A_445, %swap3A_446] {strides = array<i32>} : memref<112x128xf32, #tpu.memory_space<vmem>>, vector<16xf32>,
        tpu.vector_store %arg24[%swap3A_445, %swap3A_446], %mul3A_444 {strides = array<i32>} : memref<112x128xf32, #tpu.memory_space<vmem>>, vector<16xf32>,
        %get3A_448 = arith.index_cast %add3A_403 : i32 to index
        %get3A_449 = arith.constant 96 : index
        %get3A_450 = tpu.vector_load %arg24[%get3A_448, %get3A_449] {strides = array<i32>} : memref<112x128xf32, #tpu.memory_space<vmem>>, vector<16xf32>,
        %mul3A_451 = arith.mulf %get3A_450, %gather3A_405 : vector<16xf32>
        %swap3A_452 = arith.index_cast %add3A_403 : i32 to index
        %swap3A_453 = arith.constant 96 : index
        %swap3A_454 = tpu.vector_load %arg24[%swap3A_452, %swap3A_453] {strides = array<i32>} : memref<112x128xf32, #tpu.memory_space<vmem>>, vector<16xf32>,
        tpu.vector_store %arg24[%swap3A_452, %swap3A_453], %mul3A_451 {strides = array<i32>} : memref<112x128xf32, #tpu.memory_space<vmem>>, vector<16xf32>,
        %get3A_455 = arith.index_cast %add3A_403 : i32 to index
        %get3A_456 = arith.constant 112 : index
        %get3A_457 = tpu.vector_load %arg24[%get3A_455, %get3A_456] {strides = array<i32>} : memref<112x128xf32, #tpu.memory_space<vmem>>, vector<16xf32>,
        %mul3A_458 = arith.mulf %get3A_457, %gather3A_405 : vector<16xf32>
        %swap3A_459 = arith.index_cast %add3A_403 : i32 to index
        %swap3A_460 = arith.constant 112 : index
        %swap3A_461 = tpu.vector_load %arg24[%swap3A_459, %swap3A_460] {strides = array<i32>} : memref<112x128xf32, #tpu.memory_space<vmem>>, vector<16xf32>,
        tpu.vector_store %arg24[%swap3A_459, %swap3A_460], %mul3A_458 {strides = array<i32>} : memref<112x128xf32, #tpu.memory_space<vmem>>, vector<16xf32>,
        %scan3A_462 = arith.constant 0 : i32
        scf.yield %scan3A_462 : i32
      }
      %scan3A_159 = arith.constant 28 : i32
      %scan3A_160 = arith.constant 0 : i32
      %scan3A_161 = arith.constant 0 : i32
      %scan3A_162 = arith.constant 7 : i32
      %scan3A_163 = arith.addi %scan3A_161, %scan3A_162 : i32
      %scan3A_164 = arith.constant 1 : i32
      %scan3A_165 = scf.for %scan3A_216 = %scan3A_161 to %scan3A_163 step %scan3A_164 iter_args(%scan3A_217 = %scan3A_160) -> (i32)  : i32 {
        %mul3A_218 = arith.constant 16 : i32
        %mul3A_219 = arith.muli %scan3A_216, %mul3A_218 : i32
        %get3A = arith.index_cast %mul3A_219 : i32 to index
        %get3A_220 = tpu.vector_load %arg12[%get3A] {strides = array<i32>} : memref<112xi32, #tpu.memory_space<vmem>>, vector<16xi32>,
        %mul3A_221 = arith.constant 16 : i32
        %mul3A_222 = arith.muli %scan3A_216, %mul3A_221 : i32
        %swap3A = arith.index_cast %mul3A_222 : i32 to index
        %swap3A_223 = tpu.vector_load %arg22[%swap3A] {strides = array<i32>} : memref<112xi32, #tpu.memory_space<vmem>>, vector<16xi32>,
        tpu.vector_store %arg22[%swap3A], %get3A_220 {strides = array<i32>} : memref<112xi32, #tpu.memory_space<vmem>>, vector<16xi32>,
        %scan3A_224 = arith.constant 0 : i32
        scf.yield %scan3A_224 : i32
      }
      %scan3A_166 = arith.constant 7 : i32
      %dma_start3A_167 = arith.constant 0 : i32
      %dma_start3A_168 = arith.constant 0 : i32
      %dma_start3A_169 = tpu.memref_slice %arg27[%dma_start3A_167, %dma_start3A_168] : memref<10000x128xf32, #tpu.memory_space<vmem_shared>> -> memref<10000x128xf32, #tpu.memory_space<vmem_shared>>
      tpu.enqueue_indirect_dma source(%arg24 : memref<112x128xf32, #tpu.memory_space<vmem>>) target(%dma_start3A_169 : memref<10000x128xf32, #tpu.memory_space<vmem_shared>>) offsets(%arg22 : memref<112xi32, #tpu.memory_space<vmem>>) semaphore(%arg32 : memref<!tpu.dma_semaphore, #tpu.memory_space<semaphore_mem>>) {add = true}
      %add3A_170 = arith.constant 2 : i32
      %add3A_171 = arith.addi %add3A_145, %add3A_170 : i32
      %lt3A_172 = arith.constant 89 : i32
      %lt3A_173 = arith.cmpi slt, %add3A_171, %lt3A_172 : i32
      %convert_element_type3A_174 = arith.extui %lt3A_173 : i1 to i32
      %cond3A_175 = arith.constant 0 : i32
      %cond3A_176 = arith.cmpi ne, %convert_element_type3A_174, %cond3A_175 : i32
      scf.if %cond3A_176 {
        %add3A_216 = arith.constant 2 : i32
        %add3A_217 = arith.addi %add3A_145, %add3A_216 : i32
        %mul3A_218 = arith.constant 112 : i32
        %mul3A_219 = arith.muli %add3A_217, %mul3A_218 : i32
        %add3A_220 = arith.addi %mul3A_23, %mul3A_219 : i32
        %dma_start3A_221 = tpu.memref_slice %arg4[%add3A_220] : memref<320000xi32, #tpu.memory_space<hbm>> -> memref<112xi32, #tpu.memory_space<hbm>>
        %dma_start3A_222 = tpu.memref_slice %arg4[%add3A_220] : memref<320000xi32, #tpu.memory_space<hbm>> -> memref<112xi32, #tpu.memory_space<hbm>>
        tpu.enqueue_dma source(%dma_start3A_222 : memref<112xi32, #tpu.memory_space<hbm>>) target(%arg12 : memref<112xi32, #tpu.memory_space<vmem>>) target_semaphore(%arg28 : memref<!tpu.dma_semaphore, #tpu.memory_space<semaphore_mem>>)
        %dma_start3A_223 = tpu.memref_slice %arg5[%add3A_220] : memref<320000xi32, #tpu.memory_space<hbm>> -> memref<112xi32, #tpu.memory_space<hbm>>
        %dma_start3A_224 = tpu.memref_slice %arg5[%add3A_220] : memref<320000xi32, #tpu.memory_space<hbm>> -> memref<112xi32, #tpu.memory_space<hbm>>
        tpu.enqueue_dma source(%dma_start3A_224 : memref<112xi32, #tpu.memory_space<hbm>>) target(%arg14 : memref<112xi32, #tpu.memory_space<vmem>>) target_semaphore(%arg28 : memref<!tpu.dma_semaphore, #tpu.memory_space<semaphore_mem>>)
        %dma_start3A_225 = tpu.memref_slice %arg2[%add3A_220] : memref<320000xf32, #tpu.memory_space<hbm>> -> memref<112xf32, #tpu.memory_space<hbm>>
        %dma_start3A_226 = tpu.memref_slice %arg2[%add3A_220] : memref<320000xf32, #tpu.memory_space<hbm>> -> memref<112xf32, #tpu.memory_space<hbm>>
        tpu.enqueue_dma source(%dma_start3A_226 : memref<112xf32, #tpu.memory_space<hbm>>) target(%arg16 : memref<112xf32, #tpu.memory_space<vmem>>) target_semaphore(%arg28 : memref<!tpu.dma_semaphore, #tpu.memory_space<semaphore_mem>>)
        %dma_start3A_227 = tpu.memref_slice %arg3[%add3A_220] : memref<320000xf32, #tpu.memory_space<hbm>> -> memref<112xf32, #tpu.memory_space<hbm>>
        %dma_start3A_228 = tpu.memref_slice %arg3[%add3A_220] : memref<320000xf32, #tpu.memory_space<hbm>> -> memref<112xf32, #tpu.memory_space<hbm>>
        tpu.enqueue_dma source(%dma_start3A_228 : memref<112xf32, #tpu.memory_space<hbm>>) target(%arg18 : memref<112xf32, #tpu.memory_space<vmem>>) target_semaphore(%arg28 : memref<!tpu.dma_semaphore, #tpu.memory_space<semaphore_mem>>)
      } else {
      }
      %mul3A_177 = arith.constant 2 : i32
      %mul3A_178 = arith.muli %scan3A_140, %mul3A_177 : i32
      %add3A_179 = arith.constant 1 : i32
      %add3A_180 = arith.addi %mul3A_178, %add3A_179 : i32
      %add3A_181 = arith.constant 1 : i32
      %add3A_182 = arith.addi %add3A_180, %add3A_181 : i32
      %lt3A_183 = arith.constant 89 : i32
      %lt3A_184 = arith.cmpi slt, %add3A_182, %lt3A_183 : i32
      %convert_element_type3A_185 = arith.extui %lt3A_184 : i1 to i32
      %cond3A_186 = arith.constant 0 : i32
      %cond3A_187 = arith.cmpi ne, %convert_element_type3A_185, %cond3A_186 : i32
      scf.if %cond3A_187 {
        %add3A_216 = arith.constant 1 : i32
        %add3A_217 = arith.addi %add3A_180, %add3A_216 : i32
        %mul3A_218 = arith.constant 112 : i32
        %mul3A_219 = arith.muli %add3A_217, %mul3A_218 : i32
        %add3A_220 = arith.addi %mul3A_23, %mul3A_219 : i32
        %dma_wait3A_221 = tpu.memref_slice %arg4[%add3A_220] : memref<320000xi32, #tpu.memory_space<hbm>> -> memref<112xi32, #tpu.memory_space<hbm>>
        %dma_wait3A_222 = tpu.memref_slice %arg4[%add3A_220] : memref<320000xi32, #tpu.memory_space<hbm>> -> memref<112xi32, #tpu.memory_space<hbm>>
        tpu.wait_dma2 semaphore(%arg28 : memref<!tpu.dma_semaphore, #tpu.memory_space<semaphore_mem>>) src(%dma_wait3A_222 : memref<112xi32, #tpu.memory_space<hbm>>) dst(%arg12 : memref<112xi32, #tpu.memory_space<vmem>>)
        %dma_wait3A_223 = tpu.memref_slice %arg5[%add3A_220] : memref<320000xi32, #tpu.memory_space<hbm>> -> memref<112xi32, #tpu.memory_space<hbm>>
        %dma_wait3A_224 = tpu.memref_slice %arg5[%add3A_220] : memref<320000xi32, #tpu.memory_space<hbm>> -> memref<112xi32, #tpu.memory_space<hbm>>
        tpu.wait_dma2 semaphore(%arg28 : memref<!tpu.dma_semaphore, #tpu.memory_space<semaphore_mem>>) src(%dma_wait3A_224 : memref<112xi32, #tpu.memory_space<hbm>>) dst(%arg14 : memref<112xi32, #tpu.memory_space<vmem>>)
        %dma_wait3A_225 = tpu.memref_slice %arg2[%add3A_220] : memref<320000xf32, #tpu.memory_space<hbm>> -> memref<112xf32, #tpu.memory_space<hbm>>
        %dma_wait3A_226 = tpu.memref_slice %arg2[%add3A_220] : memref<320000xf32, #tpu.memory_space<hbm>> -> memref<112xf32, #tpu.memory_space<hbm>>
        tpu.wait_dma2 semaphore(%arg28 : memref<!tpu.dma_semaphore, #tpu.memory_space<semaphore_mem>>) src(%dma_wait3A_226 : memref<112xf32, #tpu.memory_space<hbm>>) dst(%arg16 : memref<112xf32, #tpu.memory_space<vmem>>)
        %dma_wait3A_227 = tpu.memref_slice %arg3[%add3A_220] : memref<320000xf32, #tpu.memory_space<hbm>> -> memref<112xf32, #tpu.memory_space<hbm>>
        %dma_wait3A_228 = tpu.memref_slice %arg3[%add3A_220] : memref<320000xf32, #tpu.memory_space<hbm>> -> memref<112xf32, #tpu.memory_space<hbm>>
        tpu.wait_dma2 semaphore(%arg28 : memref<!tpu.dma_semaphore, #tpu.memory_space<semaphore_mem>>) src(%dma_wait3A_228 : memref<112xf32, #tpu.memory_space<hbm>>) dst(%arg18 : memref<112xf32, #tpu.memory_space<vmem>>)
        %scan3A_229 = arith.constant 0 : i32
        %scan3A_230 = arith.constant 0 : i32
        %scan3A_231 = arith.constant 7 : i32
        %scan3A_232 = arith.addi %scan3A_230, %scan3A_231 : i32
        %scan3A_233 = arith.constant 1 : i32
        %scan3A_234 = scf.for %scan3A_243 = %scan3A_230 to %scan3A_232 step %scan3A_233 iter_args(%scan3A_244 = %scan3A_229) -> (i32)  : i32 {
          %mul3A_245 = arith.constant 16 : i32
          %mul3A_246 = arith.muli %scan3A_243, %mul3A_245 : i32
          %get3A = arith.index_cast %mul3A_246 : i32 to index
          %get3A_247 = tpu.vector_load %arg12[%get3A] {strides = array<i32>} : memref<112xi32, #tpu.memory_space<vmem>>, vector<16xi32>,
          %gather3A = tpu.vector_load_idx %arg10[%get3A_247] : memref<10000xf32, #tpu.memory_space<vmem>>[vector<16xi32>], vector<16xf32>,
          %gather3A_248 = tpu.vector_load_idx %arg11[%get3A_247] : memref<10000xf32, #tpu.memory_space<vmem>>[vector<16xi32>], vector<16xf32>,
          %mul3A_249 = arith.constant 16 : i32
          %mul3A_250 = arith.muli %scan3A_243, %mul3A_249 : i32
          %get3A_251 = arith.index_cast %mul3A_250 : i32 to index
          %get3A_252 = tpu.vector_load %arg16[%get3A_251] {strides = array<i32>} : memref<112xf32, #tpu.memory_space<vmem>>, vector<16xf32>,
          %mul3A_253 = arith.mulf %get3A_252, %gather3A : vector<16xf32>
          %mul3A_254 = arith.constant 16 : i32
          %mul3A_255 = arith.muli %scan3A_243, %mul3A_254 : i32
          %get3A_256 = arith.index_cast %mul3A_255 : i32 to index
          %get3A_257 = tpu.vector_load %arg18[%get3A_256] {strides = array<i32>} : memref<112xf32, #tpu.memory_space<vmem>>, vector<16xf32>,
          %mul3A_258 = arith.mulf %get3A_257, %gather3A_248 : vector<16xf32>
          %add3A_259 = arith.addf %mul3A_253, %mul3A_258 : vector<16xf32>
          %mul3A_260 = arith.constant 16 : i32
          %mul3A_261 = arith.muli %scan3A_243, %mul3A_260 : i32
          %swap3A = arith.index_cast %mul3A_261 : i32 to index
          %swap3A_262 = tpu.vector_load %arg20[%swap3A] {strides = array<i32>} : memref<112xf32, #tpu.memory_space<vmem>>, vector<16xf32>,
          tpu.vector_store %arg20[%swap3A], %add3A_259 {strides = array<i32>} : memref<112xf32, #tpu.memory_space<vmem>>, vector<16xf32>,
          %scan3A_263 = arith.constant 0 : i32
          scf.yield %scan3A_263 : i32
        }
        %scan3A_235 = arith.constant 7 : i32
        %ge3A = arith.constant 1 : i32
        %ge3A_236 = arith.cmpi sge, %add3A_180, %ge3A : i32
        %convert_element_type3A_237 = arith.extui %ge3A_236 : i1 to i32
        %cond3A_238 = arith.constant 0 : i32
        %cond3A_239 = arith.cmpi ne, %convert_element_type3A_237, %cond3A_238 : i32
        scf.if %cond3A_239 {
          %dma_wait3A_243 = arith.constant 0 : i32
          %dma_wait3A_244 = arith.constant 0 : i32
          %dma_wait3A_245 = tpu.memref_slice %arg27[%dma_wait3A_243, %dma_wait3A_244] : memref<10000x128xf32, #tpu.memory_space<vmem_shared>> -> memref<10000x128xf32, #tpu.memory_space<vmem_shared>>
          tpu.wait_indirect_dma semaphore(%arg32 : memref<!tpu.dma_semaphore, #tpu.memory_space<semaphore_mem>>) src(%arg24 : memref<112x128xf32, #tpu.memory_space<vmem>>) dst(%dma_wait3A_245 : memref<10000x128xf32, #tpu.memory_space<vmem_shared>>)
        } else {
        }
        %dma_start3A_240 = arith.constant 0 : i32
        %dma_start3A_241 = arith.constant 0 : i32
        %dma_start3A_242 = tpu.memref_slice %arg8[%dma_start3A_240, %dma_start3A_241] : memref<10000x128xf32, #tpu.memory_space<hbm>> -> memref<10000x128xf32, #tpu.memory_space<hbm>>
        tpu.enqueue_indirect_dma source(%dma_start3A_242 : memref<10000x128xf32, #tpu.memory_space<hbm>>) target(%arg24 : memref<112x128xf32, #tpu.memory_space<vmem>>) offsets(%arg14 : memref<112xi32, #tpu.memory_space<vmem>>) semaphore(%arg30 : memref<!tpu.dma_semaphore, #tpu.memory_space<semaphore_mem>>)
      } else {
      }
      %dma_wait3A_188 = arith.constant 0 : i32
      %dma_wait3A_189 = arith.constant 0 : i32
      %dma_wait3A_190 = tpu.memref_slice %arg8[%dma_wait3A_188, %dma_wait3A_189] : memref<10000x128xf32, #tpu.memory_space<hbm>> -> memref<10000x128xf32, #tpu.memory_space<hbm>>
      tpu.wait_indirect_dma semaphore(%arg31 : memref<!tpu.dma_semaphore, #tpu.memory_space<semaphore_mem>>) src(%dma_wait3A_190 : memref<10000x128xf32, #tpu.memory_space<hbm>>) dst(%arg25 : memref<112x128xf32, #tpu.memory_space<vmem>>)
      %scan3A_191 = arith.constant 0 : i32
      %scan3A_192 = arith.constant 0 : i32
      %scan3A_193 = arith.constant 28 : i32
      %scan3A_194 = arith.addi %scan3A_192, %scan3A_193 : i32
      %scan3A_195 = arith.constant 1 : i32
      %scan3A_196 = scf.for %scan3A_216 = %scan3A_192 to %scan3A_194 step %scan3A_195 iter_args(%scan3A_217 = %scan3A_191) -> (i32)  : i32 {
        %mul3A_218 = arith.constant 4 : i32
        %mul3A_219 = arith.muli %scan3A_216, %mul3A_218 : i32
        %add3A_220 = arith.constant 0 : i32
        %add3A_221 = arith.addi %mul3A_219, %add3A_220 : i32
        %broadcast_in_dim3A = vector.broadcast %add3A_221 : i32 to vector<16xi32>
        %gather3A = tpu.vector_load_idx %arg21[%broadcast_in_dim3A] : memref<112xf32, #tpu.memory_space<vmem>>[vector<16xi32>], vector<16xf32>,
        %get3A = arith.index_cast %add3A_221 : i32 to index
        %get3A_222 = arith.constant 0 : index
        %get3A_223 = tpu.vector_load %arg25[%get3A, %get3A_222] {strides = array<i32>} : memref<112x128xf32, #tpu.memory_space<vmem>>, vector<16xf32>,
        %mul3A_224 = arith.mulf %get3A_223, %gather3A : vector<16xf32>
        %swap3A = arith.index_cast %add3A_221 : i32 to index
        %swap3A_225 = arith.constant 0 : index
        %swap3A_226 = tpu.vector_load %arg25[%swap3A, %swap3A_225] {strides = array<i32>} : memref<112x128xf32, #tpu.memory_space<vmem>>, vector<16xf32>,
        tpu.vector_store %arg25[%swap3A, %swap3A_225], %mul3A_224 {strides = array<i32>} : memref<112x128xf32, #tpu.memory_space<vmem>>, vector<16xf32>,
        %get3A_227 = arith.index_cast %add3A_221 : i32 to index
        %get3A_228 = arith.constant 16 : index
        %get3A_229 = tpu.vector_load %arg25[%get3A_227, %get3A_228] {strides = array<i32>} : memref<112x128xf32, #tpu.memory_space<vmem>>, vector<16xf32>,
        %mul3A_230 = arith.mulf %get3A_229, %gather3A : vector<16xf32>
        %swap3A_231 = arith.index_cast %add3A_221 : i32 to index
        %swap3A_232 = arith.constant 16 : index
        %swap3A_233 = tpu.vector_load %arg25[%swap3A_231, %swap3A_232] {strides = array<i32>} : memref<112x128xf32, #tpu.memory_space<vmem>>, vector<16xf32>,
        tpu.vector_store %arg25[%swap3A_231, %swap3A_232], %mul3A_230 {strides = array<i32>} : memref<112x128xf32, #tpu.memory_space<vmem>>, vector<16xf32>,
        %get3A_234 = arith.index_cast %add3A_221 : i32 to index
        %get3A_235 = arith.constant 32 : index
        %get3A_236 = tpu.vector_load %arg25[%get3A_234, %get3A_235] {strides = array<i32>} : memref<112x128xf32, #tpu.memory_space<vmem>>, vector<16xf32>,
        %mul3A_237 = arith.mulf %get3A_236, %gather3A : vector<16xf32>
        %swap3A_238 = arith.index_cast %add3A_221 : i32 to index
        %swap3A_239 = arith.constant 32 : index
        %swap3A_240 = tpu.vector_load %arg25[%swap3A_238, %swap3A_239] {strides = array<i32>} : memref<112x128xf32, #tpu.memory_space<vmem>>, vector<16xf32>,
        tpu.vector_store %arg25[%swap3A_238, %swap3A_239], %mul3A_237 {strides = array<i32>} : memref<112x128xf32, #tpu.memory_space<vmem>>, vector<16xf32>,
        %get3A_241 = arith.index_cast %add3A_221 : i32 to index
        %get3A_242 = arith.constant 48 : index
        %get3A_243 = tpu.vector_load %arg25[%get3A_241, %get3A_242] {strides = array<i32>} : memref<112x128xf32, #tpu.memory_space<vmem>>, vector<16xf32>,
        %mul3A_244 = arith.mulf %get3A_243, %gather3A : vector<16xf32>
        %swap3A_245 = arith.index_cast %add3A_221 : i32 to index
        %swap3A_246 = arith.constant 48 : index
        %swap3A_247 = tpu.vector_load %arg25[%swap3A_245, %swap3A_246] {strides = array<i32>} : memref<112x128xf32, #tpu.memory_space<vmem>>, vector<16xf32>,
        tpu.vector_store %arg25[%swap3A_245, %swap3A_246], %mul3A_244 {strides = array<i32>} : memref<112x128xf32, #tpu.memory_space<vmem>>, vector<16xf32>,
        %get3A_248 = arith.index_cast %add3A_221 : i32 to index
        %get3A_249 = arith.constant 64 : index
        %get3A_250 = tpu.vector_load %arg25[%get3A_248, %get3A_249] {strides = array<i32>} : memref<112x128xf32, #tpu.memory_space<vmem>>, vector<16xf32>,
        %mul3A_251 = arith.mulf %get3A_250, %gather3A : vector<16xf32>
        %swap3A_252 = arith.index_cast %add3A_221 : i32 to index
        %swap3A_253 = arith.constant 64 : index
        %swap3A_254 = tpu.vector_load %arg25[%swap3A_252, %swap3A_253] {strides = array<i32>} : memref<112x128xf32, #tpu.memory_space<vmem>>, vector<16xf32>,
        tpu.vector_store %arg25[%swap3A_252, %swap3A_253], %mul3A_251 {strides = array<i32>} : memref<112x128xf32, #tpu.memory_space<vmem>>, vector<16xf32>,
        %get3A_255 = arith.index_cast %add3A_221 : i32 to index
        %get3A_256 = arith.constant 80 : index
        %get3A_257 = tpu.vector_load %arg25[%get3A_255, %get3A_256] {strides = array<i32>} : memref<112x128xf32, #tpu.memory_space<vmem>>, vector<16xf32>,
        %mul3A_258 = arith.mulf %get3A_257, %gather3A : vector<16xf32>
        %swap3A_259 = arith.index_cast %add3A_221 : i32 to index
        %swap3A_260 = arith.constant 80 : index
        %swap3A_261 = tpu.vector_load %arg25[%swap3A_259, %swap3A_260] {strides = array<i32>} : memref<112x128xf32, #tpu.memory_space<vmem>>, vector<16xf32>,
        tpu.vector_store %arg25[%swap3A_259, %swap3A_260], %mul3A_258 {strides = array<i32>} : memref<112x128xf32, #tpu.memory_space<vmem>>, vector<16xf32>,
        %get3A_262 = arith.index_cast %add3A_221 : i32 to index
        %get3A_263 = arith.constant 96 : index
        %get3A_264 = tpu.vector_load %arg25[%get3A_262, %get3A_263] {strides = array<i32>} : memref<112x128xf32, #tpu.memory_space<vmem>>, vector<16xf32>,
        %mul3A_265 = arith.mulf %get3A_264, %gather3A : vector<16xf32>
        %swap3A_266 = arith.index_cast %add3A_221 : i32 to index
        %swap3A_267 = arith.constant 96 : index
        %swap3A_268 = tpu.vector_load %arg25[%swap3A_266, %swap3A_267] {strides = array<i32>} : memref<112x128xf32, #tpu.memory_space<vmem>>, vector<16xf32>,
        tpu.vector_store %arg25[%swap3A_266, %swap3A_267], %mul3A_265 {strides = array<i32>} : memref<112x128xf32, #tpu.memory_space<vmem>>, vector<16xf32>,
        %get3A_269 = arith.index_cast %add3A_221 : i32 to index
        %get3A_270 = arith.constant 112 : index
        %get3A_271 = tpu.vector_load %arg25[%get3A_269, %get3A_270] {strides = array<i32>} : memref<112x128xf32, #tpu.memory_space<vmem>>, vector<16xf32>,
        %mul3A_272 = arith.mulf %get3A_271, %gather3A : vector<16xf32>
        %swap3A_273 = arith.index_cast %add3A_221 : i32 to index
        %swap3A_274 = arith.constant 112 : index
        %swap3A_275 = tpu.vector_load %arg25[%swap3A_273, %swap3A_274] {strides = array<i32>} : memref<112x128xf32, #tpu.memory_space<vmem>>, vector<16xf32>,
        tpu.vector_store %arg25[%swap3A_273, %swap3A_274], %mul3A_272 {strides = array<i32>} : memref<112x128xf32, #tpu.memory_space<vmem>>, vector<16xf32>,
        %mul3A_276 = arith.constant 4 : i32
        %mul3A_277 = arith.muli %scan3A_216, %mul3A_276 : i32
        %add3A_278 = arith.constant 1 : i32
        %add3A_279 = arith.addi %mul3A_277, %add3A_278 : i32
        %broadcast_in_dim3A_280 = vector.broadcast %add3A_279 : i32 to vector<16xi32>
        %gather3A_281 = tpu.vector_load_idx %arg21[%broadcast_in_dim3A_280] : memref<112xf32, #tpu.memory_space<vmem>>[vector<16xi32>], vector<16xf32>,
        %get3A_282 = arith.index_cast %add3A_279 : i32 to index
        %get3A_283 = arith.constant 0 : index
        %get3A_284 = tpu.vector_load %arg25[%get3A_282, %get3A_283] {strides = array<i32>} : memref<112x128xf32, #tpu.memory_space<vmem>>, vector<16xf32>,
        %mul3A_285 = arith.mulf %get3A_284, %gather3A_281 : vector<16xf32>
        %swap3A_286 = arith.index_cast %add3A_279 : i32 to index
        %swap3A_287 = arith.constant 0 : index
        %swap3A_288 = tpu.vector_load %arg25[%swap3A_286, %swap3A_287] {strides = array<i32>} : memref<112x128xf32, #tpu.memory_space<vmem>>, vector<16xf32>,
        tpu.vector_store %arg25[%swap3A_286, %swap3A_287], %mul3A_285 {strides = array<i32>} : memref<112x128xf32, #tpu.memory_space<vmem>>, vector<16xf32>,
        %get3A_289 = arith.index_cast %add3A_279 : i32 to index
        %get3A_290 = arith.constant 16 : index
        %get3A_291 = tpu.vector_load %arg25[%get3A_289, %get3A_290] {strides = array<i32>} : memref<112x128xf32, #tpu.memory_space<vmem>>, vector<16xf32>,
        %mul3A_292 = arith.mulf %get3A_291, %gather3A_281 : vector<16xf32>
        %swap3A_293 = arith.index_cast %add3A_279 : i32 to index
        %swap3A_294 = arith.constant 16 : index
        %swap3A_295 = tpu.vector_load %arg25[%swap3A_293, %swap3A_294] {strides = array<i32>} : memref<112x128xf32, #tpu.memory_space<vmem>>, vector<16xf32>,
        tpu.vector_store %arg25[%swap3A_293, %swap3A_294], %mul3A_292 {strides = array<i32>} : memref<112x128xf32, #tpu.memory_space<vmem>>, vector<16xf32>,
        %get3A_296 = arith.index_cast %add3A_279 : i32 to index
        %get3A_297 = arith.constant 32 : index
        %get3A_298 = tpu.vector_load %arg25[%get3A_296, %get3A_297] {strides = array<i32>} : memref<112x128xf32, #tpu.memory_space<vmem>>, vector<16xf32>,
        %mul3A_299 = arith.mulf %get3A_298, %gather3A_281 : vector<16xf32>
        %swap3A_300 = arith.index_cast %add3A_279 : i32 to index
        %swap3A_301 = arith.constant 32 : index
        %swap3A_302 = tpu.vector_load %arg25[%swap3A_300, %swap3A_301] {strides = array<i32>} : memref<112x128xf32, #tpu.memory_space<vmem>>, vector<16xf32>,
        tpu.vector_store %arg25[%swap3A_300, %swap3A_301], %mul3A_299 {strides = array<i32>} : memref<112x128xf32, #tpu.memory_space<vmem>>, vector<16xf32>,
        %get3A_303 = arith.index_cast %add3A_279 : i32 to index
        %get3A_304 = arith.constant 48 : index
        %get3A_305 = tpu.vector_load %arg25[%get3A_303, %get3A_304] {strides = array<i32>} : memref<112x128xf32, #tpu.memory_space<vmem>>, vector<16xf32>,
        %mul3A_306 = arith.mulf %get3A_305, %gather3A_281 : vector<16xf32>
        %swap3A_307 = arith.index_cast %add3A_279 : i32 to index
        %swap3A_308 = arith.constant 48 : index
        %swap3A_309 = tpu.vector_load %arg25[%swap3A_307, %swap3A_308] {strides = array<i32>} : memref<112x128xf32, #tpu.memory_space<vmem>>, vector<16xf32>,
        tpu.vector_store %arg25[%swap3A_307, %swap3A_308], %mul3A_306 {strides = array<i32>} : memref<112x128xf32, #tpu.memory_space<vmem>>, vector<16xf32>,
        %get3A_310 = arith.index_cast %add3A_279 : i32 to index
        %get3A_311 = arith.constant 64 : index
        %get3A_312 = tpu.vector_load %arg25[%get3A_310, %get3A_311] {strides = array<i32>} : memref<112x128xf32, #tpu.memory_space<vmem>>, vector<16xf32>,
        %mul3A_313 = arith.mulf %get3A_312, %gather3A_281 : vector<16xf32>
        %swap3A_314 = arith.index_cast %add3A_279 : i32 to index
        %swap3A_315 = arith.constant 64 : index
        %swap3A_316 = tpu.vector_load %arg25[%swap3A_314, %swap3A_315] {strides = array<i32>} : memref<112x128xf32, #tpu.memory_space<vmem>>, vector<16xf32>,
        tpu.vector_store %arg25[%swap3A_314, %swap3A_315], %mul3A_313 {strides = array<i32>} : memref<112x128xf32, #tpu.memory_space<vmem>>, vector<16xf32>,
        %get3A_317 = arith.index_cast %add3A_279 : i32 to index
        %get3A_318 = arith.constant 80 : index
        %get3A_319 = tpu.vector_load %arg25[%get3A_317, %get3A_318] {strides = array<i32>} : memref<112x128xf32, #tpu.memory_space<vmem>>, vector<16xf32>,
        %mul3A_320 = arith.mulf %get3A_319, %gather3A_281 : vector<16xf32>
        %swap3A_321 = arith.index_cast %add3A_279 : i32 to index
        %swap3A_322 = arith.constant 80 : index
        %swap3A_323 = tpu.vector_load %arg25[%swap3A_321, %swap3A_322] {strides = array<i32>} : memref<112x128xf32, #tpu.memory_space<vmem>>, vector<16xf32>,
        tpu.vector_store %arg25[%swap3A_321, %swap3A_322], %mul3A_320 {strides = array<i32>} : memref<112x128xf32, #tpu.memory_space<vmem>>, vector<16xf32>,
        %get3A_324 = arith.index_cast %add3A_279 : i32 to index
        %get3A_325 = arith.constant 96 : index
        %get3A_326 = tpu.vector_load %arg25[%get3A_324, %get3A_325] {strides = array<i32>} : memref<112x128xf32, #tpu.memory_space<vmem>>, vector<16xf32>,
        %mul3A_327 = arith.mulf %get3A_326, %gather3A_281 : vector<16xf32>
        %swap3A_328 = arith.index_cast %add3A_279 : i32 to index
        %swap3A_329 = arith.constant 96 : index
        %swap3A_330 = tpu.vector_load %arg25[%swap3A_328, %swap3A_329] {strides = array<i32>} : memref<112x128xf32, #tpu.memory_space<vmem>>, vector<16xf32>,
        tpu.vector_store %arg25[%swap3A_328, %swap3A_329], %mul3A_327 {strides = array<i32>} : memref<112x128xf32, #tpu.memory_space<vmem>>, vector<16xf32>,
        %get3A_331 = arith.index_cast %add3A_279 : i32 to index
        %get3A_332 = arith.constant 112 : index
        %get3A_333 = tpu.vector_load %arg25[%get3A_331, %get3A_332] {strides = array<i32>} : memref<112x128xf32, #tpu.memory_space<vmem>>, vector<16xf32>,
        %mul3A_334 = arith.mulf %get3A_333, %gather3A_281 : vector<16xf32>
        %swap3A_335 = arith.index_cast %add3A_279 : i32 to index
        %swap3A_336 = arith.constant 112 : index
        %swap3A_337 = tpu.vector_load %arg25[%swap3A_335, %swap3A_336] {strides = array<i32>} : memref<112x128xf32, #tpu.memory_space<vmem>>, vector<16xf32>,
        tpu.vector_store %arg25[%swap3A_335, %swap3A_336], %mul3A_334 {strides = array<i32>} : memref<112x128xf32, #tpu.memory_space<vmem>>, vector<16xf32>,
        %mul3A_338 = arith.constant 4 : i32
        %mul3A_339 = arith.muli %scan3A_216, %mul3A_338 : i32
        %add3A_340 = arith.constant 2 : i32
        %add3A_341 = arith.addi %mul3A_339, %add3A_340 : i32
        %broadcast_in_dim3A_342 = vector.broadcast %add3A_341 : i32 to vector<16xi32>
        %gather3A_343 = tpu.vector_load_idx %arg21[%broadcast_in_dim3A_342] : memref<112xf32, #tpu.memory_space<vmem>>[vector<16xi32>], vector<16xf32>,
        %get3A_344 = arith.index_cast %add3A_341 : i32 to index
        %get3A_345 = arith.constant 0 : index
        %get3A_346 = tpu.vector_load %arg25[%get3A_344, %get3A_345] {strides = array<i32>} : memref<112x128xf32, #tpu.memory_space<vmem>>, vector<16xf32>,
        %mul3A_347 = arith.mulf %get3A_346, %gather3A_343 : vector<16xf32>
        %swap3A_348 = arith.index_cast %add3A_341 : i32 to index
        %swap3A_349 = arith.constant 0 : index
        %swap3A_350 = tpu.vector_load %arg25[%swap3A_348, %swap3A_349] {strides = array<i32>} : memref<112x128xf32, #tpu.memory_space<vmem>>, vector<16xf32>,
        tpu.vector_store %arg25[%swap3A_348, %swap3A_349], %mul3A_347 {strides = array<i32>} : memref<112x128xf32, #tpu.memory_space<vmem>>, vector<16xf32>,
        %get3A_351 = arith.index_cast %add3A_341 : i32 to index
        %get3A_352 = arith.constant 16 : index
        %get3A_353 = tpu.vector_load %arg25[%get3A_351, %get3A_352] {strides = array<i32>} : memref<112x128xf32, #tpu.memory_space<vmem>>, vector<16xf32>,
        %mul3A_354 = arith.mulf %get3A_353, %gather3A_343 : vector<16xf32>
        %swap3A_355 = arith.index_cast %add3A_341 : i32 to index
        %swap3A_356 = arith.constant 16 : index
        %swap3A_357 = tpu.vector_load %arg25[%swap3A_355, %swap3A_356] {strides = array<i32>} : memref<112x128xf32, #tpu.memory_space<vmem>>, vector<16xf32>,
        tpu.vector_store %arg25[%swap3A_355, %swap3A_356], %mul3A_354 {strides = array<i32>} : memref<112x128xf32, #tpu.memory_space<vmem>>, vector<16xf32>,
        %get3A_358 = arith.index_cast %add3A_341 : i32 to index
        %get3A_359 = arith.constant 32 : index
        %get3A_360 = tpu.vector_load %arg25[%get3A_358, %get3A_359] {strides = array<i32>} : memref<112x128xf32, #tpu.memory_space<vmem>>, vector<16xf32>,
        %mul3A_361 = arith.mulf %get3A_360, %gather3A_343 : vector<16xf32>
        %swap3A_362 = arith.index_cast %add3A_341 : i32 to index
        %swap3A_363 = arith.constant 32 : index
        %swap3A_364 = tpu.vector_load %arg25[%swap3A_362, %swap3A_363] {strides = array<i32>} : memref<112x128xf32, #tpu.memory_space<vmem>>, vector<16xf32>,
        tpu.vector_store %arg25[%swap3A_362, %swap3A_363], %mul3A_361 {strides = array<i32>} : memref<112x128xf32, #tpu.memory_space<vmem>>, vector<16xf32>,
        %get3A_365 = arith.index_cast %add3A_341 : i32 to index
        %get3A_366 = arith.constant 48 : index
        %get3A_367 = tpu.vector_load %arg25[%get3A_365, %get3A_366] {strides = array<i32>} : memref<112x128xf32, #tpu.memory_space<vmem>>, vector<16xf32>,
        %mul3A_368 = arith.mulf %get3A_367, %gather3A_343 : vector<16xf32>
        %swap3A_369 = arith.index_cast %add3A_341 : i32 to index
        %swap3A_370 = arith.constant 48 : index
        %swap3A_371 = tpu.vector_load %arg25[%swap3A_369, %swap3A_370] {strides = array<i32>} : memref<112x128xf32, #tpu.memory_space<vmem>>, vector<16xf32>,
        tpu.vector_store %arg25[%swap3A_369, %swap3A_370], %mul3A_368 {strides = array<i32>} : memref<112x128xf32, #tpu.memory_space<vmem>>, vector<16xf32>,
        %get3A_372 = arith.index_cast %add3A_341 : i32 to index
        %get3A_373 = arith.constant 64 : index
        %get3A_374 = tpu.vector_load %arg25[%get3A_372, %get3A_373] {strides = array<i32>} : memref<112x128xf32, #tpu.memory_space<vmem>>, vector<16xf32>,
        %mul3A_375 = arith.mulf %get3A_374, %gather3A_343 : vector<16xf32>
        %swap3A_376 = arith.index_cast %add3A_341 : i32 to index
        %swap3A_377 = arith.constant 64 : index
        %swap3A_378 = tpu.vector_load %arg25[%swap3A_376, %swap3A_377] {strides = array<i32>} : memref<112x128xf32, #tpu.memory_space<vmem>>, vector<16xf32>,
        tpu.vector_store %arg25[%swap3A_376, %swap3A_377], %mul3A_375 {strides = array<i32>} : memref<112x128xf32, #tpu.memory_space<vmem>>, vector<16xf32>,
        %get3A_379 = arith.index_cast %add3A_341 : i32 to index
        %get3A_380 = arith.constant 80 : index
        %get3A_381 = tpu.vector_load %arg25[%get3A_379, %get3A_380] {strides = array<i32>} : memref<112x128xf32, #tpu.memory_space<vmem>>, vector<16xf32>,
        %mul3A_382 = arith.mulf %get3A_381, %gather3A_343 : vector<16xf32>
        %swap3A_383 = arith.index_cast %add3A_341 : i32 to index
        %swap3A_384 = arith.constant 80 : index
        %swap3A_385 = tpu.vector_load %arg25[%swap3A_383, %swap3A_384] {strides = array<i32>} : memref<112x128xf32, #tpu.memory_space<vmem>>, vector<16xf32>,
        tpu.vector_store %arg25[%swap3A_383, %swap3A_384], %mul3A_382 {strides = array<i32>} : memref<112x128xf32, #tpu.memory_space<vmem>>, vector<16xf32>,
        %get3A_386 = arith.index_cast %add3A_341 : i32 to index
        %get3A_387 = arith.constant 96 : index
        %get3A_388 = tpu.vector_load %arg25[%get3A_386, %get3A_387] {strides = array<i32>} : memref<112x128xf32, #tpu.memory_space<vmem>>, vector<16xf32>,
        %mul3A_389 = arith.mulf %get3A_388, %gather3A_343 : vector<16xf32>
        %swap3A_390 = arith.index_cast %add3A_341 : i32 to index
        %swap3A_391 = arith.constant 96 : index
        %swap3A_392 = tpu.vector_load %arg25[%swap3A_390, %swap3A_391] {strides = array<i32>} : memref<112x128xf32, #tpu.memory_space<vmem>>, vector<16xf32>,
        tpu.vector_store %arg25[%swap3A_390, %swap3A_391], %mul3A_389 {strides = array<i32>} : memref<112x128xf32, #tpu.memory_space<vmem>>, vector<16xf32>,
        %get3A_393 = arith.index_cast %add3A_341 : i32 to index
        %get3A_394 = arith.constant 112 : index
        %get3A_395 = tpu.vector_load %arg25[%get3A_393, %get3A_394] {strides = array<i32>} : memref<112x128xf32, #tpu.memory_space<vmem>>, vector<16xf32>,
        %mul3A_396 = arith.mulf %get3A_395, %gather3A_343 : vector<16xf32>
        %swap3A_397 = arith.index_cast %add3A_341 : i32 to index
        %swap3A_398 = arith.constant 112 : index
        %swap3A_399 = tpu.vector_load %arg25[%swap3A_397, %swap3A_398] {strides = array<i32>} : memref<112x128xf32, #tpu.memory_space<vmem>>, vector<16xf32>,
        tpu.vector_store %arg25[%swap3A_397, %swap3A_398], %mul3A_396 {strides = array<i32>} : memref<112x128xf32, #tpu.memory_space<vmem>>, vector<16xf32>,
        %mul3A_400 = arith.constant 4 : i32
        %mul3A_401 = arith.muli %scan3A_216, %mul3A_400 : i32
        %add3A_402 = arith.constant 3 : i32
        %add3A_403 = arith.addi %mul3A_401, %add3A_402 : i32
        %broadcast_in_dim3A_404 = vector.broadcast %add3A_403 : i32 to vector<16xi32>
        %gather3A_405 = tpu.vector_load_idx %arg21[%broadcast_in_dim3A_404] : memref<112xf32, #tpu.memory_space<vmem>>[vector<16xi32>], vector<16xf32>,
        %get3A_406 = arith.index_cast %add3A_403 : i32 to index
        %get3A_407 = arith.constant 0 : index
        %get3A_408 = tpu.vector_load %arg25[%get3A_406, %get3A_407] {strides = array<i32>} : memref<112x128xf32, #tpu.memory_space<vmem>>, vector<16xf32>,
        %mul3A_409 = arith.mulf %get3A_408, %gather3A_405 : vector<16xf32>
        %swap3A_410 = arith.index_cast %add3A_403 : i32 to index
        %swap3A_411 = arith.constant 0 : index
        %swap3A_412 = tpu.vector_load %arg25[%swap3A_410, %swap3A_411] {strides = array<i32>} : memref<112x128xf32, #tpu.memory_space<vmem>>, vector<16xf32>,
        tpu.vector_store %arg25[%swap3A_410, %swap3A_411], %mul3A_409 {strides = array<i32>} : memref<112x128xf32, #tpu.memory_space<vmem>>, vector<16xf32>,
        %get3A_413 = arith.index_cast %add3A_403 : i32 to index
        %get3A_414 = arith.constant 16 : index
        %get3A_415 = tpu.vector_load %arg25[%get3A_413, %get3A_414] {strides = array<i32>} : memref<112x128xf32, #tpu.memory_space<vmem>>, vector<16xf32>,
        %mul3A_416 = arith.mulf %get3A_415, %gather3A_405 : vector<16xf32>
        %swap3A_417 = arith.index_cast %add3A_403 : i32 to index
        %swap3A_418 = arith.constant 16 : index
        %swap3A_419 = tpu.vector_load %arg25[%swap3A_417, %swap3A_418] {strides = array<i32>} : memref<112x128xf32, #tpu.memory_space<vmem>>, vector<16xf32>,
        tpu.vector_store %arg25[%swap3A_417, %swap3A_418], %mul3A_416 {strides = array<i32>} : memref<112x128xf32, #tpu.memory_space<vmem>>, vector<16xf32>,
        %get3A_420 = arith.index_cast %add3A_403 : i32 to index
        %get3A_421 = arith.constant 32 : index
        %get3A_422 = tpu.vector_load %arg25[%get3A_420, %get3A_421] {strides = array<i32>} : memref<112x128xf32, #tpu.memory_space<vmem>>, vector<16xf32>,
        %mul3A_423 = arith.mulf %get3A_422, %gather3A_405 : vector<16xf32>
        %swap3A_424 = arith.index_cast %add3A_403 : i32 to index
        %swap3A_425 = arith.constant 32 : index
        %swap3A_426 = tpu.vector_load %arg25[%swap3A_424, %swap3A_425] {strides = array<i32>} : memref<112x128xf32, #tpu.memory_space<vmem>>, vector<16xf32>,
        tpu.vector_store %arg25[%swap3A_424, %swap3A_425], %mul3A_423 {strides = array<i32>} : memref<112x128xf32, #tpu.memory_space<vmem>>, vector<16xf32>,
        %get3A_427 = arith.index_cast %add3A_403 : i32 to index
        %get3A_428 = arith.constant 48 : index
        %get3A_429 = tpu.vector_load %arg25[%get3A_427, %get3A_428] {strides = array<i32>} : memref<112x128xf32, #tpu.memory_space<vmem>>, vector<16xf32>,
        %mul3A_430 = arith.mulf %get3A_429, %gather3A_405 : vector<16xf32>
        %swap3A_431 = arith.index_cast %add3A_403 : i32 to index
        %swap3A_432 = arith.constant 48 : index
        %swap3A_433 = tpu.vector_load %arg25[%swap3A_431, %swap3A_432] {strides = array<i32>} : memref<112x128xf32, #tpu.memory_space<vmem>>, vector<16xf32>,
        tpu.vector_store %arg25[%swap3A_431, %swap3A_432], %mul3A_430 {strides = array<i32>} : memref<112x128xf32, #tpu.memory_space<vmem>>, vector<16xf32>,
        %get3A_434 = arith.index_cast %add3A_403 : i32 to index
        %get3A_435 = arith.constant 64 : index
        %get3A_436 = tpu.vector_load %arg25[%get3A_434, %get3A_435] {strides = array<i32>} : memref<112x128xf32, #tpu.memory_space<vmem>>, vector<16xf32>,
        %mul3A_437 = arith.mulf %get3A_436, %gather3A_405 : vector<16xf32>
        %swap3A_438 = arith.index_cast %add3A_403 : i32 to index
        %swap3A_439 = arith.constant 64 : index
        %swap3A_440 = tpu.vector_load %arg25[%swap3A_438, %swap3A_439] {strides = array<i32>} : memref<112x128xf32, #tpu.memory_space<vmem>>, vector<16xf32>,
        tpu.vector_store %arg25[%swap3A_438, %swap3A_439], %mul3A_437 {strides = array<i32>} : memref<112x128xf32, #tpu.memory_space<vmem>>, vector<16xf32>,
        %get3A_441 = arith.index_cast %add3A_403 : i32 to index
        %get3A_442 = arith.constant 80 : index
        %get3A_443 = tpu.vector_load %arg25[%get3A_441, %get3A_442] {strides = array<i32>} : memref<112x128xf32, #tpu.memory_space<vmem>>, vector<16xf32>,
        %mul3A_444 = arith.mulf %get3A_443, %gather3A_405 : vector<16xf32>
        %swap3A_445 = arith.index_cast %add3A_403 : i32 to index
        %swap3A_446 = arith.constant 80 : index
        %swap3A_447 = tpu.vector_load %arg25[%swap3A_445, %swap3A_446] {strides = array<i32>} : memref<112x128xf32, #tpu.memory_space<vmem>>, vector<16xf32>,
        tpu.vector_store %arg25[%swap3A_445, %swap3A_446], %mul3A_444 {strides = array<i32>} : memref<112x128xf32, #tpu.memory_space<vmem>>, vector<16xf32>,
        %get3A_448 = arith.index_cast %add3A_403 : i32 to index
        %get3A_449 = arith.constant 96 : index
        %get3A_450 = tpu.vector_load %arg25[%get3A_448, %get3A_449] {strides = array<i32>} : memref<112x128xf32, #tpu.memory_space<vmem>>, vector<16xf32>,
        %mul3A_451 = arith.mulf %get3A_450, %gather3A_405 : vector<16xf32>
        %swap3A_452 = arith.index_cast %add3A_403 : i32 to index
        %swap3A_453 = arith.constant 96 : index
        %swap3A_454 = tpu.vector_load %arg25[%swap3A_452, %swap3A_453] {strides = array<i32>} : memref<112x128xf32, #tpu.memory_space<vmem>>, vector<16xf32>,
        tpu.vector_store %arg25[%swap3A_452, %swap3A_453], %mul3A_451 {strides = array<i32>} : memref<112x128xf32, #tpu.memory_space<vmem>>, vector<16xf32>,
        %get3A_455 = arith.index_cast %add3A_403 : i32 to index
        %get3A_456 = arith.constant 112 : index
        %get3A_457 = tpu.vector_load %arg25[%get3A_455, %get3A_456] {strides = array<i32>} : memref<112x128xf32, #tpu.memory_space<vmem>>, vector<16xf32>,
        %mul3A_458 = arith.mulf %get3A_457, %gather3A_405 : vector<16xf32>
        %swap3A_459 = arith.index_cast %add3A_403 : i32 to index
        %swap3A_460 = arith.constant 112 : index
        %swap3A_461 = tpu.vector_load %arg25[%swap3A_459, %swap3A_460] {strides = array<i32>} : memref<112x128xf32, #tpu.memory_space<vmem>>, vector<16xf32>,
        tpu.vector_store %arg25[%swap3A_459, %swap3A_460], %mul3A_458 {strides = array<i32>} : memref<112x128xf32, #tpu.memory_space<vmem>>, vector<16xf32>,
        %scan3A_462 = arith.constant 0 : i32
        scf.yield %scan3A_462 : i32
      }
      %scan3A_197 = arith.constant 28 : i32
      %scan3A_198 = arith.constant 0 : i32
      %scan3A_199 = arith.constant 0 : i32
      %scan3A_200 = arith.constant 7 : i32
      %scan3A_201 = arith.addi %scan3A_199, %scan3A_200 : i32
      %scan3A_202 = arith.constant 1 : i32
      %scan3A_203 = scf.for %scan3A_216 = %scan3A_199 to %scan3A_201 step %scan3A_202 iter_args(%scan3A_217 = %scan3A_198) -> (i32)  : i32 {
        %mul3A_218 = arith.constant 16 : i32
        %mul3A_219 = arith.muli %scan3A_216, %mul3A_218 : i32
        %get3A = arith.index_cast %mul3A_219 : i32 to index
        %get3A_220 = tpu.vector_load %arg13[%get3A] {strides = array<i32>} : memref<112xi32, #tpu.memory_space<vmem>>, vector<16xi32>,
        %mul3A_221 = arith.constant 16 : i32
        %mul3A_222 = arith.muli %scan3A_216, %mul3A_221 : i32
        %swap3A = arith.index_cast %mul3A_222 : i32 to index
        %swap3A_223 = tpu.vector_load %arg23[%swap3A] {strides = array<i32>} : memref<112xi32, #tpu.memory_space<vmem>>, vector<16xi32>,
        tpu.vector_store %arg23[%swap3A], %get3A_220 {strides = array<i32>} : memref<112xi32, #tpu.memory_space<vmem>>, vector<16xi32>,
        %scan3A_224 = arith.constant 0 : i32
        scf.yield %scan3A_224 : i32
      }
      %scan3A_204 = arith.constant 7 : i32
      %dma_start3A_205 = arith.constant 0 : i32
      %dma_start3A_206 = arith.constant 0 : i32
      %dma_start3A_207 = tpu.memref_slice %arg27[%dma_start3A_205, %dma_start3A_206] : memref<10000x128xf32, #tpu.memory_space<vmem_shared>> -> memref<10000x128xf32, #tpu.memory_space<vmem_shared>>
      tpu.enqueue_indirect_dma source(%arg25 : memref<112x128xf32, #tpu.memory_space<vmem>>) target(%dma_start3A_207 : memref<10000x128xf32, #tpu.memory_space<vmem_shared>>) offsets(%arg23 : memref<112xi32, #tpu.memory_space<vmem>>) semaphore(%arg33 : memref<!tpu.dma_semaphore, #tpu.memory_space<semaphore_mem>>) {add = true}
      %add3A_208 = arith.constant 2 : i32
      %add3A_209 = arith.addi %add3A_180, %add3A_208 : i32
      %lt3A_210 = arith.constant 89 : i32
      %lt3A_211 = arith.cmpi slt, %add3A_209, %lt3A_210 : i32
      %convert_element_type3A_212 = arith.extui %lt3A_211 : i1 to i32
      %cond3A_213 = arith.constant 0 : i32
      %cond3A_214 = arith.cmpi ne, %convert_element_type3A_212, %cond3A_213 : i32
      scf.if %cond3A_214 {
        %add3A_216 = arith.constant 2 : i32
        %add3A_217 = arith.addi %add3A_180, %add3A_216 : i32
        %mul3A_218 = arith.constant 112 : i32
        %mul3A_219 = arith.muli %add3A_217, %mul3A_218 : i32
        %add3A_220 = arith.addi %mul3A_23, %mul3A_219 : i32
        %dma_start3A_221 = tpu.memref_slice %arg4[%add3A_220] : memref<320000xi32, #tpu.memory_space<hbm>> -> memref<112xi32, #tpu.memory_space<hbm>>
        %dma_start3A_222 = tpu.memref_slice %arg4[%add3A_220] : memref<320000xi32, #tpu.memory_space<hbm>> -> memref<112xi32, #tpu.memory_space<hbm>>
        tpu.enqueue_dma source(%dma_start3A_222 : memref<112xi32, #tpu.memory_space<hbm>>) target(%arg13 : memref<112xi32, #tpu.memory_space<vmem>>) target_semaphore(%arg29 : memref<!tpu.dma_semaphore, #tpu.memory_space<semaphore_mem>>)
        %dma_start3A_223 = tpu.memref_slice %arg5[%add3A_220] : memref<320000xi32, #tpu.memory_space<hbm>> -> memref<112xi32, #tpu.memory_space<hbm>>
        %dma_start3A_224 = tpu.memref_slice %arg5[%add3A_220] : memref<320000xi32, #tpu.memory_space<hbm>> -> memref<112xi32, #tpu.memory_space<hbm>>
        tpu.enqueue_dma source(%dma_start3A_224 : memref<112xi32, #tpu.memory_space<hbm>>) target(%arg15 : memref<112xi32, #tpu.memory_space<vmem>>) target_semaphore(%arg29 : memref<!tpu.dma_semaphore, #tpu.memory_space<semaphore_mem>>)
        %dma_start3A_225 = tpu.memref_slice %arg2[%add3A_220] : memref<320000xf32, #tpu.memory_space<hbm>> -> memref<112xf32, #tpu.memory_space<hbm>>
        %dma_start3A_226 = tpu.memref_slice %arg2[%add3A_220] : memref<320000xf32, #tpu.memory_space<hbm>> -> memref<112xf32, #tpu.memory_space<hbm>>
        tpu.enqueue_dma source(%dma_start3A_226 : memref<112xf32, #tpu.memory_space<hbm>>) target(%arg17 : memref<112xf32, #tpu.memory_space<vmem>>) target_semaphore(%arg29 : memref<!tpu.dma_semaphore, #tpu.memory_space<semaphore_mem>>)
        %dma_start3A_227 = tpu.memref_slice %arg3[%add3A_220] : memref<320000xf32, #tpu.memory_space<hbm>> -> memref<112xf32, #tpu.memory_space<hbm>>
        %dma_start3A_228 = tpu.memref_slice %arg3[%add3A_220] : memref<320000xf32, #tpu.memory_space<hbm>> -> memref<112xf32, #tpu.memory_space<hbm>>
        tpu.enqueue_dma source(%dma_start3A_228 : memref<112xf32, #tpu.memory_space<hbm>>) target(%arg19 : memref<112xf32, #tpu.memory_space<vmem>>) target_semaphore(%arg29 : memref<!tpu.dma_semaphore, #tpu.memory_space<semaphore_mem>>)
      } else {
      }
      %scan3A_215 = arith.constant 0 : i32
      scf.yield %scan3A_215 : i32
    }
    %scan3A_68 = arith.constant 44 : i32
    %dma_wait3A_69 = arith.constant 0 : i32
    %dma_wait3A_70 = arith.constant 0 : i32
    %dma_wait3A_71 = tpu.memref_slice %arg8[%dma_wait3A_69, %dma_wait3A_70] : memref<10000x128xf32, #tpu.memory_space<hbm>> -> memref<10000x128xf32, #tpu.memory_space<hbm>>
    tpu.wait_indirect_dma semaphore(%arg30 : memref<!tpu.dma_semaphore, #tpu.memory_space<semaphore_mem>>) src(%dma_wait3A_71 : memref<10000x128xf32, #tpu.memory_space<hbm>>) dst(%arg24 : memref<112x128xf32, #tpu.memory_space<vmem>>)
    %scan3A_72 = arith.constant 0 : i32
    %scan3A_73 = arith.constant 0 : i32
    %scan3A_74 = arith.constant 28 : i32
    %scan3A_75 = arith.addi %scan3A_73, %scan3A_74 : i32
    %scan3A_76 = arith.constant 1 : i32
    %scan3A_77 = scf.for %scan3A_140 = %scan3A_73 to %scan3A_75 step %scan3A_76 iter_args(%scan3A_141 = %scan3A_72) -> (i32)  : i32 {
      %mul3A_142 = arith.constant 4 : i32
      %mul3A_143 = arith.muli %scan3A_140, %mul3A_142 : i32
      %add3A_144 = arith.constant 0 : i32
      %add3A_145 = arith.addi %mul3A_143, %add3A_144 : i32
      %broadcast_in_dim3A = vector.broadcast %add3A_145 : i32 to vector<16xi32>
      %gather3A = tpu.vector_load_idx %arg20[%broadcast_in_dim3A] : memref<112xf32, #tpu.memory_space<vmem>>[vector<16xi32>], vector<16xf32>,
      %get3A = arith.index_cast %add3A_145 : i32 to index
      %get3A_146 = arith.constant 0 : index
      %get3A_147 = tpu.vector_load %arg24[%get3A, %get3A_146] {strides = array<i32>} : memref<112x128xf32, #tpu.memory_space<vmem>>, vector<16xf32>,
      %mul3A_148 = arith.mulf %get3A_147, %gather3A : vector<16xf32>
      %swap3A = arith.index_cast %add3A_145 : i32 to index
      %swap3A_149 = arith.constant 0 : index
      %swap3A_150 = tpu.vector_load %arg24[%swap3A, %swap3A_149] {strides = array<i32>} : memref<112x128xf32, #tpu.memory_space<vmem>>, vector<16xf32>,
      tpu.vector_store %arg24[%swap3A, %swap3A_149], %mul3A_148 {strides = array<i32>} : memref<112x128xf32, #tpu.memory_space<vmem>>, vector<16xf32>,
      %get3A_151 = arith.index_cast %add3A_145 : i32 to index
      %get3A_152 = arith.constant 16 : index
      %get3A_153 = tpu.vector_load %arg24[%get3A_151, %get3A_152] {strides = array<i32>} : memref<112x128xf32, #tpu.memory_space<vmem>>, vector<16xf32>,
      %mul3A_154 = arith.mulf %get3A_153, %gather3A : vector<16xf32>
      %swap3A_155 = arith.index_cast %add3A_145 : i32 to index
      %swap3A_156 = arith.constant 16 : index
      %swap3A_157 = tpu.vector_load %arg24[%swap3A_155, %swap3A_156] {strides = array<i32>} : memref<112x128xf32, #tpu.memory_space<vmem>>, vector<16xf32>,
      tpu.vector_store %arg24[%swap3A_155, %swap3A_156], %mul3A_154 {strides = array<i32>} : memref<112x128xf32, #tpu.memory_space<vmem>>, vector<16xf32>,
      %get3A_158 = arith.index_cast %add3A_145 : i32 to index
      %get3A_159 = arith.constant 32 : index
      %get3A_160 = tpu.vector_load %arg24[%get3A_158, %get3A_159] {strides = array<i32>} : memref<112x128xf32, #tpu.memory_space<vmem>>, vector<16xf32>,
      %mul3A_161 = arith.mulf %get3A_160, %gather3A : vector<16xf32>
      %swap3A_162 = arith.index_cast %add3A_145 : i32 to index
      %swap3A_163 = arith.constant 32 : index
      %swap3A_164 = tpu.vector_load %arg24[%swap3A_162, %swap3A_163] {strides = array<i32>} : memref<112x128xf32, #tpu.memory_space<vmem>>, vector<16xf32>,
      tpu.vector_store %arg24[%swap3A_162, %swap3A_163], %mul3A_161 {strides = array<i32>} : memref<112x128xf32, #tpu.memory_space<vmem>>, vector<16xf32>,
      %get3A_165 = arith.index_cast %add3A_145 : i32 to index
      %get3A_166 = arith.constant 48 : index
      %get3A_167 = tpu.vector_load %arg24[%get3A_165, %get3A_166] {strides = array<i32>} : memref<112x128xf32, #tpu.memory_space<vmem>>, vector<16xf32>,
      %mul3A_168 = arith.mulf %get3A_167, %gather3A : vector<16xf32>
      %swap3A_169 = arith.index_cast %add3A_145 : i32 to index
      %swap3A_170 = arith.constant 48 : index
      %swap3A_171 = tpu.vector_load %arg24[%swap3A_169, %swap3A_170] {strides = array<i32>} : memref<112x128xf32, #tpu.memory_space<vmem>>, vector<16xf32>,
      tpu.vector_store %arg24[%swap3A_169, %swap3A_170], %mul3A_168 {strides = array<i32>} : memref<112x128xf32, #tpu.memory_space<vmem>>, vector<16xf32>,
      %get3A_172 = arith.index_cast %add3A_145 : i32 to index
      %get3A_173 = arith.constant 64 : index
      %get3A_174 = tpu.vector_load %arg24[%get3A_172, %get3A_173] {strides = array<i32>} : memref<112x128xf32, #tpu.memory_space<vmem>>, vector<16xf32>,
      %mul3A_175 = arith.mulf %get3A_174, %gather3A : vector<16xf32>
      %swap3A_176 = arith.index_cast %add3A_145 : i32 to index
      %swap3A_177 = arith.constant 64 : index
      %swap3A_178 = tpu.vector_load %arg24[%swap3A_176, %swap3A_177] {strides = array<i32>} : memref<112x128xf32, #tpu.memory_space<vmem>>, vector<16xf32>,
      tpu.vector_store %arg24[%swap3A_176, %swap3A_177], %mul3A_175 {strides = array<i32>} : memref<112x128xf32, #tpu.memory_space<vmem>>, vector<16xf32>,
      %get3A_179 = arith.index_cast %add3A_145 : i32 to index
      %get3A_180 = arith.constant 80 : index
      %get3A_181 = tpu.vector_load %arg24[%get3A_179, %get3A_180] {strides = array<i32>} : memref<112x128xf32, #tpu.memory_space<vmem>>, vector<16xf32>,
      %mul3A_182 = arith.mulf %get3A_181, %gather3A : vector<16xf32>
      %swap3A_183 = arith.index_cast %add3A_145 : i32 to index
      %swap3A_184 = arith.constant 80 : index
      %swap3A_185 = tpu.vector_load %arg24[%swap3A_183, %swap3A_184] {strides = array<i32>} : memref<112x128xf32, #tpu.memory_space<vmem>>, vector<16xf32>,
      tpu.vector_store %arg24[%swap3A_183, %swap3A_184], %mul3A_182 {strides = array<i32>} : memref<112x128xf32, #tpu.memory_space<vmem>>, vector<16xf32>,
      %get3A_186 = arith.index_cast %add3A_145 : i32 to index
      %get3A_187 = arith.constant 96 : index
      %get3A_188 = tpu.vector_load %arg24[%get3A_186, %get3A_187] {strides = array<i32>} : memref<112x128xf32, #tpu.memory_space<vmem>>, vector<16xf32>,
      %mul3A_189 = arith.mulf %get3A_188, %gather3A : vector<16xf32>
      %swap3A_190 = arith.index_cast %add3A_145 : i32 to index
      %swap3A_191 = arith.constant 96 : index
      %swap3A_192 = tpu.vector_load %arg24[%swap3A_190, %swap3A_191] {strides = array<i32>} : memref<112x128xf32, #tpu.memory_space<vmem>>, vector<16xf32>,
      tpu.vector_store %arg24[%swap3A_190, %swap3A_191], %mul3A_189 {strides = array<i32>} : memref<112x128xf32, #tpu.memory_space<vmem>>, vector<16xf32>,
      %get3A_193 = arith.index_cast %add3A_145 : i32 to index
      %get3A_194 = arith.constant 112 : index
      %get3A_195 = tpu.vector_load %arg24[%get3A_193, %get3A_194] {strides = array<i32>} : memref<112x128xf32, #tpu.memory_space<vmem>>, vector<16xf32>,
      %mul3A_196 = arith.mulf %get3A_195, %gather3A : vector<16xf32>
      %swap3A_197 = arith.index_cast %add3A_145 : i32 to index
      %swap3A_198 = arith.constant 112 : index
      %swap3A_199 = tpu.vector_load %arg24[%swap3A_197, %swap3A_198] {strides = array<i32>} : memref<112x128xf32, #tpu.memory_space<vmem>>, vector<16xf32>,
      tpu.vector_store %arg24[%swap3A_197, %swap3A_198], %mul3A_196 {strides = array<i32>} : memref<112x128xf32, #tpu.memory_space<vmem>>, vector<16xf32>,
      %mul3A_200 = arith.constant 4 : i32
      %mul3A_201 = arith.muli %scan3A_140, %mul3A_200 : i32
      %add3A_202 = arith.constant 1 : i32
      %add3A_203 = arith.addi %mul3A_201, %add3A_202 : i32
      %broadcast_in_dim3A_204 = vector.broadcast %add3A_203 : i32 to vector<16xi32>
      %gather3A_205 = tpu.vector_load_idx %arg20[%broadcast_in_dim3A_204] : memref<112xf32, #tpu.memory_space<vmem>>[vector<16xi32>], vector<16xf32>,
      %get3A_206 = arith.index_cast %add3A_203 : i32 to index
      %get3A_207 = arith.constant 0 : index
      %get3A_208 = tpu.vector_load %arg24[%get3A_206, %get3A_207] {strides = array<i32>} : memref<112x128xf32, #tpu.memory_space<vmem>>, vector<16xf32>,
      %mul3A_209 = arith.mulf %get3A_208, %gather3A_205 : vector<16xf32>
      %swap3A_210 = arith.index_cast %add3A_203 : i32 to index
      %swap3A_211 = arith.constant 0 : index
      %swap3A_212 = tpu.vector_load %arg24[%swap3A_210, %swap3A_211] {strides = array<i32>} : memref<112x128xf32, #tpu.memory_space<vmem>>, vector<16xf32>,
      tpu.vector_store %arg24[%swap3A_210, %swap3A_211], %mul3A_209 {strides = array<i32>} : memref<112x128xf32, #tpu.memory_space<vmem>>, vector<16xf32>,
      %get3A_213 = arith.index_cast %add3A_203 : i32 to index
      %get3A_214 = arith.constant 16 : index
      %get3A_215 = tpu.vector_load %arg24[%get3A_213, %get3A_214] {strides = array<i32>} : memref<112x128xf32, #tpu.memory_space<vmem>>, vector<16xf32>,
      %mul3A_216 = arith.mulf %get3A_215, %gather3A_205 : vector<16xf32>
      %swap3A_217 = arith.index_cast %add3A_203 : i32 to index
      %swap3A_218 = arith.constant 16 : index
      %swap3A_219 = tpu.vector_load %arg24[%swap3A_217, %swap3A_218] {strides = array<i32>} : memref<112x128xf32, #tpu.memory_space<vmem>>, vector<16xf32>,
      tpu.vector_store %arg24[%swap3A_217, %swap3A_218], %mul3A_216 {strides = array<i32>} : memref<112x128xf32, #tpu.memory_space<vmem>>, vector<16xf32>,
      %get3A_220 = arith.index_cast %add3A_203 : i32 to index
      %get3A_221 = arith.constant 32 : index
      %get3A_222 = tpu.vector_load %arg24[%get3A_220, %get3A_221] {strides = array<i32>} : memref<112x128xf32, #tpu.memory_space<vmem>>, vector<16xf32>,
      %mul3A_223 = arith.mulf %get3A_222, %gather3A_205 : vector<16xf32>
      %swap3A_224 = arith.index_cast %add3A_203 : i32 to index
      %swap3A_225 = arith.constant 32 : index
      %swap3A_226 = tpu.vector_load %arg24[%swap3A_224, %swap3A_225] {strides = array<i32>} : memref<112x128xf32, #tpu.memory_space<vmem>>, vector<16xf32>,
      tpu.vector_store %arg24[%swap3A_224, %swap3A_225], %mul3A_223 {strides = array<i32>} : memref<112x128xf32, #tpu.memory_space<vmem>>, vector<16xf32>,
      %get3A_227 = arith.index_cast %add3A_203 : i32 to index
      %get3A_228 = arith.constant 48 : index
      %get3A_229 = tpu.vector_load %arg24[%get3A_227, %get3A_228] {strides = array<i32>} : memref<112x128xf32, #tpu.memory_space<vmem>>, vector<16xf32>,
      %mul3A_230 = arith.mulf %get3A_229, %gather3A_205 : vector<16xf32>
      %swap3A_231 = arith.index_cast %add3A_203 : i32 to index
      %swap3A_232 = arith.constant 48 : index
      %swap3A_233 = tpu.vector_load %arg24[%swap3A_231, %swap3A_232] {strides = array<i32>} : memref<112x128xf32, #tpu.memory_space<vmem>>, vector<16xf32>,
      tpu.vector_store %arg24[%swap3A_231, %swap3A_232], %mul3A_230 {strides = array<i32>} : memref<112x128xf32, #tpu.memory_space<vmem>>, vector<16xf32>,
      %get3A_234 = arith.index_cast %add3A_203 : i32 to index
      %get3A_235 = arith.constant 64 : index
      %get3A_236 = tpu.vector_load %arg24[%get3A_234, %get3A_235] {strides = array<i32>} : memref<112x128xf32, #tpu.memory_space<vmem>>, vector<16xf32>,
      %mul3A_237 = arith.mulf %get3A_236, %gather3A_205 : vector<16xf32>
      %swap3A_238 = arith.index_cast %add3A_203 : i32 to index
      %swap3A_239 = arith.constant 64 : index
      %swap3A_240 = tpu.vector_load %arg24[%swap3A_238, %swap3A_239] {strides = array<i32>} : memref<112x128xf32, #tpu.memory_space<vmem>>, vector<16xf32>,
      tpu.vector_store %arg24[%swap3A_238, %swap3A_239], %mul3A_237 {strides = array<i32>} : memref<112x128xf32, #tpu.memory_space<vmem>>, vector<16xf32>,
      %get3A_241 = arith.index_cast %add3A_203 : i32 to index
      %get3A_242 = arith.constant 80 : index
      %get3A_243 = tpu.vector_load %arg24[%get3A_241, %get3A_242] {strides = array<i32>} : memref<112x128xf32, #tpu.memory_space<vmem>>, vector<16xf32>,
      %mul3A_244 = arith.mulf %get3A_243, %gather3A_205 : vector<16xf32>
      %swap3A_245 = arith.index_cast %add3A_203 : i32 to index
      %swap3A_246 = arith.constant 80 : index
      %swap3A_247 = tpu.vector_load %arg24[%swap3A_245, %swap3A_246] {strides = array<i32>} : memref<112x128xf32, #tpu.memory_space<vmem>>, vector<16xf32>,
      tpu.vector_store %arg24[%swap3A_245, %swap3A_246], %mul3A_244 {strides = array<i32>} : memref<112x128xf32, #tpu.memory_space<vmem>>, vector<16xf32>,
      %get3A_248 = arith.index_cast %add3A_203 : i32 to index
      %get3A_249 = arith.constant 96 : index
      %get3A_250 = tpu.vector_load %arg24[%get3A_248, %get3A_249] {strides = array<i32>} : memref<112x128xf32, #tpu.memory_space<vmem>>, vector<16xf32>,
      %mul3A_251 = arith.mulf %get3A_250, %gather3A_205 : vector<16xf32>
      %swap3A_252 = arith.index_cast %add3A_203 : i32 to index
      %swap3A_253 = arith.constant 96 : index
      %swap3A_254 = tpu.vector_load %arg24[%swap3A_252, %swap3A_253] {strides = array<i32>} : memref<112x128xf32, #tpu.memory_space<vmem>>, vector<16xf32>,
      tpu.vector_store %arg24[%swap3A_252, %swap3A_253], %mul3A_251 {strides = array<i32>} : memref<112x128xf32, #tpu.memory_space<vmem>>, vector<16xf32>,
      %get3A_255 = arith.index_cast %add3A_203 : i32 to index
      %get3A_256 = arith.constant 112 : index
      %get3A_257 = tpu.vector_load %arg24[%get3A_255, %get3A_256] {strides = array<i32>} : memref<112x128xf32, #tpu.memory_space<vmem>>, vector<16xf32>,
      %mul3A_258 = arith.mulf %get3A_257, %gather3A_205 : vector<16xf32>
      %swap3A_259 = arith.index_cast %add3A_203 : i32 to index
      %swap3A_260 = arith.constant 112 : index
      %swap3A_261 = tpu.vector_load %arg24[%swap3A_259, %swap3A_260] {strides = array<i32>} : memref<112x128xf32, #tpu.memory_space<vmem>>, vector<16xf32>,
      tpu.vector_store %arg24[%swap3A_259, %swap3A_260], %mul3A_258 {strides = array<i32>} : memref<112x128xf32, #tpu.memory_space<vmem>>, vector<16xf32>,
      %mul3A_262 = arith.constant 4 : i32
      %mul3A_263 = arith.muli %scan3A_140, %mul3A_262 : i32
      %add3A_264 = arith.constant 2 : i32
      %add3A_265 = arith.addi %mul3A_263, %add3A_264 : i32
      %broadcast_in_dim3A_266 = vector.broadcast %add3A_265 : i32 to vector<16xi32>
      %gather3A_267 = tpu.vector_load_idx %arg20[%broadcast_in_dim3A_266] : memref<112xf32, #tpu.memory_space<vmem>>[vector<16xi32>], vector<16xf32>,
      %get3A_268 = arith.index_cast %add3A_265 : i32 to index
      %get3A_269 = arith.constant 0 : index
      %get3A_270 = tpu.vector_load %arg24[%get3A_268, %get3A_269] {strides = array<i32>} : memref<112x128xf32, #tpu.memory_space<vmem>>, vector<16xf32>,
      %mul3A_271 = arith.mulf %get3A_270, %gather3A_267 : vector<16xf32>
      %swap3A_272 = arith.index_cast %add3A_265 : i32 to index
      %swap3A_273 = arith.constant 0 : index
      %swap3A_274 = tpu.vector_load %arg24[%swap3A_272, %swap3A_273] {strides = array<i32>} : memref<112x128xf32, #tpu.memory_space<vmem>>, vector<16xf32>,
      tpu.vector_store %arg24[%swap3A_272, %swap3A_273], %mul3A_271 {strides = array<i32>} : memref<112x128xf32, #tpu.memory_space<vmem>>, vector<16xf32>,
      %get3A_275 = arith.index_cast %add3A_265 : i32 to index
      %get3A_276 = arith.constant 16 : index
      %get3A_277 = tpu.vector_load %arg24[%get3A_275, %get3A_276] {strides = array<i32>} : memref<112x128xf32, #tpu.memory_space<vmem>>, vector<16xf32>,
      %mul3A_278 = arith.mulf %get3A_277, %gather3A_267 : vector<16xf32>
      %swap3A_279 = arith.index_cast %add3A_265 : i32 to index
      %swap3A_280 = arith.constant 16 : index
      %swap3A_281 = tpu.vector_load %arg24[%swap3A_279, %swap3A_280] {strides = array<i32>} : memref<112x128xf32, #tpu.memory_space<vmem>>, vector<16xf32>,
      tpu.vector_store %arg24[%swap3A_279, %swap3A_280], %mul3A_278 {strides = array<i32>} : memref<112x128xf32, #tpu.memory_space<vmem>>, vector<16xf32>,
      %get3A_282 = arith.index_cast %add3A_265 : i32 to index
      %get3A_283 = arith.constant 32 : index
      %get3A_284 = tpu.vector_load %arg24[%get3A_282, %get3A_283] {strides = array<i32>} : memref<112x128xf32, #tpu.memory_space<vmem>>, vector<16xf32>,
      %mul3A_285 = arith.mulf %get3A_284, %gather3A_267 : vector<16xf32>
      %swap3A_286 = arith.index_cast %add3A_265 : i32 to index
      %swap3A_287 = arith.constant 32 : index
      %swap3A_288 = tpu.vector_load %arg24[%swap3A_286, %swap3A_287] {strides = array<i32>} : memref<112x128xf32, #tpu.memory_space<vmem>>, vector<16xf32>,
      tpu.vector_store %arg24[%swap3A_286, %swap3A_287], %mul3A_285 {strides = array<i32>} : memref<112x128xf32, #tpu.memory_space<vmem>>, vector<16xf32>,
      %get3A_289 = arith.index_cast %add3A_265 : i32 to index
      %get3A_290 = arith.constant 48 : index
      %get3A_291 = tpu.vector_load %arg24[%get3A_289, %get3A_290] {strides = array<i32>} : memref<112x128xf32, #tpu.memory_space<vmem>>, vector<16xf32>,
      %mul3A_292 = arith.mulf %get3A_291, %gather3A_267 : vector<16xf32>
      %swap3A_293 = arith.index_cast %add3A_265 : i32 to index
      %swap3A_294 = arith.constant 48 : index
      %swap3A_295 = tpu.vector_load %arg24[%swap3A_293, %swap3A_294] {strides = array<i32>} : memref<112x128xf32, #tpu.memory_space<vmem>>, vector<16xf32>,
      tpu.vector_store %arg24[%swap3A_293, %swap3A_294], %mul3A_292 {strides = array<i32>} : memref<112x128xf32, #tpu.memory_space<vmem>>, vector<16xf32>,
      %get3A_296 = arith.index_cast %add3A_265 : i32 to index
      %get3A_297 = arith.constant 64 : index
      %get3A_298 = tpu.vector_load %arg24[%get3A_296, %get3A_297] {strides = array<i32>} : memref<112x128xf32, #tpu.memory_space<vmem>>, vector<16xf32>,
      %mul3A_299 = arith.mulf %get3A_298, %gather3A_267 : vector<16xf32>
      %swap3A_300 = arith.index_cast %add3A_265 : i32 to index
      %swap3A_301 = arith.constant 64 : index
      %swap3A_302 = tpu.vector_load %arg24[%swap3A_300, %swap3A_301] {strides = array<i32>} : memref<112x128xf32, #tpu.memory_space<vmem>>, vector<16xf32>,
      tpu.vector_store %arg24[%swap3A_300, %swap3A_301], %mul3A_299 {strides = array<i32>} : memref<112x128xf32, #tpu.memory_space<vmem>>, vector<16xf32>,
      %get3A_303 = arith.index_cast %add3A_265 : i32 to index
      %get3A_304 = arith.constant 80 : index
      %get3A_305 = tpu.vector_load %arg24[%get3A_303, %get3A_304] {strides = array<i32>} : memref<112x128xf32, #tpu.memory_space<vmem>>, vector<16xf32>,
      %mul3A_306 = arith.mulf %get3A_305, %gather3A_267 : vector<16xf32>
      %swap3A_307 = arith.index_cast %add3A_265 : i32 to index
      %swap3A_308 = arith.constant 80 : index
      %swap3A_309 = tpu.vector_load %arg24[%swap3A_307, %swap3A_308] {strides = array<i32>} : memref<112x128xf32, #tpu.memory_space<vmem>>, vector<16xf32>,
      tpu.vector_store %arg24[%swap3A_307, %swap3A_308], %mul3A_306 {strides = array<i32>} : memref<112x128xf32, #tpu.memory_space<vmem>>, vector<16xf32>,
      %get3A_310 = arith.index_cast %add3A_265 : i32 to index
      %get3A_311 = arith.constant 96 : index
      %get3A_312 = tpu.vector_load %arg24[%get3A_310, %get3A_311] {strides = array<i32>} : memref<112x128xf32, #tpu.memory_space<vmem>>, vector<16xf32>,
      %mul3A_313 = arith.mulf %get3A_312, %gather3A_267 : vector<16xf32>
      %swap3A_314 = arith.index_cast %add3A_265 : i32 to index
      %swap3A_315 = arith.constant 96 : index
      %swap3A_316 = tpu.vector_load %arg24[%swap3A_314, %swap3A_315] {strides = array<i32>} : memref<112x128xf32, #tpu.memory_space<vmem>>, vector<16xf32>,
      tpu.vector_store %arg24[%swap3A_314, %swap3A_315], %mul3A_313 {strides = array<i32>} : memref<112x128xf32, #tpu.memory_space<vmem>>, vector<16xf32>,
      %get3A_317 = arith.index_cast %add3A_265 : i32 to index
      %get3A_318 = arith.constant 112 : index
      %get3A_319 = tpu.vector_load %arg24[%get3A_317, %get3A_318] {strides = array<i32>} : memref<112x128xf32, #tpu.memory_space<vmem>>, vector<16xf32>,
      %mul3A_320 = arith.mulf %get3A_319, %gather3A_267 : vector<16xf32>
      %swap3A_321 = arith.index_cast %add3A_265 : i32 to index
      %swap3A_322 = arith.constant 112 : index
      %swap3A_323 = tpu.vector_load %arg24[%swap3A_321, %swap3A_322] {strides = array<i32>} : memref<112x128xf32, #tpu.memory_space<vmem>>, vector<16xf32>,
      tpu.vector_store %arg24[%swap3A_321, %swap3A_322], %mul3A_320 {strides = array<i32>} : memref<112x128xf32, #tpu.memory_space<vmem>>, vector<16xf32>,
      %mul3A_324 = arith.constant 4 : i32
      %mul3A_325 = arith.muli %scan3A_140, %mul3A_324 : i32
      %add3A_326 = arith.constant 3 : i32
      %add3A_327 = arith.addi %mul3A_325, %add3A_326 : i32
      %broadcast_in_dim3A_328 = vector.broadcast %add3A_327 : i32 to vector<16xi32>
      %gather3A_329 = tpu.vector_load_idx %arg20[%broadcast_in_dim3A_328] : memref<112xf32, #tpu.memory_space<vmem>>[vector<16xi32>], vector<16xf32>,
      %get3A_330 = arith.index_cast %add3A_327 : i32 to index
      %get3A_331 = arith.constant 0 : index
      %get3A_332 = tpu.vector_load %arg24[%get3A_330, %get3A_331] {strides = array<i32>} : memref<112x128xf32, #tpu.memory_space<vmem>>, vector<16xf32>,
      %mul3A_333 = arith.mulf %get3A_332, %gather3A_329 : vector<16xf32>
      %swap3A_334 = arith.index_cast %add3A_327 : i32 to index
      %swap3A_335 = arith.constant 0 : index
      %swap3A_336 = tpu.vector_load %arg24[%swap3A_334, %swap3A_335] {strides = array<i32>} : memref<112x128xf32, #tpu.memory_space<vmem>>, vector<16xf32>,
      tpu.vector_store %arg24[%swap3A_334, %swap3A_335], %mul3A_333 {strides = array<i32>} : memref<112x128xf32, #tpu.memory_space<vmem>>, vector<16xf32>,
      %get3A_337 = arith.index_cast %add3A_327 : i32 to index
      %get3A_338 = arith.constant 16 : index
      %get3A_339 = tpu.vector_load %arg24[%get3A_337, %get3A_338] {strides = array<i32>} : memref<112x128xf32, #tpu.memory_space<vmem>>, vector<16xf32>,
      %mul3A_340 = arith.mulf %get3A_339, %gather3A_329 : vector<16xf32>
      %swap3A_341 = arith.index_cast %add3A_327 : i32 to index
      %swap3A_342 = arith.constant 16 : index
      %swap3A_343 = tpu.vector_load %arg24[%swap3A_341, %swap3A_342] {strides = array<i32>} : memref<112x128xf32, #tpu.memory_space<vmem>>, vector<16xf32>,
      tpu.vector_store %arg24[%swap3A_341, %swap3A_342], %mul3A_340 {strides = array<i32>} : memref<112x128xf32, #tpu.memory_space<vmem>>, vector<16xf32>,
      %get3A_344 = arith.index_cast %add3A_327 : i32 to index
      %get3A_345 = arith.constant 32 : index
      %get3A_346 = tpu.vector_load %arg24[%get3A_344, %get3A_345] {strides = array<i32>} : memref<112x128xf32, #tpu.memory_space<vmem>>, vector<16xf32>,
      %mul3A_347 = arith.mulf %get3A_346, %gather3A_329 : vector<16xf32>
      %swap3A_348 = arith.index_cast %add3A_327 : i32 to index
      %swap3A_349 = arith.constant 32 : index
      %swap3A_350 = tpu.vector_load %arg24[%swap3A_348, %swap3A_349] {strides = array<i32>} : memref<112x128xf32, #tpu.memory_space<vmem>>, vector<16xf32>,
      tpu.vector_store %arg24[%swap3A_348, %swap3A_349], %mul3A_347 {strides = array<i32>} : memref<112x128xf32, #tpu.memory_space<vmem>>, vector<16xf32>,
      %get3A_351 = arith.index_cast %add3A_327 : i32 to index
      %get3A_352 = arith.constant 48 : index
      %get3A_353 = tpu.vector_load %arg24[%get3A_351, %get3A_352] {strides = array<i32>} : memref<112x128xf32, #tpu.memory_space<vmem>>, vector<16xf32>,
      %mul3A_354 = arith.mulf %get3A_353, %gather3A_329 : vector<16xf32>
      %swap3A_355 = arith.index_cast %add3A_327 : i32 to index
      %swap3A_356 = arith.constant 48 : index
      %swap3A_357 = tpu.vector_load %arg24[%swap3A_355, %swap3A_356] {strides = array<i32>} : memref<112x128xf32, #tpu.memory_space<vmem>>, vector<16xf32>,
      tpu.vector_store %arg24[%swap3A_355, %swap3A_356], %mul3A_354 {strides = array<i32>} : memref<112x128xf32, #tpu.memory_space<vmem>>, vector<16xf32>,
      %get3A_358 = arith.index_cast %add3A_327 : i32 to index
      %get3A_359 = arith.constant 64 : index
      %get3A_360 = tpu.vector_load %arg24[%get3A_358, %get3A_359] {strides = array<i32>} : memref<112x128xf32, #tpu.memory_space<vmem>>, vector<16xf32>,
      %mul3A_361 = arith.mulf %get3A_360, %gather3A_329 : vector<16xf32>
      %swap3A_362 = arith.index_cast %add3A_327 : i32 to index
      %swap3A_363 = arith.constant 64 : index
      %swap3A_364 = tpu.vector_load %arg24[%swap3A_362, %swap3A_363] {strides = array<i32>} : memref<112x128xf32, #tpu.memory_space<vmem>>, vector<16xf32>,
      tpu.vector_store %arg24[%swap3A_362, %swap3A_363], %mul3A_361 {strides = array<i32>} : memref<112x128xf32, #tpu.memory_space<vmem>>, vector<16xf32>,
      %get3A_365 = arith.index_cast %add3A_327 : i32 to index
      %get3A_366 = arith.constant 80 : index
      %get3A_367 = tpu.vector_load %arg24[%get3A_365, %get3A_366] {strides = array<i32>} : memref<112x128xf32, #tpu.memory_space<vmem>>, vector<16xf32>,
      %mul3A_368 = arith.mulf %get3A_367, %gather3A_329 : vector<16xf32>
      %swap3A_369 = arith.index_cast %add3A_327 : i32 to index
      %swap3A_370 = arith.constant 80 : index
      %swap3A_371 = tpu.vector_load %arg24[%swap3A_369, %swap3A_370] {strides = array<i32>} : memref<112x128xf32, #tpu.memory_space<vmem>>, vector<16xf32>,
      tpu.vector_store %arg24[%swap3A_369, %swap3A_370], %mul3A_368 {strides = array<i32>} : memref<112x128xf32, #tpu.memory_space<vmem>>, vector<16xf32>,
      %get3A_372 = arith.index_cast %add3A_327 : i32 to index
      %get3A_373 = arith.constant 96 : index
      %get3A_374 = tpu.vector_load %arg24[%get3A_372, %get3A_373] {strides = array<i32>} : memref<112x128xf32, #tpu.memory_space<vmem>>, vector<16xf32>,
      %mul3A_375 = arith.mulf %get3A_374, %gather3A_329 : vector<16xf32>
      %swap3A_376 = arith.index_cast %add3A_327 : i32 to index
      %swap3A_377 = arith.constant 96 : index
      %swap3A_378 = tpu.vector_load %arg24[%swap3A_376, %swap3A_377] {strides = array<i32>} : memref<112x128xf32, #tpu.memory_space<vmem>>, vector<16xf32>,
      tpu.vector_store %arg24[%swap3A_376, %swap3A_377], %mul3A_375 {strides = array<i32>} : memref<112x128xf32, #tpu.memory_space<vmem>>, vector<16xf32>,
      %get3A_379 = arith.index_cast %add3A_327 : i32 to index
      %get3A_380 = arith.constant 112 : index
      %get3A_381 = tpu.vector_load %arg24[%get3A_379, %get3A_380] {strides = array<i32>} : memref<112x128xf32, #tpu.memory_space<vmem>>, vector<16xf32>,
      %mul3A_382 = arith.mulf %get3A_381, %gather3A_329 : vector<16xf32>
      %swap3A_383 = arith.index_cast %add3A_327 : i32 to index
      %swap3A_384 = arith.constant 112 : index
      %swap3A_385 = tpu.vector_load %arg24[%swap3A_383, %swap3A_384] {strides = array<i32>} : memref<112x128xf32, #tpu.memory_space<vmem>>, vector<16xf32>,
      tpu.vector_store %arg24[%swap3A_383, %swap3A_384], %mul3A_382 {strides = array<i32>} : memref<112x128xf32, #tpu.memory_space<vmem>>, vector<16xf32>,
      %scan3A_386 = arith.constant 0 : i32
      scf.yield %scan3A_386 : i32
    }
    %scan3A_78 = arith.constant 28 : i32
    %scan3A_79 = arith.constant 0 : i32
    %scan3A_80 = arith.constant 0 : i32
    %scan3A_81 = arith.constant 7 : i32
    %scan3A_82 = arith.addi %scan3A_80, %scan3A_81 : i32
    %scan3A_83 = arith.constant 1 : i32
    %scan3A_84 = scf.for %scan3A_140 = %scan3A_80 to %scan3A_82 step %scan3A_83 iter_args(%scan3A_141 = %scan3A_79) -> (i32)  : i32 {
      %mul3A_142 = arith.constant 16 : i32
      %mul3A_143 = arith.muli %scan3A_140, %mul3A_142 : i32
      %get3A = arith.index_cast %mul3A_143 : i32 to index
      %get3A_144 = tpu.vector_load %arg12[%get3A] {strides = array<i32>} : memref<112xi32, #tpu.memory_space<vmem>>, vector<16xi32>,
      %mul3A_145 = arith.constant 16 : i32
      %mul3A_146 = arith.muli %scan3A_140, %mul3A_145 : i32
      %swap3A = arith.index_cast %mul3A_146 : i32 to index
      %swap3A_147 = tpu.vector_load %arg22[%swap3A] {strides = array<i32>} : memref<112xi32, #tpu.memory_space<vmem>>, vector<16xi32>,
      tpu.vector_store %arg22[%swap3A], %get3A_144 {strides = array<i32>} : memref<112xi32, #tpu.memory_space<vmem>>, vector<16xi32>,
      %scan3A_148 = arith.constant 0 : i32
      scf.yield %scan3A_148 : i32
    }
    %scan3A_85 = arith.constant 7 : i32
    %dma_start3A_86 = arith.constant 0 : i32
    %dma_start3A_87 = arith.constant 0 : i32
    %dma_start3A_88 = tpu.memref_slice %arg27[%dma_start3A_86, %dma_start3A_87] : memref<10000x128xf32, #tpu.memory_space<vmem_shared>> -> memref<10000x128xf32, #tpu.memory_space<vmem_shared>>
    tpu.enqueue_indirect_dma source(%arg24 : memref<112x128xf32, #tpu.memory_space<vmem>>) target(%dma_start3A_88 : memref<10000x128xf32, #tpu.memory_space<vmem_shared>>) offsets(%arg22 : memref<112xi32, #tpu.memory_space<vmem>>) semaphore(%arg32 : memref<!tpu.dma_semaphore, #tpu.memory_space<semaphore_mem>>) {add = true}
    %dma_wait3A_89 = arith.constant 0 : i32
    %dma_wait3A_90 = arith.constant 0 : i32
    %dma_wait3A_91 = tpu.memref_slice %arg27[%dma_wait3A_89, %dma_wait3A_90] : memref<10000x128xf32, #tpu.memory_space<vmem_shared>> -> memref<10000x128xf32, #tpu.memory_space<vmem_shared>>
    tpu.wait_indirect_dma semaphore(%arg32 : memref<!tpu.dma_semaphore, #tpu.memory_space<semaphore_mem>>) src(%arg24 : memref<112x128xf32, #tpu.memory_space<vmem>>) dst(%dma_wait3A_91 : memref<10000x128xf32, #tpu.memory_space<vmem_shared>>)
    %dma_wait3A_92 = arith.constant 0 : i32
    %dma_wait3A_93 = arith.constant 0 : i32
    %dma_wait3A_94 = tpu.memref_slice %arg27[%dma_wait3A_92, %dma_wait3A_93] : memref<10000x128xf32, #tpu.memory_space<vmem_shared>> -> memref<10000x128xf32, #tpu.memory_space<vmem_shared>>
    tpu.wait_indirect_dma semaphore(%arg33 : memref<!tpu.dma_semaphore, #tpu.memory_space<semaphore_mem>>) src(%arg25 : memref<112x128xf32, #tpu.memory_space<vmem>>) dst(%dma_wait3A_94 : memref<10000x128xf32, #tpu.memory_space<vmem_shared>>)
    %add3A_95 = arith.constant 9968 : i32
    %add3A_96 = arith.addi %mul3A_23, %add3A_95 : i32
    "tpu.region"() ({
      %run_scoped3A = tpu.sem_alloc : memref<!tpu.dma_semaphore, #tpu.memory_space<semaphore_mem>>
      %dma_start3A_140 = arith.constant 0 : i32
      %dma_start3A_141 = tpu.memref_slice %arg13[%dma_start3A_140] : memref<112xi32, #tpu.memory_space<vmem>> -> memref<32xi32, #tpu.memory_space<vmem>>
      %dma_start3A_142 = tpu.memref_slice %arg4[%add3A_96] : memref<320000xi32, #tpu.memory_space<hbm>> -> memref<32xi32, #tpu.memory_space<hbm>>
      %dma_start3A_143 = arith.constant 0 : i32
      %dma_start3A_144 = tpu.memref_slice %arg13[%dma_start3A_143] : memref<112xi32, #tpu.memory_space<vmem>> -> memref<32xi32, #tpu.memory_space<vmem>>
      %dma_start3A_145 = tpu.memref_slice %arg4[%add3A_96] : memref<320000xi32, #tpu.memory_space<hbm>> -> memref<32xi32, #tpu.memory_space<hbm>>
      tpu.enqueue_dma source(%dma_start3A_145 : memref<32xi32, #tpu.memory_space<hbm>>) target(%dma_start3A_144 : memref<32xi32, #tpu.memory_space<vmem>>) target_semaphore(%run_scoped3A : memref<!tpu.dma_semaphore, #tpu.memory_space<semaphore_mem>>)
      %dma_wait3A_146 = arith.constant 0 : i32
      %dma_wait3A_147 = tpu.memref_slice %arg13[%dma_wait3A_146] : memref<112xi32, #tpu.memory_space<vmem>> -> memref<32xi32, #tpu.memory_space<vmem>>
      %dma_wait3A_148 = tpu.memref_slice %arg4[%add3A_96] : memref<320000xi32, #tpu.memory_space<hbm>> -> memref<32xi32, #tpu.memory_space<hbm>>
      %dma_wait3A_149 = arith.constant 0 : i32
      %dma_wait3A_150 = tpu.memref_slice %arg13[%dma_wait3A_149] : memref<112xi32, #tpu.memory_space<vmem>> -> memref<32xi32, #tpu.memory_space<vmem>>
      %dma_wait3A_151 = tpu.memref_slice %arg4[%add3A_96] : memref<320000xi32, #tpu.memory_space<hbm>> -> memref<32xi32, #tpu.memory_space<hbm>>
      tpu.wait_dma2 semaphore(%run_scoped3A : memref<!tpu.dma_semaphore, #tpu.memory_space<semaphore_mem>>) src(%dma_wait3A_151 : memref<32xi32, #tpu.memory_space<hbm>>) dst(%dma_wait3A_150 : memref<32xi32, #tpu.memory_space<vmem>>)
      tpu.yield
    }) : () -> ()
    "tpu.region"() ({
      %run_scoped3A = tpu.sem_alloc : memref<!tpu.dma_semaphore, #tpu.memory_space<semaphore_mem>>
      %dma_start3A_140 = arith.constant 0 : i32
      %dma_start3A_141 = tpu.memref_slice %arg15[%dma_start3A_140] : memref<112xi32, #tpu.memory_space<vmem>> -> memref<32xi32, #tpu.memory_space<vmem>>
      %dma_start3A_142 = tpu.memref_slice %arg5[%add3A_96] : memref<320000xi32, #tpu.memory_space<hbm>> -> memref<32xi32, #tpu.memory_space<hbm>>
      %dma_start3A_143 = arith.constant 0 : i32
      %dma_start3A_144 = tpu.memref_slice %arg15[%dma_start3A_143] : memref<112xi32, #tpu.memory_space<vmem>> -> memref<32xi32, #tpu.memory_space<vmem>>
      %dma_start3A_145 = tpu.memref_slice %arg5[%add3A_96] : memref<320000xi32, #tpu.memory_space<hbm>> -> memref<32xi32, #tpu.memory_space<hbm>>
      tpu.enqueue_dma source(%dma_start3A_145 : memref<32xi32, #tpu.memory_space<hbm>>) target(%dma_start3A_144 : memref<32xi32, #tpu.memory_space<vmem>>) target_semaphore(%run_scoped3A : memref<!tpu.dma_semaphore, #tpu.memory_space<semaphore_mem>>)
      %dma_wait3A_146 = arith.constant 0 : i32
      %dma_wait3A_147 = tpu.memref_slice %arg15[%dma_wait3A_146] : memref<112xi32, #tpu.memory_space<vmem>> -> memref<32xi32, #tpu.memory_space<vmem>>
      %dma_wait3A_148 = tpu.memref_slice %arg5[%add3A_96] : memref<320000xi32, #tpu.memory_space<hbm>> -> memref<32xi32, #tpu.memory_space<hbm>>
      %dma_wait3A_149 = arith.constant 0 : i32
      %dma_wait3A_150 = tpu.memref_slice %arg15[%dma_wait3A_149] : memref<112xi32, #tpu.memory_space<vmem>> -> memref<32xi32, #tpu.memory_space<vmem>>
      %dma_wait3A_151 = tpu.memref_slice %arg5[%add3A_96] : memref<320000xi32, #tpu.memory_space<hbm>> -> memref<32xi32, #tpu.memory_space<hbm>>
      tpu.wait_dma2 semaphore(%run_scoped3A : memref<!tpu.dma_semaphore, #tpu.memory_space<semaphore_mem>>) src(%dma_wait3A_151 : memref<32xi32, #tpu.memory_space<hbm>>) dst(%dma_wait3A_150 : memref<32xi32, #tpu.memory_space<vmem>>)
      tpu.yield
    }) : () -> ()
    "tpu.region"() ({
      %run_scoped3A = tpu.sem_alloc : memref<!tpu.dma_semaphore, #tpu.memory_space<semaphore_mem>>
      %dma_start3A_140 = arith.constant 0 : i32
      %dma_start3A_141 = tpu.memref_slice %arg17[%dma_start3A_140] : memref<112xf32, #tpu.memory_space<vmem>> -> memref<32xf32, #tpu.memory_space<vmem>>
      %dma_start3A_142 = tpu.memref_slice %arg2[%add3A_96] : memref<320000xf32, #tpu.memory_space<hbm>> -> memref<32xf32, #tpu.memory_space<hbm>>
      %dma_start3A_143 = arith.constant 0 : i32
      %dma_start3A_144 = tpu.memref_slice %arg17[%dma_start3A_143] : memref<112xf32, #tpu.memory_space<vmem>> -> memref<32xf32, #tpu.memory_space<vmem>>
      %dma_start3A_145 = tpu.memref_slice %arg2[%add3A_96] : memref<320000xf32, #tpu.memory_space<hbm>> -> memref<32xf32, #tpu.memory_space<hbm>>
      tpu.enqueue_dma source(%dma_start3A_145 : memref<32xf32, #tpu.memory_space<hbm>>) target(%dma_start3A_144 : memref<32xf32, #tpu.memory_space<vmem>>) target_semaphore(%run_scoped3A : memref<!tpu.dma_semaphore, #tpu.memory_space<semaphore_mem>>)
      %dma_wait3A_146 = arith.constant 0 : i32
      %dma_wait3A_147 = tpu.memref_slice %arg17[%dma_wait3A_146] : memref<112xf32, #tpu.memory_space<vmem>> -> memref<32xf32, #tpu.memory_space<vmem>>
      %dma_wait3A_148 = tpu.memref_slice %arg2[%add3A_96] : memref<320000xf32, #tpu.memory_space<hbm>> -> memref<32xf32, #tpu.memory_space<hbm>>
      %dma_wait3A_149 = arith.constant 0 : i32
      %dma_wait3A_150 = tpu.memref_slice %arg17[%dma_wait3A_149] : memref<112xf32, #tpu.memory_space<vmem>> -> memref<32xf32, #tpu.memory_space<vmem>>
      %dma_wait3A_151 = tpu.memref_slice %arg2[%add3A_96] : memref<320000xf32, #tpu.memory_space<hbm>> -> memref<32xf32, #tpu.memory_space<hbm>>
      tpu.wait_dma2 semaphore(%run_scoped3A : memref<!tpu.dma_semaphore, #tpu.memory_space<semaphore_mem>>) src(%dma_wait3A_151 : memref<32xf32, #tpu.memory_space<hbm>>) dst(%dma_wait3A_150 : memref<32xf32, #tpu.memory_space<vmem>>)
      tpu.yield
    }) : () -> ()
    "tpu.region"() ({
      %run_scoped3A = tpu.sem_alloc : memref<!tpu.dma_semaphore, #tpu.memory_space<semaphore_mem>>
      %dma_start3A_140 = arith.constant 0 : i32
      %dma_start3A_141 = tpu.memref_slice %arg19[%dma_start3A_140] : memref<112xf32, #tpu.memory_space<vmem>> -> memref<32xf32, #tpu.memory_space<vmem>>
      %dma_start3A_142 = tpu.memref_slice %arg3[%add3A_96] : memref<320000xf32, #tpu.memory_space<hbm>> -> memref<32xf32, #tpu.memory_space<hbm>>
      %dma_start3A_143 = arith.constant 0 : i32
      %dma_start3A_144 = tpu.memref_slice %arg19[%dma_start3A_143] : memref<112xf32, #tpu.memory_space<vmem>> -> memref<32xf32, #tpu.memory_space<vmem>>
      %dma_start3A_145 = tpu.memref_slice %arg3[%add3A_96] : memref<320000xf32, #tpu.memory_space<hbm>> -> memref<32xf32, #tpu.memory_space<hbm>>
      tpu.enqueue_dma source(%dma_start3A_145 : memref<32xf32, #tpu.memory_space<hbm>>) target(%dma_start3A_144 : memref<32xf32, #tpu.memory_space<vmem>>) target_semaphore(%run_scoped3A : memref<!tpu.dma_semaphore, #tpu.memory_space<semaphore_mem>>)
      %dma_wait3A_146 = arith.constant 0 : i32
      %dma_wait3A_147 = tpu.memref_slice %arg19[%dma_wait3A_146] : memref<112xf32, #tpu.memory_space<vmem>> -> memref<32xf32, #tpu.memory_space<vmem>>
      %dma_wait3A_148 = tpu.memref_slice %arg3[%add3A_96] : memref<320000xf32, #tpu.memory_space<hbm>> -> memref<32xf32, #tpu.memory_space<hbm>>
      %dma_wait3A_149 = arith.constant 0 : i32
      %dma_wait3A_150 = tpu.memref_slice %arg19[%dma_wait3A_149] : memref<112xf32, #tpu.memory_space<vmem>> -> memref<32xf32, #tpu.memory_space<vmem>>
      %dma_wait3A_151 = tpu.memref_slice %arg3[%add3A_96] : memref<320000xf32, #tpu.memory_space<hbm>> -> memref<32xf32, #tpu.memory_space<hbm>>
      tpu.wait_dma2 semaphore(%run_scoped3A : memref<!tpu.dma_semaphore, #tpu.memory_space<semaphore_mem>>) src(%dma_wait3A_151 : memref<32xf32, #tpu.memory_space<hbm>>) dst(%dma_wait3A_150 : memref<32xf32, #tpu.memory_space<vmem>>)
      tpu.yield
    }) : () -> ()
    %scan3A_97 = arith.constant 0 : i32
    %scan3A_98 = arith.constant 0 : i32
    %scan3A_99 = arith.constant 2 : i32
    %scan3A_100 = arith.addi %scan3A_98, %scan3A_99 : i32
    %scan3A_101 = arith.constant 1 : i32
    %scan3A_102 = scf.for %scan3A_140 = %scan3A_98 to %scan3A_100 step %scan3A_101 iter_args(%scan3A_141 = %scan3A_97) -> (i32)  : i32 {
      %mul3A_142 = arith.constant 16 : i32
      %mul3A_143 = arith.muli %scan3A_140, %mul3A_142 : i32
      %get3A = arith.index_cast %mul3A_143 : i32 to index
      %get3A_144 = tpu.vector_load %arg13[%get3A] {strides = array<i32>} : memref<112xi32, #tpu.memory_space<vmem>>, vector<16xi32>,
      %mul3A_145 = arith.constant 16 : i32
      %mul3A_146 = arith.muli %scan3A_140, %mul3A_145 : i32
      %get3A_147 = arith.index_cast %mul3A_146 : i32 to index
      %get3A_148 = tpu.vector_load %arg17[%get3A_147] {strides = array<i32>} : memref<112xf32, #tpu.memory_space<vmem>>, vector<16xf32>,
      %gather3A = tpu.vector_load_idx %arg10[%get3A_144] : memref<10000xf32, #tpu.memory_space<vmem>>[vector<16xi32>], vector<16xf32>,
      %mul3A_149 = arith.mulf %get3A_148, %gather3A : vector<16xf32>
      %mul3A_150 = arith.constant 16 : i32
      %mul3A_151 = arith.muli %scan3A_140, %mul3A_150 : i32
      %get3A_152 = arith.index_cast %mul3A_151 : i32 to index
      %get3A_153 = tpu.vector_load %arg19[%get3A_152] {strides = array<i32>} : memref<112xf32, #tpu.memory_space<vmem>>, vector<16xf32>,
      %gather3A_154 = tpu.vector_load_idx %arg11[%get3A_144] : memref<10000xf32, #tpu.memory_space<vmem>>[vector<16xi32>], vector<16xf32>,
      %mul3A_155 = arith.mulf %get3A_153, %gather3A_154 : vector<16xf32>
      %add3A_156 = arith.addf %mul3A_149, %mul3A_155 : vector<16xf32>
      %mul3A_157 = arith.constant 16 : i32
      %mul3A_158 = arith.muli %scan3A_140, %mul3A_157 : i32
      %swap3A = arith.index_cast %mul3A_158 : i32 to index
      %swap3A_159 = tpu.vector_load %arg21[%swap3A] {strides = array<i32>} : memref<112xf32, #tpu.memory_space<vmem>>, vector<16xf32>,
      tpu.vector_store %arg21[%swap3A], %add3A_156 {strides = array<i32>} : memref<112xf32, #tpu.memory_space<vmem>>, vector<16xf32>,
      %mul3A_160 = arith.constant 16 : i32
      %mul3A_161 = arith.muli %scan3A_140, %mul3A_160 : i32
      %swap3A_162 = arith.index_cast %mul3A_161 : i32 to index
      %swap3A_163 = tpu.vector_load %arg26[%swap3A_162] {strides = array<i32>} : memref<32xi32, #tpu.memory_space<vmem>>, vector<16xi32>,
      tpu.vector_store %arg26[%swap3A_162], %get3A_144 {strides = array<i32>} : memref<32xi32, #tpu.memory_space<vmem>>, vector<16xi32>,
      %scan3A_164 = arith.constant 0 : i32
      scf.yield %scan3A_164 : i32
    }
    %scan3A_103 = arith.constant 2 : i32
    %dma_start3A_104 = arith.constant 0 : i32
    %dma_start3A_105 = arith.constant 0 : i32
    %dma_start3A_106 = tpu.memref_slice %arg24[%dma_start3A_104, %dma_start3A_105] : memref<112x128xf32, #tpu.memory_space<vmem>> -> memref<32x128xf32, #tpu.memory_space<vmem>>
    %dma_start3A_107 = arith.constant 0 : i32
    %dma_start3A_108 = tpu.memref_slice %arg15[%dma_start3A_107] : memref<112xi32, #tpu.memory_space<vmem>> -> memref<32xi32, #tpu.memory_space<vmem>>
    %dma_start3A_109 = arith.constant 0 : i32
    %dma_start3A_110 = arith.constant 0 : i32
    %dma_start3A_111 = tpu.memref_slice %arg8[%dma_start3A_109, %dma_start3A_110] : memref<10000x128xf32, #tpu.memory_space<hbm>> -> memref<10000x128xf32, #tpu.memory_space<hbm>>
    tpu.enqueue_indirect_dma source(%dma_start3A_111 : memref<10000x128xf32, #tpu.memory_space<hbm>>) target(%dma_start3A_106 : memref<32x128xf32, #tpu.memory_space<vmem>>) offsets(%dma_start3A_108 : memref<32xi32, #tpu.memory_space<vmem>>) semaphore(%arg34 : memref<!tpu.dma_semaphore, #tpu.memory_space<semaphore_mem>>)
    %dma_wait3A_112 = arith.constant 0 : i32
    %dma_wait3A_113 = arith.constant 0 : i32
    %dma_wait3A_114 = tpu.memref_slice %arg24[%dma_wait3A_112, %dma_wait3A_113] : memref<112x128xf32, #tpu.memory_space<vmem>> -> memref<32x128xf32, #tpu.memory_space<vmem>>
    %dma_wait3A_115 = arith.constant 0 : i32
    %dma_wait3A_116 = tpu.memref_slice %arg15[%dma_wait3A_115] : memref<112xi32, #tpu.memory_space<vmem>> -> memref<32xi32, #tpu.memory_space<vmem>>
    %dma_wait3A_117 = arith.constant 0 : i32
    %dma_wait3A_118 = arith.constant 0 : i32
    %dma_wait3A_119 = tpu.memref_slice %arg8[%dma_wait3A_117, %dma_wait3A_118] : memref<10000x128xf32, #tpu.memory_space<hbm>> -> memref<10000x128xf32, #tpu.memory_space<hbm>>
    tpu.wait_indirect_dma semaphore(%arg34 : memref<!tpu.dma_semaphore, #tpu.memory_space<semaphore_mem>>) src(%dma_wait3A_119 : memref<10000x128xf32, #tpu.memory_space<hbm>>) dst(%dma_wait3A_114 : memref<32x128xf32, #tpu.memory_space<vmem>>)
    %scan3A_120 = arith.constant 0 : i32
    %scan3A_121 = arith.constant 0 : i32
    %scan3A_122 = arith.constant 8 : i32
    %scan3A_123 = arith.addi %scan3A_121, %scan3A_122 : i32
    %scan3A_124 = arith.constant 1 : i32
    %scan3A_125 = scf.for %scan3A_140 = %scan3A_121 to %scan3A_123 step %scan3A_124 iter_args(%scan3A_141 = %scan3A_120) -> (i32)  : i32 {
      %mul3A_142 = arith.constant 4 : i32
      %mul3A_143 = arith.muli %scan3A_140, %mul3A_142 : i32
      %add3A_144 = arith.constant 0 : i32
      %add3A_145 = arith.addi %mul3A_143, %add3A_144 : i32
      %broadcast_in_dim3A = vector.broadcast %add3A_145 : i32 to vector<16xi32>
      %gather3A = tpu.vector_load_idx %arg21[%broadcast_in_dim3A] : memref<112xf32, #tpu.memory_space<vmem>>[vector<16xi32>], vector<16xf32>,
      %get3A = arith.index_cast %add3A_145 : i32 to index
      %get3A_146 = arith.constant 0 : index
      %get3A_147 = tpu.vector_load %arg24[%get3A, %get3A_146] {strides = array<i32>} : memref<112x128xf32, #tpu.memory_space<vmem>>, vector<16xf32>,
      %mul3A_148 = arith.mulf %get3A_147, %gather3A : vector<16xf32>
      %swap3A = arith.index_cast %add3A_145 : i32 to index
      %swap3A_149 = arith.constant 0 : index
      %swap3A_150 = tpu.vector_load %arg24[%swap3A, %swap3A_149] {strides = array<i32>} : memref<112x128xf32, #tpu.memory_space<vmem>>, vector<16xf32>,
      tpu.vector_store %arg24[%swap3A, %swap3A_149], %mul3A_148 {strides = array<i32>} : memref<112x128xf32, #tpu.memory_space<vmem>>, vector<16xf32>,
      %get3A_151 = arith.index_cast %add3A_145 : i32 to index
      %get3A_152 = arith.constant 16 : index
      %get3A_153 = tpu.vector_load %arg24[%get3A_151, %get3A_152] {strides = array<i32>} : memref<112x128xf32, #tpu.memory_space<vmem>>, vector<16xf32>,
      %mul3A_154 = arith.mulf %get3A_153, %gather3A : vector<16xf32>
      %swap3A_155 = arith.index_cast %add3A_145 : i32 to index
      %swap3A_156 = arith.constant 16 : index
      %swap3A_157 = tpu.vector_load %arg24[%swap3A_155, %swap3A_156] {strides = array<i32>} : memref<112x128xf32, #tpu.memory_space<vmem>>, vector<16xf32>,
      tpu.vector_store %arg24[%swap3A_155, %swap3A_156], %mul3A_154 {strides = array<i32>} : memref<112x128xf32, #tpu.memory_space<vmem>>, vector<16xf32>,
      %get3A_158 = arith.index_cast %add3A_145 : i32 to index
      %get3A_159 = arith.constant 32 : index
      %get3A_160 = tpu.vector_load %arg24[%get3A_158, %get3A_159] {strides = array<i32>} : memref<112x128xf32, #tpu.memory_space<vmem>>, vector<16xf32>,
      %mul3A_161 = arith.mulf %get3A_160, %gather3A : vector<16xf32>
      %swap3A_162 = arith.index_cast %add3A_145 : i32 to index
      %swap3A_163 = arith.constant 32 : index
      %swap3A_164 = tpu.vector_load %arg24[%swap3A_162, %swap3A_163] {strides = array<i32>} : memref<112x128xf32, #tpu.memory_space<vmem>>, vector<16xf32>,
      tpu.vector_store %arg24[%swap3A_162, %swap3A_163], %mul3A_161 {strides = array<i32>} : memref<112x128xf32, #tpu.memory_space<vmem>>, vector<16xf32>,
      %get3A_165 = arith.index_cast %add3A_145 : i32 to index
      %get3A_166 = arith.constant 48 : index
      %get3A_167 = tpu.vector_load %arg24[%get3A_165, %get3A_166] {strides = array<i32>} : memref<112x128xf32, #tpu.memory_space<vmem>>, vector<16xf32>,
      %mul3A_168 = arith.mulf %get3A_167, %gather3A : vector<16xf32>
      %swap3A_169 = arith.index_cast %add3A_145 : i32 to index
      %swap3A_170 = arith.constant 48 : index
      %swap3A_171 = tpu.vector_load %arg24[%swap3A_169, %swap3A_170] {strides = array<i32>} : memref<112x128xf32, #tpu.memory_space<vmem>>, vector<16xf32>,
      tpu.vector_store %arg24[%swap3A_169, %swap3A_170], %mul3A_168 {strides = array<i32>} : memref<112x128xf32, #tpu.memory_space<vmem>>, vector<16xf32>,
      %get3A_172 = arith.index_cast %add3A_145 : i32 to index
      %get3A_173 = arith.constant 64 : index
      %get3A_174 = tpu.vector_load %arg24[%get3A_172, %get3A_173] {strides = array<i32>} : memref<112x128xf32, #tpu.memory_space<vmem>>, vector<16xf32>,
      %mul3A_175 = arith.mulf %get3A_174, %gather3A : vector<16xf32>
      %swap3A_176 = arith.index_cast %add3A_145 : i32 to index
      %swap3A_177 = arith.constant 64 : index
      %swap3A_178 = tpu.vector_load %arg24[%swap3A_176, %swap3A_177] {strides = array<i32>} : memref<112x128xf32, #tpu.memory_space<vmem>>, vector<16xf32>,
      tpu.vector_store %arg24[%swap3A_176, %swap3A_177], %mul3A_175 {strides = array<i32>} : memref<112x128xf32, #tpu.memory_space<vmem>>, vector<16xf32>,
      %get3A_179 = arith.index_cast %add3A_145 : i32 to index
      %get3A_180 = arith.constant 80 : index
      %get3A_181 = tpu.vector_load %arg24[%get3A_179, %get3A_180] {strides = array<i32>} : memref<112x128xf32, #tpu.memory_space<vmem>>, vector<16xf32>,
      %mul3A_182 = arith.mulf %get3A_181, %gather3A : vector<16xf32>
      %swap3A_183 = arith.index_cast %add3A_145 : i32 to index
      %swap3A_184 = arith.constant 80 : index
      %swap3A_185 = tpu.vector_load %arg24[%swap3A_183, %swap3A_184] {strides = array<i32>} : memref<112x128xf32, #tpu.memory_space<vmem>>, vector<16xf32>,
      tpu.vector_store %arg24[%swap3A_183, %swap3A_184], %mul3A_182 {strides = array<i32>} : memref<112x128xf32, #tpu.memory_space<vmem>>, vector<16xf32>,
      %get3A_186 = arith.index_cast %add3A_145 : i32 to index
      %get3A_187 = arith.constant 96 : index
      %get3A_188 = tpu.vector_load %arg24[%get3A_186, %get3A_187] {strides = array<i32>} : memref<112x128xf32, #tpu.memory_space<vmem>>, vector<16xf32>,
      %mul3A_189 = arith.mulf %get3A_188, %gather3A : vector<16xf32>
      %swap3A_190 = arith.index_cast %add3A_145 : i32 to index
      %swap3A_191 = arith.constant 96 : index
      %swap3A_192 = tpu.vector_load %arg24[%swap3A_190, %swap3A_191] {strides = array<i32>} : memref<112x128xf32, #tpu.memory_space<vmem>>, vector<16xf32>,
      tpu.vector_store %arg24[%swap3A_190, %swap3A_191], %mul3A_189 {strides = array<i32>} : memref<112x128xf32, #tpu.memory_space<vmem>>, vector<16xf32>,
      %get3A_193 = arith.index_cast %add3A_145 : i32 to index
      %get3A_194 = arith.constant 112 : index
      %get3A_195 = tpu.vector_load %arg24[%get3A_193, %get3A_194] {strides = array<i32>} : memref<112x128xf32, #tpu.memory_space<vmem>>, vector<16xf32>,
      %mul3A_196 = arith.mulf %get3A_195, %gather3A : vector<16xf32>
      %swap3A_197 = arith.index_cast %add3A_145 : i32 to index
      %swap3A_198 = arith.constant 112 : index
      %swap3A_199 = tpu.vector_load %arg24[%swap3A_197, %swap3A_198] {strides = array<i32>} : memref<112x128xf32, #tpu.memory_space<vmem>>, vector<16xf32>,
      tpu.vector_store %arg24[%swap3A_197, %swap3A_198], %mul3A_196 {strides = array<i32>} : memref<112x128xf32, #tpu.memory_space<vmem>>, vector<16xf32>,
      %mul3A_200 = arith.constant 4 : i32
      %mul3A_201 = arith.muli %scan3A_140, %mul3A_200 : i32
      %add3A_202 = arith.constant 1 : i32
      %add3A_203 = arith.addi %mul3A_201, %add3A_202 : i32
      %broadcast_in_dim3A_204 = vector.broadcast %add3A_203 : i32 to vector<16xi32>
      %gather3A_205 = tpu.vector_load_idx %arg21[%broadcast_in_dim3A_204] : memref<112xf32, #tpu.memory_space<vmem>>[vector<16xi32>], vector<16xf32>,
      %get3A_206 = arith.index_cast %add3A_203 : i32 to index
      %get3A_207 = arith.constant 0 : index
      %get3A_208 = tpu.vector_load %arg24[%get3A_206, %get3A_207] {strides = array<i32>} : memref<112x128xf32, #tpu.memory_space<vmem>>, vector<16xf32>,
      %mul3A_209 = arith.mulf %get3A_208, %gather3A_205 : vector<16xf32>
      %swap3A_210 = arith.index_cast %add3A_203 : i32 to index
      %swap3A_211 = arith.constant 0 : index
      %swap3A_212 = tpu.vector_load %arg24[%swap3A_210, %swap3A_211] {strides = array<i32>} : memref<112x128xf32, #tpu.memory_space<vmem>>, vector<16xf32>,
      tpu.vector_store %arg24[%swap3A_210, %swap3A_211], %mul3A_209 {strides = array<i32>} : memref<112x128xf32, #tpu.memory_space<vmem>>, vector<16xf32>,
      %get3A_213 = arith.index_cast %add3A_203 : i32 to index
      %get3A_214 = arith.constant 16 : index
      %get3A_215 = tpu.vector_load %arg24[%get3A_213, %get3A_214] {strides = array<i32>} : memref<112x128xf32, #tpu.memory_space<vmem>>, vector<16xf32>,
      %mul3A_216 = arith.mulf %get3A_215, %gather3A_205 : vector<16xf32>
      %swap3A_217 = arith.index_cast %add3A_203 : i32 to index
      %swap3A_218 = arith.constant 16 : index
      %swap3A_219 = tpu.vector_load %arg24[%swap3A_217, %swap3A_218] {strides = array<i32>} : memref<112x128xf32, #tpu.memory_space<vmem>>, vector<16xf32>,
      tpu.vector_store %arg24[%swap3A_217, %swap3A_218], %mul3A_216 {strides = array<i32>} : memref<112x128xf32, #tpu.memory_space<vmem>>, vector<16xf32>,
      %get3A_220 = arith.index_cast %add3A_203 : i32 to index
      %get3A_221 = arith.constant 32 : index
      %get3A_222 = tpu.vector_load %arg24[%get3A_220, %get3A_221] {strides = array<i32>} : memref<112x128xf32, #tpu.memory_space<vmem>>, vector<16xf32>,
      %mul3A_223 = arith.mulf %get3A_222, %gather3A_205 : vector<16xf32>
      %swap3A_224 = arith.index_cast %add3A_203 : i32 to index
      %swap3A_225 = arith.constant 32 : index
      %swap3A_226 = tpu.vector_load %arg24[%swap3A_224, %swap3A_225] {strides = array<i32>} : memref<112x128xf32, #tpu.memory_space<vmem>>, vector<16xf32>,
      tpu.vector_store %arg24[%swap3A_224, %swap3A_225], %mul3A_223 {strides = array<i32>} : memref<112x128xf32, #tpu.memory_space<vmem>>, vector<16xf32>,
      %get3A_227 = arith.index_cast %add3A_203 : i32 to index
      %get3A_228 = arith.constant 48 : index
      %get3A_229 = tpu.vector_load %arg24[%get3A_227, %get3A_228] {strides = array<i32>} : memref<112x128xf32, #tpu.memory_space<vmem>>, vector<16xf32>,
      %mul3A_230 = arith.mulf %get3A_229, %gather3A_205 : vector<16xf32>
      %swap3A_231 = arith.index_cast %add3A_203 : i32 to index
      %swap3A_232 = arith.constant 48 : index
      %swap3A_233 = tpu.vector_load %arg24[%swap3A_231, %swap3A_232] {strides = array<i32>} : memref<112x128xf32, #tpu.memory_space<vmem>>, vector<16xf32>,
      tpu.vector_store %arg24[%swap3A_231, %swap3A_232], %mul3A_230 {strides = array<i32>} : memref<112x128xf32, #tpu.memory_space<vmem>>, vector<16xf32>,
      %get3A_234 = arith.index_cast %add3A_203 : i32 to index
      %get3A_235 = arith.constant 64 : index
      %get3A_236 = tpu.vector_load %arg24[%get3A_234, %get3A_235] {strides = array<i32>} : memref<112x128xf32, #tpu.memory_space<vmem>>, vector<16xf32>,
      %mul3A_237 = arith.mulf %get3A_236, %gather3A_205 : vector<16xf32>
      %swap3A_238 = arith.index_cast %add3A_203 : i32 to index
      %swap3A_239 = arith.constant 64 : index
      %swap3A_240 = tpu.vector_load %arg24[%swap3A_238, %swap3A_239] {strides = array<i32>} : memref<112x128xf32, #tpu.memory_space<vmem>>, vector<16xf32>,
      tpu.vector_store %arg24[%swap3A_238, %swap3A_239], %mul3A_237 {strides = array<i32>} : memref<112x128xf32, #tpu.memory_space<vmem>>, vector<16xf32>,
      %get3A_241 = arith.index_cast %add3A_203 : i32 to index
      %get3A_242 = arith.constant 80 : index
      %get3A_243 = tpu.vector_load %arg24[%get3A_241, %get3A_242] {strides = array<i32>} : memref<112x128xf32, #tpu.memory_space<vmem>>, vector<16xf32>,
      %mul3A_244 = arith.mulf %get3A_243, %gather3A_205 : vector<16xf32>
      %swap3A_245 = arith.index_cast %add3A_203 : i32 to index
      %swap3A_246 = arith.constant 80 : index
      %swap3A_247 = tpu.vector_load %arg24[%swap3A_245, %swap3A_246] {strides = array<i32>} : memref<112x128xf32, #tpu.memory_space<vmem>>, vector<16xf32>,
      tpu.vector_store %arg24[%swap3A_245, %swap3A_246], %mul3A_244 {strides = array<i32>} : memref<112x128xf32, #tpu.memory_space<vmem>>, vector<16xf32>,
      %get3A_248 = arith.index_cast %add3A_203 : i32 to index
      %get3A_249 = arith.constant 96 : index
      %get3A_250 = tpu.vector_load %arg24[%get3A_248, %get3A_249] {strides = array<i32>} : memref<112x128xf32, #tpu.memory_space<vmem>>, vector<16xf32>,
      %mul3A_251 = arith.mulf %get3A_250, %gather3A_205 : vector<16xf32>
      %swap3A_252 = arith.index_cast %add3A_203 : i32 to index
      %swap3A_253 = arith.constant 96 : index
      %swap3A_254 = tpu.vector_load %arg24[%swap3A_252, %swap3A_253] {strides = array<i32>} : memref<112x128xf32, #tpu.memory_space<vmem>>, vector<16xf32>,
      tpu.vector_store %arg24[%swap3A_252, %swap3A_253], %mul3A_251 {strides = array<i32>} : memref<112x128xf32, #tpu.memory_space<vmem>>, vector<16xf32>,
      %get3A_255 = arith.index_cast %add3A_203 : i32 to index
      %get3A_256 = arith.constant 112 : index
      %get3A_257 = tpu.vector_load %arg24[%get3A_255, %get3A_256] {strides = array<i32>} : memref<112x128xf32, #tpu.memory_space<vmem>>, vector<16xf32>,
      %mul3A_258 = arith.mulf %get3A_257, %gather3A_205 : vector<16xf32>
      %swap3A_259 = arith.index_cast %add3A_203 : i32 to index
      %swap3A_260 = arith.constant 112 : index
      %swap3A_261 = tpu.vector_load %arg24[%swap3A_259, %swap3A_260] {strides = array<i32>} : memref<112x128xf32, #tpu.memory_space<vmem>>, vector<16xf32>,
      tpu.vector_store %arg24[%swap3A_259, %swap3A_260], %mul3A_258 {strides = array<i32>} : memref<112x128xf32, #tpu.memory_space<vmem>>, vector<16xf32>,
      %mul3A_262 = arith.constant 4 : i32
      %mul3A_263 = arith.muli %scan3A_140, %mul3A_262 : i32
      %add3A_264 = arith.constant 2 : i32
      %add3A_265 = arith.addi %mul3A_263, %add3A_264 : i32
      %broadcast_in_dim3A_266 = vector.broadcast %add3A_265 : i32 to vector<16xi32>
      %gather3A_267 = tpu.vector_load_idx %arg21[%broadcast_in_dim3A_266] : memref<112xf32, #tpu.memory_space<vmem>>[vector<16xi32>], vector<16xf32>,
      %get3A_268 = arith.index_cast %add3A_265 : i32 to index
      %get3A_269 = arith.constant 0 : index
      %get3A_270 = tpu.vector_load %arg24[%get3A_268, %get3A_269] {strides = array<i32>} : memref<112x128xf32, #tpu.memory_space<vmem>>, vector<16xf32>,
      %mul3A_271 = arith.mulf %get3A_270, %gather3A_267 : vector<16xf32>
      %swap3A_272 = arith.index_cast %add3A_265 : i32 to index
      %swap3A_273 = arith.constant 0 : index
      %swap3A_274 = tpu.vector_load %arg24[%swap3A_272, %swap3A_273] {strides = array<i32>} : memref<112x128xf32, #tpu.memory_space<vmem>>, vector<16xf32>,
      tpu.vector_store %arg24[%swap3A_272, %swap3A_273], %mul3A_271 {strides = array<i32>} : memref<112x128xf32, #tpu.memory_space<vmem>>, vector<16xf32>,
      %get3A_275 = arith.index_cast %add3A_265 : i32 to index
      %get3A_276 = arith.constant 16 : index
      %get3A_277 = tpu.vector_load %arg24[%get3A_275, %get3A_276] {strides = array<i32>} : memref<112x128xf32, #tpu.memory_space<vmem>>, vector<16xf32>,
      %mul3A_278 = arith.mulf %get3A_277, %gather3A_267 : vector<16xf32>
      %swap3A_279 = arith.index_cast %add3A_265 : i32 to index
      %swap3A_280 = arith.constant 16 : index
      %swap3A_281 = tpu.vector_load %arg24[%swap3A_279, %swap3A_280] {strides = array<i32>} : memref<112x128xf32, #tpu.memory_space<vmem>>, vector<16xf32>,
      tpu.vector_store %arg24[%swap3A_279, %swap3A_280], %mul3A_278 {strides = array<i32>} : memref<112x128xf32, #tpu.memory_space<vmem>>, vector<16xf32>,
      %get3A_282 = arith.index_cast %add3A_265 : i32 to index
      %get3A_283 = arith.constant 32 : index
      %get3A_284 = tpu.vector_load %arg24[%get3A_282, %get3A_283] {strides = array<i32>} : memref<112x128xf32, #tpu.memory_space<vmem>>, vector<16xf32>,
      %mul3A_285 = arith.mulf %get3A_284, %gather3A_267 : vector<16xf32>
      %swap3A_286 = arith.index_cast %add3A_265 : i32 to index
      %swap3A_287 = arith.constant 32 : index
      %swap3A_288 = tpu.vector_load %arg24[%swap3A_286, %swap3A_287] {strides = array<i32>} : memref<112x128xf32, #tpu.memory_space<vmem>>, vector<16xf32>,
      tpu.vector_store %arg24[%swap3A_286, %swap3A_287], %mul3A_285 {strides = array<i32>} : memref<112x128xf32, #tpu.memory_space<vmem>>, vector<16xf32>,
      %get3A_289 = arith.index_cast %add3A_265 : i32 to index
      %get3A_290 = arith.constant 48 : index
      %get3A_291 = tpu.vector_load %arg24[%get3A_289, %get3A_290] {strides = array<i32>} : memref<112x128xf32, #tpu.memory_space<vmem>>, vector<16xf32>,
      %mul3A_292 = arith.mulf %get3A_291, %gather3A_267 : vector<16xf32>
      %swap3A_293 = arith.index_cast %add3A_265 : i32 to index
      %swap3A_294 = arith.constant 48 : index
      %swap3A_295 = tpu.vector_load %arg24[%swap3A_293, %swap3A_294] {strides = array<i32>} : memref<112x128xf32, #tpu.memory_space<vmem>>, vector<16xf32>,
      tpu.vector_store %arg24[%swap3A_293, %swap3A_294], %mul3A_292 {strides = array<i32>} : memref<112x128xf32, #tpu.memory_space<vmem>>, vector<16xf32>,
      %get3A_296 = arith.index_cast %add3A_265 : i32 to index
      %get3A_297 = arith.constant 64 : index
      %get3A_298 = tpu.vector_load %arg24[%get3A_296, %get3A_297] {strides = array<i32>} : memref<112x128xf32, #tpu.memory_space<vmem>>, vector<16xf32>,
      %mul3A_299 = arith.mulf %get3A_298, %gather3A_267 : vector<16xf32>
      %swap3A_300 = arith.index_cast %add3A_265 : i32 to index
      %swap3A_301 = arith.constant 64 : index
      %swap3A_302 = tpu.vector_load %arg24[%swap3A_300, %swap3A_301] {strides = array<i32>} : memref<112x128xf32, #tpu.memory_space<vmem>>, vector<16xf32>,
      tpu.vector_store %arg24[%swap3A_300, %swap3A_301], %mul3A_299 {strides = array<i32>} : memref<112x128xf32, #tpu.memory_space<vmem>>, vector<16xf32>,
      %get3A_303 = arith.index_cast %add3A_265 : i32 to index
      %get3A_304 = arith.constant 80 : index
      %get3A_305 = tpu.vector_load %arg24[%get3A_303, %get3A_304] {strides = array<i32>} : memref<112x128xf32, #tpu.memory_space<vmem>>, vector<16xf32>,
      %mul3A_306 = arith.mulf %get3A_305, %gather3A_267 : vector<16xf32>
      %swap3A_307 = arith.index_cast %add3A_265 : i32 to index
      %swap3A_308 = arith.constant 80 : index
      %swap3A_309 = tpu.vector_load %arg24[%swap3A_307, %swap3A_308] {strides = array<i32>} : memref<112x128xf32, #tpu.memory_space<vmem>>, vector<16xf32>,
      tpu.vector_store %arg24[%swap3A_307, %swap3A_308], %mul3A_306 {strides = array<i32>} : memref<112x128xf32, #tpu.memory_space<vmem>>, vector<16xf32>,
      %get3A_310 = arith.index_cast %add3A_265 : i32 to index
      %get3A_311 = arith.constant 96 : index
      %get3A_312 = tpu.vector_load %arg24[%get3A_310, %get3A_311] {strides = array<i32>} : memref<112x128xf32, #tpu.memory_space<vmem>>, vector<16xf32>,
      %mul3A_313 = arith.mulf %get3A_312, %gather3A_267 : vector<16xf32>
      %swap3A_314 = arith.index_cast %add3A_265 : i32 to index
      %swap3A_315 = arith.constant 96 : index
      %swap3A_316 = tpu.vector_load %arg24[%swap3A_314, %swap3A_315] {strides = array<i32>} : memref<112x128xf32, #tpu.memory_space<vmem>>, vector<16xf32>,
      tpu.vector_store %arg24[%swap3A_314, %swap3A_315], %mul3A_313 {strides = array<i32>} : memref<112x128xf32, #tpu.memory_space<vmem>>, vector<16xf32>,
      %get3A_317 = arith.index_cast %add3A_265 : i32 to index
      %get3A_318 = arith.constant 112 : index
      %get3A_319 = tpu.vector_load %arg24[%get3A_317, %get3A_318] {strides = array<i32>} : memref<112x128xf32, #tpu.memory_space<vmem>>, vector<16xf32>,
      %mul3A_320 = arith.mulf %get3A_319, %gather3A_267 : vector<16xf32>
      %swap3A_321 = arith.index_cast %add3A_265 : i32 to index
      %swap3A_322 = arith.constant 112 : index
      %swap3A_323 = tpu.vector_load %arg24[%swap3A_321, %swap3A_322] {strides = array<i32>} : memref<112x128xf32, #tpu.memory_space<vmem>>, vector<16xf32>,
      tpu.vector_store %arg24[%swap3A_321, %swap3A_322], %mul3A_320 {strides = array<i32>} : memref<112x128xf32, #tpu.memory_space<vmem>>, vector<16xf32>,
      %mul3A_324 = arith.constant 4 : i32
      %mul3A_325 = arith.muli %scan3A_140, %mul3A_324 : i32
      %add3A_326 = arith.constant 3 : i32
      %add3A_327 = arith.addi %mul3A_325, %add3A_326 : i32
      %broadcast_in_dim3A_328 = vector.broadcast %add3A_327 : i32 to vector<16xi32>
      %gather3A_329 = tpu.vector_load_idx %arg21[%broadcast_in_dim3A_328] : memref<112xf32, #tpu.memory_space<vmem>>[vector<16xi32>], vector<16xf32>,
      %get3A_330 = arith.index_cast %add3A_327 : i32 to index
      %get3A_331 = arith.constant 0 : index
      %get3A_332 = tpu.vector_load %arg24[%get3A_330, %get3A_331] {strides = array<i32>} : memref<112x128xf32, #tpu.memory_space<vmem>>, vector<16xf32>,
      %mul3A_333 = arith.mulf %get3A_332, %gather3A_329 : vector<16xf32>
      %swap3A_334 = arith.index_cast %add3A_327 : i32 to index
      %swap3A_335 = arith.constant 0 : index
      %swap3A_336 = tpu.vector_load %arg24[%swap3A_334, %swap3A_335] {strides = array<i32>} : memref<112x128xf32, #tpu.memory_space<vmem>>, vector<16xf32>,
      tpu.vector_store %arg24[%swap3A_334, %swap3A_335], %mul3A_333 {strides = array<i32>} : memref<112x128xf32, #tpu.memory_space<vmem>>, vector<16xf32>,
      %get3A_337 = arith.index_cast %add3A_327 : i32 to index
      %get3A_338 = arith.constant 16 : index
      %get3A_339 = tpu.vector_load %arg24[%get3A_337, %get3A_338] {strides = array<i32>} : memref<112x128xf32, #tpu.memory_space<vmem>>, vector<16xf32>,
      %mul3A_340 = arith.mulf %get3A_339, %gather3A_329 : vector<16xf32>
      %swap3A_341 = arith.index_cast %add3A_327 : i32 to index
      %swap3A_342 = arith.constant 16 : index
      %swap3A_343 = tpu.vector_load %arg24[%swap3A_341, %swap3A_342] {strides = array<i32>} : memref<112x128xf32, #tpu.memory_space<vmem>>, vector<16xf32>,
      tpu.vector_store %arg24[%swap3A_341, %swap3A_342], %mul3A_340 {strides = array<i32>} : memref<112x128xf32, #tpu.memory_space<vmem>>, vector<16xf32>,
      %get3A_344 = arith.index_cast %add3A_327 : i32 to index
      %get3A_345 = arith.constant 32 : index
      %get3A_346 = tpu.vector_load %arg24[%get3A_344, %get3A_345] {strides = array<i32>} : memref<112x128xf32, #tpu.memory_space<vmem>>, vector<16xf32>,
      %mul3A_347 = arith.mulf %get3A_346, %gather3A_329 : vector<16xf32>
      %swap3A_348 = arith.index_cast %add3A_327 : i32 to index
      %swap3A_349 = arith.constant 32 : index
      %swap3A_350 = tpu.vector_load %arg24[%swap3A_348, %swap3A_349] {strides = array<i32>} : memref<112x128xf32, #tpu.memory_space<vmem>>, vector<16xf32>,
      tpu.vector_store %arg24[%swap3A_348, %swap3A_349], %mul3A_347 {strides = array<i32>} : memref<112x128xf32, #tpu.memory_space<vmem>>, vector<16xf32>,
      %get3A_351 = arith.index_cast %add3A_327 : i32 to index
      %get3A_352 = arith.constant 48 : index
      %get3A_353 = tpu.vector_load %arg24[%get3A_351, %get3A_352] {strides = array<i32>} : memref<112x128xf32, #tpu.memory_space<vmem>>, vector<16xf32>,
      %mul3A_354 = arith.mulf %get3A_353, %gather3A_329 : vector<16xf32>
      %swap3A_355 = arith.index_cast %add3A_327 : i32 to index
      %swap3A_356 = arith.constant 48 : index
      %swap3A_357 = tpu.vector_load %arg24[%swap3A_355, %swap3A_356] {strides = array<i32>} : memref<112x128xf32, #tpu.memory_space<vmem>>, vector<16xf32>,
      tpu.vector_store %arg24[%swap3A_355, %swap3A_356], %mul3A_354 {strides = array<i32>} : memref<112x128xf32, #tpu.memory_space<vmem>>, vector<16xf32>,
      %get3A_358 = arith.index_cast %add3A_327 : i32 to index
      %get3A_359 = arith.constant 64 : index
      %get3A_360 = tpu.vector_load %arg24[%get3A_358, %get3A_359] {strides = array<i32>} : memref<112x128xf32, #tpu.memory_space<vmem>>, vector<16xf32>,
      %mul3A_361 = arith.mulf %get3A_360, %gather3A_329 : vector<16xf32>
      %swap3A_362 = arith.index_cast %add3A_327 : i32 to index
      %swap3A_363 = arith.constant 64 : index
      %swap3A_364 = tpu.vector_load %arg24[%swap3A_362, %swap3A_363] {strides = array<i32>} : memref<112x128xf32, #tpu.memory_space<vmem>>, vector<16xf32>,
      tpu.vector_store %arg24[%swap3A_362, %swap3A_363], %mul3A_361 {strides = array<i32>} : memref<112x128xf32, #tpu.memory_space<vmem>>, vector<16xf32>,
      %get3A_365 = arith.index_cast %add3A_327 : i32 to index
      %get3A_366 = arith.constant 80 : index
      %get3A_367 = tpu.vector_load %arg24[%get3A_365, %get3A_366] {strides = array<i32>} : memref<112x128xf32, #tpu.memory_space<vmem>>, vector<16xf32>,
      %mul3A_368 = arith.mulf %get3A_367, %gather3A_329 : vector<16xf32>
      %swap3A_369 = arith.index_cast %add3A_327 : i32 to index
      %swap3A_370 = arith.constant 80 : index
      %swap3A_371 = tpu.vector_load %arg24[%swap3A_369, %swap3A_370] {strides = array<i32>} : memref<112x128xf32, #tpu.memory_space<vmem>>, vector<16xf32>,
      tpu.vector_store %arg24[%swap3A_369, %swap3A_370], %mul3A_368 {strides = array<i32>} : memref<112x128xf32, #tpu.memory_space<vmem>>, vector<16xf32>,
      %get3A_372 = arith.index_cast %add3A_327 : i32 to index
      %get3A_373 = arith.constant 96 : index
      %get3A_374 = tpu.vector_load %arg24[%get3A_372, %get3A_373] {strides = array<i32>} : memref<112x128xf32, #tpu.memory_space<vmem>>, vector<16xf32>,
      %mul3A_375 = arith.mulf %get3A_374, %gather3A_329 : vector<16xf32>
      %swap3A_376 = arith.index_cast %add3A_327 : i32 to index
      %swap3A_377 = arith.constant 96 : index
      %swap3A_378 = tpu.vector_load %arg24[%swap3A_376, %swap3A_377] {strides = array<i32>} : memref<112x128xf32, #tpu.memory_space<vmem>>, vector<16xf32>,
      tpu.vector_store %arg24[%swap3A_376, %swap3A_377], %mul3A_375 {strides = array<i32>} : memref<112x128xf32, #tpu.memory_space<vmem>>, vector<16xf32>,
      %get3A_379 = arith.index_cast %add3A_327 : i32 to index
      %get3A_380 = arith.constant 112 : index
      %get3A_381 = tpu.vector_load %arg24[%get3A_379, %get3A_380] {strides = array<i32>} : memref<112x128xf32, #tpu.memory_space<vmem>>, vector<16xf32>,
      %mul3A_382 = arith.mulf %get3A_381, %gather3A_329 : vector<16xf32>
      %swap3A_383 = arith.index_cast %add3A_327 : i32 to index
      %swap3A_384 = arith.constant 112 : index
      %swap3A_385 = tpu.vector_load %arg24[%swap3A_383, %swap3A_384] {strides = array<i32>} : memref<112x128xf32, #tpu.memory_space<vmem>>, vector<16xf32>,
      tpu.vector_store %arg24[%swap3A_383, %swap3A_384], %mul3A_382 {strides = array<i32>} : memref<112x128xf32, #tpu.memory_space<vmem>>, vector<16xf32>,
      %scan3A_386 = arith.constant 0 : i32
      scf.yield %scan3A_386 : i32
    }
    %scan3A_126 = arith.constant 8 : i32
    "tpu.region"() ({
      %run_scoped3A = tpu.sem_alloc : memref<!tpu.dma_semaphore, #tpu.memory_space<semaphore_mem>>
      %dma_start3A_140 = arith.constant 0 : i32
      %dma_start3A_141 = arith.constant 0 : i32
      %dma_start3A_142 = tpu.memref_slice %arg24[%dma_start3A_140, %dma_start3A_141] : memref<112x128xf32, #tpu.memory_space<vmem>> -> memref<32x128xf32, #tpu.memory_space<vmem>>
      %dma_start3A_143 = arith.constant 0 : i32
      %dma_start3A_144 = arith.constant 0 : i32
      %dma_start3A_145 = tpu.memref_slice %arg27[%dma_start3A_143, %dma_start3A_144] : memref<10000x128xf32, #tpu.memory_space<vmem_shared>> -> memref<10000x128xf32, #tpu.memory_space<vmem_shared>>
      tpu.enqueue_indirect_dma source(%dma_start3A_142 : memref<32x128xf32, #tpu.memory_space<vmem>>) target(%dma_start3A_145 : memref<10000x128xf32, #tpu.memory_space<vmem_shared>>) offsets(%arg26 : memref<32xi32, #tpu.memory_space<vmem>>) semaphore(%run_scoped3A : memref<!tpu.dma_semaphore, #tpu.memory_space<semaphore_mem>>) {add = true}
      %dma_wait3A_146 = arith.constant 0 : i32
      %dma_wait3A_147 = arith.constant 0 : i32
      %dma_wait3A_148 = tpu.memref_slice %arg24[%dma_wait3A_146, %dma_wait3A_147] : memref<112x128xf32, #tpu.memory_space<vmem>> -> memref<32x128xf32, #tpu.memory_space<vmem>>
      %dma_wait3A_149 = arith.constant 0 : i32
      %dma_wait3A_150 = arith.constant 0 : i32
      %dma_wait3A_151 = tpu.memref_slice %arg27[%dma_wait3A_149, %dma_wait3A_150] : memref<10000x128xf32, #tpu.memory_space<vmem_shared>> -> memref<10000x128xf32, #tpu.memory_space<vmem_shared>>
      tpu.wait_indirect_dma semaphore(%run_scoped3A : memref<!tpu.dma_semaphore, #tpu.memory_space<semaphore_mem>>) src(%dma_wait3A_148 : memref<32x128xf32, #tpu.memory_space<vmem>>) dst(%dma_wait3A_151 : memref<10000x128xf32, #tpu.memory_space<vmem_shared>>)
      tpu.yield
    }) : () -> ()
    %barrier3A_127 = arith.constant 0 : index
    tpu.barrier barrier_id(%barrier3A_127)
    %while3A_128 = arith.constant 0 : i32
    %while3A_129 = arith.constant 0 : i32
    %while3A_130 = arith.subi %select_n3A, %while3A_128 : i32
    %while3A_131 = arith.addi %while3A_128, %while3A_130 : i32
    %while3A_132 = arith.constant 1 : i32
    %while3A_133 = arith.divsi %while3A_130, %while3A_132 : i32
    %while3A_134 = arith.muli %while3A_133, %while3A_132 : i32
    %while3A_135 = arith.addi %while3A_128, %while3A_134 : i32
    %while3A_136 = arith.constant 1 : i32
    %while3A_137 = scf.for %while3A_140 = %while3A_128 to %while3A_135 step %while3A_136 iter_args(%while3A_141 = %while3A_129) -> (i32)  : i32 {
      %mul3A_142 = arith.constant 80 : i32
      %mul3A_143 = arith.muli %while3A_140, %mul3A_142 : i32
      %add3A_144 = arith.addi %mul3A_8, %mul3A_143 : i32
      "tpu.region"() ({
        %run_scoped3A = tpu.sem_alloc : memref<!tpu.dma_semaphore, #tpu.memory_space<semaphore_mem>>
        %dma_start3A_149 = arith.constant 0 : i32
        %dma_start3A_150 = arith.constant 0 : i32
        %dma_start3A_151 = tpu.memref_slice %arg24[%dma_start3A_149, %dma_start3A_150] : memref<112x128xf32, #tpu.memory_space<vmem>> -> memref<80x128xf32, #tpu.memory_space<vmem>>
        %dma_start3A_152 = arith.constant 0 : i32
        %dma_start3A_153 = tpu.memref_slice %arg27[%add3A_144, %dma_start3A_152] : memref<10000x128xf32, #tpu.memory_space<vmem_shared>> -> memref<80x128xf32, #tpu.memory_space<vmem_shared>>
        %dma_start3A_154 = arith.constant 0 : i32
        %dma_start3A_155 = arith.constant 0 : i32
        %dma_start3A_156 = tpu.memref_slice %arg24[%dma_start3A_154, %dma_start3A_155] : memref<112x128xf32, #tpu.memory_space<vmem>> -> memref<80x128xf32, #tpu.memory_space<vmem>>
        %dma_start3A_157 = arith.constant 0 : i32
        %dma_start3A_158 = tpu.memref_slice %arg27[%add3A_144, %dma_start3A_157] : memref<10000x128xf32, #tpu.memory_space<vmem_shared>> -> memref<80x128xf32, #tpu.memory_space<vmem_shared>>
        tpu.enqueue_dma source(%dma_start3A_158 : memref<80x128xf32, #tpu.memory_space<vmem_shared>>) target(%dma_start3A_156 : memref<80x128xf32, #tpu.memory_space<vmem>>) target_semaphore(%run_scoped3A : memref<!tpu.dma_semaphore, #tpu.memory_space<semaphore_mem>>)
        %dma_wait3A_159 = arith.constant 0 : i32
        %dma_wait3A_160 = arith.constant 0 : i32
        %dma_wait3A_161 = tpu.memref_slice %arg24[%dma_wait3A_159, %dma_wait3A_160] : memref<112x128xf32, #tpu.memory_space<vmem>> -> memref<80x128xf32, #tpu.memory_space<vmem>>
        %dma_wait3A_162 = arith.constant 0 : i32
        %dma_wait3A_163 = tpu.memref_slice %arg27[%add3A_144, %dma_wait3A_162] : memref<10000x128xf32, #tpu.memory_space<vmem_shared>> -> memref<80x128xf32, #tpu.memory_space<vmem_shared>>
        %dma_wait3A_164 = arith.constant 0 : i32
        %dma_wait3A_165 = arith.constant 0 : i32
        %dma_wait3A_166 = tpu.memref_slice %arg24[%dma_wait3A_164, %dma_wait3A_165] : memref<112x128xf32, #tpu.memory_space<vmem>> -> memref<80x128xf32, #tpu.memory_space<vmem>>
        %dma_wait3A_167 = arith.constant 0 : i32
        %dma_wait3A_168 = tpu.memref_slice %arg27[%add3A_144, %dma_wait3A_167] : memref<10000x128xf32, #tpu.memory_space<vmem_shared>> -> memref<80x128xf32, #tpu.memory_space<vmem_shared>>
        tpu.wait_dma2 semaphore(%run_scoped3A : memref<!tpu.dma_semaphore, #tpu.memory_space<semaphore_mem>>) src(%dma_wait3A_168 : memref<80x128xf32, #tpu.memory_space<vmem_shared>>) dst(%dma_wait3A_166 : memref<80x128xf32, #tpu.memory_space<vmem>>)
        tpu.yield
      }) : () -> ()
      %mul3A_145 = arith.constant 10000 : i32
      %mul3A_146 = arith.muli %arg0, %mul3A_145 : i32
      %add3A_147 = arith.addi %mul3A_146, %add3A_144 : i32
      "tpu.region"() ({
        %run_scoped3A = tpu.sem_alloc : memref<!tpu.dma_semaphore, #tpu.memory_space<semaphore_mem>>
        %dma_start3A_149 = arith.constant 0 : i32
        %dma_start3A_150 = arith.constant 0 : i32
        %dma_start3A_151 = tpu.memref_slice %arg24[%dma_start3A_149, %dma_start3A_150] : memref<112x128xf32, #tpu.memory_space<vmem>> -> memref<80x128xf32, #tpu.memory_space<vmem>>
        %dma_start3A_152 = arith.constant 0 : i32
        %dma_start3A_153 = tpu.memref_slice %arg9[%add3A_147, %dma_start3A_152] : memref<20000x128xf32, #tpu.memory_space<hbm>> -> memref<80x128xf32, #tpu.memory_space<hbm>>
        %dma_start3A_154 = arith.constant 0 : i32
        %dma_start3A_155 = tpu.memref_slice %arg9[%add3A_147, %dma_start3A_154] : memref<20000x128xf32, #tpu.memory_space<hbm>> -> memref<80x128xf32, #tpu.memory_space<hbm>>
        %dma_start3A_156 = arith.constant 0 : i32
        %dma_start3A_157 = arith.constant 0 : i32
        %dma_start3A_158 = tpu.memref_slice %arg24[%dma_start3A_156, %dma_start3A_157] : memref<112x128xf32, #tpu.memory_space<vmem>> -> memref<80x128xf32, #tpu.memory_space<vmem>>
        tpu.enqueue_dma source(%dma_start3A_158 : memref<80x128xf32, #tpu.memory_space<vmem>>) target(%dma_start3A_155 : memref<80x128xf32, #tpu.memory_space<hbm>>) target_semaphore(%run_scoped3A : memref<!tpu.dma_semaphore, #tpu.memory_space<semaphore_mem>>)
        %dma_wait3A_159 = arith.constant 0 : i32
        %dma_wait3A_160 = arith.constant 0 : i32
        %dma_wait3A_161 = tpu.memref_slice %arg24[%dma_wait3A_159, %dma_wait3A_160] : memref<112x128xf32, #tpu.memory_space<vmem>> -> memref<80x128xf32, #tpu.memory_space<vmem>>
        %dma_wait3A_162 = arith.constant 0 : i32
        %dma_wait3A_163 = tpu.memref_slice %arg9[%add3A_147, %dma_wait3A_162] : memref<20000x128xf32, #tpu.memory_space<hbm>> -> memref<80x128xf32, #tpu.memory_space<hbm>>
        %dma_wait3A_164 = arith.constant 0 : i32
        %dma_wait3A_165 = tpu.memref_slice %arg9[%add3A_147, %dma_wait3A_164] : memref<20000x128xf32, #tpu.memory_space<hbm>> -> memref<80x128xf32, #tpu.memory_space<hbm>>
        %dma_wait3A_166 = arith.constant 0 : i32
        %dma_wait3A_167 = arith.constant 0 : i32
        %dma_wait3A_168 = tpu.memref_slice %arg24[%dma_wait3A_166, %dma_wait3A_167] : memref<112x128xf32, #tpu.memory_space<vmem>> -> memref<80x128xf32, #tpu.memory_space<vmem>>
        tpu.wait_dma2 semaphore(%run_scoped3A : memref<!tpu.dma_semaphore, #tpu.memory_space<semaphore_mem>>) src(%dma_wait3A_168 : memref<80x128xf32, #tpu.memory_space<vmem>>) dst(%dma_wait3A_165 : memref<80x128xf32, #tpu.memory_space<hbm>>)
        tpu.yield
      }) : () -> ()
      %while3A_148 = arith.constant 0 : i32
      scf.yield %while3A_148 : i32
    }
    %while3A_138 = arith.constant 1 : i32
    %while3A_139 = scf.for %while3A_140 = %while3A_135 to %while3A_131 step %while3A_138 iter_args(%while3A_141 = %while3A_137) -> (i32)  : i32 {
      %mul3A_142 = arith.constant 80 : i32
      %mul3A_143 = arith.muli %while3A_140, %mul3A_142 : i32
      %add3A_144 = arith.addi %mul3A_8, %mul3A_143 : i32
      "tpu.region"() ({
        %run_scoped3A = tpu.sem_alloc : memref<!tpu.dma_semaphore, #tpu.memory_space<semaphore_mem>>
        %dma_start3A_149 = arith.constant 0 : i32
        %dma_start3A_150 = arith.constant 0 : i32
        %dma_start3A_151 = tpu.memref_slice %arg24[%dma_start3A_149, %dma_start3A_150] : memref<112x128xf32, #tpu.memory_space<vmem>> -> memref<80x128xf32, #tpu.memory_space<vmem>>
        %dma_start3A_152 = arith.constant 0 : i32
        %dma_start3A_153 = tpu.memref_slice %arg27[%add3A_144, %dma_start3A_152] : memref<10000x128xf32, #tpu.memory_space<vmem_shared>> -> memref<80x128xf32, #tpu.memory_space<vmem_shared>>
        %dma_start3A_154 = arith.constant 0 : i32
        %dma_start3A_155 = arith.constant 0 : i32
        %dma_start3A_156 = tpu.memref_slice %arg24[%dma_start3A_154, %dma_start3A_155] : memref<112x128xf32, #tpu.memory_space<vmem>> -> memref<80x128xf32, #tpu.memory_space<vmem>>
        %dma_start3A_157 = arith.constant 0 : i32
        %dma_start3A_158 = tpu.memref_slice %arg27[%add3A_144, %dma_start3A_157] : memref<10000x128xf32, #tpu.memory_space<vmem_shared>> -> memref<80x128xf32, #tpu.memory_space<vmem_shared>>
        tpu.enqueue_dma source(%dma_start3A_158 : memref<80x128xf32, #tpu.memory_space<vmem_shared>>) target(%dma_start3A_156 : memref<80x128xf32, #tpu.memory_space<vmem>>) target_semaphore(%run_scoped3A : memref<!tpu.dma_semaphore, #tpu.memory_space<semaphore_mem>>)
        %dma_wait3A_159 = arith.constant 0 : i32
        %dma_wait3A_160 = arith.constant 0 : i32
        %dma_wait3A_161 = tpu.memref_slice %arg24[%dma_wait3A_159, %dma_wait3A_160] : memref<112x128xf32, #tpu.memory_space<vmem>> -> memref<80x128xf32, #tpu.memory_space<vmem>>
        %dma_wait3A_162 = arith.constant 0 : i32
        %dma_wait3A_163 = tpu.memref_slice %arg27[%add3A_144, %dma_wait3A_162] : memref<10000x128xf32, #tpu.memory_space<vmem_shared>> -> memref<80x128xf32, #tpu.memory_space<vmem_shared>>
        %dma_wait3A_164 = arith.constant 0 : i32
        %dma_wait3A_165 = arith.constant 0 : i32
        %dma_wait3A_166 = tpu.memref_slice %arg24[%dma_wait3A_164, %dma_wait3A_165] : memref<112x128xf32, #tpu.memory_space<vmem>> -> memref<80x128xf32, #tpu.memory_space<vmem>>
        %dma_wait3A_167 = arith.constant 0 : i32
        %dma_wait3A_168 = tpu.memref_slice %arg27[%add3A_144, %dma_wait3A_167] : memref<10000x128xf32, #tpu.memory_space<vmem_shared>> -> memref<80x128xf32, #tpu.memory_space<vmem_shared>>
        tpu.wait_dma2 semaphore(%run_scoped3A : memref<!tpu.dma_semaphore, #tpu.memory_space<semaphore_mem>>) src(%dma_wait3A_168 : memref<80x128xf32, #tpu.memory_space<vmem_shared>>) dst(%dma_wait3A_166 : memref<80x128xf32, #tpu.memory_space<vmem>>)
        tpu.yield
      }) : () -> ()
      %mul3A_145 = arith.constant 10000 : i32
      %mul3A_146 = arith.muli %arg0, %mul3A_145 : i32
      %add3A_147 = arith.addi %mul3A_146, %add3A_144 : i32
      "tpu.region"() ({
        %run_scoped3A = tpu.sem_alloc : memref<!tpu.dma_semaphore, #tpu.memory_space<semaphore_mem>>
        %dma_start3A_149 = arith.constant 0 : i32
        %dma_start3A_150 = arith.constant 0 : i32
        %dma_start3A_151 = tpu.memref_slice %arg24[%dma_start3A_149, %dma_start3A_150] : memref<112x128xf32, #tpu.memory_space<vmem>> -> memref<80x128xf32, #tpu.memory_space<vmem>>
        %dma_start3A_152 = arith.constant 0 : i32
        %dma_start3A_153 = tpu.memref_slice %arg9[%add3A_147, %dma_start3A_152] : memref<20000x128xf32, #tpu.memory_space<hbm>> -> memref<80x128xf32, #tpu.memory_space<hbm>>
        %dma_start3A_154 = arith.constant 0 : i32
        %dma_start3A_155 = tpu.memref_slice %arg9[%add3A_147, %dma_start3A_154] : memref<20000x128xf32, #tpu.memory_space<hbm>> -> memref<80x128xf32, #tpu.memory_space<hbm>>
        %dma_start3A_156 = arith.constant 0 : i32
        %dma_start3A_157 = arith.constant 0 : i32
        %dma_start3A_158 = tpu.memref_slice %arg24[%dma_start3A_156, %dma_start3A_157] : memref<112x128xf32, #tpu.memory_space<vmem>> -> memref<80x128xf32, #tpu.memory_space<vmem>>
        tpu.enqueue_dma source(%dma_start3A_158 : memref<80x128xf32, #tpu.memory_space<vmem>>) target(%dma_start3A_155 : memref<80x128xf32, #tpu.memory_space<hbm>>) target_semaphore(%run_scoped3A : memref<!tpu.dma_semaphore, #tpu.memory_space<semaphore_mem>>)
        %dma_wait3A_159 = arith.constant 0 : i32
        %dma_wait3A_160 = arith.constant 0 : i32
        %dma_wait3A_161 = tpu.memref_slice %arg24[%dma_wait3A_159, %dma_wait3A_160] : memref<112x128xf32, #tpu.memory_space<vmem>> -> memref<80x128xf32, #tpu.memory_space<vmem>>
        %dma_wait3A_162 = arith.constant 0 : i32
        %dma_wait3A_163 = tpu.memref_slice %arg9[%add3A_147, %dma_wait3A_162] : memref<20000x128xf32, #tpu.memory_space<hbm>> -> memref<80x128xf32, #tpu.memory_space<hbm>>
        %dma_wait3A_164 = arith.constant 0 : i32
        %dma_wait3A_165 = tpu.memref_slice %arg9[%add3A_147, %dma_wait3A_164] : memref<20000x128xf32, #tpu.memory_space<hbm>> -> memref<80x128xf32, #tpu.memory_space<hbm>>
        %dma_wait3A_166 = arith.constant 0 : i32
        %dma_wait3A_167 = arith.constant 0 : i32
        %dma_wait3A_168 = tpu.memref_slice %arg24[%dma_wait3A_166, %dma_wait3A_167] : memref<112x128xf32, #tpu.memory_space<vmem>> -> memref<80x128xf32, #tpu.memory_space<vmem>>
        tpu.wait_dma2 semaphore(%run_scoped3A : memref<!tpu.dma_semaphore, #tpu.memory_space<semaphore_mem>>) src(%dma_wait3A_168 : memref<80x128xf32, #tpu.memory_space<vmem>>) dst(%dma_wait3A_165 : memref<80x128xf32, #tpu.memory_space<hbm>>)
        tpu.yield
      }) : () -> ()
      %while3A_148 = arith.constant 0 : i32
      scf.yield %while3A_148 : i32
    }
    return
  }
}

#map = affine_map<(d0, d1) -> (0)>
#map1 = affine_map<(d0, d1) -> (0, 0)>
module attributes {stable_mosaic.version = 14 : i64} {
  func.func @_scalar_body(%arg0: i32, %arg1: i32, %arg2: memref<10000xf32, #tpu.memory_space<hbm>>, %arg3: memref<10000xf32, #tpu.memory_space<hbm>>, %arg4: memref<10000xf32, #tpu.memory_space<hbm>>, %arg5: memref<10000xf32, #tpu.memory_space<hbm>>, %arg6: memref<2x16xf32, #tpu.memory_space<hbm>>, %arg7: memref<320000xi32, #tpu.memory_space<hbm>>, %arg8: memref<320000xi32, #tpu.memory_space<hbm>>, %arg9: memref<320000xf32, #tpu.memory_space<hbm>>, %arg10: memref<320000xf32, #tpu.memory_space<hbm>>, %arg11: memref<320000xf32, #tpu.memory_space<hbm>>, %arg12: memref<320000xf32, #tpu.memory_space<hbm>>, %arg13: memref<10000xf32, #tpu.memory_space<vmem>>, %arg14: memref<10000xf32, #tpu.memory_space<vmem>>, %arg15: memref<10000xf32, #tpu.memory_space<vmem>>, %arg16: memref<10000xf32, #tpu.memory_space<vmem>>, %arg17: memref<2x16xf32, #tpu.memory_space<vmem>>, %arg18: memref<10000xf32, #tpu.memory_space<vmem>>, %arg19: memref<10000xf32, #tpu.memory_space<vmem>>, %arg20: memref<400xi32, #tpu.memory_space<vmem>>, %arg21: memref<400xi32, #tpu.memory_space<vmem>>, %arg22: memref<400xi32, #tpu.memory_space<vmem>>, %arg23: memref<400xi32, #tpu.memory_space<vmem>>, %arg24: memref<400xf32, #tpu.memory_space<vmem>>, %arg25: memref<400xf32, #tpu.memory_space<vmem>>, %arg26: memref<400xf32, #tpu.memory_space<vmem>>, %arg27: memref<400xf32, #tpu.memory_space<vmem>>, %arg28: memref<!tpu.dma_semaphore, #tpu.memory_space<semaphore_mem>>, %arg29: memref<!tpu.dma_semaphore, #tpu.memory_space<semaphore_mem>>, %arg30: memref<!tpu.dma_semaphore, #tpu.memory_space<semaphore_mem>>, %arg31: memref<!tpu.dma_semaphore, #tpu.memory_space<semaphore_mem>>) attributes {dimension_semantics = [#tpu.dimension_semantics<core_parallel>, #tpu.dimension_semantics<subcore_parallel>], iteration_bounds = array<i64: 2, 16>, scalar_prefetch = 0 : i64, scratch_operands = 19 : i64, tpu.core_type = #tpu.core_type<sc_vector_subcore>, window_params = [{transform_indices = #map}, {transform_indices = #map}, {transform_indices = #map}, {transform_indices = #map}, {transform_indices = #map1}, {transform_indices = #map}, {transform_indices = #map}, {transform_indices = #map}, {transform_indices = #map}, {transform_indices = #map}, {transform_indices = #map}]} {
    %mul3A = arith.constant 2 : i32
    %mul3A_0 = arith.muli %arg1, %mul3A : i32
    %add3A = arith.addi %mul3A_0, %arg0 : i32
    "tpu.region"() ({
      %run_scoped3A = tpu.sem_alloc : memref<!tpu.dma_semaphore, #tpu.memory_space<semaphore_mem>>
      tpu.enqueue_dma source(%arg2 : memref<10000xf32, #tpu.memory_space<hbm>>) target(%arg13 : memref<10000xf32, #tpu.memory_space<vmem>>) target_semaphore(%run_scoped3A : memref<!tpu.dma_semaphore, #tpu.memory_space<semaphore_mem>>)
      tpu.wait_dma2 semaphore(%run_scoped3A : memref<!tpu.dma_semaphore, #tpu.memory_space<semaphore_mem>>) src(%arg2 : memref<10000xf32, #tpu.memory_space<hbm>>) dst(%arg13 : memref<10000xf32, #tpu.memory_space<vmem>>)
      tpu.yield
    }) : () -> ()
    "tpu.region"() ({
      %run_scoped3A = tpu.sem_alloc : memref<!tpu.dma_semaphore, #tpu.memory_space<semaphore_mem>>
      tpu.enqueue_dma source(%arg3 : memref<10000xf32, #tpu.memory_space<hbm>>) target(%arg14 : memref<10000xf32, #tpu.memory_space<vmem>>) target_semaphore(%run_scoped3A : memref<!tpu.dma_semaphore, #tpu.memory_space<semaphore_mem>>)
      tpu.wait_dma2 semaphore(%run_scoped3A : memref<!tpu.dma_semaphore, #tpu.memory_space<semaphore_mem>>) src(%arg3 : memref<10000xf32, #tpu.memory_space<hbm>>) dst(%arg14 : memref<10000xf32, #tpu.memory_space<vmem>>)
      tpu.yield
    }) : () -> ()
    "tpu.region"() ({
      %run_scoped3A = tpu.sem_alloc : memref<!tpu.dma_semaphore, #tpu.memory_space<semaphore_mem>>
      tpu.enqueue_dma source(%arg4 : memref<10000xf32, #tpu.memory_space<hbm>>) target(%arg15 : memref<10000xf32, #tpu.memory_space<vmem>>) target_semaphore(%run_scoped3A : memref<!tpu.dma_semaphore, #tpu.memory_space<semaphore_mem>>)
      tpu.wait_dma2 semaphore(%run_scoped3A : memref<!tpu.dma_semaphore, #tpu.memory_space<semaphore_mem>>) src(%arg4 : memref<10000xf32, #tpu.memory_space<hbm>>) dst(%arg15 : memref<10000xf32, #tpu.memory_space<vmem>>)
      tpu.yield
    }) : () -> ()
    "tpu.region"() ({
      %run_scoped3A = tpu.sem_alloc : memref<!tpu.dma_semaphore, #tpu.memory_space<semaphore_mem>>
      tpu.enqueue_dma source(%arg5 : memref<10000xf32, #tpu.memory_space<hbm>>) target(%arg16 : memref<10000xf32, #tpu.memory_space<vmem>>) target_semaphore(%run_scoped3A : memref<!tpu.dma_semaphore, #tpu.memory_space<semaphore_mem>>)
      tpu.wait_dma2 semaphore(%run_scoped3A : memref<!tpu.dma_semaphore, #tpu.memory_space<semaphore_mem>>) src(%arg5 : memref<10000xf32, #tpu.memory_space<hbm>>) dst(%arg16 : memref<10000xf32, #tpu.memory_space<vmem>>)
      tpu.yield
    }) : () -> ()
    "tpu.region"() ({
      %run_scoped3A = tpu.sem_alloc : memref<!tpu.dma_semaphore, #tpu.memory_space<semaphore_mem>>
      tpu.enqueue_dma source(%arg6 : memref<2x16xf32, #tpu.memory_space<hbm>>) target(%arg17 : memref<2x16xf32, #tpu.memory_space<vmem>>) target_semaphore(%run_scoped3A : memref<!tpu.dma_semaphore, #tpu.memory_space<semaphore_mem>>)
      tpu.wait_dma2 semaphore(%run_scoped3A : memref<!tpu.dma_semaphore, #tpu.memory_space<semaphore_mem>>) src(%arg6 : memref<2x16xf32, #tpu.memory_space<hbm>>) dst(%arg17 : memref<2x16xf32, #tpu.memory_space<vmem>>)
      tpu.yield
    }) : () -> ()
    %scan3A = arith.constant 0 : i32
    %scan3A_1 = arith.constant 0 : i32
    %scan3A_2 = arith.constant 625 : i32
    %scan3A_3 = arith.addi %scan3A_1, %scan3A_2 : i32
    %scan3A_4 = arith.constant 1 : i32
    %scan3A_5 = scf.for %scan3A_74 = %scan3A_1 to %scan3A_3 step %scan3A_4 iter_args(%scan3A_75 = %scan3A) -> (i32)  : i32 {
      %broadcast_in_dim3A = arith.constant 0.000000e+00 : f32
      %broadcast_in_dim3A_76 = vector.broadcast %broadcast_in_dim3A : f32 to vector<16xf32>
      %mul3A_77 = arith.constant 16 : i32
      %mul3A_78 = arith.muli %scan3A_74, %mul3A_77 : i32
      %swap3A = arith.index_cast %mul3A_78 : i32 to index
      %swap3A_79 = tpu.vector_load %arg18[%swap3A] {strides = array<i32>} : memref<10000xf32, #tpu.memory_space<vmem>>, vector<16xf32>,
      tpu.vector_store %arg18[%swap3A], %broadcast_in_dim3A_76 {strides = array<i32>} : memref<10000xf32, #tpu.memory_space<vmem>>, vector<16xf32>,
      %mul3A_80 = arith.constant 16 : i32
      %mul3A_81 = arith.muli %scan3A_74, %mul3A_80 : i32
      %swap3A_82 = arith.index_cast %mul3A_81 : i32 to index
      %swap3A_83 = tpu.vector_load %arg19[%swap3A_82] {strides = array<i32>} : memref<10000xf32, #tpu.memory_space<vmem>>, vector<16xf32>,
      tpu.vector_store %arg19[%swap3A_82], %broadcast_in_dim3A_76 {strides = array<i32>} : memref<10000xf32, #tpu.memory_space<vmem>>, vector<16xf32>,
      %scan3A_84 = arith.constant 0 : i32
      scf.yield %scan3A_84 : i32
    }
    %scan3A_6 = arith.constant 625 : i32
    %get3A = arith.constant 0 : i32
    %get3A_7 = arith.index_cast %get3A : i32 to index
    %get3A_8 = arith.constant 0 : index
    %get3A_9 = tpu.vector_load %arg17[%get3A_7, %get3A_8] {strides = array<i32>} : memref<2x16xf32, #tpu.memory_space<vmem>>, vector<16xf32>,
    %get3A_10 = arith.constant 1 : i32
    %get3A_11 = arith.index_cast %get3A_10 : i32 to index
    %get3A_12 = arith.constant 0 : index
    %get3A_13 = tpu.vector_load %arg17[%get3A_11, %get3A_12] {strides = array<i32>} : memref<2x16xf32, #tpu.memory_space<vmem>>, vector<16xf32>,
    %mul3A_14 = arith.constant 10000 : i32
    %mul3A_15 = arith.muli %add3A, %mul3A_14 : i32
    %add3A_16 = arith.constant 0 : i32
    %add3A_17 = arith.addi %mul3A_15, %add3A_16 : i32
    %dma_start3A = tpu.memref_slice %arg7[%add3A_17] : memref<320000xi32, #tpu.memory_space<hbm>> -> memref<400xi32, #tpu.memory_space<hbm>>
    %dma_start3A_18 = tpu.memref_slice %arg7[%add3A_17] : memref<320000xi32, #tpu.memory_space<hbm>> -> memref<400xi32, #tpu.memory_space<hbm>>
    tpu.enqueue_dma source(%dma_start3A_18 : memref<400xi32, #tpu.memory_space<hbm>>) target(%arg20 : memref<400xi32, #tpu.memory_space<vmem>>) target_semaphore(%arg28 : memref<!tpu.dma_semaphore, #tpu.memory_space<semaphore_mem>>)
    %dma_start3A_19 = tpu.memref_slice %arg8[%add3A_17] : memref<320000xi32, #tpu.memory_space<hbm>> -> memref<400xi32, #tpu.memory_space<hbm>>
    %dma_start3A_20 = tpu.memref_slice %arg8[%add3A_17] : memref<320000xi32, #tpu.memory_space<hbm>> -> memref<400xi32, #tpu.memory_space<hbm>>
    tpu.enqueue_dma source(%dma_start3A_20 : memref<400xi32, #tpu.memory_space<hbm>>) target(%arg22 : memref<400xi32, #tpu.memory_space<vmem>>) target_semaphore(%arg28 : memref<!tpu.dma_semaphore, #tpu.memory_space<semaphore_mem>>)
    %add3A_21 = arith.constant 400 : i32
    %add3A_22 = arith.addi %mul3A_15, %add3A_21 : i32
    %dma_start3A_23 = tpu.memref_slice %arg7[%add3A_22] : memref<320000xi32, #tpu.memory_space<hbm>> -> memref<400xi32, #tpu.memory_space<hbm>>
    %dma_start3A_24 = tpu.memref_slice %arg7[%add3A_22] : memref<320000xi32, #tpu.memory_space<hbm>> -> memref<400xi32, #tpu.memory_space<hbm>>
    tpu.enqueue_dma source(%dma_start3A_24 : memref<400xi32, #tpu.memory_space<hbm>>) target(%arg21 : memref<400xi32, #tpu.memory_space<vmem>>) target_semaphore(%arg29 : memref<!tpu.dma_semaphore, #tpu.memory_space<semaphore_mem>>)
    %dma_start3A_25 = tpu.memref_slice %arg8[%add3A_22] : memref<320000xi32, #tpu.memory_space<hbm>> -> memref<400xi32, #tpu.memory_space<hbm>>
    %dma_start3A_26 = tpu.memref_slice %arg8[%add3A_22] : memref<320000xi32, #tpu.memory_space<hbm>> -> memref<400xi32, #tpu.memory_space<hbm>>
    tpu.enqueue_dma source(%dma_start3A_26 : memref<400xi32, #tpu.memory_space<hbm>>) target(%arg23 : memref<400xi32, #tpu.memory_space<vmem>>) target_semaphore(%arg29 : memref<!tpu.dma_semaphore, #tpu.memory_space<semaphore_mem>>)
    %scan3A_27 = arith.constant 0 : i32
    %scan3A_28 = arith.constant 0 : i32
    %scan3A_29 = arith.constant 12 : i32
    %scan3A_30 = arith.addi %scan3A_28, %scan3A_29 : i32
    %scan3A_31 = arith.constant 1 : i32
    %scan3A_32 = scf.for %scan3A_74 = %scan3A_28 to %scan3A_30 step %scan3A_31 iter_args(%scan3A_75 = %scan3A_27) -> (i32)  : i32 {
      %mul3A_76 = arith.constant 2 : i32
      %mul3A_77 = arith.muli %scan3A_74, %mul3A_76 : i32
      %add3A_78 = arith.constant 0 : i32
      %add3A_79 = arith.addi %mul3A_77, %add3A_78 : i32
      %mul3A_80 = arith.constant 400 : i32
      %mul3A_81 = arith.muli %add3A_79, %mul3A_80 : i32
      %add3A_82 = arith.addi %mul3A_15, %mul3A_81 : i32
      %dma_wait3A_83 = tpu.memref_slice %arg7[%add3A_82] : memref<320000xi32, #tpu.memory_space<hbm>> -> memref<400xi32, #tpu.memory_space<hbm>>
      %dma_wait3A_84 = tpu.memref_slice %arg7[%add3A_82] : memref<320000xi32, #tpu.memory_space<hbm>> -> memref<400xi32, #tpu.memory_space<hbm>>
      tpu.wait_dma2 semaphore(%arg28 : memref<!tpu.dma_semaphore, #tpu.memory_space<semaphore_mem>>) src(%dma_wait3A_84 : memref<400xi32, #tpu.memory_space<hbm>>) dst(%arg20 : memref<400xi32, #tpu.memory_space<vmem>>)
      %dma_wait3A_85 = tpu.memref_slice %arg8[%add3A_82] : memref<320000xi32, #tpu.memory_space<hbm>> -> memref<400xi32, #tpu.memory_space<hbm>>
      %dma_wait3A_86 = tpu.memref_slice %arg8[%add3A_82] : memref<320000xi32, #tpu.memory_space<hbm>> -> memref<400xi32, #tpu.memory_space<hbm>>
      tpu.wait_dma2 semaphore(%arg28 : memref<!tpu.dma_semaphore, #tpu.memory_space<semaphore_mem>>) src(%dma_wait3A_86 : memref<400xi32, #tpu.memory_space<hbm>>) dst(%arg22 : memref<400xi32, #tpu.memory_space<vmem>>)
      %ge3A = arith.constant 2 : i32
      %ge3A_87 = arith.cmpi sge, %add3A_79, %ge3A : i32
      %convert_element_type3A = arith.extui %ge3A_87 : i1 to i32
      %cond3A = arith.constant 0 : i32
      %cond3A_88 = arith.cmpi ne, %convert_element_type3A, %cond3A : i32
      scf.if %cond3A_88 {
        %sub3A = arith.constant 2 : i32
        %sub3A_147 = arith.subi %add3A_79, %sub3A : i32
        %mul3A_148 = arith.constant 400 : i32
        %mul3A_149 = arith.muli %sub3A_147, %mul3A_148 : i32
        %add3A_150 = arith.addi %mul3A_15, %mul3A_149 : i32
        %dma_wait3A_151 = tpu.memref_slice %arg9[%add3A_150] : memref<320000xf32, #tpu.memory_space<hbm>> -> memref<400xf32, #tpu.memory_space<hbm>>
        %dma_wait3A_152 = tpu.memref_slice %arg9[%add3A_150] : memref<320000xf32, #tpu.memory_space<hbm>> -> memref<400xf32, #tpu.memory_space<hbm>>
        tpu.wait_dma2 semaphore(%arg30 : memref<!tpu.dma_semaphore, #tpu.memory_space<semaphore_mem>>) src(%arg24 : memref<400xf32, #tpu.memory_space<vmem>>) dst(%dma_wait3A_152 : memref<400xf32, #tpu.memory_space<hbm>>)
        %dma_wait3A_153 = tpu.memref_slice %arg10[%add3A_150] : memref<320000xf32, #tpu.memory_space<hbm>> -> memref<400xf32, #tpu.memory_space<hbm>>
        %dma_wait3A_154 = tpu.memref_slice %arg10[%add3A_150] : memref<320000xf32, #tpu.memory_space<hbm>> -> memref<400xf32, #tpu.memory_space<hbm>>
        tpu.wait_dma2 semaphore(%arg30 : memref<!tpu.dma_semaphore, #tpu.memory_space<semaphore_mem>>) src(%arg26 : memref<400xf32, #tpu.memory_space<vmem>>) dst(%dma_wait3A_154 : memref<400xf32, #tpu.memory_space<hbm>>)
      } else {
      }
      %scan3A_89 = arith.constant 0 : i32
      %scan3A_90 = arith.constant 0 : i32
      %scan3A_91 = arith.constant 5 : i32
      %scan3A_92 = arith.addi %scan3A_90, %scan3A_91 : i32
      %scan3A_93 = arith.constant 1 : i32
      %scan3A_94 = scf.for %scan3A_147 = %scan3A_90 to %scan3A_92 step %scan3A_93 iter_args(%scan3A_148 = %scan3A_89) -> (i32)  : i32 {
        %mul3A_149 = arith.constant 5 : i32
        %mul3A_150 = arith.muli %scan3A_147, %mul3A_149 : i32
        %add3A_151 = arith.constant 0 : i32
        %add3A_152 = arith.addi %mul3A_150, %add3A_151 : i32
        %mul3A_153 = arith.constant 16 : i32
        %mul3A_154 = arith.muli %add3A_152, %mul3A_153 : i32
        %get3A_155 = arith.index_cast %mul3A_154 : i32 to index
        %get3A_156 = tpu.vector_load %arg20[%get3A_155] {strides = array<i32>} : memref<400xi32, #tpu.memory_space<vmem>>, vector<16xi32>,
        %mul3A_157 = arith.constant 16 : i32
        %mul3A_158 = arith.muli %add3A_152, %mul3A_157 : i32
        %get3A_159 = arith.index_cast %mul3A_158 : i32 to index
        %get3A_160 = tpu.vector_load %arg22[%get3A_159] {strides = array<i32>} : memref<400xi32, #tpu.memory_space<vmem>>, vector<16xi32>,
        %gather3A = tpu.vector_load_idx %arg13[%get3A_156] : memref<10000xf32, #tpu.memory_space<vmem>>[vector<16xi32>], vector<16xf32>,
        %gather3A_161 = tpu.vector_load_idx %arg14[%get3A_160] : memref<10000xf32, #tpu.memory_space<vmem>>[vector<16xi32>], vector<16xf32>,
        %gather3A_162 = tpu.vector_load_idx %arg15[%get3A_156] : memref<10000xf32, #tpu.memory_space<vmem>>[vector<16xi32>], vector<16xf32>,
        %gather3A_163 = tpu.vector_load_idx %arg16[%get3A_160] : memref<10000xf32, #tpu.memory_space<vmem>>[vector<16xi32>], vector<16xf32>,
        %add3A_164 = arith.addf %gather3A, %gather3A_161 : vector<16xf32>
        %ge3A_165 = arith.constant 0.000000e+00 : f32
        %ge3A_166 = vector.broadcast %ge3A_165 : f32 to vector<16xf32>
        %ge3A_167 = arith.cmpf oge, %add3A_164, %ge3A_166 : vector<16xf32>
        %mul3A_168 = arith.constant 2.000000e-01 : f32
        %mul3A_169 = vector.broadcast %mul3A_168 : f32 to vector<16xf32>
        %mul3A_170 = arith.mulf %mul3A_169, %add3A_164 : vector<16xf32>
        %select_n3A = arith.select %ge3A_167, %add3A_164, %mul3A_170 : vector<16xi1>, vector<16xf32>
        %add3A_171 = arith.addf %gather3A, %get3A_9 : vector<16xf32>
        %ge3A_172 = arith.constant 0.000000e+00 : f32
        %ge3A_173 = vector.broadcast %ge3A_172 : f32 to vector<16xf32>
        %ge3A_174 = arith.cmpf oge, %add3A_171, %ge3A_173 : vector<16xf32>
        %mul3A_175 = arith.constant 2.000000e-01 : f32
        %mul3A_176 = vector.broadcast %mul3A_175 : f32 to vector<16xf32>
        %mul3A_177 = arith.mulf %mul3A_176, %add3A_171 : vector<16xf32>
        %select_n3A_178 = arith.select %ge3A_174, %add3A_171, %mul3A_177 : vector<16xi1>, vector<16xf32>
        %sub3A = arith.subf %select_n3A, %select_n3A_178 : vector<16xf32>
        %exp3A = math.exp %sub3A : vector<16xf32>
        %add3A_179 = arith.addf %gather3A_162, %gather3A_163 : vector<16xf32>
        %ge3A_180 = arith.constant 0.000000e+00 : f32
        %ge3A_181 = vector.broadcast %ge3A_180 : f32 to vector<16xf32>
        %ge3A_182 = arith.cmpf oge, %add3A_179, %ge3A_181 : vector<16xf32>
        %mul3A_183 = arith.constant 2.000000e-01 : f32
        %mul3A_184 = vector.broadcast %mul3A_183 : f32 to vector<16xf32>
        %mul3A_185 = arith.mulf %mul3A_184, %add3A_179 : vector<16xf32>
        %select_n3A_186 = arith.select %ge3A_182, %add3A_179, %mul3A_185 : vector<16xi1>, vector<16xf32>
        %add3A_187 = arith.addf %gather3A_162, %get3A_13 : vector<16xf32>
        %ge3A_188 = arith.constant 0.000000e+00 : f32
        %ge3A_189 = vector.broadcast %ge3A_188 : f32 to vector<16xf32>
        %ge3A_190 = arith.cmpf oge, %add3A_187, %ge3A_189 : vector<16xf32>
        %mul3A_191 = arith.constant 2.000000e-01 : f32
        %mul3A_192 = vector.broadcast %mul3A_191 : f32 to vector<16xf32>
        %mul3A_193 = arith.mulf %mul3A_192, %add3A_187 : vector<16xf32>
        %select_n3A_194 = arith.select %ge3A_190, %add3A_187, %mul3A_193 : vector<16xi1>, vector<16xf32>
        %sub3A_195 = arith.subf %select_n3A_186, %select_n3A_194 : vector<16xf32>
        %exp3A_196 = math.exp %sub3A_195 : vector<16xf32>
        tpu.vector_store_idx %arg18[%get3A_156], %exp3A {add = true} : memref<10000xf32, #tpu.memory_space<vmem>>[vector<16xi32>], vector<16xf32>,
        tpu.vector_store_idx %arg19[%get3A_156], %exp3A_196 {add = true} : memref<10000xf32, #tpu.memory_space<vmem>>[vector<16xi32>], vector<16xf32>,
        %mul3A_197 = arith.constant 16 : i32
        %mul3A_198 = arith.muli %add3A_152, %mul3A_197 : i32
        %swap3A = arith.index_cast %mul3A_198 : i32 to index
        %swap3A_199 = tpu.vector_load %arg24[%swap3A] {strides = array<i32>} : memref<400xf32, #tpu.memory_space<vmem>>, vector<16xf32>,
        tpu.vector_store %arg24[%swap3A], %exp3A {strides = array<i32>} : memref<400xf32, #tpu.memory_space<vmem>>, vector<16xf32>,
        %mul3A_200 = arith.constant 16 : i32
        %mul3A_201 = arith.muli %add3A_152, %mul3A_200 : i32
        %swap3A_202 = arith.index_cast %mul3A_201 : i32 to index
        %swap3A_203 = tpu.vector_load %arg26[%swap3A_202] {strides = array<i32>} : memref<400xf32, #tpu.memory_space<vmem>>, vector<16xf32>,
        tpu.vector_store %arg26[%swap3A_202], %exp3A_196 {strides = array<i32>} : memref<400xf32, #tpu.memory_space<vmem>>, vector<16xf32>,
        %mul3A_204 = arith.constant 5 : i32
        %mul3A_205 = arith.muli %scan3A_147, %mul3A_204 : i32
        %add3A_206 = arith.constant 1 : i32
        %add3A_207 = arith.addi %mul3A_205, %add3A_206 : i32
        %mul3A_208 = arith.constant 16 : i32
        %mul3A_209 = arith.muli %add3A_207, %mul3A_208 : i32
        %get3A_210 = arith.index_cast %mul3A_209 : i32 to index
        %get3A_211 = tpu.vector_load %arg20[%get3A_210] {strides = array<i32>} : memref<400xi32, #tpu.memory_space<vmem>>, vector<16xi32>,
        %mul3A_212 = arith.constant 16 : i32
        %mul3A_213 = arith.muli %add3A_207, %mul3A_212 : i32
        %get3A_214 = arith.index_cast %mul3A_213 : i32 to index
        %get3A_215 = tpu.vector_load %arg22[%get3A_214] {strides = array<i32>} : memref<400xi32, #tpu.memory_space<vmem>>, vector<16xi32>,
        %gather3A_216 = tpu.vector_load_idx %arg13[%get3A_211] : memref<10000xf32, #tpu.memory_space<vmem>>[vector<16xi32>], vector<16xf32>,
        %gather3A_217 = tpu.vector_load_idx %arg14[%get3A_215] : memref<10000xf32, #tpu.memory_space<vmem>>[vector<16xi32>], vector<16xf32>,
        %gather3A_218 = tpu.vector_load_idx %arg15[%get3A_211] : memref<10000xf32, #tpu.memory_space<vmem>>[vector<16xi32>], vector<16xf32>,
        %gather3A_219 = tpu.vector_load_idx %arg16[%get3A_215] : memref<10000xf32, #tpu.memory_space<vmem>>[vector<16xi32>], vector<16xf32>,
        %add3A_220 = arith.addf %gather3A_216, %gather3A_217 : vector<16xf32>
        %ge3A_221 = arith.constant 0.000000e+00 : f32
        %ge3A_222 = vector.broadcast %ge3A_221 : f32 to vector<16xf32>
        %ge3A_223 = arith.cmpf oge, %add3A_220, %ge3A_222 : vector<16xf32>
        %mul3A_224 = arith.constant 2.000000e-01 : f32
        %mul3A_225 = vector.broadcast %mul3A_224 : f32 to vector<16xf32>
        %mul3A_226 = arith.mulf %mul3A_225, %add3A_220 : vector<16xf32>
        %select_n3A_227 = arith.select %ge3A_223, %add3A_220, %mul3A_226 : vector<16xi1>, vector<16xf32>
        %add3A_228 = arith.addf %gather3A_216, %get3A_9 : vector<16xf32>
        %ge3A_229 = arith.constant 0.000000e+00 : f32
        %ge3A_230 = vector.broadcast %ge3A_229 : f32 to vector<16xf32>
        %ge3A_231 = arith.cmpf oge, %add3A_228, %ge3A_230 : vector<16xf32>
        %mul3A_232 = arith.constant 2.000000e-01 : f32
        %mul3A_233 = vector.broadcast %mul3A_232 : f32 to vector<16xf32>
        %mul3A_234 = arith.mulf %mul3A_233, %add3A_228 : vector<16xf32>
        %select_n3A_235 = arith.select %ge3A_231, %add3A_228, %mul3A_234 : vector<16xi1>, vector<16xf32>
        %sub3A_236 = arith.subf %select_n3A_227, %select_n3A_235 : vector<16xf32>
        %exp3A_237 = math.exp %sub3A_236 : vector<16xf32>
        %add3A_238 = arith.addf %gather3A_218, %gather3A_219 : vector<16xf32>
        %ge3A_239 = arith.constant 0.000000e+00 : f32
        %ge3A_240 = vector.broadcast %ge3A_239 : f32 to vector<16xf32>
        %ge3A_241 = arith.cmpf oge, %add3A_238, %ge3A_240 : vector<16xf32>
        %mul3A_242 = arith.constant 2.000000e-01 : f32
        %mul3A_243 = vector.broadcast %mul3A_242 : f32 to vector<16xf32>
        %mul3A_244 = arith.mulf %mul3A_243, %add3A_238 : vector<16xf32>
        %select_n3A_245 = arith.select %ge3A_241, %add3A_238, %mul3A_244 : vector<16xi1>, vector<16xf32>
        %add3A_246 = arith.addf %gather3A_218, %get3A_13 : vector<16xf32>
        %ge3A_247 = arith.constant 0.000000e+00 : f32
        %ge3A_248 = vector.broadcast %ge3A_247 : f32 to vector<16xf32>
        %ge3A_249 = arith.cmpf oge, %add3A_246, %ge3A_248 : vector<16xf32>
        %mul3A_250 = arith.constant 2.000000e-01 : f32
        %mul3A_251 = vector.broadcast %mul3A_250 : f32 to vector<16xf32>
        %mul3A_252 = arith.mulf %mul3A_251, %add3A_246 : vector<16xf32>
        %select_n3A_253 = arith.select %ge3A_249, %add3A_246, %mul3A_252 : vector<16xi1>, vector<16xf32>
        %sub3A_254 = arith.subf %select_n3A_245, %select_n3A_253 : vector<16xf32>
        %exp3A_255 = math.exp %sub3A_254 : vector<16xf32>
        tpu.vector_store_idx %arg18[%get3A_211], %exp3A_237 {add = true} : memref<10000xf32, #tpu.memory_space<vmem>>[vector<16xi32>], vector<16xf32>,
        tpu.vector_store_idx %arg19[%get3A_211], %exp3A_255 {add = true} : memref<10000xf32, #tpu.memory_space<vmem>>[vector<16xi32>], vector<16xf32>,
        %mul3A_256 = arith.constant 16 : i32
        %mul3A_257 = arith.muli %add3A_207, %mul3A_256 : i32
        %swap3A_258 = arith.index_cast %mul3A_257 : i32 to index
        %swap3A_259 = tpu.vector_load %arg24[%swap3A_258] {strides = array<i32>} : memref<400xf32, #tpu.memory_space<vmem>>, vector<16xf32>,
        tpu.vector_store %arg24[%swap3A_258], %exp3A_237 {strides = array<i32>} : memref<400xf32, #tpu.memory_space<vmem>>, vector<16xf32>,
        %mul3A_260 = arith.constant 16 : i32
        %mul3A_261 = arith.muli %add3A_207, %mul3A_260 : i32
        %swap3A_262 = arith.index_cast %mul3A_261 : i32 to index
        %swap3A_263 = tpu.vector_load %arg26[%swap3A_262] {strides = array<i32>} : memref<400xf32, #tpu.memory_space<vmem>>, vector<16xf32>,
        tpu.vector_store %arg26[%swap3A_262], %exp3A_255 {strides = array<i32>} : memref<400xf32, #tpu.memory_space<vmem>>, vector<16xf32>,
        %mul3A_264 = arith.constant 5 : i32
        %mul3A_265 = arith.muli %scan3A_147, %mul3A_264 : i32
        %add3A_266 = arith.constant 2 : i32
        %add3A_267 = arith.addi %mul3A_265, %add3A_266 : i32
        %mul3A_268 = arith.constant 16 : i32
        %mul3A_269 = arith.muli %add3A_267, %mul3A_268 : i32
        %get3A_270 = arith.index_cast %mul3A_269 : i32 to index
        %get3A_271 = tpu.vector_load %arg20[%get3A_270] {strides = array<i32>} : memref<400xi32, #tpu.memory_space<vmem>>, vector<16xi32>,
        %mul3A_272 = arith.constant 16 : i32
        %mul3A_273 = arith.muli %add3A_267, %mul3A_272 : i32
        %get3A_274 = arith.index_cast %mul3A_273 : i32 to index
        %get3A_275 = tpu.vector_load %arg22[%get3A_274] {strides = array<i32>} : memref<400xi32, #tpu.memory_space<vmem>>, vector<16xi32>,
        %gather3A_276 = tpu.vector_load_idx %arg13[%get3A_271] : memref<10000xf32, #tpu.memory_space<vmem>>[vector<16xi32>], vector<16xf32>,
        %gather3A_277 = tpu.vector_load_idx %arg14[%get3A_275] : memref<10000xf32, #tpu.memory_space<vmem>>[vector<16xi32>], vector<16xf32>,
        %gather3A_278 = tpu.vector_load_idx %arg15[%get3A_271] : memref<10000xf32, #tpu.memory_space<vmem>>[vector<16xi32>], vector<16xf32>,
        %gather3A_279 = tpu.vector_load_idx %arg16[%get3A_275] : memref<10000xf32, #tpu.memory_space<vmem>>[vector<16xi32>], vector<16xf32>,
        %add3A_280 = arith.addf %gather3A_276, %gather3A_277 : vector<16xf32>
        %ge3A_281 = arith.constant 0.000000e+00 : f32
        %ge3A_282 = vector.broadcast %ge3A_281 : f32 to vector<16xf32>
        %ge3A_283 = arith.cmpf oge, %add3A_280, %ge3A_282 : vector<16xf32>
        %mul3A_284 = arith.constant 2.000000e-01 : f32
        %mul3A_285 = vector.broadcast %mul3A_284 : f32 to vector<16xf32>
        %mul3A_286 = arith.mulf %mul3A_285, %add3A_280 : vector<16xf32>
        %select_n3A_287 = arith.select %ge3A_283, %add3A_280, %mul3A_286 : vector<16xi1>, vector<16xf32>
        %add3A_288 = arith.addf %gather3A_276, %get3A_9 : vector<16xf32>
        %ge3A_289 = arith.constant 0.000000e+00 : f32
        %ge3A_290 = vector.broadcast %ge3A_289 : f32 to vector<16xf32>
        %ge3A_291 = arith.cmpf oge, %add3A_288, %ge3A_290 : vector<16xf32>
        %mul3A_292 = arith.constant 2.000000e-01 : f32
        %mul3A_293 = vector.broadcast %mul3A_292 : f32 to vector<16xf32>
        %mul3A_294 = arith.mulf %mul3A_293, %add3A_288 : vector<16xf32>
        %select_n3A_295 = arith.select %ge3A_291, %add3A_288, %mul3A_294 : vector<16xi1>, vector<16xf32>
        %sub3A_296 = arith.subf %select_n3A_287, %select_n3A_295 : vector<16xf32>
        %exp3A_297 = math.exp %sub3A_296 : vector<16xf32>
        %add3A_298 = arith.addf %gather3A_278, %gather3A_279 : vector<16xf32>
        %ge3A_299 = arith.constant 0.000000e+00 : f32
        %ge3A_300 = vector.broadcast %ge3A_299 : f32 to vector<16xf32>
        %ge3A_301 = arith.cmpf oge, %add3A_298, %ge3A_300 : vector<16xf32>
        %mul3A_302 = arith.constant 2.000000e-01 : f32
        %mul3A_303 = vector.broadcast %mul3A_302 : f32 to vector<16xf32>
        %mul3A_304 = arith.mulf %mul3A_303, %add3A_298 : vector<16xf32>
        %select_n3A_305 = arith.select %ge3A_301, %add3A_298, %mul3A_304 : vector<16xi1>, vector<16xf32>
        %add3A_306 = arith.addf %gather3A_278, %get3A_13 : vector<16xf32>
        %ge3A_307 = arith.constant 0.000000e+00 : f32
        %ge3A_308 = vector.broadcast %ge3A_307 : f32 to vector<16xf32>
        %ge3A_309 = arith.cmpf oge, %add3A_306, %ge3A_308 : vector<16xf32>
        %mul3A_310 = arith.constant 2.000000e-01 : f32
        %mul3A_311 = vector.broadcast %mul3A_310 : f32 to vector<16xf32>
        %mul3A_312 = arith.mulf %mul3A_311, %add3A_306 : vector<16xf32>
        %select_n3A_313 = arith.select %ge3A_309, %add3A_306, %mul3A_312 : vector<16xi1>, vector<16xf32>
        %sub3A_314 = arith.subf %select_n3A_305, %select_n3A_313 : vector<16xf32>
        %exp3A_315 = math.exp %sub3A_314 : vector<16xf32>
        tpu.vector_store_idx %arg18[%get3A_271], %exp3A_297 {add = true} : memref<10000xf32, #tpu.memory_space<vmem>>[vector<16xi32>], vector<16xf32>,
        tpu.vector_store_idx %arg19[%get3A_271], %exp3A_315 {add = true} : memref<10000xf32, #tpu.memory_space<vmem>>[vector<16xi32>], vector<16xf32>,
        %mul3A_316 = arith.constant 16 : i32
        %mul3A_317 = arith.muli %add3A_267, %mul3A_316 : i32
        %swap3A_318 = arith.index_cast %mul3A_317 : i32 to index
        %swap3A_319 = tpu.vector_load %arg24[%swap3A_318] {strides = array<i32>} : memref<400xf32, #tpu.memory_space<vmem>>, vector<16xf32>,
        tpu.vector_store %arg24[%swap3A_318], %exp3A_297 {strides = array<i32>} : memref<400xf32, #tpu.memory_space<vmem>>, vector<16xf32>,
        %mul3A_320 = arith.constant 16 : i32
        %mul3A_321 = arith.muli %add3A_267, %mul3A_320 : i32
        %swap3A_322 = arith.index_cast %mul3A_321 : i32 to index
        %swap3A_323 = tpu.vector_load %arg26[%swap3A_322] {strides = array<i32>} : memref<400xf32, #tpu.memory_space<vmem>>, vector<16xf32>,
        tpu.vector_store %arg26[%swap3A_322], %exp3A_315 {strides = array<i32>} : memref<400xf32, #tpu.memory_space<vmem>>, vector<16xf32>,
        %mul3A_324 = arith.constant 5 : i32
        %mul3A_325 = arith.muli %scan3A_147, %mul3A_324 : i32
        %add3A_326 = arith.constant 3 : i32
        %add3A_327 = arith.addi %mul3A_325, %add3A_326 : i32
        %mul3A_328 = arith.constant 16 : i32
        %mul3A_329 = arith.muli %add3A_327, %mul3A_328 : i32
        %get3A_330 = arith.index_cast %mul3A_329 : i32 to index
        %get3A_331 = tpu.vector_load %arg20[%get3A_330] {strides = array<i32>} : memref<400xi32, #tpu.memory_space<vmem>>, vector<16xi32>,
        %mul3A_332 = arith.constant 16 : i32
        %mul3A_333 = arith.muli %add3A_327, %mul3A_332 : i32
        %get3A_334 = arith.index_cast %mul3A_333 : i32 to index
        %get3A_335 = tpu.vector_load %arg22[%get3A_334] {strides = array<i32>} : memref<400xi32, #tpu.memory_space<vmem>>, vector<16xi32>,
        %gather3A_336 = tpu.vector_load_idx %arg13[%get3A_331] : memref<10000xf32, #tpu.memory_space<vmem>>[vector<16xi32>], vector<16xf32>,
        %gather3A_337 = tpu.vector_load_idx %arg14[%get3A_335] : memref<10000xf32, #tpu.memory_space<vmem>>[vector<16xi32>], vector<16xf32>,
        %gather3A_338 = tpu.vector_load_idx %arg15[%get3A_331] : memref<10000xf32, #tpu.memory_space<vmem>>[vector<16xi32>], vector<16xf32>,
        %gather3A_339 = tpu.vector_load_idx %arg16[%get3A_335] : memref<10000xf32, #tpu.memory_space<vmem>>[vector<16xi32>], vector<16xf32>,
        %add3A_340 = arith.addf %gather3A_336, %gather3A_337 : vector<16xf32>
        %ge3A_341 = arith.constant 0.000000e+00 : f32
        %ge3A_342 = vector.broadcast %ge3A_341 : f32 to vector<16xf32>
        %ge3A_343 = arith.cmpf oge, %add3A_340, %ge3A_342 : vector<16xf32>
        %mul3A_344 = arith.constant 2.000000e-01 : f32
        %mul3A_345 = vector.broadcast %mul3A_344 : f32 to vector<16xf32>
        %mul3A_346 = arith.mulf %mul3A_345, %add3A_340 : vector<16xf32>
        %select_n3A_347 = arith.select %ge3A_343, %add3A_340, %mul3A_346 : vector<16xi1>, vector<16xf32>
        %add3A_348 = arith.addf %gather3A_336, %get3A_9 : vector<16xf32>
        %ge3A_349 = arith.constant 0.000000e+00 : f32
        %ge3A_350 = vector.broadcast %ge3A_349 : f32 to vector<16xf32>
        %ge3A_351 = arith.cmpf oge, %add3A_348, %ge3A_350 : vector<16xf32>
        %mul3A_352 = arith.constant 2.000000e-01 : f32
        %mul3A_353 = vector.broadcast %mul3A_352 : f32 to vector<16xf32>
        %mul3A_354 = arith.mulf %mul3A_353, %add3A_348 : vector<16xf32>
        %select_n3A_355 = arith.select %ge3A_351, %add3A_348, %mul3A_354 : vector<16xi1>, vector<16xf32>
        %sub3A_356 = arith.subf %select_n3A_347, %select_n3A_355 : vector<16xf32>
        %exp3A_357 = math.exp %sub3A_356 : vector<16xf32>
        %add3A_358 = arith.addf %gather3A_338, %gather3A_339 : vector<16xf32>
        %ge3A_359 = arith.constant 0.000000e+00 : f32
        %ge3A_360 = vector.broadcast %ge3A_359 : f32 to vector<16xf32>
        %ge3A_361 = arith.cmpf oge, %add3A_358, %ge3A_360 : vector<16xf32>
        %mul3A_362 = arith.constant 2.000000e-01 : f32
        %mul3A_363 = vector.broadcast %mul3A_362 : f32 to vector<16xf32>
        %mul3A_364 = arith.mulf %mul3A_363, %add3A_358 : vector<16xf32>
        %select_n3A_365 = arith.select %ge3A_361, %add3A_358, %mul3A_364 : vector<16xi1>, vector<16xf32>
        %add3A_366 = arith.addf %gather3A_338, %get3A_13 : vector<16xf32>
        %ge3A_367 = arith.constant 0.000000e+00 : f32
        %ge3A_368 = vector.broadcast %ge3A_367 : f32 to vector<16xf32>
        %ge3A_369 = arith.cmpf oge, %add3A_366, %ge3A_368 : vector<16xf32>
        %mul3A_370 = arith.constant 2.000000e-01 : f32
        %mul3A_371 = vector.broadcast %mul3A_370 : f32 to vector<16xf32>
        %mul3A_372 = arith.mulf %mul3A_371, %add3A_366 : vector<16xf32>
        %select_n3A_373 = arith.select %ge3A_369, %add3A_366, %mul3A_372 : vector<16xi1>, vector<16xf32>
        %sub3A_374 = arith.subf %select_n3A_365, %select_n3A_373 : vector<16xf32>
        %exp3A_375 = math.exp %sub3A_374 : vector<16xf32>
        tpu.vector_store_idx %arg18[%get3A_331], %exp3A_357 {add = true} : memref<10000xf32, #tpu.memory_space<vmem>>[vector<16xi32>], vector<16xf32>,
        tpu.vector_store_idx %arg19[%get3A_331], %exp3A_375 {add = true} : memref<10000xf32, #tpu.memory_space<vmem>>[vector<16xi32>], vector<16xf32>,
        %mul3A_376 = arith.constant 16 : i32
        %mul3A_377 = arith.muli %add3A_327, %mul3A_376 : i32
        %swap3A_378 = arith.index_cast %mul3A_377 : i32 to index
        %swap3A_379 = tpu.vector_load %arg24[%swap3A_378] {strides = array<i32>} : memref<400xf32, #tpu.memory_space<vmem>>, vector<16xf32>,
        tpu.vector_store %arg24[%swap3A_378], %exp3A_357 {strides = array<i32>} : memref<400xf32, #tpu.memory_space<vmem>>, vector<16xf32>,
        %mul3A_380 = arith.constant 16 : i32
        %mul3A_381 = arith.muli %add3A_327, %mul3A_380 : i32
        %swap3A_382 = arith.index_cast %mul3A_381 : i32 to index
        %swap3A_383 = tpu.vector_load %arg26[%swap3A_382] {strides = array<i32>} : memref<400xf32, #tpu.memory_space<vmem>>, vector<16xf32>,
        tpu.vector_store %arg26[%swap3A_382], %exp3A_375 {strides = array<i32>} : memref<400xf32, #tpu.memory_space<vmem>>, vector<16xf32>,
        %mul3A_384 = arith.constant 5 : i32
        %mul3A_385 = arith.muli %scan3A_147, %mul3A_384 : i32
        %add3A_386 = arith.constant 4 : i32
        %add3A_387 = arith.addi %mul3A_385, %add3A_386 : i32
        %mul3A_388 = arith.constant 16 : i32
        %mul3A_389 = arith.muli %add3A_387, %mul3A_388 : i32
        %get3A_390 = arith.index_cast %mul3A_389 : i32 to index
        %get3A_391 = tpu.vector_load %arg20[%get3A_390] {strides = array<i32>} : memref<400xi32, #tpu.memory_space<vmem>>, vector<16xi32>,
        %mul3A_392 = arith.constant 16 : i32
        %mul3A_393 = arith.muli %add3A_387, %mul3A_392 : i32
        %get3A_394 = arith.index_cast %mul3A_393 : i32 to index
        %get3A_395 = tpu.vector_load %arg22[%get3A_394] {strides = array<i32>} : memref<400xi32, #tpu.memory_space<vmem>>, vector<16xi32>,
        %gather3A_396 = tpu.vector_load_idx %arg13[%get3A_391] : memref<10000xf32, #tpu.memory_space<vmem>>[vector<16xi32>], vector<16xf32>,
        %gather3A_397 = tpu.vector_load_idx %arg14[%get3A_395] : memref<10000xf32, #tpu.memory_space<vmem>>[vector<16xi32>], vector<16xf32>,
        %gather3A_398 = tpu.vector_load_idx %arg15[%get3A_391] : memref<10000xf32, #tpu.memory_space<vmem>>[vector<16xi32>], vector<16xf32>,
        %gather3A_399 = tpu.vector_load_idx %arg16[%get3A_395] : memref<10000xf32, #tpu.memory_space<vmem>>[vector<16xi32>], vector<16xf32>,
        %add3A_400 = arith.addf %gather3A_396, %gather3A_397 : vector<16xf32>
        %ge3A_401 = arith.constant 0.000000e+00 : f32
        %ge3A_402 = vector.broadcast %ge3A_401 : f32 to vector<16xf32>
        %ge3A_403 = arith.cmpf oge, %add3A_400, %ge3A_402 : vector<16xf32>
        %mul3A_404 = arith.constant 2.000000e-01 : f32
        %mul3A_405 = vector.broadcast %mul3A_404 : f32 to vector<16xf32>
        %mul3A_406 = arith.mulf %mul3A_405, %add3A_400 : vector<16xf32>
        %select_n3A_407 = arith.select %ge3A_403, %add3A_400, %mul3A_406 : vector<16xi1>, vector<16xf32>
        %add3A_408 = arith.addf %gather3A_396, %get3A_9 : vector<16xf32>
        %ge3A_409 = arith.constant 0.000000e+00 : f32
        %ge3A_410 = vector.broadcast %ge3A_409 : f32 to vector<16xf32>
        %ge3A_411 = arith.cmpf oge, %add3A_408, %ge3A_410 : vector<16xf32>
        %mul3A_412 = arith.constant 2.000000e-01 : f32
        %mul3A_413 = vector.broadcast %mul3A_412 : f32 to vector<16xf32>
        %mul3A_414 = arith.mulf %mul3A_413, %add3A_408 : vector<16xf32>
        %select_n3A_415 = arith.select %ge3A_411, %add3A_408, %mul3A_414 : vector<16xi1>, vector<16xf32>
        %sub3A_416 = arith.subf %select_n3A_407, %select_n3A_415 : vector<16xf32>
        %exp3A_417 = math.exp %sub3A_416 : vector<16xf32>
        %add3A_418 = arith.addf %gather3A_398, %gather3A_399 : vector<16xf32>
        %ge3A_419 = arith.constant 0.000000e+00 : f32
        %ge3A_420 = vector.broadcast %ge3A_419 : f32 to vector<16xf32>
        %ge3A_421 = arith.cmpf oge, %add3A_418, %ge3A_420 : vector<16xf32>
        %mul3A_422 = arith.constant 2.000000e-01 : f32
        %mul3A_423 = vector.broadcast %mul3A_422 : f32 to vector<16xf32>
        %mul3A_424 = arith.mulf %mul3A_423, %add3A_418 : vector<16xf32>
        %select_n3A_425 = arith.select %ge3A_421, %add3A_418, %mul3A_424 : vector<16xi1>, vector<16xf32>
        %add3A_426 = arith.addf %gather3A_398, %get3A_13 : vector<16xf32>
        %ge3A_427 = arith.constant 0.000000e+00 : f32
        %ge3A_428 = vector.broadcast %ge3A_427 : f32 to vector<16xf32>
        %ge3A_429 = arith.cmpf oge, %add3A_426, %ge3A_428 : vector<16xf32>
        %mul3A_430 = arith.constant 2.000000e-01 : f32
        %mul3A_431 = vector.broadcast %mul3A_430 : f32 to vector<16xf32>
        %mul3A_432 = arith.mulf %mul3A_431, %add3A_426 : vector<16xf32>
        %select_n3A_433 = arith.select %ge3A_429, %add3A_426, %mul3A_432 : vector<16xi1>, vector<16xf32>
        %sub3A_434 = arith.subf %select_n3A_425, %select_n3A_433 : vector<16xf32>
        %exp3A_435 = math.exp %sub3A_434 : vector<16xf32>
        tpu.vector_store_idx %arg18[%get3A_391], %exp3A_417 {add = true} : memref<10000xf32, #tpu.memory_space<vmem>>[vector<16xi32>], vector<16xf32>,
        tpu.vector_store_idx %arg19[%get3A_391], %exp3A_435 {add = true} : memref<10000xf32, #tpu.memory_space<vmem>>[vector<16xi32>], vector<16xf32>,
        %mul3A_436 = arith.constant 16 : i32
        %mul3A_437 = arith.muli %add3A_387, %mul3A_436 : i32
        %swap3A_438 = arith.index_cast %mul3A_437 : i32 to index
        %swap3A_439 = tpu.vector_load %arg24[%swap3A_438] {strides = array<i32>} : memref<400xf32, #tpu.memory_space<vmem>>, vector<16xf32>,
        tpu.vector_store %arg24[%swap3A_438], %exp3A_417 {strides = array<i32>} : memref<400xf32, #tpu.memory_space<vmem>>, vector<16xf32>,
        %mul3A_440 = arith.constant 16 : i32
        %mul3A_441 = arith.muli %add3A_387, %mul3A_440 : i32
        %swap3A_442 = arith.index_cast %mul3A_441 : i32 to index
        %swap3A_443 = tpu.vector_load %arg26[%swap3A_442] {strides = array<i32>} : memref<400xf32, #tpu.memory_space<vmem>>, vector<16xf32>,
        tpu.vector_store %arg26[%swap3A_442], %exp3A_435 {strides = array<i32>} : memref<400xf32, #tpu.memory_space<vmem>>, vector<16xf32>,
        %scan3A_444 = arith.constant 0 : i32
        scf.yield %scan3A_444 : i32
      }
      %scan3A_95 = arith.constant 5 : i32
      %mul3A_96 = arith.constant 400 : i32
      %mul3A_97 = arith.muli %add3A_79, %mul3A_96 : i32
      %add3A_98 = arith.addi %mul3A_15, %mul3A_97 : i32
      %dma_start3A_99 = tpu.memref_slice %arg9[%add3A_98] : memref<320000xf32, #tpu.memory_space<hbm>> -> memref<400xf32, #tpu.memory_space<hbm>>
      %dma_start3A_100 = tpu.memref_slice %arg9[%add3A_98] : memref<320000xf32, #tpu.memory_space<hbm>> -> memref<400xf32, #tpu.memory_space<hbm>>
      tpu.enqueue_dma source(%arg24 : memref<400xf32, #tpu.memory_space<vmem>>) target(%dma_start3A_100 : memref<400xf32, #tpu.memory_space<hbm>>) target_semaphore(%arg30 : memref<!tpu.dma_semaphore, #tpu.memory_space<semaphore_mem>>)
      %dma_start3A_101 = tpu.memref_slice %arg10[%add3A_98] : memref<320000xf32, #tpu.memory_space<hbm>> -> memref<400xf32, #tpu.memory_space<hbm>>
      %dma_start3A_102 = tpu.memref_slice %arg10[%add3A_98] : memref<320000xf32, #tpu.memory_space<hbm>> -> memref<400xf32, #tpu.memory_space<hbm>>
      tpu.enqueue_dma source(%arg26 : memref<400xf32, #tpu.memory_space<vmem>>) target(%dma_start3A_102 : memref<400xf32, #tpu.memory_space<hbm>>) target_semaphore(%arg30 : memref<!tpu.dma_semaphore, #tpu.memory_space<semaphore_mem>>)
      %add3A_103 = arith.constant 2 : i32
      %add3A_104 = arith.addi %add3A_79, %add3A_103 : i32
      %lt3A = arith.constant 25 : i32
      %lt3A_105 = arith.cmpi slt, %add3A_104, %lt3A : i32
      %convert_element_type3A_106 = arith.extui %lt3A_105 : i1 to i32
      %cond3A_107 = arith.constant 0 : i32
      %cond3A_108 = arith.cmpi ne, %convert_element_type3A_106, %cond3A_107 : i32
      scf.if %cond3A_108 {
        %add3A_147 = arith.constant 2 : i32
        %add3A_148 = arith.addi %add3A_79, %add3A_147 : i32
        %mul3A_149 = arith.constant 400 : i32
        %mul3A_150 = arith.muli %add3A_148, %mul3A_149 : i32
        %add3A_151 = arith.addi %mul3A_15, %mul3A_150 : i32
        %dma_start3A_152 = tpu.memref_slice %arg7[%add3A_151] : memref<320000xi32, #tpu.memory_space<hbm>> -> memref<400xi32, #tpu.memory_space<hbm>>
        %dma_start3A_153 = tpu.memref_slice %arg7[%add3A_151] : memref<320000xi32, #tpu.memory_space<hbm>> -> memref<400xi32, #tpu.memory_space<hbm>>
        tpu.enqueue_dma source(%dma_start3A_153 : memref<400xi32, #tpu.memory_space<hbm>>) target(%arg20 : memref<400xi32, #tpu.memory_space<vmem>>) target_semaphore(%arg28 : memref<!tpu.dma_semaphore, #tpu.memory_space<semaphore_mem>>)
        %dma_start3A_154 = tpu.memref_slice %arg8[%add3A_151] : memref<320000xi32, #tpu.memory_space<hbm>> -> memref<400xi32, #tpu.memory_space<hbm>>
        %dma_start3A_155 = tpu.memref_slice %arg8[%add3A_151] : memref<320000xi32, #tpu.memory_space<hbm>> -> memref<400xi32, #tpu.memory_space<hbm>>
        tpu.enqueue_dma source(%dma_start3A_155 : memref<400xi32, #tpu.memory_space<hbm>>) target(%arg22 : memref<400xi32, #tpu.memory_space<vmem>>) target_semaphore(%arg28 : memref<!tpu.dma_semaphore, #tpu.memory_space<semaphore_mem>>)
      } else {
      }
      %mul3A_109 = arith.constant 2 : i32
      %mul3A_110 = arith.muli %scan3A_74, %mul3A_109 : i32
      %add3A_111 = arith.constant 1 : i32
      %add3A_112 = arith.addi %mul3A_110, %add3A_111 : i32
      %mul3A_113 = arith.constant 400 : i32
      %mul3A_114 = arith.muli %add3A_112, %mul3A_113 : i32
      %add3A_115 = arith.addi %mul3A_15, %mul3A_114 : i32
      %dma_wait3A_116 = tpu.memref_slice %arg7[%add3A_115] : memref<320000xi32, #tpu.memory_space<hbm>> -> memref<400xi32, #tpu.memory_space<hbm>>
      %dma_wait3A_117 = tpu.memref_slice %arg7[%add3A_115] : memref<320000xi32, #tpu.memory_space<hbm>> -> memref<400xi32, #tpu.memory_space<hbm>>
      tpu.wait_dma2 semaphore(%arg29 : memref<!tpu.dma_semaphore, #tpu.memory_space<semaphore_mem>>) src(%dma_wait3A_117 : memref<400xi32, #tpu.memory_space<hbm>>) dst(%arg21 : memref<400xi32, #tpu.memory_space<vmem>>)
      %dma_wait3A_118 = tpu.memref_slice %arg8[%add3A_115] : memref<320000xi32, #tpu.memory_space<hbm>> -> memref<400xi32, #tpu.memory_space<hbm>>
      %dma_wait3A_119 = tpu.memref_slice %arg8[%add3A_115] : memref<320000xi32, #tpu.memory_space<hbm>> -> memref<400xi32, #tpu.memory_space<hbm>>
      tpu.wait_dma2 semaphore(%arg29 : memref<!tpu.dma_semaphore, #tpu.memory_space<semaphore_mem>>) src(%dma_wait3A_119 : memref<400xi32, #tpu.memory_space<hbm>>) dst(%arg23 : memref<400xi32, #tpu.memory_space<vmem>>)
      %ge3A_120 = arith.constant 2 : i32
      %ge3A_121 = arith.cmpi sge, %add3A_112, %ge3A_120 : i32
      %convert_element_type3A_122 = arith.extui %ge3A_121 : i1 to i32
      %cond3A_123 = arith.constant 0 : i32
      %cond3A_124 = arith.cmpi ne, %convert_element_type3A_122, %cond3A_123 : i32
      scf.if %cond3A_124 {
        %sub3A = arith.constant 2 : i32
        %sub3A_147 = arith.subi %add3A_112, %sub3A : i32
        %mul3A_148 = arith.constant 400 : i32
        %mul3A_149 = arith.muli %sub3A_147, %mul3A_148 : i32
        %add3A_150 = arith.addi %mul3A_15, %mul3A_149 : i32
        %dma_wait3A_151 = tpu.memref_slice %arg9[%add3A_150] : memref<320000xf32, #tpu.memory_space<hbm>> -> memref<400xf32, #tpu.memory_space<hbm>>
        %dma_wait3A_152 = tpu.memref_slice %arg9[%add3A_150] : memref<320000xf32, #tpu.memory_space<hbm>> -> memref<400xf32, #tpu.memory_space<hbm>>
        tpu.wait_dma2 semaphore(%arg31 : memref<!tpu.dma_semaphore, #tpu.memory_space<semaphore_mem>>) src(%arg25 : memref<400xf32, #tpu.memory_space<vmem>>) dst(%dma_wait3A_152 : memref<400xf32, #tpu.memory_space<hbm>>)
        %dma_wait3A_153 = tpu.memref_slice %arg10[%add3A_150] : memref<320000xf32, #tpu.memory_space<hbm>> -> memref<400xf32, #tpu.memory_space<hbm>>
        %dma_wait3A_154 = tpu.memref_slice %arg10[%add3A_150] : memref<320000xf32, #tpu.memory_space<hbm>> -> memref<400xf32, #tpu.memory_space<hbm>>
        tpu.wait_dma2 semaphore(%arg31 : memref<!tpu.dma_semaphore, #tpu.memory_space<semaphore_mem>>) src(%arg27 : memref<400xf32, #tpu.memory_space<vmem>>) dst(%dma_wait3A_154 : memref<400xf32, #tpu.memory_space<hbm>>)
      } else {
      }
      %scan3A_125 = arith.constant 0 : i32
      %scan3A_126 = arith.constant 0 : i32
      %scan3A_127 = arith.constant 5 : i32
      %scan3A_128 = arith.addi %scan3A_126, %scan3A_127 : i32
      %scan3A_129 = arith.constant 1 : i32
      %scan3A_130 = scf.for %scan3A_147 = %scan3A_126 to %scan3A_128 step %scan3A_129 iter_args(%scan3A_148 = %scan3A_125) -> (i32)  : i32 {
        %mul3A_149 = arith.constant 5 : i32
        %mul3A_150 = arith.muli %scan3A_147, %mul3A_149 : i32
        %add3A_151 = arith.constant 0 : i32
        %add3A_152 = arith.addi %mul3A_150, %add3A_151 : i32
        %mul3A_153 = arith.constant 16 : i32
        %mul3A_154 = arith.muli %add3A_152, %mul3A_153 : i32
        %get3A_155 = arith.index_cast %mul3A_154 : i32 to index
        %get3A_156 = tpu.vector_load %arg21[%get3A_155] {strides = array<i32>} : memref<400xi32, #tpu.memory_space<vmem>>, vector<16xi32>,
        %mul3A_157 = arith.constant 16 : i32
        %mul3A_158 = arith.muli %add3A_152, %mul3A_157 : i32
        %get3A_159 = arith.index_cast %mul3A_158 : i32 to index
        %get3A_160 = tpu.vector_load %arg23[%get3A_159] {strides = array<i32>} : memref<400xi32, #tpu.memory_space<vmem>>, vector<16xi32>,
        %gather3A = tpu.vector_load_idx %arg13[%get3A_156] : memref<10000xf32, #tpu.memory_space<vmem>>[vector<16xi32>], vector<16xf32>,
        %gather3A_161 = tpu.vector_load_idx %arg14[%get3A_160] : memref<10000xf32, #tpu.memory_space<vmem>>[vector<16xi32>], vector<16xf32>,
        %gather3A_162 = tpu.vector_load_idx %arg15[%get3A_156] : memref<10000xf32, #tpu.memory_space<vmem>>[vector<16xi32>], vector<16xf32>,
        %gather3A_163 = tpu.vector_load_idx %arg16[%get3A_160] : memref<10000xf32, #tpu.memory_space<vmem>>[vector<16xi32>], vector<16xf32>,
        %add3A_164 = arith.addf %gather3A, %gather3A_161 : vector<16xf32>
        %ge3A_165 = arith.constant 0.000000e+00 : f32
        %ge3A_166 = vector.broadcast %ge3A_165 : f32 to vector<16xf32>
        %ge3A_167 = arith.cmpf oge, %add3A_164, %ge3A_166 : vector<16xf32>
        %mul3A_168 = arith.constant 2.000000e-01 : f32
        %mul3A_169 = vector.broadcast %mul3A_168 : f32 to vector<16xf32>
        %mul3A_170 = arith.mulf %mul3A_169, %add3A_164 : vector<16xf32>
        %select_n3A = arith.select %ge3A_167, %add3A_164, %mul3A_170 : vector<16xi1>, vector<16xf32>
        %add3A_171 = arith.addf %gather3A, %get3A_9 : vector<16xf32>
        %ge3A_172 = arith.constant 0.000000e+00 : f32
        %ge3A_173 = vector.broadcast %ge3A_172 : f32 to vector<16xf32>
        %ge3A_174 = arith.cmpf oge, %add3A_171, %ge3A_173 : vector<16xf32>
        %mul3A_175 = arith.constant 2.000000e-01 : f32
        %mul3A_176 = vector.broadcast %mul3A_175 : f32 to vector<16xf32>
        %mul3A_177 = arith.mulf %mul3A_176, %add3A_171 : vector<16xf32>
        %select_n3A_178 = arith.select %ge3A_174, %add3A_171, %mul3A_177 : vector<16xi1>, vector<16xf32>
        %sub3A = arith.subf %select_n3A, %select_n3A_178 : vector<16xf32>
        %exp3A = math.exp %sub3A : vector<16xf32>
        %add3A_179 = arith.addf %gather3A_162, %gather3A_163 : vector<16xf32>
        %ge3A_180 = arith.constant 0.000000e+00 : f32
        %ge3A_181 = vector.broadcast %ge3A_180 : f32 to vector<16xf32>
        %ge3A_182 = arith.cmpf oge, %add3A_179, %ge3A_181 : vector<16xf32>
        %mul3A_183 = arith.constant 2.000000e-01 : f32
        %mul3A_184 = vector.broadcast %mul3A_183 : f32 to vector<16xf32>
        %mul3A_185 = arith.mulf %mul3A_184, %add3A_179 : vector<16xf32>
        %select_n3A_186 = arith.select %ge3A_182, %add3A_179, %mul3A_185 : vector<16xi1>, vector<16xf32>
        %add3A_187 = arith.addf %gather3A_162, %get3A_13 : vector<16xf32>
        %ge3A_188 = arith.constant 0.000000e+00 : f32
        %ge3A_189 = vector.broadcast %ge3A_188 : f32 to vector<16xf32>
        %ge3A_190 = arith.cmpf oge, %add3A_187, %ge3A_189 : vector<16xf32>
        %mul3A_191 = arith.constant 2.000000e-01 : f32
        %mul3A_192 = vector.broadcast %mul3A_191 : f32 to vector<16xf32>
        %mul3A_193 = arith.mulf %mul3A_192, %add3A_187 : vector<16xf32>
        %select_n3A_194 = arith.select %ge3A_190, %add3A_187, %mul3A_193 : vector<16xi1>, vector<16xf32>
        %sub3A_195 = arith.subf %select_n3A_186, %select_n3A_194 : vector<16xf32>
        %exp3A_196 = math.exp %sub3A_195 : vector<16xf32>
        tpu.vector_store_idx %arg18[%get3A_156], %exp3A {add = true} : memref<10000xf32, #tpu.memory_space<vmem>>[vector<16xi32>], vector<16xf32>,
        tpu.vector_store_idx %arg19[%get3A_156], %exp3A_196 {add = true} : memref<10000xf32, #tpu.memory_space<vmem>>[vector<16xi32>], vector<16xf32>,
        %mul3A_197 = arith.constant 16 : i32
        %mul3A_198 = arith.muli %add3A_152, %mul3A_197 : i32
        %swap3A = arith.index_cast %mul3A_198 : i32 to index
        %swap3A_199 = tpu.vector_load %arg25[%swap3A] {strides = array<i32>} : memref<400xf32, #tpu.memory_space<vmem>>, vector<16xf32>,
        tpu.vector_store %arg25[%swap3A], %exp3A {strides = array<i32>} : memref<400xf32, #tpu.memory_space<vmem>>, vector<16xf32>,
        %mul3A_200 = arith.constant 16 : i32
        %mul3A_201 = arith.muli %add3A_152, %mul3A_200 : i32
        %swap3A_202 = arith.index_cast %mul3A_201 : i32 to index
        %swap3A_203 = tpu.vector_load %arg27[%swap3A_202] {strides = array<i32>} : memref<400xf32, #tpu.memory_space<vmem>>, vector<16xf32>,
        tpu.vector_store %arg27[%swap3A_202], %exp3A_196 {strides = array<i32>} : memref<400xf32, #tpu.memory_space<vmem>>, vector<16xf32>,
        %mul3A_204 = arith.constant 5 : i32
        %mul3A_205 = arith.muli %scan3A_147, %mul3A_204 : i32
        %add3A_206 = arith.constant 1 : i32
        %add3A_207 = arith.addi %mul3A_205, %add3A_206 : i32
        %mul3A_208 = arith.constant 16 : i32
        %mul3A_209 = arith.muli %add3A_207, %mul3A_208 : i32
        %get3A_210 = arith.index_cast %mul3A_209 : i32 to index
        %get3A_211 = tpu.vector_load %arg21[%get3A_210] {strides = array<i32>} : memref<400xi32, #tpu.memory_space<vmem>>, vector<16xi32>,
        %mul3A_212 = arith.constant 16 : i32
        %mul3A_213 = arith.muli %add3A_207, %mul3A_212 : i32
        %get3A_214 = arith.index_cast %mul3A_213 : i32 to index
        %get3A_215 = tpu.vector_load %arg23[%get3A_214] {strides = array<i32>} : memref<400xi32, #tpu.memory_space<vmem>>, vector<16xi32>,
        %gather3A_216 = tpu.vector_load_idx %arg13[%get3A_211] : memref<10000xf32, #tpu.memory_space<vmem>>[vector<16xi32>], vector<16xf32>,
        %gather3A_217 = tpu.vector_load_idx %arg14[%get3A_215] : memref<10000xf32, #tpu.memory_space<vmem>>[vector<16xi32>], vector<16xf32>,
        %gather3A_218 = tpu.vector_load_idx %arg15[%get3A_211] : memref<10000xf32, #tpu.memory_space<vmem>>[vector<16xi32>], vector<16xf32>,
        %gather3A_219 = tpu.vector_load_idx %arg16[%get3A_215] : memref<10000xf32, #tpu.memory_space<vmem>>[vector<16xi32>], vector<16xf32>,
        %add3A_220 = arith.addf %gather3A_216, %gather3A_217 : vector<16xf32>
        %ge3A_221 = arith.constant 0.000000e+00 : f32
        %ge3A_222 = vector.broadcast %ge3A_221 : f32 to vector<16xf32>
        %ge3A_223 = arith.cmpf oge, %add3A_220, %ge3A_222 : vector<16xf32>
        %mul3A_224 = arith.constant 2.000000e-01 : f32
        %mul3A_225 = vector.broadcast %mul3A_224 : f32 to vector<16xf32>
        %mul3A_226 = arith.mulf %mul3A_225, %add3A_220 : vector<16xf32>
        %select_n3A_227 = arith.select %ge3A_223, %add3A_220, %mul3A_226 : vector<16xi1>, vector<16xf32>
        %add3A_228 = arith.addf %gather3A_216, %get3A_9 : vector<16xf32>
        %ge3A_229 = arith.constant 0.000000e+00 : f32
        %ge3A_230 = vector.broadcast %ge3A_229 : f32 to vector<16xf32>
        %ge3A_231 = arith.cmpf oge, %add3A_228, %ge3A_230 : vector<16xf32>
        %mul3A_232 = arith.constant 2.000000e-01 : f32
        %mul3A_233 = vector.broadcast %mul3A_232 : f32 to vector<16xf32>
        %mul3A_234 = arith.mulf %mul3A_233, %add3A_228 : vector<16xf32>
        %select_n3A_235 = arith.select %ge3A_231, %add3A_228, %mul3A_234 : vector<16xi1>, vector<16xf32>
        %sub3A_236 = arith.subf %select_n3A_227, %select_n3A_235 : vector<16xf32>
        %exp3A_237 = math.exp %sub3A_236 : vector<16xf32>
        %add3A_238 = arith.addf %gather3A_218, %gather3A_219 : vector<16xf32>
        %ge3A_239 = arith.constant 0.000000e+00 : f32
        %ge3A_240 = vector.broadcast %ge3A_239 : f32 to vector<16xf32>
        %ge3A_241 = arith.cmpf oge, %add3A_238, %ge3A_240 : vector<16xf32>
        %mul3A_242 = arith.constant 2.000000e-01 : f32
        %mul3A_243 = vector.broadcast %mul3A_242 : f32 to vector<16xf32>
        %mul3A_244 = arith.mulf %mul3A_243, %add3A_238 : vector<16xf32>
        %select_n3A_245 = arith.select %ge3A_241, %add3A_238, %mul3A_244 : vector<16xi1>, vector<16xf32>
        %add3A_246 = arith.addf %gather3A_218, %get3A_13 : vector<16xf32>
        %ge3A_247 = arith.constant 0.000000e+00 : f32
        %ge3A_248 = vector.broadcast %ge3A_247 : f32 to vector<16xf32>
        %ge3A_249 = arith.cmpf oge, %add3A_246, %ge3A_248 : vector<16xf32>
        %mul3A_250 = arith.constant 2.000000e-01 : f32
        %mul3A_251 = vector.broadcast %mul3A_250 : f32 to vector<16xf32>
        %mul3A_252 = arith.mulf %mul3A_251, %add3A_246 : vector<16xf32>
        %select_n3A_253 = arith.select %ge3A_249, %add3A_246, %mul3A_252 : vector<16xi1>, vector<16xf32>
        %sub3A_254 = arith.subf %select_n3A_245, %select_n3A_253 : vector<16xf32>
        %exp3A_255 = math.exp %sub3A_254 : vector<16xf32>
        tpu.vector_store_idx %arg18[%get3A_211], %exp3A_237 {add = true} : memref<10000xf32, #tpu.memory_space<vmem>>[vector<16xi32>], vector<16xf32>,
        tpu.vector_store_idx %arg19[%get3A_211], %exp3A_255 {add = true} : memref<10000xf32, #tpu.memory_space<vmem>>[vector<16xi32>], vector<16xf32>,
        %mul3A_256 = arith.constant 16 : i32
        %mul3A_257 = arith.muli %add3A_207, %mul3A_256 : i32
        %swap3A_258 = arith.index_cast %mul3A_257 : i32 to index
        %swap3A_259 = tpu.vector_load %arg25[%swap3A_258] {strides = array<i32>} : memref<400xf32, #tpu.memory_space<vmem>>, vector<16xf32>,
        tpu.vector_store %arg25[%swap3A_258], %exp3A_237 {strides = array<i32>} : memref<400xf32, #tpu.memory_space<vmem>>, vector<16xf32>,
        %mul3A_260 = arith.constant 16 : i32
        %mul3A_261 = arith.muli %add3A_207, %mul3A_260 : i32
        %swap3A_262 = arith.index_cast %mul3A_261 : i32 to index
        %swap3A_263 = tpu.vector_load %arg27[%swap3A_262] {strides = array<i32>} : memref<400xf32, #tpu.memory_space<vmem>>, vector<16xf32>,
        tpu.vector_store %arg27[%swap3A_262], %exp3A_255 {strides = array<i32>} : memref<400xf32, #tpu.memory_space<vmem>>, vector<16xf32>,
        %mul3A_264 = arith.constant 5 : i32
        %mul3A_265 = arith.muli %scan3A_147, %mul3A_264 : i32
        %add3A_266 = arith.constant 2 : i32
        %add3A_267 = arith.addi %mul3A_265, %add3A_266 : i32
        %mul3A_268 = arith.constant 16 : i32
        %mul3A_269 = arith.muli %add3A_267, %mul3A_268 : i32
        %get3A_270 = arith.index_cast %mul3A_269 : i32 to index
        %get3A_271 = tpu.vector_load %arg21[%get3A_270] {strides = array<i32>} : memref<400xi32, #tpu.memory_space<vmem>>, vector<16xi32>,
        %mul3A_272 = arith.constant 16 : i32
        %mul3A_273 = arith.muli %add3A_267, %mul3A_272 : i32
        %get3A_274 = arith.index_cast %mul3A_273 : i32 to index
        %get3A_275 = tpu.vector_load %arg23[%get3A_274] {strides = array<i32>} : memref<400xi32, #tpu.memory_space<vmem>>, vector<16xi32>,
        %gather3A_276 = tpu.vector_load_idx %arg13[%get3A_271] : memref<10000xf32, #tpu.memory_space<vmem>>[vector<16xi32>], vector<16xf32>,
        %gather3A_277 = tpu.vector_load_idx %arg14[%get3A_275] : memref<10000xf32, #tpu.memory_space<vmem>>[vector<16xi32>], vector<16xf32>,
        %gather3A_278 = tpu.vector_load_idx %arg15[%get3A_271] : memref<10000xf32, #tpu.memory_space<vmem>>[vector<16xi32>], vector<16xf32>,
        %gather3A_279 = tpu.vector_load_idx %arg16[%get3A_275] : memref<10000xf32, #tpu.memory_space<vmem>>[vector<16xi32>], vector<16xf32>,
        %add3A_280 = arith.addf %gather3A_276, %gather3A_277 : vector<16xf32>
        %ge3A_281 = arith.constant 0.000000e+00 : f32
        %ge3A_282 = vector.broadcast %ge3A_281 : f32 to vector<16xf32>
        %ge3A_283 = arith.cmpf oge, %add3A_280, %ge3A_282 : vector<16xf32>
        %mul3A_284 = arith.constant 2.000000e-01 : f32
        %mul3A_285 = vector.broadcast %mul3A_284 : f32 to vector<16xf32>
        %mul3A_286 = arith.mulf %mul3A_285, %add3A_280 : vector<16xf32>
        %select_n3A_287 = arith.select %ge3A_283, %add3A_280, %mul3A_286 : vector<16xi1>, vector<16xf32>
        %add3A_288 = arith.addf %gather3A_276, %get3A_9 : vector<16xf32>
        %ge3A_289 = arith.constant 0.000000e+00 : f32
        %ge3A_290 = vector.broadcast %ge3A_289 : f32 to vector<16xf32>
        %ge3A_291 = arith.cmpf oge, %add3A_288, %ge3A_290 : vector<16xf32>
        %mul3A_292 = arith.constant 2.000000e-01 : f32
        %mul3A_293 = vector.broadcast %mul3A_292 : f32 to vector<16xf32>
        %mul3A_294 = arith.mulf %mul3A_293, %add3A_288 : vector<16xf32>
        %select_n3A_295 = arith.select %ge3A_291, %add3A_288, %mul3A_294 : vector<16xi1>, vector<16xf32>
        %sub3A_296 = arith.subf %select_n3A_287, %select_n3A_295 : vector<16xf32>
        %exp3A_297 = math.exp %sub3A_296 : vector<16xf32>
        %add3A_298 = arith.addf %gather3A_278, %gather3A_279 : vector<16xf32>
        %ge3A_299 = arith.constant 0.000000e+00 : f32
        %ge3A_300 = vector.broadcast %ge3A_299 : f32 to vector<16xf32>
        %ge3A_301 = arith.cmpf oge, %add3A_298, %ge3A_300 : vector<16xf32>
        %mul3A_302 = arith.constant 2.000000e-01 : f32
        %mul3A_303 = vector.broadcast %mul3A_302 : f32 to vector<16xf32>
        %mul3A_304 = arith.mulf %mul3A_303, %add3A_298 : vector<16xf32>
        %select_n3A_305 = arith.select %ge3A_301, %add3A_298, %mul3A_304 : vector<16xi1>, vector<16xf32>
        %add3A_306 = arith.addf %gather3A_278, %get3A_13 : vector<16xf32>
        %ge3A_307 = arith.constant 0.000000e+00 : f32
        %ge3A_308 = vector.broadcast %ge3A_307 : f32 to vector<16xf32>
        %ge3A_309 = arith.cmpf oge, %add3A_306, %ge3A_308 : vector<16xf32>
        %mul3A_310 = arith.constant 2.000000e-01 : f32
        %mul3A_311 = vector.broadcast %mul3A_310 : f32 to vector<16xf32>
        %mul3A_312 = arith.mulf %mul3A_311, %add3A_306 : vector<16xf32>
        %select_n3A_313 = arith.select %ge3A_309, %add3A_306, %mul3A_312 : vector<16xi1>, vector<16xf32>
        %sub3A_314 = arith.subf %select_n3A_305, %select_n3A_313 : vector<16xf32>
        %exp3A_315 = math.exp %sub3A_314 : vector<16xf32>
        tpu.vector_store_idx %arg18[%get3A_271], %exp3A_297 {add = true} : memref<10000xf32, #tpu.memory_space<vmem>>[vector<16xi32>], vector<16xf32>,
        tpu.vector_store_idx %arg19[%get3A_271], %exp3A_315 {add = true} : memref<10000xf32, #tpu.memory_space<vmem>>[vector<16xi32>], vector<16xf32>,
        %mul3A_316 = arith.constant 16 : i32
        %mul3A_317 = arith.muli %add3A_267, %mul3A_316 : i32
        %swap3A_318 = arith.index_cast %mul3A_317 : i32 to index
        %swap3A_319 = tpu.vector_load %arg25[%swap3A_318] {strides = array<i32>} : memref<400xf32, #tpu.memory_space<vmem>>, vector<16xf32>,
        tpu.vector_store %arg25[%swap3A_318], %exp3A_297 {strides = array<i32>} : memref<400xf32, #tpu.memory_space<vmem>>, vector<16xf32>,
        %mul3A_320 = arith.constant 16 : i32
        %mul3A_321 = arith.muli %add3A_267, %mul3A_320 : i32
        %swap3A_322 = arith.index_cast %mul3A_321 : i32 to index
        %swap3A_323 = tpu.vector_load %arg27[%swap3A_322] {strides = array<i32>} : memref<400xf32, #tpu.memory_space<vmem>>, vector<16xf32>,
        tpu.vector_store %arg27[%swap3A_322], %exp3A_315 {strides = array<i32>} : memref<400xf32, #tpu.memory_space<vmem>>, vector<16xf32>,
        %mul3A_324 = arith.constant 5 : i32
        %mul3A_325 = arith.muli %scan3A_147, %mul3A_324 : i32
        %add3A_326 = arith.constant 3 : i32
        %add3A_327 = arith.addi %mul3A_325, %add3A_326 : i32
        %mul3A_328 = arith.constant 16 : i32
        %mul3A_329 = arith.muli %add3A_327, %mul3A_328 : i32
        %get3A_330 = arith.index_cast %mul3A_329 : i32 to index
        %get3A_331 = tpu.vector_load %arg21[%get3A_330] {strides = array<i32>} : memref<400xi32, #tpu.memory_space<vmem>>, vector<16xi32>,
        %mul3A_332 = arith.constant 16 : i32
        %mul3A_333 = arith.muli %add3A_327, %mul3A_332 : i32
        %get3A_334 = arith.index_cast %mul3A_333 : i32 to index
        %get3A_335 = tpu.vector_load %arg23[%get3A_334] {strides = array<i32>} : memref<400xi32, #tpu.memory_space<vmem>>, vector<16xi32>,
        %gather3A_336 = tpu.vector_load_idx %arg13[%get3A_331] : memref<10000xf32, #tpu.memory_space<vmem>>[vector<16xi32>], vector<16xf32>,
        %gather3A_337 = tpu.vector_load_idx %arg14[%get3A_335] : memref<10000xf32, #tpu.memory_space<vmem>>[vector<16xi32>], vector<16xf32>,
        %gather3A_338 = tpu.vector_load_idx %arg15[%get3A_331] : memref<10000xf32, #tpu.memory_space<vmem>>[vector<16xi32>], vector<16xf32>,
        %gather3A_339 = tpu.vector_load_idx %arg16[%get3A_335] : memref<10000xf32, #tpu.memory_space<vmem>>[vector<16xi32>], vector<16xf32>,
        %add3A_340 = arith.addf %gather3A_336, %gather3A_337 : vector<16xf32>
        %ge3A_341 = arith.constant 0.000000e+00 : f32
        %ge3A_342 = vector.broadcast %ge3A_341 : f32 to vector<16xf32>
        %ge3A_343 = arith.cmpf oge, %add3A_340, %ge3A_342 : vector<16xf32>
        %mul3A_344 = arith.constant 2.000000e-01 : f32
        %mul3A_345 = vector.broadcast %mul3A_344 : f32 to vector<16xf32>
        %mul3A_346 = arith.mulf %mul3A_345, %add3A_340 : vector<16xf32>
        %select_n3A_347 = arith.select %ge3A_343, %add3A_340, %mul3A_346 : vector<16xi1>, vector<16xf32>
        %add3A_348 = arith.addf %gather3A_336, %get3A_9 : vector<16xf32>
        %ge3A_349 = arith.constant 0.000000e+00 : f32
        %ge3A_350 = vector.broadcast %ge3A_349 : f32 to vector<16xf32>
        %ge3A_351 = arith.cmpf oge, %add3A_348, %ge3A_350 : vector<16xf32>
        %mul3A_352 = arith.constant 2.000000e-01 : f32
        %mul3A_353 = vector.broadcast %mul3A_352 : f32 to vector<16xf32>
        %mul3A_354 = arith.mulf %mul3A_353, %add3A_348 : vector<16xf32>
        %select_n3A_355 = arith.select %ge3A_351, %add3A_348, %mul3A_354 : vector<16xi1>, vector<16xf32>
        %sub3A_356 = arith.subf %select_n3A_347, %select_n3A_355 : vector<16xf32>
        %exp3A_357 = math.exp %sub3A_356 : vector<16xf32>
        %add3A_358 = arith.addf %gather3A_338, %gather3A_339 : vector<16xf32>
        %ge3A_359 = arith.constant 0.000000e+00 : f32
        %ge3A_360 = vector.broadcast %ge3A_359 : f32 to vector<16xf32>
        %ge3A_361 = arith.cmpf oge, %add3A_358, %ge3A_360 : vector<16xf32>
        %mul3A_362 = arith.constant 2.000000e-01 : f32
        %mul3A_363 = vector.broadcast %mul3A_362 : f32 to vector<16xf32>
        %mul3A_364 = arith.mulf %mul3A_363, %add3A_358 : vector<16xf32>
        %select_n3A_365 = arith.select %ge3A_361, %add3A_358, %mul3A_364 : vector<16xi1>, vector<16xf32>
        %add3A_366 = arith.addf %gather3A_338, %get3A_13 : vector<16xf32>
        %ge3A_367 = arith.constant 0.000000e+00 : f32
        %ge3A_368 = vector.broadcast %ge3A_367 : f32 to vector<16xf32>
        %ge3A_369 = arith.cmpf oge, %add3A_366, %ge3A_368 : vector<16xf32>
        %mul3A_370 = arith.constant 2.000000e-01 : f32
        %mul3A_371 = vector.broadcast %mul3A_370 : f32 to vector<16xf32>
        %mul3A_372 = arith.mulf %mul3A_371, %add3A_366 : vector<16xf32>
        %select_n3A_373 = arith.select %ge3A_369, %add3A_366, %mul3A_372 : vector<16xi1>, vector<16xf32>
        %sub3A_374 = arith.subf %select_n3A_365, %select_n3A_373 : vector<16xf32>
        %exp3A_375 = math.exp %sub3A_374 : vector<16xf32>
        tpu.vector_store_idx %arg18[%get3A_331], %exp3A_357 {add = true} : memref<10000xf32, #tpu.memory_space<vmem>>[vector<16xi32>], vector<16xf32>,
        tpu.vector_store_idx %arg19[%get3A_331], %exp3A_375 {add = true} : memref<10000xf32, #tpu.memory_space<vmem>>[vector<16xi32>], vector<16xf32>,
        %mul3A_376 = arith.constant 16 : i32
        %mul3A_377 = arith.muli %add3A_327, %mul3A_376 : i32
        %swap3A_378 = arith.index_cast %mul3A_377 : i32 to index
        %swap3A_379 = tpu.vector_load %arg25[%swap3A_378] {strides = array<i32>} : memref<400xf32, #tpu.memory_space<vmem>>, vector<16xf32>,
        tpu.vector_store %arg25[%swap3A_378], %exp3A_357 {strides = array<i32>} : memref<400xf32, #tpu.memory_space<vmem>>, vector<16xf32>,
        %mul3A_380 = arith.constant 16 : i32
        %mul3A_381 = arith.muli %add3A_327, %mul3A_380 : i32
        %swap3A_382 = arith.index_cast %mul3A_381 : i32 to index
        %swap3A_383 = tpu.vector_load %arg27[%swap3A_382] {strides = array<i32>} : memref<400xf32, #tpu.memory_space<vmem>>, vector<16xf32>,
        tpu.vector_store %arg27[%swap3A_382], %exp3A_375 {strides = array<i32>} : memref<400xf32, #tpu.memory_space<vmem>>, vector<16xf32>,
        %mul3A_384 = arith.constant 5 : i32
        %mul3A_385 = arith.muli %scan3A_147, %mul3A_384 : i32
        %add3A_386 = arith.constant 4 : i32
        %add3A_387 = arith.addi %mul3A_385, %add3A_386 : i32
        %mul3A_388 = arith.constant 16 : i32
        %mul3A_389 = arith.muli %add3A_387, %mul3A_388 : i32
        %get3A_390 = arith.index_cast %mul3A_389 : i32 to index
        %get3A_391 = tpu.vector_load %arg21[%get3A_390] {strides = array<i32>} : memref<400xi32, #tpu.memory_space<vmem>>, vector<16xi32>,
        %mul3A_392 = arith.constant 16 : i32
        %mul3A_393 = arith.muli %add3A_387, %mul3A_392 : i32
        %get3A_394 = arith.index_cast %mul3A_393 : i32 to index
        %get3A_395 = tpu.vector_load %arg23[%get3A_394] {strides = array<i32>} : memref<400xi32, #tpu.memory_space<vmem>>, vector<16xi32>,
        %gather3A_396 = tpu.vector_load_idx %arg13[%get3A_391] : memref<10000xf32, #tpu.memory_space<vmem>>[vector<16xi32>], vector<16xf32>,
        %gather3A_397 = tpu.vector_load_idx %arg14[%get3A_395] : memref<10000xf32, #tpu.memory_space<vmem>>[vector<16xi32>], vector<16xf32>,
        %gather3A_398 = tpu.vector_load_idx %arg15[%get3A_391] : memref<10000xf32, #tpu.memory_space<vmem>>[vector<16xi32>], vector<16xf32>,
        %gather3A_399 = tpu.vector_load_idx %arg16[%get3A_395] : memref<10000xf32, #tpu.memory_space<vmem>>[vector<16xi32>], vector<16xf32>,
        %add3A_400 = arith.addf %gather3A_396, %gather3A_397 : vector<16xf32>
        %ge3A_401 = arith.constant 0.000000e+00 : f32
        %ge3A_402 = vector.broadcast %ge3A_401 : f32 to vector<16xf32>
        %ge3A_403 = arith.cmpf oge, %add3A_400, %ge3A_402 : vector<16xf32>
        %mul3A_404 = arith.constant 2.000000e-01 : f32
        %mul3A_405 = vector.broadcast %mul3A_404 : f32 to vector<16xf32>
        %mul3A_406 = arith.mulf %mul3A_405, %add3A_400 : vector<16xf32>
        %select_n3A_407 = arith.select %ge3A_403, %add3A_400, %mul3A_406 : vector<16xi1>, vector<16xf32>
        %add3A_408 = arith.addf %gather3A_396, %get3A_9 : vector<16xf32>
        %ge3A_409 = arith.constant 0.000000e+00 : f32
        %ge3A_410 = vector.broadcast %ge3A_409 : f32 to vector<16xf32>
        %ge3A_411 = arith.cmpf oge, %add3A_408, %ge3A_410 : vector<16xf32>
        %mul3A_412 = arith.constant 2.000000e-01 : f32
        %mul3A_413 = vector.broadcast %mul3A_412 : f32 to vector<16xf32>
        %mul3A_414 = arith.mulf %mul3A_413, %add3A_408 : vector<16xf32>
        %select_n3A_415 = arith.select %ge3A_411, %add3A_408, %mul3A_414 : vector<16xi1>, vector<16xf32>
        %sub3A_416 = arith.subf %select_n3A_407, %select_n3A_415 : vector<16xf32>
        %exp3A_417 = math.exp %sub3A_416 : vector<16xf32>
        %add3A_418 = arith.addf %gather3A_398, %gather3A_399 : vector<16xf32>
        %ge3A_419 = arith.constant 0.000000e+00 : f32
        %ge3A_420 = vector.broadcast %ge3A_419 : f32 to vector<16xf32>
        %ge3A_421 = arith.cmpf oge, %add3A_418, %ge3A_420 : vector<16xf32>
        %mul3A_422 = arith.constant 2.000000e-01 : f32
        %mul3A_423 = vector.broadcast %mul3A_422 : f32 to vector<16xf32>
        %mul3A_424 = arith.mulf %mul3A_423, %add3A_418 : vector<16xf32>
        %select_n3A_425 = arith.select %ge3A_421, %add3A_418, %mul3A_424 : vector<16xi1>, vector<16xf32>
        %add3A_426 = arith.addf %gather3A_398, %get3A_13 : vector<16xf32>
        %ge3A_427 = arith.constant 0.000000e+00 : f32
        %ge3A_428 = vector.broadcast %ge3A_427 : f32 to vector<16xf32>
        %ge3A_429 = arith.cmpf oge, %add3A_426, %ge3A_428 : vector<16xf32>
        %mul3A_430 = arith.constant 2.000000e-01 : f32
        %mul3A_431 = vector.broadcast %mul3A_430 : f32 to vector<16xf32>
        %mul3A_432 = arith.mulf %mul3A_431, %add3A_426 : vector<16xf32>
        %select_n3A_433 = arith.select %ge3A_429, %add3A_426, %mul3A_432 : vector<16xi1>, vector<16xf32>
        %sub3A_434 = arith.subf %select_n3A_425, %select_n3A_433 : vector<16xf32>
        %exp3A_435 = math.exp %sub3A_434 : vector<16xf32>
        tpu.vector_store_idx %arg18[%get3A_391], %exp3A_417 {add = true} : memref<10000xf32, #tpu.memory_space<vmem>>[vector<16xi32>], vector<16xf32>,
        tpu.vector_store_idx %arg19[%get3A_391], %exp3A_435 {add = true} : memref<10000xf32, #tpu.memory_space<vmem>>[vector<16xi32>], vector<16xf32>,
        %mul3A_436 = arith.constant 16 : i32
        %mul3A_437 = arith.muli %add3A_387, %mul3A_436 : i32
        %swap3A_438 = arith.index_cast %mul3A_437 : i32 to index
        %swap3A_439 = tpu.vector_load %arg25[%swap3A_438] {strides = array<i32>} : memref<400xf32, #tpu.memory_space<vmem>>, vector<16xf32>,
        tpu.vector_store %arg25[%swap3A_438], %exp3A_417 {strides = array<i32>} : memref<400xf32, #tpu.memory_space<vmem>>, vector<16xf32>,
        %mul3A_440 = arith.constant 16 : i32
        %mul3A_441 = arith.muli %add3A_387, %mul3A_440 : i32
        %swap3A_442 = arith.index_cast %mul3A_441 : i32 to index
        %swap3A_443 = tpu.vector_load %arg27[%swap3A_442] {strides = array<i32>} : memref<400xf32, #tpu.memory_space<vmem>>, vector<16xf32>,
        tpu.vector_store %arg27[%swap3A_442], %exp3A_435 {strides = array<i32>} : memref<400xf32, #tpu.memory_space<vmem>>, vector<16xf32>,
        %scan3A_444 = arith.constant 0 : i32
        scf.yield %scan3A_444 : i32
      }
      %scan3A_131 = arith.constant 5 : i32
      %mul3A_132 = arith.constant 400 : i32
      %mul3A_133 = arith.muli %add3A_112, %mul3A_132 : i32
      %add3A_134 = arith.addi %mul3A_15, %mul3A_133 : i32
      %dma_start3A_135 = tpu.memref_slice %arg9[%add3A_134] : memref<320000xf32, #tpu.memory_space<hbm>> -> memref<400xf32, #tpu.memory_space<hbm>>
      %dma_start3A_136 = tpu.memref_slice %arg9[%add3A_134] : memref<320000xf32, #tpu.memory_space<hbm>> -> memref<400xf32, #tpu.memory_space<hbm>>
      tpu.enqueue_dma source(%arg25 : memref<400xf32, #tpu.memory_space<vmem>>) target(%dma_start3A_136 : memref<400xf32, #tpu.memory_space<hbm>>) target_semaphore(%arg31 : memref<!tpu.dma_semaphore, #tpu.memory_space<semaphore_mem>>)
      %dma_start3A_137 = tpu.memref_slice %arg10[%add3A_134] : memref<320000xf32, #tpu.memory_space<hbm>> -> memref<400xf32, #tpu.memory_space<hbm>>
      %dma_start3A_138 = tpu.memref_slice %arg10[%add3A_134] : memref<320000xf32, #tpu.memory_space<hbm>> -> memref<400xf32, #tpu.memory_space<hbm>>
      tpu.enqueue_dma source(%arg27 : memref<400xf32, #tpu.memory_space<vmem>>) target(%dma_start3A_138 : memref<400xf32, #tpu.memory_space<hbm>>) target_semaphore(%arg31 : memref<!tpu.dma_semaphore, #tpu.memory_space<semaphore_mem>>)
      %add3A_139 = arith.constant 2 : i32
      %add3A_140 = arith.addi %add3A_112, %add3A_139 : i32
      %lt3A_141 = arith.constant 25 : i32
      %lt3A_142 = arith.cmpi slt, %add3A_140, %lt3A_141 : i32
      %convert_element_type3A_143 = arith.extui %lt3A_142 : i1 to i32
      %cond3A_144 = arith.constant 0 : i32
      %cond3A_145 = arith.cmpi ne, %convert_element_type3A_143, %cond3A_144 : i32
      scf.if %cond3A_145 {
        %add3A_147 = arith.constant 2 : i32
        %add3A_148 = arith.addi %add3A_112, %add3A_147 : i32
        %mul3A_149 = arith.constant 400 : i32
        %mul3A_150 = arith.muli %add3A_148, %mul3A_149 : i32
        %add3A_151 = arith.addi %mul3A_15, %mul3A_150 : i32
        %dma_start3A_152 = tpu.memref_slice %arg7[%add3A_151] : memref<320000xi32, #tpu.memory_space<hbm>> -> memref<400xi32, #tpu.memory_space<hbm>>
        %dma_start3A_153 = tpu.memref_slice %arg7[%add3A_151] : memref<320000xi32, #tpu.memory_space<hbm>> -> memref<400xi32, #tpu.memory_space<hbm>>
        tpu.enqueue_dma source(%dma_start3A_153 : memref<400xi32, #tpu.memory_space<hbm>>) target(%arg21 : memref<400xi32, #tpu.memory_space<vmem>>) target_semaphore(%arg29 : memref<!tpu.dma_semaphore, #tpu.memory_space<semaphore_mem>>)
        %dma_start3A_154 = tpu.memref_slice %arg8[%add3A_151] : memref<320000xi32, #tpu.memory_space<hbm>> -> memref<400xi32, #tpu.memory_space<hbm>>
        %dma_start3A_155 = tpu.memref_slice %arg8[%add3A_151] : memref<320000xi32, #tpu.memory_space<hbm>> -> memref<400xi32, #tpu.memory_space<hbm>>
        tpu.enqueue_dma source(%dma_start3A_155 : memref<400xi32, #tpu.memory_space<hbm>>) target(%arg23 : memref<400xi32, #tpu.memory_space<vmem>>) target_semaphore(%arg29 : memref<!tpu.dma_semaphore, #tpu.memory_space<semaphore_mem>>)
      } else {
      }
      %scan3A_146 = arith.constant 0 : i32
      scf.yield %scan3A_146 : i32
    }
    %scan3A_33 = arith.constant 12 : i32
    %add3A_34 = arith.constant 9600 : i32
    %add3A_35 = arith.addi %mul3A_15, %add3A_34 : i32
    %dma_wait3A = tpu.memref_slice %arg7[%add3A_35] : memref<320000xi32, #tpu.memory_space<hbm>> -> memref<400xi32, #tpu.memory_space<hbm>>
    %dma_wait3A_36 = tpu.memref_slice %arg7[%add3A_35] : memref<320000xi32, #tpu.memory_space<hbm>> -> memref<400xi32, #tpu.memory_space<hbm>>
    tpu.wait_dma2 semaphore(%arg28 : memref<!tpu.dma_semaphore, #tpu.memory_space<semaphore_mem>>) src(%dma_wait3A_36 : memref<400xi32, #tpu.memory_space<hbm>>) dst(%arg20 : memref<400xi32, #tpu.memory_space<vmem>>)
    %dma_wait3A_37 = tpu.memref_slice %arg8[%add3A_35] : memref<320000xi32, #tpu.memory_space<hbm>> -> memref<400xi32, #tpu.memory_space<hbm>>
    %dma_wait3A_38 = tpu.memref_slice %arg8[%add3A_35] : memref<320000xi32, #tpu.memory_space<hbm>> -> memref<400xi32, #tpu.memory_space<hbm>>
    tpu.wait_dma2 semaphore(%arg28 : memref<!tpu.dma_semaphore, #tpu.memory_space<semaphore_mem>>) src(%dma_wait3A_38 : memref<400xi32, #tpu.memory_space<hbm>>) dst(%arg22 : memref<400xi32, #tpu.memory_space<vmem>>)
    %add3A_39 = arith.constant 8800 : i32
    %add3A_40 = arith.addi %mul3A_15, %add3A_39 : i32
    %dma_wait3A_41 = tpu.memref_slice %arg9[%add3A_40] : memref<320000xf32, #tpu.memory_space<hbm>> -> memref<400xf32, #tpu.memory_space<hbm>>
    %dma_wait3A_42 = tpu.memref_slice %arg9[%add3A_40] : memref<320000xf32, #tpu.memory_space<hbm>> -> memref<400xf32, #tpu.memory_space<hbm>>
    tpu.wait_dma2 semaphore(%arg30 : memref<!tpu.dma_semaphore, #tpu.memory_space<semaphore_mem>>) src(%arg24 : memref<400xf32, #tpu.memory_space<vmem>>) dst(%dma_wait3A_42 : memref<400xf32, #tpu.memory_space<hbm>>)
    %dma_wait3A_43 = tpu.memref_slice %arg10[%add3A_40] : memref<320000xf32, #tpu.memory_space<hbm>> -> memref<400xf32, #tpu.memory_space<hbm>>
    %dma_wait3A_44 = tpu.memref_slice %arg10[%add3A_40] : memref<320000xf32, #tpu.memory_space<hbm>> -> memref<400xf32, #tpu.memory_space<hbm>>
    tpu.wait_dma2 semaphore(%arg30 : memref<!tpu.dma_semaphore, #tpu.memory_space<semaphore_mem>>) src(%arg26 : memref<400xf32, #tpu.memory_space<vmem>>) dst(%dma_wait3A_44 : memref<400xf32, #tpu.memory_space<hbm>>)
    %scan3A_45 = arith.constant 0 : i32
    %scan3A_46 = arith.constant 0 : i32
    %scan3A_47 = arith.constant 5 : i32
    %scan3A_48 = arith.addi %scan3A_46, %scan3A_47 : i32
    %scan3A_49 = arith.constant 1 : i32
    %scan3A_50 = scf.for %scan3A_74 = %scan3A_46 to %scan3A_48 step %scan3A_49 iter_args(%scan3A_75 = %scan3A_45) -> (i32)  : i32 {
      %mul3A_76 = arith.constant 5 : i32
      %mul3A_77 = arith.muli %scan3A_74, %mul3A_76 : i32
      %add3A_78 = arith.constant 0 : i32
      %add3A_79 = arith.addi %mul3A_77, %add3A_78 : i32
      %mul3A_80 = arith.constant 16 : i32
      %mul3A_81 = arith.muli %add3A_79, %mul3A_80 : i32
      %get3A_82 = arith.index_cast %mul3A_81 : i32 to index
      %get3A_83 = tpu.vector_load %arg20[%get3A_82] {strides = array<i32>} : memref<400xi32, #tpu.memory_space<vmem>>, vector<16xi32>,
      %mul3A_84 = arith.constant 16 : i32
      %mul3A_85 = arith.muli %add3A_79, %mul3A_84 : i32
      %get3A_86 = arith.index_cast %mul3A_85 : i32 to index
      %get3A_87 = tpu.vector_load %arg22[%get3A_86] {strides = array<i32>} : memref<400xi32, #tpu.memory_space<vmem>>, vector<16xi32>,
      %gather3A = tpu.vector_load_idx %arg13[%get3A_83] : memref<10000xf32, #tpu.memory_space<vmem>>[vector<16xi32>], vector<16xf32>,
      %gather3A_88 = tpu.vector_load_idx %arg14[%get3A_87] : memref<10000xf32, #tpu.memory_space<vmem>>[vector<16xi32>], vector<16xf32>,
      %gather3A_89 = tpu.vector_load_idx %arg15[%get3A_83] : memref<10000xf32, #tpu.memory_space<vmem>>[vector<16xi32>], vector<16xf32>,
      %gather3A_90 = tpu.vector_load_idx %arg16[%get3A_87] : memref<10000xf32, #tpu.memory_space<vmem>>[vector<16xi32>], vector<16xf32>,
      %add3A_91 = arith.addf %gather3A, %gather3A_88 : vector<16xf32>
      %ge3A = arith.constant 0.000000e+00 : f32
      %ge3A_92 = vector.broadcast %ge3A : f32 to vector<16xf32>
      %ge3A_93 = arith.cmpf oge, %add3A_91, %ge3A_92 : vector<16xf32>
      %mul3A_94 = arith.constant 2.000000e-01 : f32
      %mul3A_95 = vector.broadcast %mul3A_94 : f32 to vector<16xf32>
      %mul3A_96 = arith.mulf %mul3A_95, %add3A_91 : vector<16xf32>
      %select_n3A = arith.select %ge3A_93, %add3A_91, %mul3A_96 : vector<16xi1>, vector<16xf32>
      %add3A_97 = arith.addf %gather3A, %get3A_9 : vector<16xf32>
      %ge3A_98 = arith.constant 0.000000e+00 : f32
      %ge3A_99 = vector.broadcast %ge3A_98 : f32 to vector<16xf32>
      %ge3A_100 = arith.cmpf oge, %add3A_97, %ge3A_99 : vector<16xf32>
      %mul3A_101 = arith.constant 2.000000e-01 : f32
      %mul3A_102 = vector.broadcast %mul3A_101 : f32 to vector<16xf32>
      %mul3A_103 = arith.mulf %mul3A_102, %add3A_97 : vector<16xf32>
      %select_n3A_104 = arith.select %ge3A_100, %add3A_97, %mul3A_103 : vector<16xi1>, vector<16xf32>
      %sub3A = arith.subf %select_n3A, %select_n3A_104 : vector<16xf32>
      %exp3A = math.exp %sub3A : vector<16xf32>
      %add3A_105 = arith.addf %gather3A_89, %gather3A_90 : vector<16xf32>
      %ge3A_106 = arith.constant 0.000000e+00 : f32
      %ge3A_107 = vector.broadcast %ge3A_106 : f32 to vector<16xf32>
      %ge3A_108 = arith.cmpf oge, %add3A_105, %ge3A_107 : vector<16xf32>
      %mul3A_109 = arith.constant 2.000000e-01 : f32
      %mul3A_110 = vector.broadcast %mul3A_109 : f32 to vector<16xf32>
      %mul3A_111 = arith.mulf %mul3A_110, %add3A_105 : vector<16xf32>
      %select_n3A_112 = arith.select %ge3A_108, %add3A_105, %mul3A_111 : vector<16xi1>, vector<16xf32>
      %add3A_113 = arith.addf %gather3A_89, %get3A_13 : vector<16xf32>
      %ge3A_114 = arith.constant 0.000000e+00 : f32
      %ge3A_115 = vector.broadcast %ge3A_114 : f32 to vector<16xf32>
      %ge3A_116 = arith.cmpf oge, %add3A_113, %ge3A_115 : vector<16xf32>
      %mul3A_117 = arith.constant 2.000000e-01 : f32
      %mul3A_118 = vector.broadcast %mul3A_117 : f32 to vector<16xf32>
      %mul3A_119 = arith.mulf %mul3A_118, %add3A_113 : vector<16xf32>
      %select_n3A_120 = arith.select %ge3A_116, %add3A_113, %mul3A_119 : vector<16xi1>, vector<16xf32>
      %sub3A_121 = arith.subf %select_n3A_112, %select_n3A_120 : vector<16xf32>
      %exp3A_122 = math.exp %sub3A_121 : vector<16xf32>
      tpu.vector_store_idx %arg18[%get3A_83], %exp3A {add = true} : memref<10000xf32, #tpu.memory_space<vmem>>[vector<16xi32>], vector<16xf32>,
      tpu.vector_store_idx %arg19[%get3A_83], %exp3A_122 {add = true} : memref<10000xf32, #tpu.memory_space<vmem>>[vector<16xi32>], vector<16xf32>,
      %mul3A_123 = arith.constant 16 : i32
      %mul3A_124 = arith.muli %add3A_79, %mul3A_123 : i32
      %swap3A = arith.index_cast %mul3A_124 : i32 to index
      %swap3A_125 = tpu.vector_load %arg24[%swap3A] {strides = array<i32>} : memref<400xf32, #tpu.memory_space<vmem>>, vector<16xf32>,
      tpu.vector_store %arg24[%swap3A], %exp3A {strides = array<i32>} : memref<400xf32, #tpu.memory_space<vmem>>, vector<16xf32>,
      %mul3A_126 = arith.constant 16 : i32
      %mul3A_127 = arith.muli %add3A_79, %mul3A_126 : i32
      %swap3A_128 = arith.index_cast %mul3A_127 : i32 to index
      %swap3A_129 = tpu.vector_load %arg26[%swap3A_128] {strides = array<i32>} : memref<400xf32, #tpu.memory_space<vmem>>, vector<16xf32>,
      tpu.vector_store %arg26[%swap3A_128], %exp3A_122 {strides = array<i32>} : memref<400xf32, #tpu.memory_space<vmem>>, vector<16xf32>,
      %mul3A_130 = arith.constant 5 : i32
      %mul3A_131 = arith.muli %scan3A_74, %mul3A_130 : i32
      %add3A_132 = arith.constant 1 : i32
      %add3A_133 = arith.addi %mul3A_131, %add3A_132 : i32
      %mul3A_134 = arith.constant 16 : i32
      %mul3A_135 = arith.muli %add3A_133, %mul3A_134 : i32
      %get3A_136 = arith.index_cast %mul3A_135 : i32 to index
      %get3A_137 = tpu.vector_load %arg20[%get3A_136] {strides = array<i32>} : memref<400xi32, #tpu.memory_space<vmem>>, vector<16xi32>,
      %mul3A_138 = arith.constant 16 : i32
      %mul3A_139 = arith.muli %add3A_133, %mul3A_138 : i32
      %get3A_140 = arith.index_cast %mul3A_139 : i32 to index
      %get3A_141 = tpu.vector_load %arg22[%get3A_140] {strides = array<i32>} : memref<400xi32, #tpu.memory_space<vmem>>, vector<16xi32>,
      %gather3A_142 = tpu.vector_load_idx %arg13[%get3A_137] : memref<10000xf32, #tpu.memory_space<vmem>>[vector<16xi32>], vector<16xf32>,
      %gather3A_143 = tpu.vector_load_idx %arg14[%get3A_141] : memref<10000xf32, #tpu.memory_space<vmem>>[vector<16xi32>], vector<16xf32>,
      %gather3A_144 = tpu.vector_load_idx %arg15[%get3A_137] : memref<10000xf32, #tpu.memory_space<vmem>>[vector<16xi32>], vector<16xf32>,
      %gather3A_145 = tpu.vector_load_idx %arg16[%get3A_141] : memref<10000xf32, #tpu.memory_space<vmem>>[vector<16xi32>], vector<16xf32>,
      %add3A_146 = arith.addf %gather3A_142, %gather3A_143 : vector<16xf32>
      %ge3A_147 = arith.constant 0.000000e+00 : f32
      %ge3A_148 = vector.broadcast %ge3A_147 : f32 to vector<16xf32>
      %ge3A_149 = arith.cmpf oge, %add3A_146, %ge3A_148 : vector<16xf32>
      %mul3A_150 = arith.constant 2.000000e-01 : f32
      %mul3A_151 = vector.broadcast %mul3A_150 : f32 to vector<16xf32>
      %mul3A_152 = arith.mulf %mul3A_151, %add3A_146 : vector<16xf32>
      %select_n3A_153 = arith.select %ge3A_149, %add3A_146, %mul3A_152 : vector<16xi1>, vector<16xf32>
      %add3A_154 = arith.addf %gather3A_142, %get3A_9 : vector<16xf32>
      %ge3A_155 = arith.constant 0.000000e+00 : f32
      %ge3A_156 = vector.broadcast %ge3A_155 : f32 to vector<16xf32>
      %ge3A_157 = arith.cmpf oge, %add3A_154, %ge3A_156 : vector<16xf32>
      %mul3A_158 = arith.constant 2.000000e-01 : f32
      %mul3A_159 = vector.broadcast %mul3A_158 : f32 to vector<16xf32>
      %mul3A_160 = arith.mulf %mul3A_159, %add3A_154 : vector<16xf32>
      %select_n3A_161 = arith.select %ge3A_157, %add3A_154, %mul3A_160 : vector<16xi1>, vector<16xf32>
      %sub3A_162 = arith.subf %select_n3A_153, %select_n3A_161 : vector<16xf32>
      %exp3A_163 = math.exp %sub3A_162 : vector<16xf32>
      %add3A_164 = arith.addf %gather3A_144, %gather3A_145 : vector<16xf32>
      %ge3A_165 = arith.constant 0.000000e+00 : f32
      %ge3A_166 = vector.broadcast %ge3A_165 : f32 to vector<16xf32>
      %ge3A_167 = arith.cmpf oge, %add3A_164, %ge3A_166 : vector<16xf32>
      %mul3A_168 = arith.constant 2.000000e-01 : f32
      %mul3A_169 = vector.broadcast %mul3A_168 : f32 to vector<16xf32>
      %mul3A_170 = arith.mulf %mul3A_169, %add3A_164 : vector<16xf32>
      %select_n3A_171 = arith.select %ge3A_167, %add3A_164, %mul3A_170 : vector<16xi1>, vector<16xf32>
      %add3A_172 = arith.addf %gather3A_144, %get3A_13 : vector<16xf32>
      %ge3A_173 = arith.constant 0.000000e+00 : f32
      %ge3A_174 = vector.broadcast %ge3A_173 : f32 to vector<16xf32>
      %ge3A_175 = arith.cmpf oge, %add3A_172, %ge3A_174 : vector<16xf32>
      %mul3A_176 = arith.constant 2.000000e-01 : f32
      %mul3A_177 = vector.broadcast %mul3A_176 : f32 to vector<16xf32>
      %mul3A_178 = arith.mulf %mul3A_177, %add3A_172 : vector<16xf32>
      %select_n3A_179 = arith.select %ge3A_175, %add3A_172, %mul3A_178 : vector<16xi1>, vector<16xf32>
      %sub3A_180 = arith.subf %select_n3A_171, %select_n3A_179 : vector<16xf32>
      %exp3A_181 = math.exp %sub3A_180 : vector<16xf32>
      tpu.vector_store_idx %arg18[%get3A_137], %exp3A_163 {add = true} : memref<10000xf32, #tpu.memory_space<vmem>>[vector<16xi32>], vector<16xf32>,
      tpu.vector_store_idx %arg19[%get3A_137], %exp3A_181 {add = true} : memref<10000xf32, #tpu.memory_space<vmem>>[vector<16xi32>], vector<16xf32>,
      %mul3A_182 = arith.constant 16 : i32
      %mul3A_183 = arith.muli %add3A_133, %mul3A_182 : i32
      %swap3A_184 = arith.index_cast %mul3A_183 : i32 to index
      %swap3A_185 = tpu.vector_load %arg24[%swap3A_184] {strides = array<i32>} : memref<400xf32, #tpu.memory_space<vmem>>, vector<16xf32>,
      tpu.vector_store %arg24[%swap3A_184], %exp3A_163 {strides = array<i32>} : memref<400xf32, #tpu.memory_space<vmem>>, vector<16xf32>,
      %mul3A_186 = arith.constant 16 : i32
      %mul3A_187 = arith.muli %add3A_133, %mul3A_186 : i32
      %swap3A_188 = arith.index_cast %mul3A_187 : i32 to index
      %swap3A_189 = tpu.vector_load %arg26[%swap3A_188] {strides = array<i32>} : memref<400xf32, #tpu.memory_space<vmem>>, vector<16xf32>,
      tpu.vector_store %arg26[%swap3A_188], %exp3A_181 {strides = array<i32>} : memref<400xf32, #tpu.memory_space<vmem>>, vector<16xf32>,
      %mul3A_190 = arith.constant 5 : i32
      %mul3A_191 = arith.muli %scan3A_74, %mul3A_190 : i32
      %add3A_192 = arith.constant 2 : i32
      %add3A_193 = arith.addi %mul3A_191, %add3A_192 : i32
      %mul3A_194 = arith.constant 16 : i32
      %mul3A_195 = arith.muli %add3A_193, %mul3A_194 : i32
      %get3A_196 = arith.index_cast %mul3A_195 : i32 to index
      %get3A_197 = tpu.vector_load %arg20[%get3A_196] {strides = array<i32>} : memref<400xi32, #tpu.memory_space<vmem>>, vector<16xi32>,
      %mul3A_198 = arith.constant 16 : i32
      %mul3A_199 = arith.muli %add3A_193, %mul3A_198 : i32
      %get3A_200 = arith.index_cast %mul3A_199 : i32 to index
      %get3A_201 = tpu.vector_load %arg22[%get3A_200] {strides = array<i32>} : memref<400xi32, #tpu.memory_space<vmem>>, vector<16xi32>,
      %gather3A_202 = tpu.vector_load_idx %arg13[%get3A_197] : memref<10000xf32, #tpu.memory_space<vmem>>[vector<16xi32>], vector<16xf32>,
      %gather3A_203 = tpu.vector_load_idx %arg14[%get3A_201] : memref<10000xf32, #tpu.memory_space<vmem>>[vector<16xi32>], vector<16xf32>,
      %gather3A_204 = tpu.vector_load_idx %arg15[%get3A_197] : memref<10000xf32, #tpu.memory_space<vmem>>[vector<16xi32>], vector<16xf32>,
      %gather3A_205 = tpu.vector_load_idx %arg16[%get3A_201] : memref<10000xf32, #tpu.memory_space<vmem>>[vector<16xi32>], vector<16xf32>,
      %add3A_206 = arith.addf %gather3A_202, %gather3A_203 : vector<16xf32>
      %ge3A_207 = arith.constant 0.000000e+00 : f32
      %ge3A_208 = vector.broadcast %ge3A_207 : f32 to vector<16xf32>
      %ge3A_209 = arith.cmpf oge, %add3A_206, %ge3A_208 : vector<16xf32>
      %mul3A_210 = arith.constant 2.000000e-01 : f32
      %mul3A_211 = vector.broadcast %mul3A_210 : f32 to vector<16xf32>
      %mul3A_212 = arith.mulf %mul3A_211, %add3A_206 : vector<16xf32>
      %select_n3A_213 = arith.select %ge3A_209, %add3A_206, %mul3A_212 : vector<16xi1>, vector<16xf32>
      %add3A_214 = arith.addf %gather3A_202, %get3A_9 : vector<16xf32>
      %ge3A_215 = arith.constant 0.000000e+00 : f32
      %ge3A_216 = vector.broadcast %ge3A_215 : f32 to vector<16xf32>
      %ge3A_217 = arith.cmpf oge, %add3A_214, %ge3A_216 : vector<16xf32>
      %mul3A_218 = arith.constant 2.000000e-01 : f32
      %mul3A_219 = vector.broadcast %mul3A_218 : f32 to vector<16xf32>
      %mul3A_220 = arith.mulf %mul3A_219, %add3A_214 : vector<16xf32>
      %select_n3A_221 = arith.select %ge3A_217, %add3A_214, %mul3A_220 : vector<16xi1>, vector<16xf32>
      %sub3A_222 = arith.subf %select_n3A_213, %select_n3A_221 : vector<16xf32>
      %exp3A_223 = math.exp %sub3A_222 : vector<16xf32>
      %add3A_224 = arith.addf %gather3A_204, %gather3A_205 : vector<16xf32>
      %ge3A_225 = arith.constant 0.000000e+00 : f32
      %ge3A_226 = vector.broadcast %ge3A_225 : f32 to vector<16xf32>
      %ge3A_227 = arith.cmpf oge, %add3A_224, %ge3A_226 : vector<16xf32>
      %mul3A_228 = arith.constant 2.000000e-01 : f32
      %mul3A_229 = vector.broadcast %mul3A_228 : f32 to vector<16xf32>
      %mul3A_230 = arith.mulf %mul3A_229, %add3A_224 : vector<16xf32>
      %select_n3A_231 = arith.select %ge3A_227, %add3A_224, %mul3A_230 : vector<16xi1>, vector<16xf32>
      %add3A_232 = arith.addf %gather3A_204, %get3A_13 : vector<16xf32>
      %ge3A_233 = arith.constant 0.000000e+00 : f32
      %ge3A_234 = vector.broadcast %ge3A_233 : f32 to vector<16xf32>
      %ge3A_235 = arith.cmpf oge, %add3A_232, %ge3A_234 : vector<16xf32>
      %mul3A_236 = arith.constant 2.000000e-01 : f32
      %mul3A_237 = vector.broadcast %mul3A_236 : f32 to vector<16xf32>
      %mul3A_238 = arith.mulf %mul3A_237, %add3A_232 : vector<16xf32>
      %select_n3A_239 = arith.select %ge3A_235, %add3A_232, %mul3A_238 : vector<16xi1>, vector<16xf32>
      %sub3A_240 = arith.subf %select_n3A_231, %select_n3A_239 : vector<16xf32>
      %exp3A_241 = math.exp %sub3A_240 : vector<16xf32>
      tpu.vector_store_idx %arg18[%get3A_197], %exp3A_223 {add = true} : memref<10000xf32, #tpu.memory_space<vmem>>[vector<16xi32>], vector<16xf32>,
      tpu.vector_store_idx %arg19[%get3A_197], %exp3A_241 {add = true} : memref<10000xf32, #tpu.memory_space<vmem>>[vector<16xi32>], vector<16xf32>,
      %mul3A_242 = arith.constant 16 : i32
      %mul3A_243 = arith.muli %add3A_193, %mul3A_242 : i32
      %swap3A_244 = arith.index_cast %mul3A_243 : i32 to index
      %swap3A_245 = tpu.vector_load %arg24[%swap3A_244] {strides = array<i32>} : memref<400xf32, #tpu.memory_space<vmem>>, vector<16xf32>,
      tpu.vector_store %arg24[%swap3A_244], %exp3A_223 {strides = array<i32>} : memref<400xf32, #tpu.memory_space<vmem>>, vector<16xf32>,
      %mul3A_246 = arith.constant 16 : i32
      %mul3A_247 = arith.muli %add3A_193, %mul3A_246 : i32
      %swap3A_248 = arith.index_cast %mul3A_247 : i32 to index
      %swap3A_249 = tpu.vector_load %arg26[%swap3A_248] {strides = array<i32>} : memref<400xf32, #tpu.memory_space<vmem>>, vector<16xf32>,
      tpu.vector_store %arg26[%swap3A_248], %exp3A_241 {strides = array<i32>} : memref<400xf32, #tpu.memory_space<vmem>>, vector<16xf32>,
      %mul3A_250 = arith.constant 5 : i32
      %mul3A_251 = arith.muli %scan3A_74, %mul3A_250 : i32
      %add3A_252 = arith.constant 3 : i32
      %add3A_253 = arith.addi %mul3A_251, %add3A_252 : i32
      %mul3A_254 = arith.constant 16 : i32
      %mul3A_255 = arith.muli %add3A_253, %mul3A_254 : i32
      %get3A_256 = arith.index_cast %mul3A_255 : i32 to index
      %get3A_257 = tpu.vector_load %arg20[%get3A_256] {strides = array<i32>} : memref<400xi32, #tpu.memory_space<vmem>>, vector<16xi32>,
      %mul3A_258 = arith.constant 16 : i32
      %mul3A_259 = arith.muli %add3A_253, %mul3A_258 : i32
      %get3A_260 = arith.index_cast %mul3A_259 : i32 to index
      %get3A_261 = tpu.vector_load %arg22[%get3A_260] {strides = array<i32>} : memref<400xi32, #tpu.memory_space<vmem>>, vector<16xi32>,
      %gather3A_262 = tpu.vector_load_idx %arg13[%get3A_257] : memref<10000xf32, #tpu.memory_space<vmem>>[vector<16xi32>], vector<16xf32>,
      %gather3A_263 = tpu.vector_load_idx %arg14[%get3A_261] : memref<10000xf32, #tpu.memory_space<vmem>>[vector<16xi32>], vector<16xf32>,
      %gather3A_264 = tpu.vector_load_idx %arg15[%get3A_257] : memref<10000xf32, #tpu.memory_space<vmem>>[vector<16xi32>], vector<16xf32>,
      %gather3A_265 = tpu.vector_load_idx %arg16[%get3A_261] : memref<10000xf32, #tpu.memory_space<vmem>>[vector<16xi32>], vector<16xf32>,
      %add3A_266 = arith.addf %gather3A_262, %gather3A_263 : vector<16xf32>
      %ge3A_267 = arith.constant 0.000000e+00 : f32
      %ge3A_268 = vector.broadcast %ge3A_267 : f32 to vector<16xf32>
      %ge3A_269 = arith.cmpf oge, %add3A_266, %ge3A_268 : vector<16xf32>
      %mul3A_270 = arith.constant 2.000000e-01 : f32
      %mul3A_271 = vector.broadcast %mul3A_270 : f32 to vector<16xf32>
      %mul3A_272 = arith.mulf %mul3A_271, %add3A_266 : vector<16xf32>
      %select_n3A_273 = arith.select %ge3A_269, %add3A_266, %mul3A_272 : vector<16xi1>, vector<16xf32>
      %add3A_274 = arith.addf %gather3A_262, %get3A_9 : vector<16xf32>
      %ge3A_275 = arith.constant 0.000000e+00 : f32
      %ge3A_276 = vector.broadcast %ge3A_275 : f32 to vector<16xf32>
      %ge3A_277 = arith.cmpf oge, %add3A_274, %ge3A_276 : vector<16xf32>
      %mul3A_278 = arith.constant 2.000000e-01 : f32
      %mul3A_279 = vector.broadcast %mul3A_278 : f32 to vector<16xf32>
      %mul3A_280 = arith.mulf %mul3A_279, %add3A_274 : vector<16xf32>
      %select_n3A_281 = arith.select %ge3A_277, %add3A_274, %mul3A_280 : vector<16xi1>, vector<16xf32>
      %sub3A_282 = arith.subf %select_n3A_273, %select_n3A_281 : vector<16xf32>
      %exp3A_283 = math.exp %sub3A_282 : vector<16xf32>
      %add3A_284 = arith.addf %gather3A_264, %gather3A_265 : vector<16xf32>
      %ge3A_285 = arith.constant 0.000000e+00 : f32
      %ge3A_286 = vector.broadcast %ge3A_285 : f32 to vector<16xf32>
      %ge3A_287 = arith.cmpf oge, %add3A_284, %ge3A_286 : vector<16xf32>
      %mul3A_288 = arith.constant 2.000000e-01 : f32
      %mul3A_289 = vector.broadcast %mul3A_288 : f32 to vector<16xf32>
      %mul3A_290 = arith.mulf %mul3A_289, %add3A_284 : vector<16xf32>
      %select_n3A_291 = arith.select %ge3A_287, %add3A_284, %mul3A_290 : vector<16xi1>, vector<16xf32>
      %add3A_292 = arith.addf %gather3A_264, %get3A_13 : vector<16xf32>
      %ge3A_293 = arith.constant 0.000000e+00 : f32
      %ge3A_294 = vector.broadcast %ge3A_293 : f32 to vector<16xf32>
      %ge3A_295 = arith.cmpf oge, %add3A_292, %ge3A_294 : vector<16xf32>
      %mul3A_296 = arith.constant 2.000000e-01 : f32
      %mul3A_297 = vector.broadcast %mul3A_296 : f32 to vector<16xf32>
      %mul3A_298 = arith.mulf %mul3A_297, %add3A_292 : vector<16xf32>
      %select_n3A_299 = arith.select %ge3A_295, %add3A_292, %mul3A_298 : vector<16xi1>, vector<16xf32>
      %sub3A_300 = arith.subf %select_n3A_291, %select_n3A_299 : vector<16xf32>
      %exp3A_301 = math.exp %sub3A_300 : vector<16xf32>
      tpu.vector_store_idx %arg18[%get3A_257], %exp3A_283 {add = true} : memref<10000xf32, #tpu.memory_space<vmem>>[vector<16xi32>], vector<16xf32>,
      tpu.vector_store_idx %arg19[%get3A_257], %exp3A_301 {add = true} : memref<10000xf32, #tpu.memory_space<vmem>>[vector<16xi32>], vector<16xf32>,
      %mul3A_302 = arith.constant 16 : i32
      %mul3A_303 = arith.muli %add3A_253, %mul3A_302 : i32
      %swap3A_304 = arith.index_cast %mul3A_303 : i32 to index
      %swap3A_305 = tpu.vector_load %arg24[%swap3A_304] {strides = array<i32>} : memref<400xf32, #tpu.memory_space<vmem>>, vector<16xf32>,
      tpu.vector_store %arg24[%swap3A_304], %exp3A_283 {strides = array<i32>} : memref<400xf32, #tpu.memory_space<vmem>>, vector<16xf32>,
      %mul3A_306 = arith.constant 16 : i32
      %mul3A_307 = arith.muli %add3A_253, %mul3A_306 : i32
      %swap3A_308 = arith.index_cast %mul3A_307 : i32 to index
      %swap3A_309 = tpu.vector_load %arg26[%swap3A_308] {strides = array<i32>} : memref<400xf32, #tpu.memory_space<vmem>>, vector<16xf32>,
      tpu.vector_store %arg26[%swap3A_308], %exp3A_301 {strides = array<i32>} : memref<400xf32, #tpu.memory_space<vmem>>, vector<16xf32>,
      %mul3A_310 = arith.constant 5 : i32
      %mul3A_311 = arith.muli %scan3A_74, %mul3A_310 : i32
      %add3A_312 = arith.constant 4 : i32
      %add3A_313 = arith.addi %mul3A_311, %add3A_312 : i32
      %mul3A_314 = arith.constant 16 : i32
      %mul3A_315 = arith.muli %add3A_313, %mul3A_314 : i32
      %get3A_316 = arith.index_cast %mul3A_315 : i32 to index
      %get3A_317 = tpu.vector_load %arg20[%get3A_316] {strides = array<i32>} : memref<400xi32, #tpu.memory_space<vmem>>, vector<16xi32>,
      %mul3A_318 = arith.constant 16 : i32
      %mul3A_319 = arith.muli %add3A_313, %mul3A_318 : i32
      %get3A_320 = arith.index_cast %mul3A_319 : i32 to index
      %get3A_321 = tpu.vector_load %arg22[%get3A_320] {strides = array<i32>} : memref<400xi32, #tpu.memory_space<vmem>>, vector<16xi32>,
      %gather3A_322 = tpu.vector_load_idx %arg13[%get3A_317] : memref<10000xf32, #tpu.memory_space<vmem>>[vector<16xi32>], vector<16xf32>,
      %gather3A_323 = tpu.vector_load_idx %arg14[%get3A_321] : memref<10000xf32, #tpu.memory_space<vmem>>[vector<16xi32>], vector<16xf32>,
      %gather3A_324 = tpu.vector_load_idx %arg15[%get3A_317] : memref<10000xf32, #tpu.memory_space<vmem>>[vector<16xi32>], vector<16xf32>,
      %gather3A_325 = tpu.vector_load_idx %arg16[%get3A_321] : memref<10000xf32, #tpu.memory_space<vmem>>[vector<16xi32>], vector<16xf32>,
      %add3A_326 = arith.addf %gather3A_322, %gather3A_323 : vector<16xf32>
      %ge3A_327 = arith.constant 0.000000e+00 : f32
      %ge3A_328 = vector.broadcast %ge3A_327 : f32 to vector<16xf32>
      %ge3A_329 = arith.cmpf oge, %add3A_326, %ge3A_328 : vector<16xf32>
      %mul3A_330 = arith.constant 2.000000e-01 : f32
      %mul3A_331 = vector.broadcast %mul3A_330 : f32 to vector<16xf32>
      %mul3A_332 = arith.mulf %mul3A_331, %add3A_326 : vector<16xf32>
      %select_n3A_333 = arith.select %ge3A_329, %add3A_326, %mul3A_332 : vector<16xi1>, vector<16xf32>
      %add3A_334 = arith.addf %gather3A_322, %get3A_9 : vector<16xf32>
      %ge3A_335 = arith.constant 0.000000e+00 : f32
      %ge3A_336 = vector.broadcast %ge3A_335 : f32 to vector<16xf32>
      %ge3A_337 = arith.cmpf oge, %add3A_334, %ge3A_336 : vector<16xf32>
      %mul3A_338 = arith.constant 2.000000e-01 : f32
      %mul3A_339 = vector.broadcast %mul3A_338 : f32 to vector<16xf32>
      %mul3A_340 = arith.mulf %mul3A_339, %add3A_334 : vector<16xf32>
      %select_n3A_341 = arith.select %ge3A_337, %add3A_334, %mul3A_340 : vector<16xi1>, vector<16xf32>
      %sub3A_342 = arith.subf %select_n3A_333, %select_n3A_341 : vector<16xf32>
      %exp3A_343 = math.exp %sub3A_342 : vector<16xf32>
      %add3A_344 = arith.addf %gather3A_324, %gather3A_325 : vector<16xf32>
      %ge3A_345 = arith.constant 0.000000e+00 : f32
      %ge3A_346 = vector.broadcast %ge3A_345 : f32 to vector<16xf32>
      %ge3A_347 = arith.cmpf oge, %add3A_344, %ge3A_346 : vector<16xf32>
      %mul3A_348 = arith.constant 2.000000e-01 : f32
      %mul3A_349 = vector.broadcast %mul3A_348 : f32 to vector<16xf32>
      %mul3A_350 = arith.mulf %mul3A_349, %add3A_344 : vector<16xf32>
      %select_n3A_351 = arith.select %ge3A_347, %add3A_344, %mul3A_350 : vector<16xi1>, vector<16xf32>
      %add3A_352 = arith.addf %gather3A_324, %get3A_13 : vector<16xf32>
      %ge3A_353 = arith.constant 0.000000e+00 : f32
      %ge3A_354 = vector.broadcast %ge3A_353 : f32 to vector<16xf32>
      %ge3A_355 = arith.cmpf oge, %add3A_352, %ge3A_354 : vector<16xf32>
      %mul3A_356 = arith.constant 2.000000e-01 : f32
      %mul3A_357 = vector.broadcast %mul3A_356 : f32 to vector<16xf32>
      %mul3A_358 = arith.mulf %mul3A_357, %add3A_352 : vector<16xf32>
      %select_n3A_359 = arith.select %ge3A_355, %add3A_352, %mul3A_358 : vector<16xi1>, vector<16xf32>
      %sub3A_360 = arith.subf %select_n3A_351, %select_n3A_359 : vector<16xf32>
      %exp3A_361 = math.exp %sub3A_360 : vector<16xf32>
      tpu.vector_store_idx %arg18[%get3A_317], %exp3A_343 {add = true} : memref<10000xf32, #tpu.memory_space<vmem>>[vector<16xi32>], vector<16xf32>,
      tpu.vector_store_idx %arg19[%get3A_317], %exp3A_361 {add = true} : memref<10000xf32, #tpu.memory_space<vmem>>[vector<16xi32>], vector<16xf32>,
      %mul3A_362 = arith.constant 16 : i32
      %mul3A_363 = arith.muli %add3A_313, %mul3A_362 : i32
      %swap3A_364 = arith.index_cast %mul3A_363 : i32 to index
      %swap3A_365 = tpu.vector_load %arg24[%swap3A_364] {strides = array<i32>} : memref<400xf32, #tpu.memory_space<vmem>>, vector<16xf32>,
      tpu.vector_store %arg24[%swap3A_364], %exp3A_343 {strides = array<i32>} : memref<400xf32, #tpu.memory_space<vmem>>, vector<16xf32>,
      %mul3A_366 = arith.constant 16 : i32
      %mul3A_367 = arith.muli %add3A_313, %mul3A_366 : i32
      %swap3A_368 = arith.index_cast %mul3A_367 : i32 to index
      %swap3A_369 = tpu.vector_load %arg26[%swap3A_368] {strides = array<i32>} : memref<400xf32, #tpu.memory_space<vmem>>, vector<16xf32>,
      tpu.vector_store %arg26[%swap3A_368], %exp3A_361 {strides = array<i32>} : memref<400xf32, #tpu.memory_space<vmem>>, vector<16xf32>,
      %scan3A_370 = arith.constant 0 : i32
      scf.yield %scan3A_370 : i32
    }
    %scan3A_51 = arith.constant 5 : i32
    %add3A_52 = arith.constant 9600 : i32
    %add3A_53 = arith.addi %mul3A_15, %add3A_52 : i32
    %dma_start3A_54 = tpu.memref_slice %arg9[%add3A_53] : memref<320000xf32, #tpu.memory_space<hbm>> -> memref<400xf32, #tpu.memory_space<hbm>>
    %dma_start3A_55 = tpu.memref_slice %arg9[%add3A_53] : memref<320000xf32, #tpu.memory_space<hbm>> -> memref<400xf32, #tpu.memory_space<hbm>>
    tpu.enqueue_dma source(%arg24 : memref<400xf32, #tpu.memory_space<vmem>>) target(%dma_start3A_55 : memref<400xf32, #tpu.memory_space<hbm>>) target_semaphore(%arg30 : memref<!tpu.dma_semaphore, #tpu.memory_space<semaphore_mem>>)
    %dma_start3A_56 = tpu.memref_slice %arg10[%add3A_53] : memref<320000xf32, #tpu.memory_space<hbm>> -> memref<400xf32, #tpu.memory_space<hbm>>
    %dma_start3A_57 = tpu.memref_slice %arg10[%add3A_53] : memref<320000xf32, #tpu.memory_space<hbm>> -> memref<400xf32, #tpu.memory_space<hbm>>
    tpu.enqueue_dma source(%arg26 : memref<400xf32, #tpu.memory_space<vmem>>) target(%dma_start3A_57 : memref<400xf32, #tpu.memory_space<hbm>>) target_semaphore(%arg30 : memref<!tpu.dma_semaphore, #tpu.memory_space<semaphore_mem>>)
    %add3A_58 = arith.constant 9200 : i32
    %add3A_59 = arith.addi %mul3A_15, %add3A_58 : i32
    %dma_wait3A_60 = tpu.memref_slice %arg9[%add3A_59] : memref<320000xf32, #tpu.memory_space<hbm>> -> memref<400xf32, #tpu.memory_space<hbm>>
    %dma_wait3A_61 = tpu.memref_slice %arg9[%add3A_59] : memref<320000xf32, #tpu.memory_space<hbm>> -> memref<400xf32, #tpu.memory_space<hbm>>
    tpu.wait_dma2 semaphore(%arg31 : memref<!tpu.dma_semaphore, #tpu.memory_space<semaphore_mem>>) src(%arg25 : memref<400xf32, #tpu.memory_space<vmem>>) dst(%dma_wait3A_61 : memref<400xf32, #tpu.memory_space<hbm>>)
    %dma_wait3A_62 = tpu.memref_slice %arg10[%add3A_59] : memref<320000xf32, #tpu.memory_space<hbm>> -> memref<400xf32, #tpu.memory_space<hbm>>
    %dma_wait3A_63 = tpu.memref_slice %arg10[%add3A_59] : memref<320000xf32, #tpu.memory_space<hbm>> -> memref<400xf32, #tpu.memory_space<hbm>>
    tpu.wait_dma2 semaphore(%arg31 : memref<!tpu.dma_semaphore, #tpu.memory_space<semaphore_mem>>) src(%arg27 : memref<400xf32, #tpu.memory_space<vmem>>) dst(%dma_wait3A_63 : memref<400xf32, #tpu.memory_space<hbm>>)
    %add3A_64 = arith.constant 9600 : i32
    %add3A_65 = arith.addi %mul3A_15, %add3A_64 : i32
    %dma_wait3A_66 = tpu.memref_slice %arg9[%add3A_65] : memref<320000xf32, #tpu.memory_space<hbm>> -> memref<400xf32, #tpu.memory_space<hbm>>
    %dma_wait3A_67 = tpu.memref_slice %arg9[%add3A_65] : memref<320000xf32, #tpu.memory_space<hbm>> -> memref<400xf32, #tpu.memory_space<hbm>>
    tpu.wait_dma2 semaphore(%arg30 : memref<!tpu.dma_semaphore, #tpu.memory_space<semaphore_mem>>) src(%arg24 : memref<400xf32, #tpu.memory_space<vmem>>) dst(%dma_wait3A_67 : memref<400xf32, #tpu.memory_space<hbm>>)
    %dma_wait3A_68 = tpu.memref_slice %arg10[%add3A_65] : memref<320000xf32, #tpu.memory_space<hbm>> -> memref<400xf32, #tpu.memory_space<hbm>>
    %dma_wait3A_69 = tpu.memref_slice %arg10[%add3A_65] : memref<320000xf32, #tpu.memory_space<hbm>> -> memref<400xf32, #tpu.memory_space<hbm>>
    tpu.wait_dma2 semaphore(%arg30 : memref<!tpu.dma_semaphore, #tpu.memory_space<semaphore_mem>>) src(%arg26 : memref<400xf32, #tpu.memory_space<vmem>>) dst(%dma_wait3A_69 : memref<400xf32, #tpu.memory_space<hbm>>)
    %mul3A_70 = arith.constant 10000 : i32
    %mul3A_71 = arith.muli %add3A, %mul3A_70 : i32
    "tpu.region"() ({
      %run_scoped3A = tpu.sem_alloc : memref<!tpu.dma_semaphore, #tpu.memory_space<semaphore_mem>>
      %dma_start3A_74 = tpu.memref_slice %arg11[%mul3A_71] : memref<320000xf32, #tpu.memory_space<hbm>> -> memref<10000xf32, #tpu.memory_space<hbm>>
      %dma_start3A_75 = tpu.memref_slice %arg11[%mul3A_71] : memref<320000xf32, #tpu.memory_space<hbm>> -> memref<10000xf32, #tpu.memory_space<hbm>>
      tpu.enqueue_dma source(%arg18 : memref<10000xf32, #tpu.memory_space<vmem>>) target(%dma_start3A_75 : memref<10000xf32, #tpu.memory_space<hbm>>) target_semaphore(%run_scoped3A : memref<!tpu.dma_semaphore, #tpu.memory_space<semaphore_mem>>)
      %dma_wait3A_76 = tpu.memref_slice %arg11[%mul3A_71] : memref<320000xf32, #tpu.memory_space<hbm>> -> memref<10000xf32, #tpu.memory_space<hbm>>
      %dma_wait3A_77 = tpu.memref_slice %arg11[%mul3A_71] : memref<320000xf32, #tpu.memory_space<hbm>> -> memref<10000xf32, #tpu.memory_space<hbm>>
      tpu.wait_dma2 semaphore(%run_scoped3A : memref<!tpu.dma_semaphore, #tpu.memory_space<semaphore_mem>>) src(%arg18 : memref<10000xf32, #tpu.memory_space<vmem>>) dst(%dma_wait3A_77 : memref<10000xf32, #tpu.memory_space<hbm>>)
      tpu.yield
    }) : () -> ()
    %mul3A_72 = arith.constant 10000 : i32
    %mul3A_73 = arith.muli %add3A, %mul3A_72 : i32
    "tpu.region"() ({
      %run_scoped3A = tpu.sem_alloc : memref<!tpu.dma_semaphore, #tpu.memory_space<semaphore_mem>>
      %dma_start3A_74 = tpu.memref_slice %arg12[%mul3A_73] : memref<320000xf32, #tpu.memory_space<hbm>> -> memref<10000xf32, #tpu.memory_space<hbm>>
      %dma_start3A_75 = tpu.memref_slice %arg12[%mul3A_73] : memref<320000xf32, #tpu.memory_space<hbm>> -> memref<10000xf32, #tpu.memory_space<hbm>>
      tpu.enqueue_dma source(%arg19 : memref<10000xf32, #tpu.memory_space<vmem>>) target(%dma_start3A_75 : memref<10000xf32, #tpu.memory_space<hbm>>) target_semaphore(%run_scoped3A : memref<!tpu.dma_semaphore, #tpu.memory_space<semaphore_mem>>)
      %dma_wait3A_76 = tpu.memref_slice %arg12[%mul3A_73] : memref<320000xf32, #tpu.memory_space<hbm>> -> memref<10000xf32, #tpu.memory_space<hbm>>
      %dma_wait3A_77 = tpu.memref_slice %arg12[%mul3A_73] : memref<320000xf32, #tpu.memory_space<hbm>> -> memref<10000xf32, #tpu.memory_space<hbm>>
      tpu.wait_dma2 semaphore(%run_scoped3A : memref<!tpu.dma_semaphore, #tpu.memory_space<semaphore_mem>>) src(%arg19 : memref<10000xf32, #tpu.memory_space<vmem>>) dst(%dma_wait3A_77 : memref<10000xf32, #tpu.memory_space<hbm>>)
      tpu.yield
    }) : () -> ()
    return
  }
}

module attributes {stable_mosaic.version = 14 : i64} {
  func.func @_pre_body(%arg0: memref<10000x128xf32, #tpu.memory_space<vmem>>, %arg1: memref<128x4xf32, #tpu.memory_space<vmem>>, %arg2: memref<128x128xf32, #tpu.memory_space<vmem>>, %arg3: memref<128xf32, #tpu.memory_space<vmem>>, %arg4: memref<10000xf32, #tpu.memory_space<vmem>>, %arg5: memref<10000xf32, #tpu.memory_space<vmem>>, %arg6: memref<10000xf32, #tpu.memory_space<vmem>>, %arg7: memref<10000xf32, #tpu.memory_space<vmem>>, %arg8: memref<2x16xf32, #tpu.memory_space<vmem>>, %arg9: memref<10000x128xf32, #tpu.memory_space<vmem>>) attributes {dimension_semantics = [], scalar_prefetch = 0 : i64, scratch_operands = 0 : i64, tpu.core_type = #tpu.core_type<tc>} {
    %get3A = arith.constant 0 : index
    %get3A_0 = arith.constant 0 : index
    %get3A_1 = vector.load %arg0[%get3A, %get3A_0] : memref<10000x128xf32, #tpu.memory_space<vmem>>, vector<10000x128xf32>
    %get3A_2 = arith.constant 0 : index
    %get3A_3 = arith.constant 0 : index
    %get3A_4 = vector.load %arg1[%get3A_2, %get3A_3] : memref<128x4xf32, #tpu.memory_space<vmem>>, vector<128x4xf32>
    %dot_general3A = arith.constant dense<0.000000e+00> : vector<4x10000xf32>
    %dot_general3A_5 = tpu.matmul %get3A_4, %get3A_1, %dot_general3A {dimension_numbers = #tpu.dot_dimension_numbers<[0], [1], [1], [0], [0, 1, 1, 0], [], []>, transpose_lhs_hint = false} : vector<128x4xf32>, vector<10000x128xf32>, vector<4x10000xf32> -> vector<4x10000xf32>
    %slice3A = vector.extract_strided_slice %dot_general3A_5 {offsets = [0, 0], sizes = [1, 10000], strides = [1, 1]} : vector<4x10000xf32> to vector<1x10000xf32>
    %squeeze3A = vector.shape_cast %slice3A : vector<1x10000xf32> to vector<10000xf32>
    %swap3A = arith.constant 0 : index
    %swap3A_6 = vector.load %arg4[%swap3A] : memref<10000xf32, #tpu.memory_space<vmem>>, vector<10000xf32>
    tpu.vector_store %arg4[%swap3A], %squeeze3A {strides = array<i32>} : memref<10000xf32, #tpu.memory_space<vmem>>, vector<10000xf32>,
    %slice3A_7 = vector.extract_strided_slice %dot_general3A_5 {offsets = [1, 0], sizes = [1, 10000], strides = [1, 1]} : vector<4x10000xf32> to vector<1x10000xf32>
    %squeeze3A_8 = vector.shape_cast %slice3A_7 : vector<1x10000xf32> to vector<10000xf32>
    %swap3A_9 = arith.constant 0 : index
    %swap3A_10 = vector.load %arg5[%swap3A_9] : memref<10000xf32, #tpu.memory_space<vmem>>, vector<10000xf32>
    tpu.vector_store %arg5[%swap3A_9], %squeeze3A_8 {strides = array<i32>} : memref<10000xf32, #tpu.memory_space<vmem>>, vector<10000xf32>,
    %slice3A_11 = vector.extract_strided_slice %dot_general3A_5 {offsets = [2, 0], sizes = [1, 10000], strides = [1, 1]} : vector<4x10000xf32> to vector<1x10000xf32>
    %squeeze3A_12 = vector.shape_cast %slice3A_11 : vector<1x10000xf32> to vector<10000xf32>
    %swap3A_13 = arith.constant 0 : index
    %swap3A_14 = vector.load %arg6[%swap3A_13] : memref<10000xf32, #tpu.memory_space<vmem>>, vector<10000xf32>
    tpu.vector_store %arg6[%swap3A_13], %squeeze3A_12 {strides = array<i32>} : memref<10000xf32, #tpu.memory_space<vmem>>, vector<10000xf32>,
    %slice3A_15 = vector.extract_strided_slice %dot_general3A_5 {offsets = [3, 0], sizes = [1, 10000], strides = [1, 1]} : vector<4x10000xf32> to vector<1x10000xf32>
    %squeeze3A_16 = vector.shape_cast %slice3A_15 : vector<1x10000xf32> to vector<10000xf32>
    %swap3A_17 = arith.constant 0 : index
    %swap3A_18 = vector.load %arg7[%swap3A_17] : memref<10000xf32, #tpu.memory_space<vmem>>, vector<10000xf32>
    tpu.vector_store %arg7[%swap3A_17], %squeeze3A_16 {strides = array<i32>} : memref<10000xf32, #tpu.memory_space<vmem>>, vector<10000xf32>,
    %slice3A_19 = vector.extract_strided_slice %dot_general3A_5 {offsets = [1, 0], sizes = [1, 10000], strides = [1, 1]} : vector<4x10000xf32> to vector<1x10000xf32>
    %squeeze3A_20 = vector.shape_cast %slice3A_19 : vector<1x10000xf32> to vector<10000xf32>
    %reduce_max3A = vector.shape_cast %squeeze3A_20 : vector<10000xf32> to vector<1x10000xf32>
    %reduce_max3A_21 = arith.constant dense<0xFF800000> : vector<1xf32>
    %reduce_max3A_22 = vector.multi_reduction <maximumf>, %reduce_max3A, %reduce_max3A_21 [1] : vector<1x10000xf32> to vector<1xf32>
    %reduce_max3A_23 = vector.shape_cast %reduce_max3A_22 : vector<1xf32> to vector<1x1xf32>
    %reduce_max3A_24 = vector.extract %reduce_max3A_23[0, 0] : f32 from vector<1x1xf32>
    %slice3A_25 = vector.extract_strided_slice %dot_general3A_5 {offsets = [3, 0], sizes = [1, 10000], strides = [1, 1]} : vector<4x10000xf32> to vector<1x10000xf32>
    %squeeze3A_26 = vector.shape_cast %slice3A_25 : vector<1x10000xf32> to vector<10000xf32>
    %reduce_max3A_27 = vector.shape_cast %squeeze3A_26 : vector<10000xf32> to vector<1x10000xf32>
    %reduce_max3A_28 = arith.constant dense<0xFF800000> : vector<1xf32>
    %reduce_max3A_29 = vector.multi_reduction <maximumf>, %reduce_max3A_27, %reduce_max3A_28 [1] : vector<1x10000xf32> to vector<1xf32>
    %reduce_max3A_30 = vector.shape_cast %reduce_max3A_29 : vector<1xf32> to vector<1x1xf32>
    %reduce_max3A_31 = vector.extract %reduce_max3A_30[0, 0] : f32 from vector<1x1xf32>
    %broadcast_in_dim3A = vector.broadcast %reduce_max3A_24 : f32 to vector<16xf32>
    %broadcast_in_dim3A_32 = vector.broadcast %reduce_max3A_31 : f32 to vector<16xf32>
    %stack3A = vector.shape_cast %broadcast_in_dim3A : vector<16xf32> to vector<1x16xf32>
    %stack3A_33 = vector.shape_cast %broadcast_in_dim3A_32 : vector<16xf32> to vector<1x16xf32>
    %stack3A_34 = tpu.concatenate %stack3A, %stack3A_33 in 0 : vector<1x16xf32>, vector<1x16xf32> -> vector<2x16xf32>
    %swap3A_35 = arith.constant 0 : index
    %swap3A_36 = arith.constant 0 : index
    %swap3A_37 = vector.load %arg8[%swap3A_35, %swap3A_36] : memref<2x16xf32, #tpu.memory_space<vmem>>, vector<2x16xf32>
    tpu.vector_store %arg8[%swap3A_35, %swap3A_36], %stack3A_34 {strides = array<i32>} : memref<2x16xf32, #tpu.memory_space<vmem>>, vector<2x16xf32>,
    %get3A_38 = arith.constant 0 : index
    %get3A_39 = arith.constant 0 : index
    %get3A_40 = vector.load %arg2[%get3A_38, %get3A_39] : memref<128x128xf32, #tpu.memory_space<vmem>>, vector<128x128xf32>
    %dot_general3A_41 = arith.constant dense<0.000000e+00> : vector<10000x128xf32>
    %dot_general3A_42 = tpu.matmul %get3A_1, %get3A_40, %dot_general3A_41 {dimension_numbers = #tpu.dot_dimension_numbers<[1], [0], [0], [1], [0, 0, 1, 1], [], []>, transpose_lhs_hint = false} : vector<10000x128xf32>, vector<128x128xf32>, vector<10000x128xf32> -> vector<10000x128xf32>
    %get3A_43 = arith.constant 0 : index
    %get3A_44 = vector.load %arg3[%get3A_43] : memref<128xf32, #tpu.memory_space<vmem>>, vector<128xf32>
    %broadcast_in_dim3A_45 = vector.shape_cast %get3A_44 : vector<128xf32> to vector<1x128xf32>
    %add3A = vector.broadcast %broadcast_in_dim3A_45 : vector<1x128xf32> to vector<10000x128xf32>
    %add3A_46 = arith.addf %dot_general3A_42, %add3A : vector<10000x128xf32>
    %logistic3A = arith.negf %add3A_46 : vector<10000x128xf32>
    %logistic3A_47 = math.exp %logistic3A : vector<10000x128xf32>
    %logistic3A_48 = arith.constant 1.000000e+00 : f32
    %logistic3A_49 = vector.broadcast %logistic3A_48 : f32 to vector<10000x128xf32>
    %logistic3A_50 = arith.addf %logistic3A_49, %logistic3A_47 : vector<10000x128xf32>
    %logistic3A_51 = arith.divf %logistic3A_49, %logistic3A_50 : vector<10000x128xf32>
    %swap3A_52 = arith.constant 0 : index
    %swap3A_53 = arith.constant 0 : index
    %swap3A_54 = vector.load %arg9[%swap3A_52, %swap3A_53] : memref<10000x128xf32, #tpu.memory_space<vmem>>, vector<10000x128xf32>
    tpu.vector_store %arg9[%swap3A_52, %swap3A_53], %logistic3A_51 {strides = array<i32>} : memref<10000x128xf32, #tpu.memory_space<vmem>>, vector<10000x128xf32>,
    return
  }
}

module attributes {stable_mosaic.version = 14 : i64} {
  func.func @_combine_body(%arg0: memref<32x10000xf32, #tpu.memory_space<vmem>>, %arg1: memref<32x10000xf32, #tpu.memory_space<vmem>>, %arg2: memref<10000xf32, #tpu.memory_space<vmem>>, %arg3: memref<10000xf32, #tpu.memory_space<vmem>>) attributes {dimension_semantics = [], scalar_prefetch = 0 : i64, scratch_operands = 0 : i64, tpu.core_type = #tpu.core_type<tc>} {
    %get3A = arith.constant 0 : index
    %get3A_0 = arith.constant 0 : index
    %get3A_1 = vector.load %arg0[%get3A, %get3A_0] : memref<32x10000xf32, #tpu.memory_space<vmem>>, vector<32x10000xf32>
    %reduce_sum3A = arith.constant dense<0.000000e+00> : vector<10000xf32>
    %reduce_sum3A_2 = vector.multi_reduction <add>, %get3A_1, %reduce_sum3A [0] : vector<32x10000xf32> to vector<10000xf32>
    %get3A_3 = arith.constant 0 : index
    %get3A_4 = arith.constant 0 : index
    %get3A_5 = vector.load %arg1[%get3A_3, %get3A_4] : memref<32x10000xf32, #tpu.memory_space<vmem>>, vector<32x10000xf32>
    %reduce_sum3A_6 = arith.constant dense<0.000000e+00> : vector<10000xf32>
    %reduce_sum3A_7 = vector.multi_reduction <add>, %get3A_5, %reduce_sum3A_6 [0] : vector<32x10000xf32> to vector<10000xf32>
    %eq3A = arith.constant 0.000000e+00 : f32
    %eq3A_8 = vector.broadcast %eq3A : f32 to vector<10000xf32>
    %eq3A_9 = arith.cmpf oeq, %reduce_sum3A_2, %eq3A_8 : vector<10000xf32>
    %jit3A = arith.constant 1.000000e+00 : f32
    %broadcast_in_dim3A = vector.broadcast %jit3A : f32 to vector<10000xf32>
    %select_n3A = arith.select %eq3A_9, %broadcast_in_dim3A, %reduce_sum3A_2 : vector<10000xi1>, vector<10000xf32>
    %div3A = arith.constant 5.000000e-01 : f32
    %div3A_10 = vector.broadcast %div3A : f32 to vector<10000xf32>
    %div3A_11 = arith.divf %div3A_10, %select_n3A : vector<10000xf32>
    %swap3A = arith.constant 0 : index
    %swap3A_12 = vector.load %arg2[%swap3A] : memref<10000xf32, #tpu.memory_space<vmem>>, vector<10000xf32>
    tpu.vector_store %arg2[%swap3A], %div3A_11 {strides = array<i32>} : memref<10000xf32, #tpu.memory_space<vmem>>, vector<10000xf32>,
    %eq3A_13 = arith.constant 0.000000e+00 : f32
    %eq3A_14 = vector.broadcast %eq3A_13 : f32 to vector<10000xf32>
    %eq3A_15 = arith.cmpf oeq, %reduce_sum3A_7, %eq3A_14 : vector<10000xf32>
    %jit3A_16 = arith.constant 1.000000e+00 : f32
    %broadcast_in_dim3A_17 = vector.broadcast %jit3A_16 : f32 to vector<10000xf32>
    %select_n3A_18 = arith.select %eq3A_15, %broadcast_in_dim3A_17, %reduce_sum3A_7 : vector<10000xi1>, vector<10000xf32>
    %div3A_19 = arith.constant 5.000000e-01 : f32
    %div3A_20 = vector.broadcast %div3A_19 : f32 to vector<10000xf32>
    %div3A_21 = arith.divf %div3A_20, %select_n3A_18 : vector<10000xf32>
    %swap3A_22 = arith.constant 0 : index
    %swap3A_23 = vector.load %arg3[%swap3A_22] : memref<10000xf32, #tpu.memory_space<vmem>>, vector<10000xf32>
    tpu.vector_store %arg3[%swap3A_22], %div3A_21 {strides = array<i32>} : memref<10000xf32, #tpu.memory_space<vmem>>, vector<10000xf32>,
    return
  }
}

module attributes {stable_mosaic.version = 14 : i64} {
  func.func @_final_body(%arg0: memref<2x10000x128xf32, #tpu.memory_space<vmem>>, %arg1: memref<10000x128xf32, #tpu.memory_space<vmem>>, %arg2: memref<10000x128xf32, #tpu.memory_space<vmem>>, %arg3: memref<10000x128xf32, #tpu.memory_space<vmem>>) attributes {dimension_semantics = [], scalar_prefetch = 0 : i64, scratch_operands = 0 : i64, tpu.core_type = #tpu.core_type<tc>} {
    %get3A = arith.constant 0 : index
    %get3A_0 = arith.constant 0 : index
    %get3A_1 = arith.constant 0 : index
    %get3A_2 = vector.load %arg0[%get3A, %get3A_0, %get3A_1] : memref<2x10000x128xf32, #tpu.memory_space<vmem>>, vector<1x10000x128xf32>
    %get3A_3 = vector.shape_cast %get3A_2 : vector<1x10000x128xf32> to vector<10000x128xf32>
    %get3A_4 = arith.constant 1 : index
    %get3A_5 = arith.constant 0 : index
    %get3A_6 = arith.constant 0 : index
    %get3A_7 = vector.load %arg0[%get3A_4, %get3A_5, %get3A_6] : memref<2x10000x128xf32, #tpu.memory_space<vmem>>, vector<1x10000x128xf32>
    %get3A_8 = vector.shape_cast %get3A_7 : vector<1x10000x128xf32> to vector<10000x128xf32>
    %add3A = arith.addf %get3A_3, %get3A_8 : vector<10000x128xf32>
    %max3A = arith.constant 0.000000e+00 : f32
    %max3A_9 = vector.broadcast %max3A : f32 to vector<10000x128xf32>
    %max3A_10 = arith.maximumf %add3A, %max3A_9 : vector<10000x128xf32>
    %get3A_11 = arith.constant 0 : index
    %get3A_12 = arith.constant 0 : index
    %get3A_13 = vector.load %arg1[%get3A_11, %get3A_12] : memref<10000x128xf32, #tpu.memory_space<vmem>>, vector<10000x128xf32>
    %mul3A = arith.mulf %max3A_10, %get3A_13 : vector<10000x128xf32>
    %get3A_14 = arith.constant 0 : index
    %get3A_15 = arith.constant 0 : index
    %get3A_16 = vector.load %arg2[%get3A_14, %get3A_15] : memref<10000x128xf32, #tpu.memory_space<vmem>>, vector<10000x128xf32>
    %sub3A = arith.constant 1.000000e+00 : f32
    %sub3A_17 = vector.broadcast %sub3A : f32 to vector<10000x128xf32>
    %sub3A_18 = arith.subf %sub3A_17, %get3A_13 : vector<10000x128xf32>
    %mul3A_19 = arith.mulf %get3A_16, %sub3A_18 : vector<10000x128xf32>
    %add3A_20 = arith.addf %mul3A, %mul3A_19 : vector<10000x128xf32>
    %swap3A = arith.constant 0 : index
    %swap3A_21 = arith.constant 0 : index
    %swap3A_22 = vector.load %arg3[%swap3A, %swap3A_21] : memref<10000x128xf32, #tpu.memory_space<vmem>>, vector<10000x128xf32>
    tpu.vector_store %arg3[%swap3A, %swap3A_21], %add3A_20 {strides = array<i32>} : memref<10000x128xf32, #tpu.memory_space<vmem>>, vector<10000x128xf32>,
    return
  }
}

</mosaic_0001>

<sc_bundles>
// kernel: kernel.10.cloned.1.call-start
scs
__scs_entry_jumppad:
0x0: {  	(pc) =	sbr.rel $0x88, $3  }
0x1: {  	(tag) =	ssettag $0x0;
	lr =	simm.s32 $0x1  }
0x2: {  	[smem:$0x3F9B] =	sst lr;
	_ =	strace $0xD0000000  }
0x3: {  	_ = 	snop  }
0x4: {  	_ = 	snop  }
0x5: {  	_ = 	snop  }
0x6: {  	_ = 	snop  }
0x7: {  	_ = 	snop  }
__scs_overlays_trampoline_lowered:
0x8: {  	[smem:$0x3FAA] =	sst s0  }
0x9: {  	[smem:$0x3FAB] =	sst s1  }
0xa: {  	[smem:$0x3FAC] =	sst s2  }
0xb: {  	[smem:$0x3FAD] =	sst s3  }
0xc: {  	[smem:$0x3FAE] =	sst s4  }
0xd: {  	[smem:$0x3FAF] =	sst s5  }
0xe: {  	[smem:$0x3FB0] =	sst s6  }
0xf: {  	[smem:$0x3FB1] =	sst s7  }
0x10: {  	[smem:$0x3FB2] =	sst s8  }
0x11: {  	[smem:$0x3FB3] =	sst s9;
	s0 =	simm.s32 @!p0 $0x0  }
0x12: {  	s1 =	sld [smem:$0x3F99];
	s0 =	simm.s32 @p0 $0x1  }
0x13: {  	[smem:$0x3FB4] =	sst s0;
	s0 =	simm.s32 @!p1 $0x0  }
0x14: {  	s2 =	sld [smem:$0x3F98];
	s0 =	simm.s32 @p1 $0x1  }
0x15: {  	[smem:$0x3FB5] =	sst s0;
	s0 =	simm.s32 @!p2 $0x0  }
0x16: {  	s3 =	sld [smem:$0x3FDB];
	s0 =	simm.s32 @p2 $0x1  }
0x17: {  	s4 =	simm.s32 $0x1BF5;
	[smem:$0x3FB7] =	sst s0  }
0x18: {  	s0 =	sld [smem:$0x3F9A];
	_ =	swait.ge [sflag:s4], $0x0  }
0x19: {  	s7 =	sld [smem:$0x3F9B]  }
0x1a: {  	s8 =	sadd.s32 $0xFFFFE003, lr  }
0x1b: {  	s9 =	sadd.s32 $0xFFFFFEF7, lr;
	s5 =	simm.s32 $0xFFFFFFFF;
	p2 =	slt.u32 s8, $0xFFFFF086  }
0x1c: {  	p1 =	slt.u32 s9, $0xF7A;
	s5 =	simm.s32 @!p2 $0x0  }
0x1d: {  	s5 =	simm.s32 @p1 $0x1;
	p0 =	seq.s32 s7, s2  }
0x1e: {  	s7 =	smul.u32 @!p0 $0xF7A, s2;
	p2 =	seq.s32 @!p0 s5, $0x0  }
0x1f: {  	s9 =	smul.u32 $0xF7A, s1;
	s8 =	simm.s32 @!p0 $0x1BF5;
	p2 =	por !p2, p0  }
0x20: {  	[sflag:s8] =	ssyncset.s32 @!p0 $0xFFFFF086;
	s6 =	sadd.s32 @!p0 s3, s7;
	s7 =	simm.s32 @!p0 $0x108  }
0x21: {  	s3 =	sadd.s32 s3, s9;
	s6 =	sadd.s32 @!p0 $0x88, s6;
	s7 =	simm.s32 @p2 $0x1082  }
0x22: {  	[simem:s7], [sflag:s8] =	dma.local @!p0 [hbm:s6], $0xF7A  }
0x23: {  	s9 =	sor.u32 $0xD0000000, s2;
	s6 =	simm.s32 $0x108;
	_ =	swait.ge @!p0 [sflag:s8], $0x0  }
0x24: {  	s3 =	sadd.s32 $0x88, s3;
	s6 =	simm.s32 @!p1 $0x1082;
	[sflag:s4] =	ssyncset.s32 $0xFFFFF086  }
0x25: {  	[simem:s6], [sflag:s4] =	dma.local [hbm:s3], $0xF7A  }
0x26: {  	[smem:$0x3F9B] =	sst s1;
	(tag) =	ssettag s2;
	_ =	strace s9  }
0x27: {  	s1 =	sld [smem:$0x3FAB]  }
0x28: {  	s2 =	sld [smem:$0x3FAC]  }
0x29: {  	s4 =	sld [smem:$0x3FAE]  }
0x2a: {  	p0 =	seq.s32 s5, $0x0;
	s5 =	sld [smem:$0x3FAF]  }
0x2b: {  	s6 =	sld [smem:$0x3FB0]  }
0x2c: {  	s7 =	sld [smem:$0x3FB1]  }
0x2d: {  	s3 =	simm.s32 $0x108;
	s8 =	sld [smem:$0x3FB2]  }
0x2e: {  	s3 =	simm.s32 @!p0 $0x1082;
	s9 =	sld [smem:$0x3FB3]  }
0x2f: {  	lr =	sadd.s32 s0, s3;
	s0 =	sld [smem:$0x3FAA]  }
0x30: {  	s3 =	sld [smem:$0x3FAD]  }
0x31: {  	[smem:$0x3FB6] =	sst s10  }
0x32: {  	s10 =	sld [smem:$0x3FB4];
	_ =	sdelay $0x3  }
0x33: {  	p0 =	seq.s32 s10, $0x1;
	s10 =	sld [smem:$0x3FB6];
	_ =	sdelay $0x3  }
0x34: {  	[smem:$0x3FB6] =	sst s10  }
0x35: {  	s10 =	sld [smem:$0x3FB5];
	_ =	sdelay $0x3  }
0x36: {  	p1 =	seq.s32 s10, $0x1;
	s10 =	sld [smem:$0x3FB6];
	_ =	sdelay $0x3  }
0x37: {  	[smem:$0x3FB6] =	sst s10  }
0x38: {  	s10 =	sld [smem:$0x3FB7]  }
0x39: {  	_ = 	snop;
	(pc) =	sbr.ind lr, $3  }
0x3a: {  	_ = 	snop  }
0x3b: {  	_ = 	snop  }
0x3c: {  	p2 =	seq.s32 s10, $0x1;
	s10 =	sld [smem:$0x3FB6]  }
0x3d: {  	_ =	shalt  }
0x3e: {  	_ =	shalt  }
0x3f: {  	_ =	shalt  }
0x40: {  	_ =	shalt  }
0x41: {  	_ =	shalt  }
0x42: {  	_ =	shalt  }
0x43: {  	_ =	shalt  }
0x44: {  	_ =	shalt  }
0x45: {  	_ =	shalt  }
0x46: {  	_ =	shalt  }
0x47: {  	_ =	shalt  }
0x48: {  	_ =	shalt  }
0x49: {  	_ =	shalt  }
0x4a: {  	_ =	shalt  }
0x4b: {  	_ =	shalt  }
0x4c: {  	_ =	shalt  }
0x4d: {  	_ =	shalt  }
0x4e: {  	_ =	shalt  }
0x4f: {  	_ =	shalt  }
0x50: {  	_ =	shalt  }
0x51: {  	_ =	shalt  }
0x52: {  	_ =	shalt  }
0x53: {  	_ =	shalt  }
0x54: {  	_ =	shalt  }
0x55: {  	_ =	shalt  }
0x56: {  	_ =	shalt  }
0x57: {  	_ =	shalt  }
0x58: {  	_ =	shalt  }
0x59: {  	_ =	shalt  }
0x5a: {  	_ =	shalt  }
0x5b: {  	_ =	shalt  }
0x5c: {  	_ =	shalt  }
0x5d: {  	_ =	shalt  }
0x5e: {  	_ =	shalt  }
0x5f: {  	_ =	shalt  }
0x60: {  	_ =	shalt  }
0x61: {  	_ =	shalt  }
0x62: {  	_ =	shalt  }
0x63: {  	_ =	shalt  }
0x64: {  	_ =	shalt  }
0x65: {  	_ =	shalt  }
0x66: {  	_ =	shalt  }
0x67: {  	_ =	shalt  }
0x68: {  	_ =	shalt  }
0x69: {  	_ =	shalt  }
0x6a: {  	_ =	shalt  }
0x6b: {  	_ =	shalt  }
0x6c: {  	_ =	shalt  }
0x6d: {  	_ =	shalt  }
0x6e: {  	_ =	shalt  }
0x6f: {  	_ =	shalt  }
0x70: {  	_ =	shalt  }
0x71: {  	_ =	shalt  }
0x72: {  	_ =	shalt  }
0x73: {  	_ =	shalt  }
0x74: {  	_ =	shalt  }
0x75: {  	_ =	shalt  }
0x76: {  	_ =	shalt  }
0x77: {  	_ =	shalt  }
0x78: {  	_ =	shalt  }
0x79: {  	_ =	shalt  }
0x7a: {  	_ =	shalt  }
0x7b: {  	_ =	shalt  }
0x7c: {  	_ =	shalt  }
0x7d: {  	_ =	shalt  }
0x7e: {  	_ =	shalt  }
0x7f: {  	_ =	shalt  }
0x80: {  	_ =	shalt  }
0x81: {  	_ =	shalt  }
0x82: {  	_ =	shalt  }
0x83: {  	_ =	shalt  }
0x84: {  	_ =	shalt  }
0x85: {  	_ =	shalt  }
0x86: {  	_ =	shalt  }
0x87: {  	_ =	shalt  }
.Lfunc_end0:
.L_simem_size_0:
called_computation.1_lowered:
.L_overlay_start_0:
0x88: {  	s2 =	sld [smem:$0x3FD9]  }
0x89: {  	s3 =	sld [smem:$0x3FFE];
	_ =	sdelay $0x1  }
0x8a: {  	s1 =	srdreg.scid  }
0x8b: {  	s0 =	sand.u32 $0x1, s1  }
0x8c: {  	s17 =	sshll.u32 s0, $0xA;
	s2 =	sadd.s32 s3, s2  }
0x8d: {  	s2 =	sadd.s32 s2, s17  }
0x8e: {  	[smem:$0x3FC2] =	sst s2  }
0x8f: {  	_ = 	snop  }
0x90: {  	s2 =	sld [smem:$0x3FC8]  }
0x91: {  	s18 =	sld [smem:$0x3FD0];
	(tm) =	ssettm $0x1  }
0x92: {  	s4 =	sld [smem:$0x3FFB];
	_ =	sdelay $0x3  }
0x93: {  	_ =	strace s4  }
0x94: {  	s4 =	sld [smem:$0x3FFC];
	_ =	sdelay $0x3  }
0x95: {  	_ =	strace s4  }
0x96: {  	s4 =	sld [smem:$0x3FFD];
	_ =	sdelay $0x3  }
0x97: {  	_ =	strace s4  }
0x98: {  	_ =	strace $0x8FFFFFFF  }
0x99: {  	s19 =	sld [smem:$0x3FDB];
	_ =	sdelay $0x1  }
0x9a: {  	s5 =	simm.s32 $_scs_section_size  }
0x9b: {  	s6 =	simm.s32 $_size__tile_overlayer_lowered;
	s7 =	simm.s32 $_tile_overlayer_lowered  }
0x9c: {  	s22 =	simm.s32 $0x1BFF;
	s21 =	sshll.u32 s7, $0x1;
	s4 =	sadd.s32 s5, s19  }
0x9d: {  	s8 =	simm.s32 $0x0;
	s20 =	sshll.u32 s6, $0x1;
	s6 =	sadd.s32 s21, s4  }
0x9e: {  	[timem:s8], [sflag:s22] =	dma.local [hbm:s6], s20  }
0x9f: {  	_ =	swait.ge [sflag:s22], s20  }
0xa0: {  	s5 =	ssub.s32 $0x0, s20;
	[sflag:s22] =	ssyncset.done $0x0  }
0xa1: {  	[sflag:s22] =	ssyncadd.s32 s5;
	_ =	sdelay $0x1  }
0xa2: {  	s23 =	simm.s32 $0x1B8B  }
0xa3: {  	_ =	swait.ge [sflag:s23], $0x1  }
0xa4: {  	[sflag:s23] =	ssyncset.done $0x0  }
0xa5: {  	s25 =	simm.s32 $0x1B8E;
	s24 =	sld [smem:$0x3FFE];
	[sflag:s23] =	ssyncadd.s32 $0xFFFFFFFF  }
0xa6: {  	s26 =	simm.s32 $execute0_lowered;
	[smem:$0x3FD2] =	sst s25  }
0xa7: {  	s6 =	sshll.u32 s26, $0x1;
	_ =	strace $0x80000049;
	[dreg:$0x1] =	wrdreg $0xFFFFFFFF  }
0xa8: {  	s28 =	simm.s32 $_size_execute0_lowered;
	s4 =	sadd.s32 s4, s6;
	[dreg:$0x0] =	wrdreg $0x0  }
0xa9: {  	s6 =	sshll.u32 s28, $0x1;
	[dreg:$0x2] =	wrdreg s4  }
0xaa: {  	[dreg:$0x3] =	wrdreg s6  }
0xab: {  	[dreg:$0x4] =	wrdreg $0xC0  }
0xac: {  	_ =	task [dreg:s8], $0x5FFFF  }
0xad: {  	[dreg:$0x1] =	wrdreg $0xFFFFFFFF  }
0xae: {  	[dreg:$0x0] =	wrdreg $0x60  }
0xaf: {  	[dreg:$0x2] =	wrdreg s24  }
0xb0: {  	[dreg:$0x3] =	wrdreg s18  }
0xb1: {  	[dreg:$0x4] =	wrdreg s2  }
0xb2: {  	[dreg:$0x5] =	wrdreg $0xC5800  }
0xb3: {  	[dreg:$0x6] =	wrdreg $0x9  }
0xb4: {  	_ =	task.clear_ibuf [dreg:s8], $0x7FFFF;
	_ =	strace $0x90000049  }
0xb5: {  	s29 =	simm.s32 $0x9;
	_ =	strace $0x8000004B  }
0xb6: {  	_ =	swait.ge [sflag:s29], $0x1  }
0xb7: {  	[sflag:s29] =	ssyncadd.s32 $0xFFFFFFFF  }
0xb8: {  	_ =	strace $0x9000004B  }
0xb9: {  	_ =	sfence  }
0xba: {  	s30 =	sld [smem:$0x0];
	_ =	sdelay $0x2  }
0xbb: {  	s31 =	sshll.u32 s1, $0xD;
	s1 =	sshrl.u32 s1, $0x2  }
0xbc: {  	s3 =	sand.u32 $0x4000, s31;
	s1 =	sadd.s32 s1, s30  }
0xbd: {  	s0 =	sor.u32 s3, s0;
	s1 =	sshll.u32 s1, $0x11  }
0xbe: {  	s0 =	sor.u32 s1, s0  }
0xbf: {  	s0 =	sadd.s32 $0x8F2B, s0  }
0xc0: {  	[sflag:s0] =	ssyncadd.remote.s32 $0x1  }
0xc1: {  	_ =	sfence.sel $0xFFFF  }
0xc2: {  	[dreg:$0x0] =	wrdreg $0xFFFFFFFF;
	(pc) =	sbr.abs _section_cstart, $3  }
0xc3: {  	[dreg:$0x1] =	wrdreg $0xFFFFFFFF  }
0xc4: {  	_ =	task.clear_ibuf [dreg:s8], $0x2FFFF;
	_ =	strace $0x9FFFFFFF  }
0xc5: {  	(tm) =	ssettm $0x7FFFFFFF  }
tec
execute0_lowered:
.L_overlay_start_1:
0x0: {  	(tag) =	ssettag $0x1  }
0x1: {  	s0 =	rddreg [dreg:$0x0]  }
0x2: {  	s1 =	rddreg [dreg:$0x1]  }
0x3: {  	s2 =	rddreg [dreg:$0x2]  }
0x4: {  	s3 =	rddreg [dreg:$0x3];
	s4 =	simm.s32 $0x0;
	s5 =	srdreg.scid  }
0x5: {  	s13 =	stileid.u32;
	s16 =	simm.s32 $0x5;
	s30 =	simm.s32 $0x5  }
0x6: {  	s31 =	simm.s32 $0x8;
	s29 =	simm.s32 $0x5380;
	[smem:$0x7FF] =	sst s4  }
0x7: {  	s6 =	sadd.s32 $0x22000, s0;
	s7 =	sadd.s32 $0x2BE00, s0;
	s5 =	sand.u32 $0x1, s5  }
0x8: {  	s9 =	sshll.u32 s13, $0x1;
	s8 =	sadd.s32 $0x2C00, s0;
	s22 =	smul.u32 $0x2800, s13  }
0x9: {  	s11 =	sadd.s32 $0xCA00, s0;
	p0 =	seq.s32 s13, $0xF;
	s13 =	smul.u32 $0x50000, s13  }
0xa: {  	s12 =	sadd.s32 $0xD000, s0;
	_ =	strace $0x8000004A;
	s10 =	smul.u32 $0x27100, s5  }
0xb: {  	s9 =	sor.u32 s5, s9;
	[dreg:$0x5] =	wrdreg s11;
	s5 =	ssub.s32 $0x2, s5  }
0xc: {  	[dreg:$0x6] =	wrdreg s12;
	s9 =	smul.u32 $0x2710, s9;
	s14 =	sshrl.u32 s5, $0x1  }
0xd: {  	s16 =	simm.s32 @!p0 $0x8;
	s25 =	sshrl.u32 s13, $0x2;
	s5 =	ssub.s32 s5, s14  }
0xe: {  	[dreg:$0x7] =	wrdreg s16;
	s15 =	sshrl.u32 s9, $0x3;
	s5 =	smax.u32 s5, $0x1  }
0xf: {  	s0 =	sadd.s32 s10, s0;
	s17 =	sadd.s32 s8, s15;
	[dreg:$0x14] =	wrdreg s5  }
0x10: {  	s0 =	sadd.s32 s22, s0;
	s18 =	sadd.s32 s1, s15;
	[dreg:$0x8] =	wrdreg s17  }
0x11: {  	s22 =	simm.s32 $0x2;
	s19 =	sadd.s32 s6, s15;
	[dreg:$0x9] =	wrdreg s18  }
0x12: {  	s20 =	sadd.s32 $0xE, s15;
	s12 =	sadd.s32 s7, s15;
	[dreg:$0xa] =	wrdreg s19  }
0x13: {  	s24 =	sadd.s32 $0x4DE, s15;
	s0 =	sadd.s32 $0x35C00, s0;
	[dreg:$0xb] =	wrdreg s12  }
0x14: {  	s5 =	simm.s32 $0x5500;
	s21 =	sadd.s32 s8, s20;
	[dreg:$0x16] =	wrdreg s0  }
0x15: {  	s15 =	simm.s32 $0x70;
	s14 =	sadd.s32 s1, s20;
	[dreg:$0xc] =	wrdreg s21  }
0x16: {  	s23 =	sadd.s32 s6, s20;
	s10 =	sadd.s32 s7, s20;
	[dreg:$0xd] =	wrdreg s14  }
0x17: {  	s20 =	sadd.s32 $0xE0, s9;
	s11 =	sadd.s32 s8, s24;
	[dreg:$0xe] =	wrdreg s23  }
0x18: {  	s26 =	sadd.s32 s1, s24;
	s28 =	sadd.s32 s6, s24;
	[dreg:$0xf] =	wrdreg s10  }
0x19: {  	s18 =	sadd.s32 s25, s3;
	s0 =	simm.s32 $0x2780;
	[dreg:$0x10] =	wrdreg s11  }
0x1a: {  	s17 =	simm.s32 $0x5080;
	s19 =	simm.s32 $0x5280;
	[dreg:$0x11] =	wrdreg s26  }
0x1b: {  	s25 =	simm.s32 $0x5400;
	s21 =	sadd.s32 $0x150, s9;
	[dreg:$0x12] =	wrdreg s28  }
0x1c: {  	s9 =	sadd.s32 s7, s24;
	s10 =	simm.s32 $0x5000;
	s14 =	simm.s32 $0x1  }
0x1d: {  	s23 =	simm.s32 $0x8D00;
	s24 =	simm.s32 $0x5300;
	[dreg:$0x15] =	wrdreg s18  }
0x1e: {  	v0 =	vimm.f32 $0.0e+00;
	s26 =	simm.s32 $0x4;
	s11 =	simm.s32 $0x0;
	[dreg:$0x13] =	wrdreg s9  }
.LBB2_1:
0x1f: {  	[dreg:$0x17] =	wrdreg s11  }
0x20: {  	s9 =	rddreg [dreg:$0x5]  }
0x21: {  	[tilespmem:s4], [sflag:$0x8] =	stream.linear.gather [hbm4b:s9+s4], $0x2780, $0x38;
	[tilespmem:$0x1FE00] =	vst v63  }
0x22: {  	_ =	swait.ge [sflag:s31], $0x2780  }
0x23: {  	[sflag:s31] =	ssyncset.done $0x0  }
0x24: {  	s12 =	rddreg [dreg:$0x6];
	[sflag:s31] =	ssyncadd.s32 $0xFFFFD880  }
0x25: {  	[tilespmem:s0], [sflag:$0x8] =	stream.linear.gather [hbm4b:s12+s4], $0x2780, $0x38;
	[tilespmem:$0x1FE00] =	vst v63  }
0x26: {  	s13 =	sand.u32 $0xFE00, s4;
	s28 =	sand.u32 $0x70, s4;
	_ =	swait.ge [sflag:s31], $0x2780  }
0x27: {  	s11 =	simm.s32 $0x0;
	s12 =	sshrl.u32 s13, $0x2;
	[sflag:s31] =	ssyncset.done $0x0  }
0x28: {  	s9 =	simm.s32 $0x40;
	s12 =	sor.u32 s28, s12;
	[sflag:s31] =	ssyncadd.s32 $0xFFFFD880  }
.LBB2_2:
0x29: {  	p0 =	sne.s32 s9, $0x9FC0  }
0x2a: {  	[tilespmem:s12+$0x5500] =	vst v0;
	s11 =	sadd.s32 $0x10, s11;
	s12 =	smov.u32 s9;
	s9 =	sadd.s32 $0x40, s9  }
.Ltmp0:
0x2b: {  	(pc) =	sbr.rel @p0 .LBB2_2-.Ltmp0, $4  }
0x2c: {  	_ = 	snop  }
0x2d: {  	s12 =	sand.u32 $0xFE00, s12  }
0x2e: {  	s13 =	sand.u32 $0x70, s11;
	s12 =	sshrl.u32 s12, $0x2  }
0x2f: {  	s12 =	sor.u32 s13, s12  }
0x30: {  	p0 =	sne.s32 s16, $0x1  }
.Ltmp1:
0x31: {  	_ = 	snop;
	(pc) =	sbr.rel @!p0 .LBB2_5-.Ltmp1, $4  }
0x32: {  	[tilespmem:s12+$0x5500] =	vst v0  }
0x33: {  	[spmem:s18] =	stream.linear.scatter [tilespmem:s5], [sflag:$0x8], $0x2800, $0x38;
	[tilespmem:$0x1FE00] =	vst v63  }
0x34: {  	_ =	swait.ge [sflag:s31], $0x2800  }
0x35: {  	s9 =	sadd.s32 $0xFFFFFFFF, s16;
	s11 =	smov.u32 s18;
	[sflag:s31] =	ssyncset.done $0x0  }
.LBB2_4:
0x36: {  	p1 =	sne.s32 s9, $0x1;
	[sflag:s31] =	ssyncadd.s32 $0xFFFFD800;
	s11 =	sadd.s32 $0x2800, s11  }
.Ltmp2:
0x37: {  	s9 =	sadd.s32 $0xFFFFFFFF, s9;
	(pc) =	sbr.rel @p1 .LBB2_4-.Ltmp2, $4  }
0x38: {  	_ = 	snop  }
0x39: {  	[spmem:s11] =	stream.linear.scatter [tilespmem:s5], [sflag:$0x8], $0x2800, $0x38;
	[tilespmem:$0x1FE00] =	vst v63  }
0x3a: {  	_ =	swait.ge [sflag:s31], $0x2800  }
0x3b: {  	[sflag:s31] =	ssyncset.done $0x0  }
.LBB2_5:
0x3c: {  	[sflag:s31] =	ssyncadd.s32 $0xFFFFD800  }
0x3d: {  	[bflag:$0x0] =	sbarrier.arrive $0xFFFF  }
0x3e: {  	s28 =	simm.s32 $0x0;
	s11 =	simm.s32 $0x4F00;
	s9 =	rddreg [dreg:$0x8]  }
0x3f: {  	[tilespmem:s11], [sflag:$0x1] =	stream.linear.gather [hbm4b:s9+s28], $0x70, $0x38;
	[tilespmem:$0x1FE00] =	vst v63  }
0x40: {  	s13 =	rddreg [dreg:$0x9]  }
0x41: {  	[tilespmem:s10], [sflag:$0x1] =	stream.linear.gather [hbm4b:s13+s28], $0x70, $0x38;
	[tilespmem:$0x1FE00] =	vst v63  }
0x42: {  	s18 =	simm.s32 $0x5100;
	s16 =	rddreg [dreg:$0xa]  }
0x43: {  	[tilespmem:s18], [sflag:$0x1] =	stream.linear.gather [hbm4b:s16+s28], $0x70, $0x38;
	[tilespmem:$0x1FE00] =	vst v63  }
0x44: {  	s12 =	rddreg [dreg:$0xb];
	s13 =	simm.s32 $0x5200  }
0x45: {  	[tilespmem:s13], [sflag:$0x1] =	stream.linear.gather [hbm4b:s12+s28], $0x70, $0x38;
	[tilespmem:$0x1FE00] =	vst v63  }
0x46: {  	_ =	swait.ge [sflag:s14], $0x70  }
0x47: {  	[sflag:s14] =	ssyncset.done $0x0  }
0x48: {  	[sflag:s14] =	ssyncadd.s32 $0xFFFFFF90  }
0x49: {  	_ =	swait.ge [sflag:s14], $0x70  }
0x4a: {  	[sflag:s14] =	ssyncset.done $0x0  }
0x4b: {  	[sflag:s14] =	ssyncadd.s32 $0xFFFFFF90  }
0x4c: {  	_ =	swait.ge [sflag:s14], $0x70  }
0x4d: {  	[sflag:s14] =	ssyncset.done $0x0  }
0x4e: {  	[sflag:s14] =	ssyncadd.s32 $0xFFFFFF90  }
0x4f: {  	_ =	swait.ge [sflag:s14], $0x70  }
0x50: {  	[sflag:s14] =	ssyncset.done $0x0  }
0x51: {  	[sflag:s14] =	ssyncadd.s32 $0xFFFFFF90  }
0x52: {  	v1 =	vld [tilespmem:$0x4F00];
	_ =	sdelay $0x5  }
0x53: {  	v3 =	vld [tilespmem:$0x5100]  }
0x54: {  	v4 =	vld [tilespmem:$0x5200]  }
0x55: {  	v2 =	vld.idx.msk [tilespmem:v1+s28+$0x0], $0xffff  }
0x56: {  	v1 =	vld.idx.msk [tilespmem:v1+s0+$0x0], $0xffff;
	_ =	sdelay $0x1  }
0x57: {  	v5 =	vld [tilespmem:$0x4F10];
	_ =	sdelay $0x2  }
0x58: {  	v2 =	vmul.f32 v3, v2;
	v1 =	vmul.f32 v4, v1;
	_ =	sdelay $0x1  }
0x59: {  	v1 =	vadd.f32 v1, v2  }
0x5a: {  	v53 =	vld [tilespmem:$0x5210]  }
0x5b: {  	v3 =	vld [tilespmem:$0x5110];
	[tilespmem:$0x5300] =	vst v1  }
0x5c: {  	v1 =	vld.idx.msk [tilespmem:v5+s28+$0x0], $0xffff  }
0x5d: {  	v2 =	vld.idx.msk [tilespmem:v5+s0+$0x0], $0xffff;
	_ =	sdelay $0x1  }
0x5e: {  	v54 =	vld [tilespmem:$0x4F20];
	_ =	sdelay $0x2  }
0x5f: {  	v1 =	vmul.f32 v3, v1;
	v2 =	vmul.f32 v53, v2;
	_ =	sdelay $0x1  }
0x60: {  	v1 =	vadd.f32 v2, v1  }
0x61: {  	v55 =	vld [tilespmem:$0x5220]  }
0x62: {  	v3 =	vld [tilespmem:$0x5120];
	[tilespmem:$0x5310] =	vst v1  }
0x63: {  	v1 =	vld.idx.msk [tilespmem:v54+s28+$0x0], $0xffff  }
0x64: {  	v2 =	vld.idx.msk [tilespmem:v54+s0+$0x0], $0xffff;
	_ =	sdelay $0x1  }
0x65: {  	v56 =	vld [tilespmem:$0x4F30];
	_ =	sdelay $0x2  }
0x66: {  	v1 =	vmul.f32 v3, v1;
	v2 =	vmul.f32 v55, v2;
	_ =	sdelay $0x1  }
0x67: {  	v1 =	vadd.f32 v2, v1  }
0x68: {  	v57 =	vld [tilespmem:$0x5230]  }
0x69: {  	v3 =	vld [tilespmem:$0x5130];
	[tilespmem:$0x5320] =	vst v1  }
0x6a: {  	v1 =	vld.idx.msk [tilespmem:v56+s28+$0x0], $0xffff  }
0x6b: {  	v2 =	vld.idx.msk [tilespmem:v56+s0+$0x0], $0xffff;
	_ =	sdelay $0x1  }
0x6c: {  	v58 =	vld [tilespmem:$0x4F40];
	_ =	sdelay $0x2  }
0x6d: {  	v1 =	vmul.f32 v3, v1;
	v2 =	vmul.f32 v57, v2;
	_ =	sdelay $0x1  }
0x6e: {  	v1 =	vadd.f32 v2, v1  }
0x6f: {  	v59 =	vld [tilespmem:$0x5240]  }
0x70: {  	v3 =	vld [tilespmem:$0x5140];
	[tilespmem:$0x5330] =	vst v1  }
0x71: {  	v1 =	vld.idx.msk [tilespmem:v58+s28+$0x0], $0xffff  }
0x72: {  	v2 =	vld.idx.msk [tilespmem:v58+s0+$0x0], $0xffff;
	_ =	sdelay $0x1  }
0x73: {  	v60 =	vld [tilespmem:$0x4F50];
	_ =	sdelay $0x2  }
0x74: {  	v1 =	vmul.f32 v3, v1;
	v2 =	vmul.f32 v59, v2;
	_ =	sdelay $0x1  }
0x75: {  	v1 =	vadd.f32 v2, v1  }
0x76: {  	v61 =	vld [tilespmem:$0x5250]  }
0x77: {  	v3 =	vld [tilespmem:$0x5150];
	[tilespmem:$0x5340] =	vst v1  }
0x78: {  	v1 =	vld.idx.msk [tilespmem:v60+s28+$0x0], $0xffff  }
0x79: {  	v2 =	vld.idx.msk [tilespmem:v60+s0+$0x0], $0xffff;
	_ =	sdelay $0x1  }
0x7a: {  	v62 =	vld [tilespmem:$0x4F60];
	_ =	sdelay $0x2  }
0x7b: {  	v1 =	vmul.f32 v3, v1;
	v2 =	vmul.f32 v61, v2;
	_ =	sdelay $0x1  }
0x7c: {  	v1 =	vadd.f32 v2, v1  }
0x7d: {  	v63 =	vld [tilespmem:$0x5260]  }
0x7e: {  	v3 =	vld [tilespmem:$0x5160];
	[tilespmem:$0x5350] =	vst v1  }
0x7f: {  	v1 =	vld.idx.msk [tilespmem:v62+s28+$0x0], $0xffff  }
0x80: {  	v2 =	vld.idx.msk [tilespmem:v62+s0+$0x0], $0xffff;
	_ =	sdelay $0x4  }
0x81: {  	v1 =	vmul.f32 v3, v1;
	v2 =	vmul.f32 v63, v2;
	_ =	sdelay $0x1  }
0x82: {  	v1 =	vadd.f32 v2, v1;
	_ =	sdelay $0x1  }
0x83: {  	[tilespmem:$0x5360] =	vst v1  }
0x84: {  	[tilespmem:s5], [sflag:$0x3] =	stream.indirect.gather [hbm4b:s2+s15], $0x80, s10, s15, $0xb8;
	[tilespmem:$0x1FE00] =	vst v63  }
0x85: {  	s18 =	simm.s32 $0x4F80;
	s16 =	rddreg [dreg:$0xc]  }
0x86: {  	[tilespmem:s18], [sflag:$0x2] =	stream.linear.gather [hbm4b:s16+s28], $0x70, $0x38;
	[tilespmem:$0x1FE00] =	vst v63  }
0x87: {  	s12 =	rddreg [dreg:$0xd]  }
0x88: {  	[tilespmem:s17], [sflag:$0x2] =	stream.linear.gather [hbm4b:s12+s28], $0x70, $0x38;
	[tilespmem:$0x1FE00] =	vst v63  }
0x89: {  	s13 =	rddreg [dreg:$0xe];
	s16 =	simm.s32 $0x5180  }
0x8a: {  	[tilespmem:s16], [sflag:$0x2] =	stream.linear.gather [hbm4b:s13+s28], $0x70, $0x38;
	[tilespmem:$0x1FE00] =	vst v63  }
0x8b: {  	s18 =	rddreg [dreg:$0xf]  }
0x8c: {  	[tilespmem:s19], [sflag:$0x2] =	stream.linear.gather [hbm4b:s18+s28], $0x70, $0x38;
	[tilespmem:$0x1FE00] =	vst v63  }
.LBB2_6:
0x8d: {  	_ =	swait.ge [sflag:s22], $0x70  }
0x8e: {  	[sflag:s22] =	ssyncset.done $0x0  }
0x8f: {  	[sflag:s22] =	ssyncadd.s32 $0xFFFFFF90  }
0x90: {  	_ =	swait.ge [sflag:s22], $0x70  }
0x91: {  	[sflag:s22] =	ssyncset.done $0x0  }
0x92: {  	[sflag:s22] =	ssyncadd.s32 $0xFFFFFF90  }
0x93: {  	_ =	swait.ge [sflag:s22], $0x70  }
0x94: {  	[sflag:s22] =	ssyncset.done $0x0  }
0x95: {  	[sflag:s22] =	ssyncadd.s32 $0xFFFFFF90  }
0x96: {  	_ =	swait.ge [sflag:s22], $0x70  }
0x97: {  	[sflag:s22] =	ssyncset.done $0x0  }
0x98: {  	[sflag:s22] =	ssyncadd.s32 $0xFFFFFF90  }
0x99: {  	v1 =	vld [tilespmem:$0x4F80];
	_ =	sdelay $0x5  }
0x9a: {  	v3 =	vld [tilespmem:$0x5180]  }
0x9b: {  	v4 =	vld [tilespmem:$0x5280]  }
0x9c: {  	v2 =	vld.idx.msk [tilespmem:v1+s4+$0x0], $0xffff  }
0x9d: {  	v1 =	vld.idx.msk [tilespmem:v1+s0+$0x0], $0xffff;
	_ =	sdelay $0x1  }
0x9e: {  	v5 =	vld [tilespmem:$0x4F90];
	_ =	sdelay $0x2  }
0x9f: {  	v2 =	vmul.f32 v3, v2;
	v1 =	vmul.f32 v4, v1;
	_ =	sdelay $0x1  }
0xa0: {  	v1 =	vadd.f32 v1, v2  }
0xa1: {  	v3 =	vld [tilespmem:$0x5190]  }
0xa2: {  	v4 =	vld [tilespmem:$0x5290];
	[tilespmem:$0x5380] =	vst v1  }
0xa3: {  	v1 =	vld.idx.msk [tilespmem:v5+s4+$0x0], $0xffff  }
0xa4: {  	v2 =	vld.idx.msk [tilespmem:v5+s0+$0x0], $0xffff;
	_ =	sdelay $0x1  }
0xa5: {  	v5 =	vld [tilespmem:$0x4FA0];
	_ =	sdelay $0x2  }
0xa6: {  	v1 =	vmul.f32 v3, v1;
	v2 =	vmul.f32 v4, v2;
	_ =	sdelay $0x1  }
0xa7: {  	v1 =	vadd.f32 v2, v1  }
0xa8: {  	v3 =	vld [tilespmem:$0x51A0]  }
0xa9: {  	v4 =	vld [tilespmem:$0x52A0];
	[tilespmem:$0x5390] =	vst v1  }
0xaa: {  	v1 =	vld.idx.msk [tilespmem:v5+s4+$0x0], $0xffff  }
0xab: {  	v2 =	vld.idx.msk [tilespmem:v5+s0+$0x0], $0xffff;
	_ =	sdelay $0x1  }
0xac: {  	v5 =	vld [tilespmem:$0x4FB0];
	_ =	sdelay $0x2  }
0xad: {  	v1 =	vmul.f32 v3, v1;
	v2 =	vmul.f32 v4, v2;
	_ =	sdelay $0x1  }
0xae: {  	v1 =	vadd.f32 v2, v1  }
0xaf: {  	v3 =	vld [tilespmem:$0x51B0]  }
0xb0: {  	v4 =	vld [tilespmem:$0x52B0];
	[tilespmem:$0x53A0] =	vst v1  }
0xb1: {  	v1 =	vld.idx.msk [tilespmem:v5+s4+$0x0], $0xffff  }
0xb2: {  	v2 =	vld.idx.msk [tilespmem:v5+s0+$0x0], $0xffff;
	_ =	sdelay $0x1  }
0xb3: {  	v5 =	vld [tilespmem:$0x4FC0];
	_ =	sdelay $0x2  }
0xb4: {  	v1 =	vmul.f32 v3, v1;
	v2 =	vmul.f32 v4, v2;
	_ =	sdelay $0x1  }
0xb5: {  	v1 =	vadd.f32 v2, v1  }
0xb6: {  	v3 =	vld [tilespmem:$0x51C0]  }
0xb7: {  	v4 =	vld [tilespmem:$0x52C0];
	[tilespmem:$0x53B0] =	vst v1  }
0xb8: {  	v1 =	vld.idx.msk [tilespmem:v5+s4+$0x0], $0xffff  }
0xb9: {  	v2 =	vld.idx.msk [tilespmem:v5+s0+$0x0], $0xffff;
	_ =	sdelay $0x1  }
0xba: {  	v5 =	vld [tilespmem:$0x4FD0];
	_ =	sdelay $0x2  }
0xbb: {  	v1 =	vmul.f32 v3, v1;
	v2 =	vmul.f32 v4, v2;
	_ =	sdelay $0x1  }
0xbc: {  	v1 =	vadd.f32 v2, v1  }
0xbd: {  	v3 =	vld [tilespmem:$0x51D0]  }
0xbe: {  	v4 =	vld [tilespmem:$0x52D0];
	[tilespmem:$0x53C0] =	vst v1  }
0xbf: {  	v1 =	vld.idx.msk [tilespmem:v5+s4+$0x0], $0xffff  }
0xc0: {  	v2 =	vld.idx.msk [tilespmem:v5+s0+$0x0], $0xffff;
	_ =	sdelay $0x1  }
0xc1: {  	v5 =	vld [tilespmem:$0x4FE0];
	_ =	sdelay $0x2  }
0xc2: {  	v1 =	vmul.f32 v3, v1;
	v2 =	vmul.f32 v4, v2;
	_ =	sdelay $0x1  }
0xc3: {  	v1 =	vadd.f32 v2, v1  }
0xc4: {  	v3 =	vld [tilespmem:$0x51E0]  }
0xc5: {  	v4 =	vld [tilespmem:$0x52E0];
	[tilespmem:$0x53D0] =	vst v1  }
0xc6: {  	v1 =	vld.idx.msk [tilespmem:v5+s4+$0x0], $0xffff  }
0xc7: {  	v2 =	vld.idx.msk [tilespmem:v5+s0+$0x0], $0xffff;
	_ =	sdelay $0x4  }
0xc8: {  	v1 =	vmul.f32 v3, v1;
	v2 =	vmul.f32 v4, v2;
	_ =	sdelay $0x1  }
0xc9: {  	v1 =	vadd.f32 v2, v1  }
0xca: {  	p1 =	seq.s32 s28, $0x0  }
0xcb: {  	s11 =	simm.s32 $0x0;
	s9 =	simm.s32 @!p1 $0x6;
	[tilespmem:$0x53E0] =	vst v1  }
0xcc: {  	v1 =	vmov s11;
	_ =	swait.ge @!p1 [sflag:s9], $0x3800  }
0xcd: {  	v1 =	vand.u32 $0xFFFFFFFC, v1;
	[sflag:s9] =	ssyncset.done @!p1 $0x0  }
0xce: {  	s11 =	simm.s32 $0x3;
	v1 =	vbroadcast v1, $0x0;
	[sflag:s9] =	ssyncadd.s32 @!p1 $0xFFFFC800  }
0xcf: {  	[tilespmem:s23], [sflag:$0x4] =	stream.indirect.gather [hbm4b:s2+s15], $0x80, s17, s15, $0xb8;
	[tilespmem:$0x1FE00] =	vst v63  }
0xd0: {  	_ =	swait.ge [sflag:s11], $0x3800  }
0xd1: {  	[sflag:s11] =	ssyncset.done $0x0  }
0xd2: {  	s9 =	simm.s32 $0x5600;
	[sflag:s11] =	ssyncadd.s32 $0xFFFFC800  }
0xd3: {  	v3 =	vld [tilespmem:s9+$0xFFFFFF70]  }
0xd4: {  	v1 =	vld.idx.msk [tilespmem:v1+s24+$0x0], $0xffff  }
0xd5: {  	v4 =	vld [tilespmem:s9+$0xFFFFFF00]  }
0xd6: {  	v5 =	vld [tilespmem:s9+$0xFFFFFF20]  }
0xd7: {  	v6 =	vld [tilespmem:s9+$0xFFFFFF30]  }
0xd8: {  	v2 =	vld [tilespmem:s9+$0xFFFFFF50]  }
0xd9: {  	v8 =	vld [tilespmem:s9+$0xFFFFFF10];
	v3 =	vmul.f32 v3, v1  }
0xda: {  	s12 =	simm.s32 $0x1;
	v7 =	vld [tilespmem:s9+$0xFFFFFF60];
	v4 =	vmul.f32 v4, v1  }
0xdb: {  	v9 =	vld [tilespmem:s9+$0xFFFFFF40];
	v5 =	vmul.f32 v5, v1;
	[tilespmem:s9+$0xFFFFFF70] =	vst v3;
	v3 =	vmov s12  }
0xdc: {  	v6 =	vmul.f32 v6, v1;
	[tilespmem:s9+$0xFFFFFF00] =	vst v4;
	v3 =	vand.u32 $0xFFFFFFFD, v3  }
0xdd: {  	v2 =	vmul.f32 v2, v1;
	[tilespmem:s9+$0xFFFFFF20] =	vst v5;
	v3 =	vbroadcast v3, $0x0  }
0xde: {  	v4 =	vmul.f32 v8, v1;
	[tilespmem:s9+$0xFFFFFF30] =	vst v6  }
0xdf: {  	v5 =	vmul.f32 v7, v1;
	[tilespmem:s9+$0xFFFFFF50] =	vst v2  }
0xe0: {  	v1 =	vmul.f32 v9, v1;
	[tilespmem:s9+$0xFFFFFF10] =	vst v4  }
0xe1: {  	[tilespmem:s9+$0xFFFFFF60] =	vst v5  }
0xe2: {  	[tilespmem:s9+$0xFFFFFF40] =	vst v1;
	v1 =	vld [tilespmem:s9+$0xFFFFFF80]  }
0xe3: {  	v3 =	vld.idx.msk [tilespmem:v3+s24+$0x0], $0xffff  }
0xe4: {  	v2 =	vld [tilespmem:s9+$0xFFFFFFA0]  }
0xe5: {  	v4 =	vld [tilespmem:s9+$0xFFFFFF90]  }
0xe6: {  	v5 =	vld [tilespmem:s9+$0xFFFFFFD0]  }
0xe7: {  	v6 =	vld [tilespmem:s9+$0xFFFFFFE0]  }
0xe8: {  	v7 =	vld [tilespmem:s9+$0xFFFFFFF0];
	v1 =	vmul.f32 v1, v3  }
0xe9: {  	s18 =	simm.s32 $0x2;
	v8 =	vld [tilespmem:s9+$0xFFFFFFB0];
	v2 =	vmul.f32 v2, v3  }
0xea: {  	v63 =	vld [tilespmem:s9+$0xFFFFFFC0];
	v4 =	vmul.f32 v4, v3;
	[tilespmem:s9+$0xFFFFFF80] =	vst v1;
	v1 =	vmov s18  }
0xeb: {  	v5 =	vmul.f32 v5, v3;
	[tilespmem:s9+$0xFFFFFFA0] =	vst v2;
	v1 =	vand.u32 $0xFFFFFFFE, v1  }
0xec: {  	v2 =	vmul.f32 v6, v3;
	[tilespmem:s9+$0xFFFFFF90] =	vst v4;
	v4 =	vbroadcast v1, $0x0  }
0xed: {  	v6 =	vmul.f32 v7, v3;
	[tilespmem:s9+$0xFFFFFFD0] =	vst v5;
	v7 =	vld [tilespmem:s9+$0x30]  }
0xee: {  	v5 =	vmul.f32 v8, v3;
	v1 =	vld [tilespmem:s9+$0x40];
	[tilespmem:s9+$0xFFFFFFE0] =	vst v2  }
0xef: {  	v3 =	vmul.f32 v63, v3;
	v2 =	vld [tilespmem:s9+$0x70];
	[tilespmem:s9+$0xFFFFFFF0] =	vst v6  }
0xf0: {  	[tilespmem:s9+$0xFFFFFFB0] =	vst v5;
	v5 =	vld [tilespmem:s9+$0x20]  }
0xf1: {  	[tilespmem:s9+$0xFFFFFFC0] =	vst v3;
	v6 =	vld [tilespmem:s9+$0x0]  }
0xf2: {  	v3 =	vld.idx.msk [tilespmem:v4+s24+$0x0], $0xffff  }
0xf3: {  	s13 =	simm.s32 $0x5600;
	s12 =	simm.s32 $0x7;
	v4 =	vld [tilespmem:s9+$0x10]  }
.LBB2_7:
0xf4: {  	p1 =	sne.s32 s12, $0x6F  }
0xf5: {  	v8 =	vld [tilespmem:s9+$0x50];
	s13 =	sadd.s32 $0x200, s13;
	s16 =	smov.u32 s12;
	s12 =	sadd.s32 $0x4, s12  }
0xf6: {  	v9 =	vld [tilespmem:s9+$0x60];
	_ =	sdelay $0x1  }
0xf7: {  	v6 =	vmul.f32 v6, v3;
	v4 =	vmul.f32 v4, v3  }
0xf8: {  	v5 =	vmul.f32 v5, v3;
	v7 =	vmul.f32 v7, v3  }
0xf9: {  	v1 =	vmul.f32 v1, v3;
	v2 =	vmul.f32 v2, v3;
	[tilespmem:s9+$0x0] =	vst v6  }
0xfa: {  	[tilespmem:s9+$0x20] =	vst v5;
	v5 =	vmul.f32 v8, v3;
	v3 =	vmul.f32 v9, v3  }
0xfb: {  	[tilespmem:s9+$0x30] =	vst v7;
	v6 =	vld [tilespmem:s9+$0x80]  }
0xfc: {  	[tilespmem:s9+$0x60] =	vst v3;
	v3 =	vmov s11;
	v7 =	vld [tilespmem:s9+$0xD0];
	s11 =	smov.u32 s16  }
0xfd: {  	[tilespmem:s9+$0x50] =	vst v5;
	v5 =	vld [tilespmem:s9+$0xE0]  }
0xfe: {  	[tilespmem:s9+$0x40] =	vst v1;
	v8 =	vld [tilespmem:s9+$0xB0]  }
0xff: {  	v1 =	vld [tilespmem:s13+$0x40];
	[tilespmem:s9+$0x70] =	vst v2  }
0x100: {  	v2 =	vld [tilespmem:s13+$0x70];
	[tilespmem:s9+$0x10] =	vst v4  }
0x101: {  	v3 =	vld.idx.msk [tilespmem:v3+s24+$0x0], $0xffff  }
0x102: {  	v4 =	vld [tilespmem:s9+$0x90]  }
0x103: {  	v9 =	vld [tilespmem:s9+$0xA0]  }
0x104: {  	v10 =	vld [tilespmem:s9+$0xC0]  }
0x105: {  	v11 =	vld [tilespmem:s9+$0xF0];
	_ =	sdelay $0x1  }
0x106: {  	v6 =	vmul.f32 v6, v3;
	v4 =	vmul.f32 v4, v3  }
0x107: {  	s16 =	sadd.s32 $0xFFFFFFFD, s11;
	v8 =	vmul.f32 v8, v3;
	v9 =	vmul.f32 v9, v3  }
0x108: {  	v12 =	vmov s16;
	v7 =	vmul.f32 v7, v3;
	[tilespmem:s9+$0x80] =	vst v6;
	v6 =	vmul.f32 v10, v3  }
0x109: {  	v10 =	vand.u32 $0xFFFFFFFC, v12;
	[tilespmem:s9+$0x90] =	vst v4;
	v4 =	vmul.f32 v5, v3;
	v3 =	vmul.f32 v11, v3  }
0x10a: {  	v5 =	vbroadcast v10, $0x0;
	[tilespmem:s9+$0xA0] =	vst v9  }
0x10b: {  	[tilespmem:s9+$0xD0] =	vst v7  }
0x10c: {  	v7 =	vld [tilespmem:s13+$0xFFFFFF50];
	[tilespmem:s9+$0xB0] =	vst v8  }
0x10d: {  	v8 =	vld [tilespmem:s13+$0xFFFFFF30];
	[tilespmem:s9+$0xC0] =	vst v6  }
0x10e: {  	v6 =	vld [tilespmem:s13+$0xFFFFFF60];
	[tilespmem:s9+$0xE0] =	vst v4  }
0x10f: {  	v4 =	vld [tilespmem:s13+$0xFFFFFF70];
	[tilespmem:s9+$0xF0] =	vst v3;
	s9 =	smov.u32 s13  }
0x110: {  	v3 =	vld.idx.msk [tilespmem:v5+s24+$0x0], $0xffff  }
0x111: {  	v5 =	vld [tilespmem:s13+$0xFFFFFF00]  }
0x112: {  	v9 =	vld [tilespmem:s13+$0xFFFFFF20]  }
0x113: {  	v10 =	vld [tilespmem:s13+$0xFFFFFF10]  }
0x114: {  	v11 =	vld [tilespmem:s13+$0xFFFFFF40];
	_ =	sdelay $0x1  }
0x115: {  	v4 =	vmul.f32 v4, v3;
	v5 =	vmul.f32 v5, v3  }
0x116: {  	s16 =	sadd.s32 $0xFFFFFFFE, s11;
	v6 =	vmul.f32 v6, v3;
	v9 =	vmul.f32 v9, v3  }
0x117: {  	v8 =	vmul.f32 v8, v3;
	v10 =	vmul.f32 v10, v3;
	[tilespmem:s13+$0xFFFFFF70] =	vst v4;
	v4 =	vmov s16  }
0x118: {  	[tilespmem:s13+$0xFFFFFF00] =	vst v5;
	v5 =	vmul.f32 v11, v3;
	v3 =	vmul.f32 v7, v3;
	v4 =	vand.u32 $0xFFFFFFFD, v4  }
0x119: {  	[tilespmem:s13+$0xFFFFFF20] =	vst v9;
	v4 =	vbroadcast v4, $0x0  }
0x11a: {  	[tilespmem:s13+$0xFFFFFF30] =	vst v8  }
0x11b: {  	[tilespmem:s13+$0xFFFFFF50] =	vst v3;
	v3 =	vld [tilespmem:s13+$0xFFFFFFF0]  }
0x11c: {  	[tilespmem:s13+$0xFFFFFF10] =	vst v10;
	v7 =	vld [tilespmem:s13+$0xFFFFFFD0]  }
0x11d: {  	[tilespmem:s13+$0xFFFFFF60] =	vst v6;
	v6 =	vld [tilespmem:s13+$0xFFFFFFB0]  }
0x11e: {  	[tilespmem:s13+$0xFFFFFF40] =	vst v5;
	v5 =	vld [tilespmem:s13+$0xFFFFFF90]  }
0x11f: {  	v4 =	vld.idx.msk [tilespmem:v4+s24+$0x0], $0xffff  }
0x120: {  	v8 =	vld [tilespmem:s13+$0xFFFFFF80]  }
0x121: {  	v9 =	vld [tilespmem:s13+$0xFFFFFFA0]  }
0x122: {  	v10 =	vld [tilespmem:s13+$0xFFFFFFC0]  }
0x123: {  	v11 =	vld [tilespmem:s13+$0xFFFFFFE0];
	_ =	sdelay $0x1  }
0x124: {  	v5 =	vmul.f32 v5, v4;
	v8 =	vmul.f32 v8, v4  }
0x125: {  	s16 =	sadd.s32 $0xFFFFFFFF, s11;
	v6 =	vmul.f32 v6, v4;
	v9 =	vmul.f32 v9, v4  }
0x126: {  	v7 =	vmul.f32 v7, v4;
	[tilespmem:s13+$0xFFFFFF80] =	vst v8;
	v8 =	vmul.f32 v10, v4;
	v10 =	vmov s16  }
0x127: {  	v3 =	vmul.f32 v3, v4;
	[tilespmem:s13+$0xFFFFFFA0] =	vst v9;
	v9 =	vmul.f32 v11, v4;
	v4 =	vand.u32 $0xFFFFFFFE, v10  }
0x128: {  	[tilespmem:s13+$0xFFFFFF90] =	vst v5;
	v4 =	vbroadcast v4, $0x0  }
0x129: {  	[tilespmem:s13+$0xFFFFFFD0] =	vst v7  }
0x12a: {  	[tilespmem:s13+$0xFFFFFFE0] =	vst v9  }
0x12b: {  	[tilespmem:s13+$0xFFFFFFB0] =	vst v6  }
.Ltmp3:
0x12c: {  	[tilespmem:s13+$0xFFFFFFF0] =	vst v3;
	v5 =	vld [tilespmem:s13+$0x20];
	(pc) =	sbr.rel @p1 .LBB2_7-.Ltmp3, $4  }
0x12d: {  	[tilespmem:s13+$0xFFFFFFC0] =	vst v8;
	v6 =	vld [tilespmem:s13+$0x0]  }
0x12e: {  	v3 =	vld.idx.msk [tilespmem:v4+s24+$0x0], $0xffff  }
0x12f: {  	v4 =	vld [tilespmem:s13+$0x10]  }
0x130: {  	v7 =	vld [tilespmem:s13+$0x30]  }
0x131: {  	v8 =	vld [tilespmem:s9+$0x60];
	_ =	sdelay $0x1  }
0x132: {  	v6 =	vmul.f32 v6, v3  }
0x133: {  	v9 =	vld [tilespmem:s9+$0x50];
	v5 =	vmul.f32 v5, v3  }
0x134: {  	v1 =	vmul.f32 v1, v3;
	[tilespmem:s9+$0x0] =	vst v6  }
0x135: {  	[tilespmem:s9+$0x20] =	vst v5;
	v5 =	vmul.f32 v8, v3  }
0x136: {  	v2 =	vmul.f32 v2, v3;
	[tilespmem:s9+$0x40] =	vst v1  }
0x137: {  	v7 =	vmul.f32 v7, v3;
	[tilespmem:s9+$0x60] =	vst v5;
	v5 =	vmov s11  }
0x138: {  	[tilespmem:s9+$0x70] =	vst v2;
	v6 =	vmul.f32 v9, v3  }
0x139: {  	v3 =	vmul.f32 v4, v3;
	[tilespmem:s9+$0x30] =	vst v7  }
0x13a: {  	[tilespmem:s9+$0x50] =	vst v6  }
0x13b: {  	v7 =	vld [tilespmem:s9+$0x80];
	[tilespmem:s9+$0x10] =	vst v3  }
0x13c: {  	v1 =	vld.idx.msk [tilespmem:v5+s24+$0x0], $0xffff  }
0x13d: {  	v2 =	vld [tilespmem:s9+$0x90]  }
0x13e: {  	v3 =	vld [tilespmem:s9+$0xA0]  }
0x13f: {  	v4 =	vld [tilespmem:s9+$0xD0]  }
0x140: {  	v5 =	vld [tilespmem:s9+$0xB0]  }
0x141: {  	v6 =	vld [tilespmem:s9+$0xC0];
	v7 =	vmul.f32 v7, v1  }
0x142: {  	v8 =	vld [tilespmem:s9+$0xE0];
	v2 =	vmul.f32 v2, v1  }
0x143: {  	v61 =	vld [tilespmem:s9+$0xF0];
	v3 =	vmul.f32 v3, v1;
	[tilespmem:s9+$0x80] =	vst v7  }
0x144: {  	v4 =	vmul.f32 v4, v1;
	[tilespmem:s9+$0x90] =	vst v2  }
0x145: {  	v2 =	vmul.f32 v5, v1;
	[tilespmem:s9+$0xA0] =	vst v3  }
0x146: {  	v3 =	vmul.f32 v6, v1;
	[tilespmem:s9+$0xD0] =	vst v4  }
0x147: {  	v4 =	vmul.f32 v8, v1;
	[tilespmem:s9+$0xB0] =	vst v2  }
0x148: {  	v1 =	vmul.f32 v61, v1;
	[tilespmem:s9+$0xC0] =	vst v3  }
0x149: {  	[tilespmem:s9+$0xE0] =	vst v4  }
0x14a: {  	[tilespmem:s9+$0xF0] =	vst v1  }
0x14b: {  	v1 =	vld [tilespmem:$0x4F00]  }
0x14c: {  	v2 =	vld [tilespmem:$0x4F10]  }
0x14d: {  	v3 =	vld [tilespmem:$0x4F20]  }
0x14e: {  	v4 =	vld [tilespmem:$0x4F30]  }
0x14f: {  	v5 =	vld [tilespmem:$0x4F40]  }
0x150: {  	[tilespmem:$0x5400] =	vst v1;
	v1 =	vld [tilespmem:$0x4F50]  }
0x151: {  	[tilespmem:$0x5410] =	vst v2;
	v2 =	vld [tilespmem:$0x4F60]  }
0x152: {  	[tilespmem:$0x5420] =	vst v3  }
0x153: {  	s11 =	smul.u32 $0xE0, s28;
	[tilespmem:$0x5430] =	vst v4  }
0x154: {  	[tilespmem:$0x5440] =	vst v5  }
0x155: {  	s16 =	sadd.s32 s11, s20;
	[tilespmem:$0x5450] =	vst v1  }
0x156: {  	s9 =	sshrl.u32 s16, $0x3;
	[tilespmem:$0x5460] =	vst v2  }
0x157: {  	[spmem:s3] =	stream.indirect.scatter.add.f32 [tilespmem:s5], [sflag:$0x5], $0x80, s25, s15, $0xb8;
	[tilespmem:$0x1FE00] =	vst v63  }
0x158: {  	s13 =	simm.s32 $0x4F00;
	s12 =	sadd.s32 s8, s9  }
0x159: {  	[tilespmem:s13], [sflag:$0x1] =	stream.linear.gather [hbm4b:s12+s4], $0x70, $0x38;
	[tilespmem:$0x1FE00] =	vst v63  }
0x15a: {  	s18 =	sadd.s32 s1, s9  }
0x15b: {  	[tilespmem:s10], [sflag:$0x1] =	stream.linear.gather [hbm4b:s18+s4], $0x70, $0x38;
	[tilespmem:$0x1FE00] =	vst v63  }
0x15c: {  	s16 =	simm.s32 $0x5100;
	s13 =	sadd.s32 s6, s9  }
0x15d: {  	[tilespmem:s16], [sflag:$0x1] =	stream.linear.gather [hbm4b:s13+s4], $0x70, $0x38;
	[tilespmem:$0x1FE00] =	vst v63  }
0x15e: {  	s9 =	sadd.s32 s7, s9;
	s18 =	simm.s32 $0x5200  }
0x15f: {  	[tilespmem:s18], [sflag:$0x1] =	stream.linear.gather [hbm4b:s9+s4], $0x70, $0x38;
	[tilespmem:$0x1FE00] =	vst v63  }
0x160: {  	_ =	swait.ge [sflag:s14], $0x70  }
0x161: {  	[sflag:s14] =	ssyncset.done $0x0  }
0x162: {  	[sflag:s14] =	ssyncadd.s32 $0xFFFFFF90  }
0x163: {  	_ =	swait.ge [sflag:s14], $0x70  }
0x164: {  	[sflag:s14] =	ssyncset.done $0x0  }
0x165: {  	[sflag:s14] =	ssyncadd.s32 $0xFFFFFF90  }
0x166: {  	_ =	swait.ge [sflag:s14], $0x70  }
0x167: {  	[sflag:s14] =	ssyncset.done $0x0  }
0x168: {  	[sflag:s14] =	ssyncadd.s32 $0xFFFFFF90  }
0x169: {  	_ =	swait.ge [sflag:s14], $0x70  }
0x16a: {  	[sflag:s14] =	ssyncset.done $0x0  }
0x16b: {  	[sflag:s14] =	ssyncadd.s32 $0xFFFFFF90  }
0x16c: {  	v1 =	vld [tilespmem:$0x4F00];
	_ =	sdelay $0x5  }
0x16d: {  	v3 =	vld [tilespmem:$0x5100]  }
0x16e: {  	v4 =	vld [tilespmem:$0x5200]  }
0x16f: {  	v2 =	vld.idx.msk [tilespmem:v1+s4+$0x0], $0xffff  }
0x170: {  	v1 =	vld.idx.msk [tilespmem:v1+s0+$0x0], $0xffff;
	_ =	sdelay $0x1  }
0x171: {  	v5 =	vld [tilespmem:$0x4F10];
	_ =	sdelay $0x2  }
0x172: {  	v2 =	vmul.f32 v3, v2;
	v1 =	vmul.f32 v4, v1;
	_ =	sdelay $0x1  }
0x173: {  	v1 =	vadd.f32 v1, v2  }
0x174: {  	v3 =	vld [tilespmem:$0x5110]  }
0x175: {  	v4 =	vld [tilespmem:$0x5210];
	[tilespmem:$0x5300] =	vst v1  }
0x176: {  	v1 =	vld.idx.msk [tilespmem:v5+s4+$0x0], $0xffff  }
0x177: {  	v2 =	vld.idx.msk [tilespmem:v5+s0+$0x0], $0xffff;
	_ =	sdelay $0x1  }
0x178: {  	v5 =	vld [tilespmem:$0x4F20];
	_ =	sdelay $0x2  }
0x179: {  	v1 =	vmul.f32 v3, v1;
	v2 =	vmul.f32 v4, v2;
	_ =	sdelay $0x1  }
0x17a: {  	v1 =	vadd.f32 v2, v1  }
0x17b: {  	v3 =	vld [tilespmem:$0x5120]  }
0x17c: {  	v4 =	vld [tilespmem:$0x5220];
	[tilespmem:$0x5310] =	vst v1  }
0x17d: {  	v1 =	vld.idx.msk [tilespmem:v5+s4+$0x0], $0xffff  }
0x17e: {  	v2 =	vld.idx.msk [tilespmem:v5+s0+$0x0], $0xffff;
	_ =	sdelay $0x1  }
0x17f: {  	v5 =	vld [tilespmem:$0x4F30];
	_ =	sdelay $0x2  }
0x180: {  	v1 =	vmul.f32 v3, v1;
	v2 =	vmul.f32 v4, v2;
	_ =	sdelay $0x1  }
0x181: {  	v1 =	vadd.f32 v2, v1  }
0x182: {  	v3 =	vld [tilespmem:$0x5130]  }
0x183: {  	v4 =	vld [tilespmem:$0x5230];
	[tilespmem:$0x5320] =	vst v1  }
0x184: {  	v1 =	vld.idx.msk [tilespmem:v5+s4+$0x0], $0xffff  }
0x185: {  	v2 =	vld.idx.msk [tilespmem:v5+s0+$0x0], $0xffff;
	_ =	sdelay $0x1  }
0x186: {  	v5 =	vld [tilespmem:$0x4F40];
	_ =	sdelay $0x2  }
0x187: {  	v1 =	vmul.f32 v3, v1;
	v2 =	vmul.f32 v4, v2;
	_ =	sdelay $0x1  }
0x188: {  	v1 =	vadd.f32 v2, v1  }
0x189: {  	v3 =	vld [tilespmem:$0x5140]  }
0x18a: {  	v4 =	vld [tilespmem:$0x5240];
	[tilespmem:$0x5330] =	vst v1  }
0x18b: {  	v1 =	vld.idx.msk [tilespmem:v5+s4+$0x0], $0xffff  }
0x18c: {  	v2 =	vld.idx.msk [tilespmem:v5+s0+$0x0], $0xffff;
	_ =	sdelay $0x1  }
0x18d: {  	v5 =	vld [tilespmem:$0x4F50];
	_ =	sdelay $0x2  }
0x18e: {  	v1 =	vmul.f32 v3, v1;
	v2 =	vmul.f32 v4, v2;
	_ =	sdelay $0x1  }
0x18f: {  	v1 =	vadd.f32 v2, v1  }
0x190: {  	v3 =	vld [tilespmem:$0x5150]  }
0x191: {  	v4 =	vld [tilespmem:$0x5250];
	[tilespmem:$0x5340] =	vst v1  }
0x192: {  	v1 =	vld.idx.msk [tilespmem:v5+s4+$0x0], $0xffff  }
0x193: {  	v2 =	vld.idx.msk [tilespmem:v5+s0+$0x0], $0xffff;
	_ =	sdelay $0x1  }
0x194: {  	v5 =	vld [tilespmem:$0x4F60];
	_ =	sdelay $0x2  }
0x195: {  	v1 =	vmul.f32 v3, v1;
	v2 =	vmul.f32 v4, v2;
	_ =	sdelay $0x1  }
0x196: {  	v1 =	vadd.f32 v2, v1  }
0x197: {  	v3 =	vld [tilespmem:$0x5160]  }
0x198: {  	v4 =	vld [tilespmem:$0x5260];
	[tilespmem:$0x5350] =	vst v1  }
0x199: {  	v1 =	vld.idx.msk [tilespmem:v5+s4+$0x0], $0xffff  }
0x19a: {  	v2 =	vld.idx.msk [tilespmem:v5+s0+$0x0], $0xffff;
	_ =	sdelay $0x4  }
0x19b: {  	v1 =	vmul.f32 v3, v1;
	v2 =	vmul.f32 v4, v2;
	_ =	sdelay $0x1  }
0x19c: {  	v1 =	vadd.f32 v2, v1;
	_ =	sdelay $0x1  }
0x19d: {  	s13 =	simm.s32 $0x0;
	[tilespmem:$0x5360] =	vst v1  }
0x19e: {  	v1 =	vmov s13;
	_ =	swait.ge [sflag:s30], $0x3800  }
0x19f: {  	v1 =	vand.u32 $0xFFFFFFFC, v1;
	[sflag:s30] =	ssyncset.done $0x0  }
0x1a0: {  	v1 =	vbroadcast v1, $0x0;
	[sflag:s30] =	ssyncadd.s32 $0xFFFFC800  }
0x1a1: {  	[tilespmem:s5], [sflag:$0x3] =	stream.indirect.gather [hbm4b:s2+s15], $0x80, s10, s15, $0xb8;
	[tilespmem:$0x1FE00] =	vst v63  }
0x1a2: {  	_ =	swait.ge [sflag:s26], $0x3800  }
0x1a3: {  	[sflag:s26] =	ssyncset.done $0x0  }
0x1a4: {  	s9 =	simm.s32 $0x8E00;
	[sflag:s26] =	ssyncadd.s32 $0xFFFFC800  }
0x1a5: {  	v3 =	vld [tilespmem:s9+$0xFFFFFF70]  }
0x1a6: {  	v1 =	vld.idx.msk [tilespmem:v1+s29+$0x0], $0xffff  }
0x1a7: {  	v4 =	vld [tilespmem:s9+$0xFFFFFF00]  }
0x1a8: {  	v5 =	vld [tilespmem:s9+$0xFFFFFF20]  }
0x1a9: {  	v6 =	vld [tilespmem:s9+$0xFFFFFF30]  }
0x1aa: {  	v2 =	vld [tilespmem:s9+$0xFFFFFF50]  }
0x1ab: {  	v8 =	vld [tilespmem:s9+$0xFFFFFF10];
	v3 =	vmul.f32 v3, v1  }
0x1ac: {  	s16 =	simm.s32 $0x1;
	v7 =	vld [tilespmem:s9+$0xFFFFFF60];
	v4 =	vmul.f32 v4, v1  }
0x1ad: {  	v62 =	vld [tilespmem:s9+$0xFFFFFF40];
	v5 =	vmul.f32 v5, v1;
	[tilespmem:s9+$0xFFFFFF70] =	vst v3;
	v3 =	vmov s16  }
0x1ae: {  	v6 =	vmul.f32 v6, v1;
	[tilespmem:s9+$0xFFFFFF00] =	vst v4;
	v3 =	vand.u32 $0xFFFFFFFD, v3  }
0x1af: {  	v2 =	vmul.f32 v2, v1;
	[tilespmem:s9+$0xFFFFFF20] =	vst v5;
	v3 =	vbroadcast v3, $0x0  }
0x1b0: {  	v4 =	vmul.f32 v8, v1;
	[tilespmem:s9+$0xFFFFFF30] =	vst v6  }
0x1b1: {  	v5 =	vmul.f32 v7, v1;
	[tilespmem:s9+$0xFFFFFF50] =	vst v2  }
0x1b2: {  	v1 =	vmul.f32 v62, v1;
	[tilespmem:s9+$0xFFFFFF10] =	vst v4  }
0x1b3: {  	[tilespmem:s9+$0xFFFFFF60] =	vst v5  }
0x1b4: {  	[tilespmem:s9+$0xFFFFFF40] =	vst v1;
	v1 =	vld [tilespmem:s9+$0xFFFFFF80]  }
0x1b5: {  	v3 =	vld.idx.msk [tilespmem:v3+s29+$0x0], $0xffff  }
0x1b6: {  	v2 =	vld [tilespmem:s9+$0xFFFFFFA0]  }
0x1b7: {  	v4 =	vld [tilespmem:s9+$0xFFFFFF90]  }
0x1b8: {  	v5 =	vld [tilespmem:s9+$0xFFFFFFD0]  }
0x1b9: {  	v6 =	vld [tilespmem:s9+$0xFFFFFFE0]  }
0x1ba: {  	v7 =	vld [tilespmem:s9+$0xFFFFFFF0];
	v1 =	vmul.f32 v1, v3  }
0x1bb: {  	s18 =	simm.s32 $0x2;
	v8 =	vld [tilespmem:s9+$0xFFFFFFB0];
	v2 =	vmul.f32 v2, v3  }
0x1bc: {  	v63 =	vld [tilespmem:s9+$0xFFFFFFC0];
	v4 =	vmul.f32 v4, v3;
	[tilespmem:s9+$0xFFFFFF80] =	vst v1;
	v1 =	vmov s18  }
0x1bd: {  	v5 =	vmul.f32 v5, v3;
	[tilespmem:s9+$0xFFFFFFA0] =	vst v2;
	v1 =	vand.u32 $0xFFFFFFFE, v1  }
0x1be: {  	v2 =	vmul.f32 v6, v3;
	[tilespmem:s9+$0xFFFFFF90] =	vst v4;
	v4 =	vbroadcast v1, $0x0  }
0x1bf: {  	v6 =	vmul.f32 v7, v3;
	[tilespmem:s9+$0xFFFFFFD0] =	vst v5;
	v7 =	vld [tilespmem:s9+$0x30]  }
0x1c0: {  	v5 =	vmul.f32 v8, v3;
	v1 =	vld [tilespmem:s9+$0x40];
	[tilespmem:s9+$0xFFFFFFE0] =	vst v2  }
0x1c1: {  	v3 =	vmul.f32 v63, v3;
	v2 =	vld [tilespmem:s9+$0x70];
	[tilespmem:s9+$0xFFFFFFF0] =	vst v6  }
0x1c2: {  	[tilespmem:s9+$0xFFFFFFB0] =	vst v5;
	v5 =	vld [tilespmem:s9+$0x20]  }
0x1c3: {  	[tilespmem:s9+$0xFFFFFFC0] =	vst v3;
	v6 =	vld [tilespmem:s9+$0x0]  }
0x1c4: {  	v3 =	vld.idx.msk [tilespmem:v4+s29+$0x0], $0xffff  }
0x1c5: {  	s12 =	simm.s32 $0x3;
	s13 =	simm.s32 $0x7;
	s16 =	simm.s32 $0x8E00;
	v4 =	vld [tilespmem:s9+$0x10]  }
.LBB2_9:
0x1c6: {  	p1 =	sne.s32 s13, $0x6F  }
0x1c7: {  	v8 =	vld [tilespmem:s9+$0x50];
	s16 =	sadd.s32 $0x200, s16;
	s18 =	smov.u32 s13;
	s13 =	sadd.s32 $0x4, s13  }
0x1c8: {  	v9 =	vld [tilespmem:s9+$0x60];
	_ =	sdelay $0x1  }
0x1c9: {  	v6 =	vmul.f32 v6, v3;
	v4 =	vmul.f32 v4, v3  }
0x1ca: {  	v5 =	vmul.f32 v5, v3;
	v7 =	vmul.f32 v7, v3  }
0x1cb: {  	v1 =	vmul.f32 v1, v3;
	v2 =	vmul.f32 v2, v3;
	[tilespmem:s9+$0x0] =	vst v6  }
0x1cc: {  	[tilespmem:s9+$0x20] =	vst v5;
	v5 =	vmul.f32 v8, v3;
	v3 =	vmul.f32 v9, v3  }
0x1cd: {  	[tilespmem:s9+$0x30] =	vst v7;
	v6 =	vld [tilespmem:s9+$0x80]  }
0x1ce: {  	[tilespmem:s9+$0x60] =	vst v3;
	v3 =	vmov s12;
	v7 =	vld [tilespmem:s9+$0xD0];
	s12 =	smov.u32 s18  }
0x1cf: {  	[tilespmem:s9+$0x50] =	vst v5;
	v5 =	vld [tilespmem:s9+$0xE0]  }
0x1d0: {  	[tilespmem:s9+$0x40] =	vst v1;
	v8 =	vld [tilespmem:s9+$0xB0]  }
0x1d1: {  	v1 =	vld [tilespmem:s16+$0x40];
	[tilespmem:s9+$0x70] =	vst v2  }
0x1d2: {  	v2 =	vld [tilespmem:s16+$0x70];
	[tilespmem:s9+$0x10] =	vst v4  }
0x1d3: {  	v3 =	vld.idx.msk [tilespmem:v3+s29+$0x0], $0xffff  }
0x1d4: {  	v4 =	vld [tilespmem:s9+$0x90]  }
0x1d5: {  	v9 =	vld [tilespmem:s9+$0xA0]  }
0x1d6: {  	v10 =	vld [tilespmem:s9+$0xC0]  }
0x1d7: {  	v11 =	vld [tilespmem:s9+$0xF0];
	_ =	sdelay $0x1  }
0x1d8: {  	v6 =	vmul.f32 v6, v3;
	v4 =	vmul.f32 v4, v3  }
0x1d9: {  	s18 =	sadd.s32 $0xFFFFFFFD, s12;
	v8 =	vmul.f32 v8, v3;
	v9 =	vmul.f32 v9, v3  }
0x1da: {  	v12 =	vmov s18;
	v7 =	vmul.f32 v7, v3;
	[tilespmem:s9+$0x80] =	vst v6;
	v6 =	vmul.f32 v10, v3  }
0x1db: {  	v10 =	vand.u32 $0xFFFFFFFC, v12;
	[tilespmem:s9+$0x90] =	vst v4;
	v4 =	vmul.f32 v5, v3;
	v3 =	vmul.f32 v11, v3  }
0x1dc: {  	v5 =	vbroadcast v10, $0x0;
	[tilespmem:s9+$0xA0] =	vst v9  }
0x1dd: {  	[tilespmem:s9+$0xD0] =	vst v7  }
0x1de: {  	v7 =	vld [tilespmem:s16+$0xFFFFFF50];
	[tilespmem:s9+$0xB0] =	vst v8  }
0x1df: {  	v8 =	vld [tilespmem:s16+$0xFFFFFF30];
	[tilespmem:s9+$0xC0] =	vst v6  }
0x1e0: {  	v6 =	vld [tilespmem:s16+$0xFFFFFF60];
	[tilespmem:s9+$0xE0] =	vst v4  }
0x1e1: {  	v4 =	vld [tilespmem:s16+$0xFFFFFF70];
	[tilespmem:s9+$0xF0] =	vst v3;
	s9 =	smov.u32 s16  }
0x1e2: {  	v3 =	vld.idx.msk [tilespmem:v5+s29+$0x0], $0xffff  }
0x1e3: {  	v5 =	vld [tilespmem:s16+$0xFFFFFF00]  }
0x1e4: {  	v9 =	vld [tilespmem:s16+$0xFFFFFF20]  }
0x1e5: {  	v10 =	vld [tilespmem:s16+$0xFFFFFF10]  }
0x1e6: {  	v11 =	vld [tilespmem:s16+$0xFFFFFF40];
	_ =	sdelay $0x1  }
0x1e7: {  	v4 =	vmul.f32 v4, v3;
	v5 =	vmul.f32 v5, v3  }
0x1e8: {  	s18 =	sadd.s32 $0xFFFFFFFE, s12;
	v6 =	vmul.f32 v6, v3;
	v9 =	vmul.f32 v9, v3  }
0x1e9: {  	v8 =	vmul.f32 v8, v3;
	v10 =	vmul.f32 v10, v3;
	[tilespmem:s16+$0xFFFFFF70] =	vst v4;
	v4 =	vmov s18  }
0x1ea: {  	[tilespmem:s16+$0xFFFFFF00] =	vst v5;
	v5 =	vmul.f32 v11, v3;
	v3 =	vmul.f32 v7, v3;
	v4 =	vand.u32 $0xFFFFFFFD, v4  }
0x1eb: {  	[tilespmem:s16+$0xFFFFFF20] =	vst v9;
	v4 =	vbroadcast v4, $0x0  }
0x1ec: {  	[tilespmem:s16+$0xFFFFFF30] =	vst v8  }
0x1ed: {  	[tilespmem:s16+$0xFFFFFF50] =	vst v3;
	v3 =	vld [tilespmem:s16+$0xFFFFFFF0]  }
0x1ee: {  	[tilespmem:s16+$0xFFFFFF10] =	vst v10;
	v7 =	vld [tilespmem:s16+$0xFFFFFFD0]  }
0x1ef: {  	[tilespmem:s16+$0xFFFFFF60] =	vst v6;
	v6 =	vld [tilespmem:s16+$0xFFFFFFB0]  }
0x1f0: {  	[tilespmem:s16+$0xFFFFFF40] =	vst v5;
	v5 =	vld [tilespmem:s16+$0xFFFFFF90]  }
0x1f1: {  	v4 =	vld.idx.msk [tilespmem:v4+s29+$0x0], $0xffff  }
0x1f2: {  	v8 =	vld [tilespmem:s16+$0xFFFFFF80]  }
0x1f3: {  	v9 =	vld [tilespmem:s16+$0xFFFFFFA0]  }
0x1f4: {  	v10 =	vld [tilespmem:s16+$0xFFFFFFC0]  }
0x1f5: {  	v11 =	vld [tilespmem:s16+$0xFFFFFFE0];
	_ =	sdelay $0x1  }
0x1f6: {  	v5 =	vmul.f32 v5, v4;
	v8 =	vmul.f32 v8, v4  }
0x1f7: {  	s18 =	sadd.s32 $0xFFFFFFFF, s12;
	v6 =	vmul.f32 v6, v4;
	v9 =	vmul.f32 v9, v4  }
0x1f8: {  	v7 =	vmul.f32 v7, v4;
	[tilespmem:s16+$0xFFFFFF80] =	vst v8;
	v8 =	vmul.f32 v10, v4;
	v10 =	vmov s18  }
0x1f9: {  	v3 =	vmul.f32 v3, v4;
	[tilespmem:s16+$0xFFFFFFA0] =	vst v9;
	v9 =	vmul.f32 v11, v4;
	v4 =	vand.u32 $0xFFFFFFFE, v10  }
0x1fa: {  	[tilespmem:s16+$0xFFFFFF90] =	vst v5;
	v4 =	vbroadcast v4, $0x0  }
0x1fb: {  	[tilespmem:s16+$0xFFFFFFD0] =	vst v7  }
0x1fc: {  	[tilespmem:s16+$0xFFFFFFE0] =	vst v9  }
0x1fd: {  	[tilespmem:s16+$0xFFFFFFB0] =	vst v6  }
.Ltmp4:
0x1fe: {  	[tilespmem:s16+$0xFFFFFFF0] =	vst v3;
	v5 =	vld [tilespmem:s16+$0x20];
	(pc) =	sbr.rel @p1 .LBB2_9-.Ltmp4, $4  }
0x1ff: {  	[tilespmem:s16+$0xFFFFFFC0] =	vst v8;
	v6 =	vld [tilespmem:s16+$0x0]  }
0x200: {  	v3 =	vld.idx.msk [tilespmem:v4+s29+$0x0], $0xffff  }
0x201: {  	v4 =	vld [tilespmem:s16+$0x10]  }
0x202: {  	v7 =	vld [tilespmem:s16+$0x30]  }
0x203: {  	_ =	sdelay $0x1  }
0x204: {  	v8 =	vld [tilespmem:s9+$0x60];
	v6 =	vmul.f32 v6, v3  }
0x205: {  	v9 =	vld [tilespmem:s9+$0x50];
	v5 =	vmul.f32 v5, v3  }
0x206: {  	v1 =	vmul.f32 v1, v3;
	[tilespmem:s9+$0x0] =	vst v6  }
0x207: {  	v2 =	vmul.f32 v2, v3;
	[tilespmem:s9+$0x20] =	vst v5  }
0x208: {  	v7 =	vmul.f32 v7, v3;
	[tilespmem:s9+$0x40] =	vst v1  }
0x209: {  	v56 =	vmov s12;
	[tilespmem:s9+$0x70] =	vst v2;
	v53 =	vmul.f32 v8, v3  }
0x20a: {  	v54 =	vmul.f32 v9, v3;
	[tilespmem:s9+$0x30] =	vst v7  }
0x20b: {  	v3 =	vmul.f32 v4, v3;
	[tilespmem:s9+$0x60] =	vst v53  }
0x20c: {  	[tilespmem:s9+$0x50] =	vst v54  }
0x20d: {  	v55 =	vld [tilespmem:s9+$0x80];
	[tilespmem:s9+$0x10] =	vst v3  }
0x20e: {  	v1 =	vld.idx.msk [tilespmem:v56+s29+$0x0], $0xffff  }
0x20f: {  	v2 =	vld [tilespmem:s9+$0x90]  }
0x210: {  	v3 =	vld [tilespmem:s9+$0xA0]  }
0x211: {  	v57 =	vld [tilespmem:s9+$0xD0]  }
0x212: {  	v60 =	vld [tilespmem:s9+$0xE0]  }
0x213: {  	v58 =	vld [tilespmem:s9+$0xB0];
	v7 =	vmul.f32 v55, v1  }
0x214: {  	v59 =	vld [tilespmem:s9+$0xC0];
	v2 =	vmul.f32 v2, v1  }
0x215: {  	v61 =	vld [tilespmem:s9+$0xF0];
	v3 =	vmul.f32 v3, v1;
	[tilespmem:s9+$0x80] =	vst v7  }
0x216: {  	v4 =	vmul.f32 v57, v1;
	[tilespmem:s9+$0x90] =	vst v2  }
0x217: {  	v62 =	vmul.f32 v60, v1;
	[tilespmem:s9+$0xA0] =	vst v3  }
0x218: {  	v2 =	vmul.f32 v58, v1;
	[tilespmem:s9+$0xD0] =	vst v4  }
0x219: {  	v3 =	vmul.f32 v59, v1;
	[tilespmem:s9+$0xE0] =	vst v62  }
0x21a: {  	v1 =	vmul.f32 v61, v1;
	[tilespmem:s9+$0xB0] =	vst v2  }
0x21b: {  	[tilespmem:s9+$0xC0] =	vst v3  }
0x21c: {  	[tilespmem:s9+$0xF0] =	vst v1  }
0x21d: {  	v1 =	vld [tilespmem:$0x4F80]  }
0x21e: {  	v2 =	vld [tilespmem:$0x4F90]  }
0x21f: {  	v3 =	vld [tilespmem:$0x4FA0]  }
0x220: {  	v4 =	vld [tilespmem:$0x4FB0]  }
0x221: {  	v63 =	vld [tilespmem:$0x4FC0]  }
0x222: {  	[tilespmem:$0x5480] =	vst v1;
	v1 =	vld [tilespmem:$0x4FD0]  }
0x223: {  	[tilespmem:$0x5490] =	vst v2;
	v2 =	vld [tilespmem:$0x4FE0]  }
0x224: {  	p1 =	seq.s32 s28, $0x2B;
	[tilespmem:$0x54A0] =	vst v3  }
.Ltmp5:
0x225: {  	[tilespmem:$0x54B0] =	vst v4;
	(pc) =	sbr.rel @p1 .LBB2_12-.Ltmp5, $4  }
0x226: {  	[tilespmem:$0x54C0] =	vst v63  }
0x227: {  	[tilespmem:$0x54D0] =	vst v1  }
0x228: {  	s18 =	simm.s32 $0x5480;
	[tilespmem:$0x54E0] =	vst v2  }
0x229: {  	[spmem:s3] =	stream.indirect.scatter.add.f32 [tilespmem:s23], [sflag:$0x6], $0x80, s18, s15, $0xb8;
	[tilespmem:$0x1FE00] =	vst v63  }
0x22a: {  	s9 =	sadd.s32 s11, s21  }
0x22b: {  	s9 =	sshrl.u32 s9, $0x3  }
0x22c: {  	s12 =	simm.s32 $0x4F80;
	s18 =	sadd.s32 s8, s9  }
0x22d: {  	[tilespmem:s12], [sflag:$0x2] =	stream.linear.gather [hbm4b:s18+s4], $0x70, $0x38;
	[tilespmem:$0x1FE00] =	vst v63  }
0x22e: {  	s13 =	sadd.s32 s1, s9  }
0x22f: {  	[tilespmem:s17], [sflag:$0x2] =	stream.linear.gather [hbm4b:s13+s4], $0x70, $0x38;
	[tilespmem:$0x1FE00] =	vst v63  }
.Ltmp6:
0x230: {  	_ = 	snop;
	(pc) =	sbr.rel .LBB2_6-.Ltmp6, $4  }
0x231: {  	s16 =	sadd.s32 s6, s9;
	s18 =	simm.s32 $0x5180  }
0x232: {  	[tilespmem:s18], [sflag:$0x2] =	stream.linear.gather [hbm4b:s16+s4], $0x70, $0x38;
	[tilespmem:$0x1FE00] =	vst v63  }
0x233: {  	s28 =	sadd.s32 $0x1, s28;
	s9 =	sadd.s32 s7, s9  }
0x234: {  	[tilespmem:s19], [sflag:$0x2] =	stream.linear.gather [hbm4b:s9+s4], $0x70, $0x38;
	[tilespmem:$0x1FE00] =	vst v63  }
.LBB2_12:
0x235: {  	s9 =	simm.s32 $0x0  }
0x236: {  	v1 =	vmov s9  }
0x237: {  	v1 =	vand.u32 $0xFFFFFFFC, v1  }
0x238: {  	v1 =	vbroadcast v1, $0x0  }
0x239: {  	s11 =	simm.s32 $0x3  }
0x23a: {  	_ =	swait.ge [sflag:s11], $0x3800  }
0x23b: {  	[sflag:s11] =	ssyncset.done $0x0  }
0x23c: {  	s9 =	simm.s32 $0x5600;
	[sflag:s11] =	ssyncadd.s32 $0xFFFFC800  }
0x23d: {  	v3 =	vld [tilespmem:s9+$0xFFFFFF70]  }
0x23e: {  	v1 =	vld.idx.msk [tilespmem:v1+s24+$0x0], $0xffff  }
0x23f: {  	v4 =	vld [tilespmem:s9+$0xFFFFFF00]  }
0x240: {  	v5 =	vld [tilespmem:s9+$0xFFFFFF20]  }
0x241: {  	v6 =	vld [tilespmem:s9+$0xFFFFFF30]  }
0x242: {  	v2 =	vld [tilespmem:s9+$0xFFFFFF50]  }
0x243: {  	v8 =	vld [tilespmem:s9+$0xFFFFFF10];
	v3 =	vmul.f32 v3, v1  }
0x244: {  	s12 =	simm.s32 $0x1;
	v7 =	vld [tilespmem:s9+$0xFFFFFF60];
	v4 =	vmul.f32 v4, v1  }
0x245: {  	v9 =	vld [tilespmem:s9+$0xFFFFFF40];
	v5 =	vmul.f32 v5, v1;
	[tilespmem:s9+$0xFFFFFF70] =	vst v3;
	v3 =	vmov s12  }
0x246: {  	v6 =	vmul.f32 v6, v1;
	[tilespmem:s9+$0xFFFFFF00] =	vst v4;
	v3 =	vand.u32 $0xFFFFFFFD, v3  }
0x247: {  	v2 =	vmul.f32 v2, v1;
	[tilespmem:s9+$0xFFFFFF20] =	vst v5;
	v3 =	vbroadcast v3, $0x0  }
0x248: {  	v4 =	vmul.f32 v8, v1;
	[tilespmem:s9+$0xFFFFFF30] =	vst v6  }
0x249: {  	v5 =	vmul.f32 v7, v1;
	[tilespmem:s9+$0xFFFFFF50] =	vst v2  }
0x24a: {  	v1 =	vmul.f32 v9, v1;
	[tilespmem:s9+$0xFFFFFF10] =	vst v4  }
0x24b: {  	[tilespmem:s9+$0xFFFFFF60] =	vst v5  }
0x24c: {  	[tilespmem:s9+$0xFFFFFF40] =	vst v1;
	v1 =	vld [tilespmem:s9+$0xFFFFFF80]  }
0x24d: {  	v3 =	vld.idx.msk [tilespmem:v3+s24+$0x0], $0xffff  }
0x24e: {  	v2 =	vld [tilespmem:s9+$0xFFFFFFA0]  }
0x24f: {  	v4 =	vld [tilespmem:s9+$0xFFFFFF90]  }
0x250: {  	v5 =	vld [tilespmem:s9+$0xFFFFFFD0]  }
0x251: {  	v6 =	vld [tilespmem:s9+$0xFFFFFFE0]  }
0x252: {  	v7 =	vld [tilespmem:s9+$0xFFFFFFF0];
	v1 =	vmul.f32 v1, v3  }
0x253: {  	s28 =	simm.s32 $0x2;
	v8 =	vld [tilespmem:s9+$0xFFFFFFB0];
	v2 =	vmul.f32 v2, v3  }
0x254: {  	v63 =	vld [tilespmem:s9+$0xFFFFFFC0];
	v4 =	vmul.f32 v4, v3;
	[tilespmem:s9+$0xFFFFFF80] =	vst v1;
	v1 =	vmov s28  }
0x255: {  	v5 =	vmul.f32 v5, v3;
	[tilespmem:s9+$0xFFFFFFA0] =	vst v2;
	v1 =	vand.u32 $0xFFFFFFFE, v1  }
0x256: {  	v2 =	vmul.f32 v6, v3;
	[tilespmem:s9+$0xFFFFFF90] =	vst v4;
	v4 =	vbroadcast v1, $0x0  }
0x257: {  	v6 =	vmul.f32 v7, v3;
	[tilespmem:s9+$0xFFFFFFD0] =	vst v5;
	v7 =	vld [tilespmem:s9+$0x30]  }
0x258: {  	v5 =	vmul.f32 v8, v3;
	v1 =	vld [tilespmem:s9+$0x40];
	[tilespmem:s9+$0xFFFFFFE0] =	vst v2  }
0x259: {  	v3 =	vmul.f32 v63, v3;
	v2 =	vld [tilespmem:s9+$0x70];
	[tilespmem:s9+$0xFFFFFFF0] =	vst v6  }
0x25a: {  	[tilespmem:s9+$0xFFFFFFB0] =	vst v5;
	v5 =	vld [tilespmem:s9+$0x20]  }
0x25b: {  	[tilespmem:s9+$0xFFFFFFC0] =	vst v3;
	v6 =	vld [tilespmem:s9+$0x0]  }
0x25c: {  	v3 =	vld.idx.msk [tilespmem:v4+s24+$0x0], $0xffff  }
0x25d: {  	s13 =	simm.s32 $0x5600;
	s12 =	simm.s32 $0x7;
	v4 =	vld [tilespmem:s9+$0x10]  }
.LBB2_13:
0x25e: {  	p1 =	sne.s32 s12, $0x6F  }
0x25f: {  	v8 =	vld [tilespmem:s9+$0x50];
	s13 =	sadd.s32 $0x200, s13;
	s16 =	smov.u32 s12;
	s12 =	sadd.s32 $0x4, s12  }
0x260: {  	v9 =	vld [tilespmem:s9+$0x60];
	_ =	sdelay $0x1  }
0x261: {  	v6 =	vmul.f32 v6, v3;
	v4 =	vmul.f32 v4, v3  }
0x262: {  	v5 =	vmul.f32 v5, v3;
	v7 =	vmul.f32 v7, v3  }
0x263: {  	v1 =	vmul.f32 v1, v3;
	v2 =	vmul.f32 v2, v3;
	[tilespmem:s9+$0x0] =	vst v6  }
0x264: {  	[tilespmem:s9+$0x20] =	vst v5;
	v5 =	vmul.f32 v8, v3;
	v3 =	vmul.f32 v9, v3  }
0x265: {  	[tilespmem:s9+$0x30] =	vst v7;
	v6 =	vld [tilespmem:s9+$0x80]  }
0x266: {  	[tilespmem:s9+$0x60] =	vst v3;
	v3 =	vmov s11;
	v7 =	vld [tilespmem:s9+$0xD0];
	s11 =	smov.u32 s16  }
0x267: {  	[tilespmem:s9+$0x50] =	vst v5;
	v5 =	vld [tilespmem:s9+$0xE0]  }
0x268: {  	[tilespmem:s9+$0x40] =	vst v1;
	v8 =	vld [tilespmem:s9+$0xB0]  }
0x269: {  	v1 =	vld [tilespmem:s13+$0x40];
	[tilespmem:s9+$0x70] =	vst v2  }
0x26a: {  	v2 =	vld [tilespmem:s13+$0x70];
	[tilespmem:s9+$0x10] =	vst v4  }
0x26b: {  	v3 =	vld.idx.msk [tilespmem:v3+s24+$0x0], $0xffff  }
0x26c: {  	v4 =	vld [tilespmem:s9+$0x90]  }
0x26d: {  	v9 =	vld [tilespmem:s9+$0xA0]  }
0x26e: {  	v10 =	vld [tilespmem:s9+$0xC0]  }
0x26f: {  	v11 =	vld [tilespmem:s9+$0xF0];
	_ =	sdelay $0x1  }
0x270: {  	v6 =	vmul.f32 v6, v3;
	v4 =	vmul.f32 v4, v3  }
0x271: {  	s16 =	sadd.s32 $0xFFFFFFFD, s11;
	v8 =	vmul.f32 v8, v3;
	v9 =	vmul.f32 v9, v3  }
0x272: {  	v12 =	vmov s16;
	v7 =	vmul.f32 v7, v3;
	[tilespmem:s9+$0x80] =	vst v6;
	v6 =	vmul.f32 v10, v3  }
0x273: {  	v10 =	vand.u32 $0xFFFFFFFC, v12;
	[tilespmem:s9+$0x90] =	vst v4;
	v4 =	vmul.f32 v5, v3;
	v3 =	vmul.f32 v11, v3  }
0x274: {  	v5 =	vbroadcast v10, $0x0;
	[tilespmem:s9+$0xA0] =	vst v9  }
0x275: {  	[tilespmem:s9+$0xD0] =	vst v7  }
0x276: {  	v7 =	vld [tilespmem:s13+$0xFFFFFF50];
	[tilespmem:s9+$0xB0] =	vst v8  }
0x277: {  	v8 =	vld [tilespmem:s13+$0xFFFFFF30];
	[tilespmem:s9+$0xC0] =	vst v6  }
0x278: {  	v6 =	vld [tilespmem:s13+$0xFFFFFF60];
	[tilespmem:s9+$0xE0] =	vst v4  }
0x279: {  	v4 =	vld [tilespmem:s13+$0xFFFFFF70];
	[tilespmem:s9+$0xF0] =	vst v3;
	s9 =	smov.u32 s13  }
0x27a: {  	v3 =	vld.idx.msk [tilespmem:v5+s24+$0x0], $0xffff  }
0x27b: {  	v5 =	vld [tilespmem:s13+$0xFFFFFF00]  }
0x27c: {  	v9 =	vld [tilespmem:s13+$0xFFFFFF20]  }
0x27d: {  	v10 =	vld [tilespmem:s13+$0xFFFFFF10]  }
0x27e: {  	v11 =	vld [tilespmem:s13+$0xFFFFFF40];
	_ =	sdelay $0x1  }
0x27f: {  	v4 =	vmul.f32 v4, v3;
	v5 =	vmul.f32 v5, v3  }
0x280: {  	s16 =	sadd.s32 $0xFFFFFFFE, s11;
	v6 =	vmul.f32 v6, v3;
	v9 =	vmul.f32 v9, v3  }
0x281: {  	v8 =	vmul.f32 v8, v3;
	v10 =	vmul.f32 v10, v3;
	[tilespmem:s13+$0xFFFFFF70] =	vst v4;
	v4 =	vmov s16  }
0x282: {  	[tilespmem:s13+$0xFFFFFF00] =	vst v5;
	v5 =	vmul.f32 v11, v3;
	v3 =	vmul.f32 v7, v3;
	v4 =	vand.u32 $0xFFFFFFFD, v4  }
0x283: {  	[tilespmem:s13+$0xFFFFFF20] =	vst v9;
	v4 =	vbroadcast v4, $0x0  }
0x284: {  	[tilespmem:s13+$0xFFFFFF30] =	vst v8  }
0x285: {  	[tilespmem:s13+$0xFFFFFF50] =	vst v3;
	v3 =	vld [tilespmem:s13+$0xFFFFFFF0]  }
0x286: {  	[tilespmem:s13+$0xFFFFFF10] =	vst v10;
	v7 =	vld [tilespmem:s13+$0xFFFFFFD0]  }
0x287: {  	[tilespmem:s13+$0xFFFFFF60] =	vst v6;
	v6 =	vld [tilespmem:s13+$0xFFFFFFB0]  }
0x288: {  	[tilespmem:s13+$0xFFFFFF40] =	vst v5;
	v5 =	vld [tilespmem:s13+$0xFFFFFF90]  }
0x289: {  	v4 =	vld.idx.msk [tilespmem:v4+s24+$0x0], $0xffff  }
0x28a: {  	v8 =	vld [tilespmem:s13+$0xFFFFFF80]  }
0x28b: {  	v9 =	vld [tilespmem:s13+$0xFFFFFFA0]  }
0x28c: {  	v10 =	vld [tilespmem:s13+$0xFFFFFFC0]  }
0x28d: {  	v11 =	vld [tilespmem:s13+$0xFFFFFFE0];
	_ =	sdelay $0x1  }
0x28e: {  	v5 =	vmul.f32 v5, v4;
	v8 =	vmul.f32 v8, v4  }
0x28f: {  	s16 =	sadd.s32 $0xFFFFFFFF, s11;
	v6 =	vmul.f32 v6, v4;
	v9 =	vmul.f32 v9, v4  }
0x290: {  	v7 =	vmul.f32 v7, v4;
	[tilespmem:s13+$0xFFFFFF80] =	vst v8;
	v8 =	vmul.f32 v10, v4;
	v10 =	vmov s16  }
0x291: {  	v3 =	vmul.f32 v3, v4;
	[tilespmem:s13+$0xFFFFFFA0] =	vst v9;
	v9 =	vmul.f32 v11, v4;
	v4 =	vand.u32 $0xFFFFFFFE, v10  }
0x292: {  	[tilespmem:s13+$0xFFFFFF90] =	vst v5;
	v4 =	vbroadcast v4, $0x0  }
0x293: {  	[tilespmem:s13+$0xFFFFFFD0] =	vst v7  }
0x294: {  	[tilespmem:s13+$0xFFFFFFE0] =	vst v9  }
0x295: {  	[tilespmem:s13+$0xFFFFFFB0] =	vst v6  }
.Ltmp7:
0x296: {  	[tilespmem:s13+$0xFFFFFFF0] =	vst v3;
	v5 =	vld [tilespmem:s13+$0x20];
	(pc) =	sbr.rel @p1 .LBB2_13-.Ltmp7, $4  }
0x297: {  	[tilespmem:s13+$0xFFFFFFC0] =	vst v8;
	v6 =	vld [tilespmem:s13+$0x0]  }
0x298: {  	v3 =	vld.idx.msk [tilespmem:v4+s24+$0x0], $0xffff  }
0x299: {  	v4 =	vld [tilespmem:s13+$0x10]  }
0x29a: {  	v7 =	vld [tilespmem:s13+$0x30]  }
0x29b: {  	v8 =	vld [tilespmem:s9+$0x60];
	_ =	sdelay $0x1  }
0x29c: {  	v6 =	vmul.f32 v6, v3  }
0x29d: {  	v9 =	vld [tilespmem:s9+$0x50];
	v5 =	vmul.f32 v5, v3  }
0x29e: {  	v1 =	vmul.f32 v1, v3;
	[tilespmem:s9+$0x0] =	vst v6  }
0x29f: {  	[tilespmem:s9+$0x20] =	vst v5;
	v5 =	vmul.f32 v8, v3  }
0x2a0: {  	v2 =	vmul.f32 v2, v3;
	[tilespmem:s9+$0x40] =	vst v1  }
0x2a1: {  	v7 =	vmul.f32 v7, v3;
	[tilespmem:s9+$0x60] =	vst v5;
	v5 =	vmov s11  }
0x2a2: {  	[tilespmem:s9+$0x70] =	vst v2;
	v6 =	vmul.f32 v9, v3  }
0x2a3: {  	v3 =	vmul.f32 v4, v3;
	[tilespmem:s9+$0x30] =	vst v7  }
0x2a4: {  	[tilespmem:s9+$0x50] =	vst v6  }
0x2a5: {  	v7 =	vld [tilespmem:s9+$0x80];
	[tilespmem:s9+$0x10] =	vst v3  }
0x2a6: {  	v1 =	vld.idx.msk [tilespmem:v5+s24+$0x0], $0xffff  }
0x2a7: {  	v2 =	vld [tilespmem:s9+$0x90]  }
0x2a8: {  	v3 =	vld [tilespmem:s9+$0xA0]  }
0x2a9: {  	v4 =	vld [tilespmem:s9+$0xD0]  }
0x2aa: {  	v5 =	vld [tilespmem:s9+$0xB0]  }
0x2ab: {  	v6 =	vld [tilespmem:s9+$0xC0];
	v7 =	vmul.f32 v7, v1  }
0x2ac: {  	v8 =	vld [tilespmem:s9+$0xE0];
	v2 =	vmul.f32 v2, v1  }
0x2ad: {  	v61 =	vld [tilespmem:s9+$0xF0];
	v3 =	vmul.f32 v3, v1;
	[tilespmem:s9+$0x80] =	vst v7  }
0x2ae: {  	v4 =	vmul.f32 v4, v1;
	[tilespmem:s9+$0x90] =	vst v2  }
0x2af: {  	v2 =	vmul.f32 v5, v1;
	[tilespmem:s9+$0xA0] =	vst v3  }
0x2b0: {  	v3 =	vmul.f32 v6, v1;
	[tilespmem:s9+$0xD0] =	vst v4  }
0x2b1: {  	v4 =	vmul.f32 v8, v1;
	[tilespmem:s9+$0xB0] =	vst v2  }
0x2b2: {  	v1 =	vmul.f32 v61, v1;
	[tilespmem:s9+$0xC0] =	vst v3  }
0x2b3: {  	[tilespmem:s9+$0xE0] =	vst v4  }
0x2b4: {  	[tilespmem:s9+$0xF0] =	vst v1  }
0x2b5: {  	v1 =	vld [tilespmem:$0x4F00]  }
0x2b6: {  	v2 =	vld [tilespmem:$0x4F10]  }
0x2b7: {  	v3 =	vld [tilespmem:$0x4F20]  }
0x2b8: {  	v4 =	vld [tilespmem:$0x4F30]  }
0x2b9: {  	v5 =	vld [tilespmem:$0x4F40]  }
0x2ba: {  	[tilespmem:$0x5400] =	vst v1;
	v1 =	vld [tilespmem:$0x4F50]  }
0x2bb: {  	[tilespmem:$0x5410] =	vst v2;
	v2 =	vld [tilespmem:$0x4F60]  }
0x2bc: {  	[tilespmem:$0x5420] =	vst v3  }
0x2bd: {  	[tilespmem:$0x5430] =	vst v4  }
0x2be: {  	[tilespmem:$0x5440] =	vst v5  }
0x2bf: {  	[tilespmem:$0x5450] =	vst v1  }
0x2c0: {  	[tilespmem:$0x5460] =	vst v2  }
0x2c1: {  	[spmem:s3] =	stream.indirect.scatter.add.f32 [tilespmem:s5], [sflag:$0x5], $0x80, s25, s15, $0xb8;
	[tilespmem:$0x1FE00] =	vst v63  }
0x2c2: {  	_ =	swait.ge [sflag:s30], $0x3800  }
0x2c3: {  	[sflag:s30] =	ssyncset.done $0x0  }
0x2c4: {  	s16 =	simm.s32 $0x6;
	[sflag:s30] =	ssyncadd.s32 $0xFFFFC800  }
0x2c5: {  	_ =	swait.ge [sflag:s16], $0x3800  }
0x2c6: {  	s12 =	simm.s32 $0x4F80;
	[sflag:s16] =	ssyncset.done $0x0  }
0x2c7: {  	s11 =	simm.s32 $0x0;
	s18 =	rddreg [dreg:$0x10];
	[sflag:s16] =	ssyncadd.s32 $0xFFFFC800  }
0x2c8: {  	[tilespmem:s12], [sflag:$0x8] =	stream.linear.gather [hbm4b:s18+s11], $0x20, $0x38;
	[tilespmem:$0x1FE00] =	vst v63  }
0x2c9: {  	_ =	swait.ge [sflag:s31], $0x20  }
0x2ca: {  	[sflag:s31] =	ssyncset.done $0x0  }
0x2cb: {  	s13 =	rddreg [dreg:$0x11];
	[sflag:s31] =	ssyncadd.s32 $0xFFFFFFE0  }
0x2cc: {  	[tilespmem:s17], [sflag:$0x8] =	stream.linear.gather [hbm4b:s13+s11], $0x20, $0x38;
	[tilespmem:$0x1FE00] =	vst v63  }
0x2cd: {  	_ =	swait.ge [sflag:s31], $0x20  }
0x2ce: {  	[sflag:s31] =	ssyncset.done $0x0  }
0x2cf: {  	s18 =	simm.s32 $0x5180;
	s16 =	rddreg [dreg:$0x12];
	[sflag:s31] =	ssyncadd.s32 $0xFFFFFFE0  }
0x2d0: {  	[tilespmem:s18], [sflag:$0x8] =	stream.linear.gather [hbm4b:s16+s11], $0x20, $0x38;
	[tilespmem:$0x1FE00] =	vst v63  }
0x2d1: {  	_ =	swait.ge [sflag:s31], $0x20  }
0x2d2: {  	[sflag:s31] =	ssyncset.done $0x0  }
0x2d3: {  	s12 =	rddreg [dreg:$0x13];
	[sflag:s31] =	ssyncadd.s32 $0xFFFFFFE0  }
0x2d4: {  	[tilespmem:s19], [sflag:$0x8] =	stream.linear.gather [hbm4b:s12+s11], $0x20, $0x38;
	[tilespmem:$0x1FE00] =	vst v63  }
0x2d5: {  	_ =	swait.ge [sflag:s31], $0x20  }
0x2d6: {  	[sflag:s31] =	ssyncset.done $0x0  }
0x2d7: {  	[sflag:s31] =	ssyncadd.s32 $0xFFFFFFE0  }
0x2d8: {  	v1 =	vld [tilespmem:$0x4F80];
	_ =	sdelay $0x5  }
0x2d9: {  	v2 =	vld [tilespmem:$0x5180]  }
0x2da: {  	v4 =	vld [tilespmem:$0x5280]  }
0x2db: {  	v3 =	vld.idx.msk [tilespmem:v1+s11+$0x0], $0xffff  }
0x2dc: {  	v5 =	vld.idx.msk [tilespmem:v1+s0+$0x0], $0xffff;
	_ =	sdelay $0x1  }
0x2dd: {  	v6 =	vld [tilespmem:$0x4F90];
	_ =	sdelay $0x2  }
0x2de: {  	v2 =	vmul.f32 v3, v2;
	v3 =	vmul.f32 v5, v4;
	_ =	sdelay $0x1  }
0x2df: {  	v2 =	vadd.f32 v3, v2  }
0x2e0: {  	[tilespmem:$0xC500] =	vst v1;
	v1 =	vld [tilespmem:$0x5190]  }
0x2e1: {  	v3 =	vld [tilespmem:$0x5290];
	[tilespmem:$0x5380] =	vst v2  }
0x2e2: {  	v2 =	vld.idx.msk [tilespmem:v6+s11+$0x0], $0xffff  }
0x2e3: {  	v4 =	vld.idx.msk [tilespmem:v6+s0+$0x0], $0xffff;
	_ =	sdelay $0x4  }
0x2e4: {  	v1 =	vmul.f32 v2, v1;
	v2 =	vmul.f32 v4, v3;
	_ =	sdelay $0x1  }
0x2e5: {  	v1 =	vadd.f32 v2, v1  }
0x2e6: {  	v2 =	vmov s11  }
0x2e7: {  	[tilespmem:$0x5390] =	vst v1;
	v1 =	vand.u32 $0xFFFFFFFC, v2  }
0x2e8: {  	s28 =	simm.s32 $0x20;
	s13 =	simm.s32 $0x7;
	[tilespmem:$0xC510] =	vst v6;
	v1 =	vbroadcast v1, $0x0  }
0x2e9: {  	[tilespmem:s5], [sflag:$0x7] =	stream.indirect.gather [hbm4b:s2+s28], $0x80, s17, s28, $0xb8;
	[tilespmem:$0x1FE00] =	vst v63  }
0x2ea: {  	_ =	swait.ge [sflag:s13], $0x1000  }
0x2eb: {  	[sflag:s13] =	ssyncset.done $0x0  }
0x2ec: {  	s9 =	simm.s32 $0x5600;
	[sflag:s13] =	ssyncadd.s32 $0xFFFFF000  }
0x2ed: {  	v2 =	vld [tilespmem:s9+$0xFFFFFF70]  }
0x2ee: {  	v1 =	vld.idx.msk [tilespmem:v1+s29+$0x0], $0xffff  }
0x2ef: {  	v3 =	vld [tilespmem:s9+$0xFFFFFF00]  }
0x2f0: {  	v4 =	vld [tilespmem:s9+$0xFFFFFF20]  }
0x2f1: {  	v5 =	vld [tilespmem:s9+$0xFFFFFF50]  }
0x2f2: {  	v6 =	vld [tilespmem:s9+$0xFFFFFF40]  }
0x2f3: {  	v7 =	vld [tilespmem:s9+$0xFFFFFF60];
	v2 =	vmul.f32 v2, v1  }
0x2f4: {  	s16 =	simm.s32 $0x1;
	v8 =	vld [tilespmem:s9+$0xFFFFFF30];
	v3 =	vmul.f32 v3, v1  }
0x2f5: {  	v62 =	vld [tilespmem:s9+$0xFFFFFF10];
	v4 =	vmul.f32 v4, v1;
	[tilespmem:s9+$0xFFFFFF70] =	vst v2;
	v2 =	vmov s16  }
0x2f6: {  	v5 =	vmul.f32 v5, v1;
	[tilespmem:s9+$0xFFFFFF00] =	vst v3;
	v2 =	vand.u32 $0xFFFFFFFD, v2  }
0x2f7: {  	v3 =	vmul.f32 v6, v1;
	[tilespmem:s9+$0xFFFFFF20] =	vst v4;
	v2 =	vbroadcast v2, $0x0  }
0x2f8: {  	v4 =	vmul.f32 v7, v1;
	[tilespmem:s9+$0xFFFFFF50] =	vst v5  }
0x2f9: {  	v5 =	vmul.f32 v8, v1;
	[tilespmem:s9+$0xFFFFFF40] =	vst v3  }
0x2fa: {  	v1 =	vmul.f32 v62, v1;
	[tilespmem:s9+$0xFFFFFF60] =	vst v4  }
0x2fb: {  	[tilespmem:s9+$0xFFFFFF30] =	vst v5  }
0x2fc: {  	[tilespmem:s9+$0xFFFFFF10] =	vst v1;
	v1 =	vld [tilespmem:s9+$0xFFFFFF90]  }
0x2fd: {  	v3 =	vld.idx.msk [tilespmem:v2+s29+$0x0], $0xffff  }
0x2fe: {  	v2 =	vld [tilespmem:s9+$0xFFFFFFA0]  }
0x2ff: {  	v4 =	vld [tilespmem:s9+$0xFFFFFF80]  }
0x300: {  	v5 =	vld [tilespmem:s9+$0xFFFFFFB0]  }
0x301: {  	v6 =	vld [tilespmem:s9+$0xFFFFFFC0]  }
0x302: {  	v7 =	vld [tilespmem:s9+$0xFFFFFFD0];
	v1 =	vmul.f32 v1, v3  }
0x303: {  	s18 =	simm.s32 $0x2;
	v8 =	vld [tilespmem:s9+$0xFFFFFFF0];
	v2 =	vmul.f32 v2, v3  }
0x304: {  	v63 =	vld [tilespmem:s9+$0xFFFFFFE0];
	v4 =	vmul.f32 v4, v3;
	[tilespmem:s9+$0xFFFFFF90] =	vst v1;
	v1 =	vmov s18  }
0x305: {  	v5 =	vmul.f32 v5, v3;
	[tilespmem:s9+$0xFFFFFFA0] =	vst v2;
	v1 =	vand.u32 $0xFFFFFFFE, v1  }
0x306: {  	v2 =	vmul.f32 v6, v3;
	[tilespmem:s9+$0xFFFFFF80] =	vst v4;
	v6 =	vld [tilespmem:s9+$0x60];
	v10 =	vbroadcast v1, $0x0  }
0x307: {  	v4 =	vmul.f32 v7, v3;
	[tilespmem:s9+$0xFFFFFFB0] =	vst v5;
	v7 =	vld [tilespmem:s9+$0x0]  }
0x308: {  	v5 =	vmul.f32 v8, v3;
	v1 =	vld [tilespmem:s9+$0x20];
	[tilespmem:s9+$0xFFFFFFC0] =	vst v2  }
0x309: {  	v3 =	vmul.f32 v63, v3;
	v2 =	vld [tilespmem:s9+$0x30];
	[tilespmem:s9+$0xFFFFFFD0] =	vst v4  }
0x30a: {  	[tilespmem:s9+$0xFFFFFFF0] =	vst v5;
	v4 =	vld [tilespmem:s9+$0x40]  }
0x30b: {  	[tilespmem:s9+$0xFFFFFFE0] =	vst v3;
	v5 =	vld [tilespmem:s9+$0x10]  }
0x30c: {  	s12 =	simm.s32 $0x4;
	s13 =	simm.s32 $0x5600;
	v3 =	vld.idx.msk [tilespmem:v10+s29+$0x0], $0xffff  }
.LBB2_15:
0x30d: {  	p1 =	sne.s32 s12, $0x1C  }
0x30e: {  	v8 =	vld [tilespmem:s9+$0x50];
	s13 =	sadd.s32 $0x200, s13;
	s16 =	smov.u32 s12;
	s12 =	sadd.s32 $0x4, s12  }
0x30f: {  	v9 =	vld [tilespmem:s9+$0x70];
	_ =	sdelay $0x1  }
0x310: {  	v6 =	vmul.f32 v6, v3;
	v7 =	vmul.f32 v7, v3  }
0x311: {  	v4 =	vmul.f32 v4, v3;
	v5 =	vmul.f32 v5, v3  }
0x312: {  	v1 =	vmul.f32 v1, v3;
	v2 =	vmul.f32 v2, v3;
	[tilespmem:s9+$0x60] =	vst v6  }
0x313: {  	[tilespmem:s9+$0x40] =	vst v4;
	v4 =	vmul.f32 v8, v3;
	v3 =	vmul.f32 v9, v3  }
0x314: {  	s18 =	sadd.s32 $0x3, s11;
	s11 =	smov.u32 s16;
	[tilespmem:s9+$0x20] =	vst v1;
	v6 =	vld [tilespmem:s9+$0x80]  }
0x315: {  	v1 =	vld [tilespmem:s13+$0x20];
	[tilespmem:s9+$0x0] =	vst v7;
	v7 =	vmov s18  }
0x316: {  	[tilespmem:s9+$0x50] =	vst v4;
	v4 =	vld [tilespmem:s9+$0xE0]  }
0x317: {  	[tilespmem:s9+$0x30] =	vst v2;
	v8 =	vld [tilespmem:s9+$0xC0]  }
0x318: {  	v2 =	vld [tilespmem:s13+$0x30];
	[tilespmem:s9+$0x10] =	vst v5  }
0x319: {  	[tilespmem:s9+$0x70] =	vst v3;
	v3 =	vld [tilespmem:s9+$0xA0]  }
0x31a: {  	v5 =	vld.idx.msk [tilespmem:v7+s29+$0x0], $0xffff  }
0x31b: {  	v7 =	vld [tilespmem:s9+$0x90]  }
0x31c: {  	v9 =	vld [tilespmem:s9+$0xB0]  }
0x31d: {  	v10 =	vld [tilespmem:s9+$0xD0]  }
0x31e: {  	v11 =	vld [tilespmem:s9+$0xF0];
	_ =	sdelay $0x1  }
0x31f: {  	v6 =	vmul.f32 v6, v5;
	v7 =	vmul.f32 v7, v5  }
0x320: {  	v3 =	vmul.f32 v3, v5;
	v9 =	vmul.f32 v9, v5  }
0x321: {  	v12 =	vmov s11;
	[tilespmem:s9+$0x80] =	vst v6;
	v6 =	vmul.f32 v8, v5;
	v8 =	vmul.f32 v10, v5  }
0x322: {  	v10 =	vand.u32 $0xFFFFFFFC, v12;
	[tilespmem:s9+$0xA0] =	vst v3;
	v3 =	vmul.f32 v4, v5;
	v4 =	vmul.f32 v11, v5  }
0x323: {  	v5 =	vbroadcast v10, $0x0;
	[tilespmem:s9+$0xC0] =	vst v6  }
0x324: {  	[tilespmem:s9+$0xF0] =	vst v4  }
0x325: {  	v4 =	vld [tilespmem:s13+$0xFFFFFF40];
	[tilespmem:s9+$0xE0] =	vst v3  }
0x326: {  	v3 =	vld [tilespmem:s13+$0xFFFFFF50];
	[tilespmem:s9+$0x90] =	vst v7  }
0x327: {  	v6 =	vld [tilespmem:s13+$0xFFFFFF60];
	[tilespmem:s9+$0xB0] =	vst v9  }
0x328: {  	v7 =	vld [tilespmem:s13+$0xFFFFFF70];
	[tilespmem:s9+$0xD0] =	vst v8;
	s9 =	smov.u32 s13  }
0x329: {  	v5 =	vld.idx.msk [tilespmem:v5+s29+$0x0], $0xffff  }
0x32a: {  	v8 =	vld [tilespmem:s13+$0xFFFFFF00]  }
0x32b: {  	v9 =	vld [tilespmem:s13+$0xFFFFFF20]  }
0x32c: {  	v10 =	vld [tilespmem:s13+$0xFFFFFF10]  }
0x32d: {  	v11 =	vld [tilespmem:s13+$0xFFFFFF30];
	_ =	sdelay $0x1  }
0x32e: {  	v7 =	vmul.f32 v7, v5;
	v8 =	vmul.f32 v8, v5  }
0x32f: {  	s16 =	sadd.s32 $0x1, s11;
	v6 =	vmul.f32 v6, v5;
	v9 =	vmul.f32 v9, v5  }
0x330: {  	v3 =	vmul.f32 v3, v5;
	v10 =	vmul.f32 v10, v5;
	[tilespmem:s13+$0xFFFFFF70] =	vst v7;
	v7 =	vmov s16  }
0x331: {  	v4 =	vmul.f32 v4, v5;
	[tilespmem:s13+$0xFFFFFF00] =	vst v8;
	v8 =	vmul.f32 v11, v5;
	v5 =	vand.u32 $0xFFFFFFFD, v7  }
0x332: {  	[tilespmem:s13+$0xFFFFFF20] =	vst v9;
	v5 =	vbroadcast v5, $0x0  }
0x333: {  	[tilespmem:s13+$0xFFFFFF50] =	vst v3  }
0x334: {  	[tilespmem:s13+$0xFFFFFF40] =	vst v4;
	v3 =	vld [tilespmem:s13+$0xFFFFFFF0]  }
0x335: {  	[tilespmem:s13+$0xFFFFFF60] =	vst v6;
	v4 =	vld [tilespmem:s13+$0xFFFFFFC0]  }
0x336: {  	[tilespmem:s13+$0xFFFFFF30] =	vst v8;
	v6 =	vld [tilespmem:s13+$0xFFFFFFD0]  }
0x337: {  	[tilespmem:s13+$0xFFFFFF10] =	vst v10;
	v7 =	vld [tilespmem:s13+$0xFFFFFF90]  }
0x338: {  	v5 =	vld.idx.msk [tilespmem:v5+s29+$0x0], $0xffff  }
0x339: {  	v8 =	vld [tilespmem:s13+$0xFFFFFF80]  }
0x33a: {  	v9 =	vld [tilespmem:s13+$0xFFFFFFA0]  }
0x33b: {  	v10 =	vld [tilespmem:s13+$0xFFFFFFB0]  }
0x33c: {  	v11 =	vld [tilespmem:s13+$0xFFFFFFE0];
	_ =	sdelay $0x1  }
0x33d: {  	v7 =	vmul.f32 v7, v5;
	v8 =	vmul.f32 v8, v5  }
0x33e: {  	s16 =	sadd.s32 $0x2, s11;
	v6 =	vmul.f32 v6, v5;
	v9 =	vmul.f32 v9, v5  }
0x33f: {  	v4 =	vmul.f32 v4, v5;
	[tilespmem:s13+$0xFFFFFF90] =	vst v7;
	v7 =	vmul.f32 v10, v5;
	v10 =	vmov s16  }
0x340: {  	v3 =	vmul.f32 v3, v5;
	[tilespmem:s13+$0xFFFFFFA0] =	vst v9;
	v9 =	vmul.f32 v11, v5;
	v5 =	vand.u32 $0xFFFFFFFE, v10  }
0x341: {  	[tilespmem:s13+$0xFFFFFF80] =	vst v8;
	v5 =	vbroadcast v5, $0x0  }
0x342: {  	[tilespmem:s13+$0xFFFFFFB0] =	vst v7  }
0x343: {  	[tilespmem:s13+$0xFFFFFFC0] =	vst v4  }
0x344: {  	[tilespmem:s13+$0xFFFFFFD0] =	vst v6  }
.Ltmp8:
0x345: {  	[tilespmem:s13+$0xFFFFFFF0] =	vst v3;
	v4 =	vld [tilespmem:s13+$0x40];
	(pc) =	sbr.rel @p1 .LBB2_15-.Ltmp8, $4  }
0x346: {  	[tilespmem:s13+$0xFFFFFFE0] =	vst v9;
	v6 =	vld [tilespmem:s13+$0x60]  }
0x347: {  	v3 =	vld.idx.msk [tilespmem:v5+s29+$0x0], $0xffff  }
0x348: {  	v7 =	vld [tilespmem:s13+$0x0]  }
0x349: {  	v5 =	vld [tilespmem:s13+$0x10]  }
0x34a: {  	_ =	sdelay $0x1  }
0x34b: {  	v6 =	vmul.f32 v6, v3  }
0x34c: {  	v8 =	vld [tilespmem:s9+$0x50];
	v4 =	vmul.f32 v4, v3  }
0x34d: {  	v9 =	vld [tilespmem:s9+$0x70];
	v1 =	vmul.f32 v1, v3;
	[tilespmem:s9+$0x60] =	vst v6  }
0x34e: {  	v54 =	vmul.f32 v7, v3;
	[tilespmem:s9+$0x40] =	vst v4  }
0x34f: {  	s11 =	sadd.s32 $0x3, s11;
	[tilespmem:s9+$0x20] =	vst v1;
	v1 =	vmul.f32 v2, v3  }
0x350: {  	v56 =	vmov s11;
	v5 =	vmul.f32 v5, v3;
	[tilespmem:s9+$0x0] =	vst v54  }
0x351: {  	v55 =	vmul.f32 v8, v3;
	[tilespmem:s9+$0x30] =	vst v1  }
0x352: {  	v3 =	vmul.f32 v9, v3;
	[tilespmem:s9+$0x10] =	vst v5  }
0x353: {  	[tilespmem:s9+$0x50] =	vst v55  }
0x354: {  	v2 =	vld [tilespmem:s9+$0x80];
	[tilespmem:s9+$0x70] =	vst v3  }
0x355: {  	v1 =	vld.idx.msk [tilespmem:v56+s29+$0x0], $0xffff  }
0x356: {  	v3 =	vld [tilespmem:s9+$0xA0]  }
0x357: {  	v59 =	vld [tilespmem:s9+$0xE0]  }
0x358: {  	v57 =	vld [tilespmem:s9+$0xC0]  }
0x359: {  	v58 =	vld [tilespmem:s9+$0xF0]  }
0x35a: {  	v60 =	vld [tilespmem:s9+$0x90];
	v2 =	vmul.f32 v2, v1  }
0x35b: {  	v61 =	vld [tilespmem:s9+$0xB0];
	v3 =	vmul.f32 v3, v1  }
0x35c: {  	v62 =	vld [tilespmem:s9+$0xD0];
	v63 =	vmul.f32 v59, v1;
	[tilespmem:s9+$0x80] =	vst v2  }
0x35d: {  	v2 =	vmul.f32 v57, v1;
	[tilespmem:s9+$0xA0] =	vst v3  }
0x35e: {  	v3 =	vmul.f32 v58, v1;
	[tilespmem:s9+$0xE0] =	vst v63  }
0x35f: {  	[tilespmem:s9+$0xC0] =	vst v2;
	v2 =	vmul.f32 v60, v1  }
0x360: {  	[tilespmem:s9+$0xF0] =	vst v3;
	v3 =	vmul.f32 v61, v1  }
0x361: {  	v1 =	vmul.f32 v62, v1;
	[tilespmem:s9+$0x90] =	vst v2  }
0x362: {  	[tilespmem:s9+$0xB0] =	vst v3  }
0x363: {  	s18 =	simm.s32 $0xC500;
	[tilespmem:s9+$0xD0] =	vst v1  }
0x364: {  	[spmem:s3] =	stream.indirect.scatter.add.f32 [tilespmem:s5], [sflag:$0x8], $0x80, s18, s28, $0xb8;
	[tilespmem:$0x1FE00] =	vst v63  }
0x365: {  	_ =	swait.ge [sflag:s31], $0x1000  }
0x366: {  	[sflag:s31] =	ssyncset.done $0x0  }
0x367: {  	[sflag:s31] =	ssyncadd.s32 $0xFFFFF000  }
0x368: {  	[bflag:$0x0] =	sbarrier.arrive $0xFFFF  }
0x369: {  	s18 =	rddreg [dreg:$0x15]  }
0x36a: {  	[tilespmem:s5], [sflag:$0x8] =	stream.linear.gather [spmem:s18], $0x2800, $0x38;
	[tilespmem:$0x1FE00] =	vst v63  }
0x36b: {  	_ =	swait.ge [sflag:s31], $0x2800  }
0x36c: {  	[sflag:s31] =	ssyncset.done $0x0  }
.Ltmp9:
0x36d: {  	s12 =	rddreg [dreg:$0x16];
	[sflag:s31] =	ssyncadd.s32 $0xFFFFD800;
	(pc) =	sbr.rel @!p0 .LBB2_18-.Ltmp9, $4  }
0x36e: {  	[hbm4b:s12+s4] =	stream.linear.scatter [tilespmem:s5], [sflag:$0x8], $0x2800, $0x38;
	[tilespmem:$0x1FE00] =	vst v63  }
0x36f: {  	_ =	swait.ge [sflag:s31], $0x2800  }
0x370: {  	s16 =	rddreg [dreg:$0x7]  }
0x371: {  	s11 =	smov.u32 s18;
	[sflag:s31] =	ssyncset.done $0x0;
	s9 =	sadd.s32 $0xFFFFFFFF, s16  }
.LBB2_17:
0x372: {  	[sflag:s31] =	ssyncadd.s32 $0xFFFFD800;
	s11 =	sadd.s32 $0x2800, s11;
	s12 =	sadd.s32 $0x500, s12  }
0x373: {  	[tilespmem:s5], [sflag:$0x8] =	stream.linear.gather [spmem:s11], $0x2800, $0x38;
	[tilespmem:$0x1FE00] =	vst v63  }
0x374: {  	p0 =	sne.s32 s9, $0x1;
	s9 =	sadd.s32 $0xFFFFFFFF, s9;
	_ =	swait.ge [sflag:s31], $0x2800  }
.Ltmp10:
0x375: {  	[sflag:s31] =	ssyncset.done $0x0;
	(pc) =	sbr.rel @p0 .LBB2_17-.Ltmp10, $4  }
0x376: {  	[sflag:s31] =	ssyncadd.s32 $0xFFFFD800  }
0x377: {  	[hbm4b:s12+s4] =	stream.linear.scatter [tilespmem:s5], [sflag:$0x8], $0x2800, $0x38;
	[tilespmem:$0x1FE00] =	vst v63  }
0x378: {  	_ =	swait.ge [sflag:s31], $0x2800  }
0x379: {  	[sflag:s31] =	ssyncset.done $0x0  }
.LBB2_18:
0x37a: {  	s11 =	rddreg [dreg:$0x17]  }
0x37b: {  	s9 =	rddreg [dreg:$0x14];
	s11 =	sadd.s32 $0x1, s11  }
0x37c: {  	p0 =	sne.s32 s11, s9  }
.Ltmp11:
0x37d: {  	_ = 	snop;
	(pc) =	sbr.rel @p0 .LBB2_1-.Ltmp11, $2  }
0x37e: {  	_ =	sdelay $0x2  }
0x37f: {  	[sflag:s31] =	ssyncadd.s32 $0xFFFFD800  }
0x380: {  	_ =	sfence.sel $0x180000  }
0x381: {  	[bflag:$0x0] =	sbarrier.arrive $0xFFFF  }
0x382: {  	_ =	strace $0x9000004A  }
0x383: {  	s0 =	stileid.u32;
	[bflag:$0x2] =	sbarrier.arrive $0xFFFF  }
0x384: {  	p0 =	sne.s32 s0, $0x0;
	s0 =	rddreg [dreg:$0x4]  }
0x385: {  	s0 =	sadd.s32 @!p0 $0x100000, s0  }
0x386: {  	[sflag:s0] =	ssyncadd.tile.s32 @!p0 $0x1;
	_ =	shalt  }
.Lfunc_end2:
_tile_overlayer_lowered:
.L_overlay_start_2:
0x387: {  	(tag) =	ssettag $0x2  }
0x388: {  	s0 =	rddreg [dreg:$0x0];
	s2 =	stileid.u32  }
0x389: {  	s1 =	rddreg [dreg:$0x1];
	p0 =	sne.s32 s2, $0x0  }
0x38a: {  	s3 =	rddreg [dreg:$0x2];
	[bflag:$0x3] =	sbarrier.arrive $0xFFFF;
	s2 =	simm.s32 @!p0 $0x1C08  }
0x38b: {  	[timem:s3], [sflag:s2] =	dma.local @!p0 [hbm:s0], s1  }
0x38c: {  	s0 =	simm.s32 @!p0 $0x8  }
0x38d: {  	_ =	swait.ge @!p0 [sflag:s0], s1  }
0x38e: {  	s1 =	ssub.s32 @!p0 $0x0, s1;
	[sflag:s0] =	ssyncset.done @!p0 $0x0  }
0x38f: {  	[sflag:s0] =	ssyncadd.s32 @!p0 s1  }
0x390: {  	[bflag:$0x3] =	sbarrier.arrive $0xFFFF  }
0x391: {  	_ =	shalt  }

// kernel: kernel.7.cloned.1.call-start
scs
__scs_entry_jumppad:
0x0: {  	(pc) =	sbr.rel $0x88, $3  }
0x1: {  	(tag) =	ssettag $0x0;
	lr =	simm.s32 $0x1  }
0x2: {  	[smem:$0x3F9B] =	sst lr;
	_ =	strace $0xD0000000  }
0x3: {  	_ = 	snop  }
0x4: {  	_ = 	snop  }
0x5: {  	_ = 	snop  }
0x6: {  	_ = 	snop  }
0x7: {  	_ = 	snop  }
__scs_overlays_trampoline_lowered:
0x8: {  	[smem:$0x3FAA] =	sst s0  }
0x9: {  	[smem:$0x3FAB] =	sst s1  }
0xa: {  	[smem:$0x3FAC] =	sst s2  }
0xb: {  	[smem:$0x3FAD] =	sst s3  }
0xc: {  	[smem:$0x3FAE] =	sst s4  }
0xd: {  	[smem:$0x3FAF] =	sst s5  }
0xe: {  	[smem:$0x3FB0] =	sst s6  }
0xf: {  	[smem:$0x3FB1] =	sst s7  }
0x10: {  	[smem:$0x3FB2] =	sst s8  }
0x11: {  	[smem:$0x3FB3] =	sst s9;
	s0 =	simm.s32 @!p0 $0x0  }
0x12: {  	s1 =	sld [smem:$0x3F99];
	s0 =	simm.s32 @p0 $0x1  }
0x13: {  	[smem:$0x3FB4] =	sst s0;
	s0 =	simm.s32 @!p1 $0x0  }
0x14: {  	s2 =	sld [smem:$0x3F98];
	s0 =	simm.s32 @p1 $0x1  }
0x15: {  	[smem:$0x3FB5] =	sst s0;
	s0 =	simm.s32 @!p2 $0x0  }
0x16: {  	s3 =	sld [smem:$0x3FDB];
	s0 =	simm.s32 @p2 $0x1  }
0x17: {  	s4 =	simm.s32 $0x1BF5;
	[smem:$0x3FB7] =	sst s0  }
0x18: {  	s0 =	sld [smem:$0x3F9A];
	_ =	swait.ge [sflag:s4], $0x0  }
0x19: {  	s7 =	sld [smem:$0x3F9B]  }
0x1a: {  	s8 =	sadd.s32 $0xFFFFE003, lr  }
0x1b: {  	s9 =	sadd.s32 $0xFFFFFEF7, lr;
	s5 =	simm.s32 $0xFFFFFFFF;
	p2 =	slt.u32 s8, $0xFFFFF086  }
0x1c: {  	p1 =	slt.u32 s9, $0xF7A;
	s5 =	simm.s32 @!p2 $0x0  }
0x1d: {  	s5 =	simm.s32 @p1 $0x1;
	p0 =	seq.s32 s7, s2  }
0x1e: {  	s7 =	smul.u32 @!p0 $0xF7A, s2;
	p2 =	seq.s32 @!p0 s5, $0x0  }
0x1f: {  	s9 =	smul.u32 $0xF7A, s1;
	s8 =	simm.s32 @!p0 $0x1BF5;
	p2 =	por !p2, p0  }
0x20: {  	[sflag:s8] =	ssyncset.s32 @!p0 $0xFFFFF086;
	s6 =	sadd.s32 @!p0 s3, s7;
	s7 =	simm.s32 @!p0 $0x108  }
0x21: {  	s3 =	sadd.s32 s3, s9;
	s6 =	sadd.s32 @!p0 $0x88, s6;
	s7 =	simm.s32 @p2 $0x1082  }
0x22: {  	[simem:s7], [sflag:s8] =	dma.local @!p0 [hbm:s6], $0xF7A  }
0x23: {  	s9 =	sor.u32 $0xD0000000, s2;
	s6 =	simm.s32 $0x108;
	_ =	swait.ge @!p0 [sflag:s8], $0x0  }
0x24: {  	s3 =	sadd.s32 $0x88, s3;
	s6 =	simm.s32 @!p1 $0x1082;
	[sflag:s4] =	ssyncset.s32 $0xFFFFF086  }
0x25: {  	[simem:s6], [sflag:s4] =	dma.local [hbm:s3], $0xF7A  }
0x26: {  	[smem:$0x3F9B] =	sst s1;
	(tag) =	ssettag s2;
	_ =	strace s9  }
0x27: {  	s1 =	sld [smem:$0x3FAB]  }
0x28: {  	s2 =	sld [smem:$0x3FAC]  }
0x29: {  	s4 =	sld [smem:$0x3FAE]  }
0x2a: {  	p0 =	seq.s32 s5, $0x0;
	s5 =	sld [smem:$0x3FAF]  }
0x2b: {  	s6 =	sld [smem:$0x3FB0]  }
0x2c: {  	s7 =	sld [smem:$0x3FB1]  }
0x2d: {  	s3 =	simm.s32 $0x108;
	s8 =	sld [smem:$0x3FB2]  }
0x2e: {  	s3 =	simm.s32 @!p0 $0x1082;
	s9 =	sld [smem:$0x3FB3]  }
0x2f: {  	lr =	sadd.s32 s0, s3;
	s0 =	sld [smem:$0x3FAA]  }
0x30: {  	s3 =	sld [smem:$0x3FAD]  }
0x31: {  	[smem:$0x3FB6] =	sst s10  }
0x32: {  	s10 =	sld [smem:$0x3FB4];
	_ =	sdelay $0x3  }
0x33: {  	p0 =	seq.s32 s10, $0x1;
	s10 =	sld [smem:$0x3FB6];
	_ =	sdelay $0x3  }
0x34: {  	[smem:$0x3FB6] =	sst s10  }
0x35: {  	s10 =	sld [smem:$0x3FB5];
	_ =	sdelay $0x3  }
0x36: {  	p1 =	seq.s32 s10, $0x1;
	s10 =	sld [smem:$0x3FB6];
	_ =	sdelay $0x3  }
0x37: {  	[smem:$0x3FB6] =	sst s10  }
0x38: {  	s10 =	sld [smem:$0x3FB7]  }
0x39: {  	_ = 	snop;
	(pc) =	sbr.ind lr, $3  }
0x3a: {  	_ = 	snop  }
0x3b: {  	_ = 	snop  }
0x3c: {  	p2 =	seq.s32 s10, $0x1;
	s10 =	sld [smem:$0x3FB6]  }
0x3d: {  	_ =	shalt  }
0x3e: {  	_ =	shalt  }
0x3f: {  	_ =	shalt  }
0x40: {  	_ =	shalt  }
0x41: {  	_ =	shalt  }
0x42: {  	_ =	shalt  }
0x43: {  	_ =	shalt  }
0x44: {  	_ =	shalt  }
0x45: {  	_ =	shalt  }
0x46: {  	_ =	shalt  }
0x47: {  	_ =	shalt  }
0x48: {  	_ =	shalt  }
0x49: {  	_ =	shalt  }
0x4a: {  	_ =	shalt  }
0x4b: {  	_ =	shalt  }
0x4c: {  	_ =	shalt  }
0x4d: {  	_ =	shalt  }
0x4e: {  	_ =	shalt  }
0x4f: {  	_ =	shalt  }
0x50: {  	_ =	shalt  }
0x51: {  	_ =	shalt  }
0x52: {  	_ =	shalt  }
0x53: {  	_ =	shalt  }
0x54: {  	_ =	shalt  }
0x55: {  	_ =	shalt  }
0x56: {  	_ =	shalt  }
0x57: {  	_ =	shalt  }
0x58: {  	_ =	shalt  }
0x59: {  	_ =	shalt  }
0x5a: {  	_ =	shalt  }
0x5b: {  	_ =	shalt  }
0x5c: {  	_ =	shalt  }
0x5d: {  	_ =	shalt  }
0x5e: {  	_ =	shalt  }
0x5f: {  	_ =	shalt  }
0x60: {  	_ =	shalt  }
0x61: {  	_ =	shalt  }
0x62: {  	_ =	shalt  }
0x63: {  	_ =	shalt  }
0x64: {  	_ =	shalt  }
0x65: {  	_ =	shalt  }
0x66: {  	_ =	shalt  }
0x67: {  	_ =	shalt  }
0x68: {  	_ =	shalt  }
0x69: {  	_ =	shalt  }
0x6a: {  	_ =	shalt  }
0x6b: {  	_ =	shalt  }
0x6c: {  	_ =	shalt  }
0x6d: {  	_ =	shalt  }
0x6e: {  	_ =	shalt  }
0x6f: {  	_ =	shalt  }
0x70: {  	_ =	shalt  }
0x71: {  	_ =	shalt  }
0x72: {  	_ =	shalt  }
0x73: {  	_ =	shalt  }
0x74: {  	_ =	shalt  }
0x75: {  	_ =	shalt  }
0x76: {  	_ =	shalt  }
0x77: {  	_ =	shalt  }
0x78: {  	_ =	shalt  }
0x79: {  	_ =	shalt  }
0x7a: {  	_ =	shalt  }
0x7b: {  	_ =	shalt  }
0x7c: {  	_ =	shalt  }
0x7d: {  	_ =	shalt  }
0x7e: {  	_ =	shalt  }
0x7f: {  	_ =	shalt  }
0x80: {  	_ =	shalt  }
0x81: {  	_ =	shalt  }
0x82: {  	_ =	shalt  }
0x83: {  	_ =	shalt  }
0x84: {  	_ =	shalt  }
0x85: {  	_ =	shalt  }
0x86: {  	_ =	shalt  }
0x87: {  	_ =	shalt  }
.Lfunc_end0:
.L_simem_size_0:
called_computation_lowered:
.L_overlay_start_0:
0x88: {  	s2 =	sld [smem:$0x3FD9]  }
0x89: {  	s3 =	sld [smem:$0x3FFE];
	_ =	sdelay $0x1  }
0x8a: {  	s1 =	srdreg.scid  }
0x8b: {  	s0 =	sand.u32 $0x1, s1  }
0x8c: {  	s17 =	sshll.u32 s0, $0xA;
	s2 =	sadd.s32 s3, s2  }
0x8d: {  	s2 =	sadd.s32 s2, s17  }
0x8e: {  	[smem:$0x3FC2] =	sst s2  }
0x8f: {  	_ = 	snop  }
0x90: {  	s2 =	sld [smem:$0x3FD0];
	(tm) =	ssettm $0x1  }
0x91: {  	s18 =	sld [smem:$0x3FFB];
	_ =	sdelay $0x3  }
0x92: {  	_ =	strace s18  }
0x93: {  	s3 =	sld [smem:$0x3FFC];
	_ =	sdelay $0x3  }
0x94: {  	_ =	strace s3  }
0x95: {  	s3 =	sld [smem:$0x3FFD];
	_ =	sdelay $0x3  }
0x96: {  	_ =	strace s3  }
0x97: {  	_ =	strace $0x8FFFFFFF  }
0x98: {  	s19 =	sld [smem:$0x3FDB];
	_ =	sdelay $0x1  }
0x99: {  	s4 =	simm.s32 $_scs_section_size  }
0x9a: {  	s5 =	simm.s32 $_size__tile_overlayer_lowered;
	s6 =	simm.s32 $_tile_overlayer_lowered  }
0x9b: {  	s22 =	simm.s32 $0x1BFF;
	s21 =	sshll.u32 s6, $0x1;
	s3 =	sadd.s32 s4, s19  }
0x9c: {  	s7 =	simm.s32 $0x0;
	s20 =	sshll.u32 s5, $0x1;
	s5 =	sadd.s32 s21, s3  }
0x9d: {  	[timem:s7], [sflag:s22] =	dma.local [hbm:s5], s20  }
0x9e: {  	_ =	swait.ge [sflag:s22], s20  }
0x9f: {  	s4 =	ssub.s32 $0x0, s20;
	[sflag:s22] =	ssyncset.done $0x0  }
0xa0: {  	[sflag:s22] =	ssyncadd.s32 s4;
	_ =	sdelay $0x1  }
0xa1: {  	s23 =	simm.s32 $0x1B8B  }
0xa2: {  	_ =	swait.ge [sflag:s23], $0x1  }
0xa3: {  	[sflag:s23] =	ssyncset.done $0x0  }
0xa4: {  	s25 =	simm.s32 $0x1B8E;
	s24 =	sld [smem:$0x3FFE];
	[sflag:s23] =	ssyncadd.s32 $0xFFFFFFFF  }
0xa5: {  	s26 =	simm.s32 $execute0_lowered;
	[smem:$0x3FD2] =	sst s25  }
0xa6: {  	s5 =	sshll.u32 s26, $0x1;
	_ =	strace $0x80000046;
	[dreg:$0x1] =	wrdreg $0xFFFFFFFF  }
0xa7: {  	s28 =	simm.s32 $_size_execute0_lowered;
	s3 =	sadd.s32 s3, s5;
	[dreg:$0x0] =	wrdreg $0x0  }
0xa8: {  	s5 =	sshll.u32 s28, $0x1;
	[dreg:$0x2] =	wrdreg s3  }
0xa9: {  	[dreg:$0x3] =	wrdreg s5  }
0xaa: {  	[dreg:$0x4] =	wrdreg $0xC0  }
0xab: {  	_ =	task [dreg:s7], $0x5FFFF  }
0xac: {  	[dreg:$0x1] =	wrdreg $0xFFFFFFFF  }
0xad: {  	[dreg:$0x0] =	wrdreg $0x60  }
0xae: {  	[dreg:$0x2] =	wrdreg s24  }
0xaf: {  	[dreg:$0x3] =	wrdreg s2  }
0xb0: {  	[dreg:$0x4] =	wrdreg $0x9  }
0xb1: {  	_ =	task.clear_ibuf [dreg:s7], $0x5FFFF;
	_ =	strace $0x90000046  }
0xb2: {  	s29 =	simm.s32 $0x9;
	_ =	strace $0x80000048  }
0xb3: {  	_ =	swait.ge [sflag:s29], $0x1  }
0xb4: {  	[sflag:s29] =	ssyncadd.s32 $0xFFFFFFFF  }
0xb5: {  	_ =	strace $0x90000048  }
0xb6: {  	_ =	sfence  }
0xb7: {  	s30 =	sld [smem:$0x0];
	_ =	sdelay $0x2  }
0xb8: {  	s31 =	sshll.u32 s1, $0xD;
	s1 =	sshrl.u32 s1, $0x2  }
0xb9: {  	s3 =	sand.u32 $0x4000, s31;
	s1 =	sadd.s32 s1, s30  }
0xba: {  	s0 =	sor.u32 s3, s0;
	s1 =	sshll.u32 s1, $0x11  }
0xbb: {  	s0 =	sor.u32 s1, s0  }
0xbc: {  	s0 =	sadd.s32 $0x8F2B, s0  }
0xbd: {  	[sflag:s0] =	ssyncadd.remote.s32 $0x1  }
0xbe: {  	_ =	sfence.sel $0xFFFF  }
0xbf: {  	[dreg:$0x0] =	wrdreg $0xFFFFFFFF;
	(pc) =	sbr.abs _section_cstart, $3  }
0xc0: {  	[dreg:$0x1] =	wrdreg $0xFFFFFFFF  }
0xc1: {  	_ =	task.clear_ibuf [dreg:s7], $0x2FFFF;
	_ =	strace $0x9FFFFFFF  }
0xc2: {  	(tm) =	ssettm $0x7FFFFFFF  }
0xc3: {  	_ =	shalt  }
tec
execute0_lowered:
.L_overlay_start_1:
0x0: {  	(tag) =	ssettag $0x1  }
0x1: {  	s0 =	rddreg [dreg:$0x0]  }
0x2: {  	s1 =	rddreg [dreg:$0x1];
	s3 =	simm.s32 $0x0  }
0x3: {  	s2 =	srdreg.scid;
	s4 =	stileid.u32;
	s28 =	simm.s32 $0x4F00  }
0x4: {  	s29 =	simm.s32 $0x7680;
	s31 =	simm.s32 $0xEE00;
	s30 =	simm.s32 $0xF400  }
0x5: {  	s7 =	simm.s32 $0xF600;
	s8 =	simm.s32 $0xFA00;
	s14 =	simm.s32 $0x2  }
0x6: {  	s15 =	simm.s32 $0xF800;
	[smem:$0x7FF] =	sst s3;
	s5 =	sadd.s32 $0xCA00, s0  }
0x7: {  	s2 =	sand.u32 $0x1, s2;
	s4 =	sshll.u32 s4, $0x1;
	s16 =	sadd.s32 $0xD000, s0  }
0x8: {  	s17 =	sadd.s32 $0xD600, s0;
	s18 =	sadd.s32 $0xDC00, s0;
	s19 =	sadd.s32 $0xE200, s0  }
0x9: {  	s10 =	sadd.s32 $0x2C00, s0;
	_ =	strace $0x80000047;
	[dreg:$0x3] =	wrdreg s5  }
0xa: {  	s11 =	sadd.s32 $0x22000, s0;
	s12 =	sadd.s32 $0x2BE00, s0;
	[dreg:$0x4] =	wrdreg s16  }
0xb: {  	[dreg:$0x5] =	wrdreg s17;
	s4 =	sor.u32 s2, s4;
	s2 =	ssub.s32 $0x2, s2  }
0xc: {  	[dreg:$0x6] =	wrdreg s18;
	s9 =	smul.u32 $0x2710, s4;
	s20 =	sshrl.u32 s2, $0x1  }
0xd: {  	[dreg:$0x7] =	wrdreg s19;
	s16 =	simm.s32 $0xFC00;
	s2 =	ssub.s32 s2, s20  }
0xe: {  	s4 =	sshrl.u32 s9, $0x3;
	s13 =	sadd.s32 $0x190, s9;
	s26 =	smax.u32 s2, $0x1  }
0xf: {  	s18 =	sadd.s32 $0x320, s9;
	s21 =	sadd.s32 s10, s4;
	[dreg:$0x10] =	wrdreg s26  }
0x10: {  	s22 =	sadd.s32 s1, s4;
	s23 =	sshrl.u32 s13, $0x3;
	[dreg:$0x8] =	wrdreg s21  }
0x11: {  	s0 =	sadd.s32 s4, s0;
	[dreg:$0x9] =	wrdreg s22;
	s6 =	sadd.s32 s10, s23  }
0x12: {  	s4 =	sadd.s32 $0x4B0, s4;
	s5 =	sadd.s32 s1, s23;
	[dreg:$0xa] =	wrdreg s6  }
0x13: {  	s19 =	sadd.s32 $0x4B0, s9;
	s24 =	sadd.s32 s11, s4;
	[dreg:$0xb] =	wrdreg s5  }
0x14: {  	s2 =	simm.s32 $0xF000;
	s4 =	sadd.s32 s12, s4;
	[dreg:$0xc] =	wrdreg s24  }
0x15: {  	s26 =	simm.s32 $0x2780;
	s25 =	sadd.s32 $0xE400, s0;
	[dreg:$0xd] =	wrdreg s4  }
0x16: {  	s0 =	sadd.s32 $0x18200, s0;
	s21 =	simm.s32 $0x0;
	[dreg:$0xe] =	wrdreg s25  }
0x17: {  	[dreg:$0xf] =	wrdreg s0;
	s25 =	simm.s32 $0x5;
	s0 =	simm.s32 $0xF200  }
0x18: {  	v0 =	vimm.f32 $0.0e+00;
	s4 =	simm.s32 $0x1;
	s5 =	simm.s32 $0x9F00;
	s6 =	simm.s32 $0xC680  }
.LBB2_1:
0x19: {  	s17 =	rddreg [dreg:$0x3]  }
0x1a: {  	[tilespmem:s3], [sflag:$0x5] =	stream.linear.gather [hbm4b:s17+s3], $0x2780, $0x38;
	[tilespmem:$0xFE00] =	vst v63  }
0x1b: {  	_ =	swait.ge [sflag:s25], $0x2780  }
0x1c: {  	[sflag:s25] =	ssyncset.done $0x0  }
0x1d: {  	s20 =	rddreg [dreg:$0x4];
	[sflag:s25] =	ssyncadd.s32 $0xFFFFD880  }
0x1e: {  	[tilespmem:s26], [sflag:$0x5] =	stream.linear.gather [hbm4b:s20+s3], $0x2780, $0x38;
	[tilespmem:$0xFE00] =	vst v63  }
0x1f: {  	_ =	swait.ge [sflag:s25], $0x2780  }
0x20: {  	[sflag:s25] =	ssyncset.done $0x0  }
0x21: {  	s22 =	rddreg [dreg:$0x5];
	[sflag:s25] =	ssyncadd.s32 $0xFFFFD880  }
0x22: {  	[tilespmem:s28], [sflag:$0x5] =	stream.linear.gather [hbm4b:s22+s3], $0x2780, $0x38;
	[tilespmem:$0xFE00] =	vst v63  }
0x23: {  	_ =	swait.ge [sflag:s25], $0x2780  }
0x24: {  	[sflag:s25] =	ssyncset.done $0x0  }
0x25: {  	s23 =	rddreg [dreg:$0x6];
	[sflag:s25] =	ssyncadd.s32 $0xFFFFD880  }
0x26: {  	[tilespmem:s29], [sflag:$0x5] =	stream.linear.gather [hbm4b:s23+s3], $0x2780, $0x38;
	[tilespmem:$0xFE00] =	vst v63  }
0x27: {  	_ =	swait.ge [sflag:s25], $0x2780  }
0x28: {  	[sflag:s25] =	ssyncset.done $0x0  }
0x29: {  	s20 =	simm.s32 $0x9E00;
	s24 =	rddreg [dreg:$0x7];
	[sflag:s25] =	ssyncadd.s32 $0xFFFFD880  }
0x2a: {  	[tilespmem:s20], [sflag:$0x5] =	stream.linear.gather [hbm4b:s24+s3], $0x100, $0x38;
	[tilespmem:$0xFE00] =	vst v63  }
0x2b: {  	_ =	swait.ge [sflag:s25], $0x100  }
0x2c: {  	[sflag:s25] =	ssyncset.done $0x0  }
0x2d: {  	s17 =	simm.s32 $0x40;
	s20 =	simm.s32 $0x0;
	[sflag:s25] =	ssyncadd.s32 $0xFFFFFF00  }
.LBB2_2:
0x2e: {  	p0 =	sne.s32 s17, $0x9C00;
	[tilespmem:s20+$0x9F00] =	vst v0;
	s22 =	smov.u32 s17;
	s17 =	sadd.s32 $0x40, s17  }
.Ltmp0:
0x2f: {  	[tilespmem:s20+$0xC680] =	vst v0;
	(pc) =	sbr.rel @p0 .LBB2_2-.Ltmp0, $2  }
0x30: {  	_ =	sdelay $0x2  }
0x31: {  	s20 =	sshra.s32 s22, $0x2  }
0x32: {  	[tilespmem:s20+$0x9F00] =	vst v0  }
0x33: {  	[tilespmem:s20+$0xC680] =	vst v0  }
0x34: {  	s22 =	simm.s32 $0x0;
	s17 =	rddreg [dreg:$0x8];
	v1 =	vld [tilespmem:$0x9E00]  }
0x35: {  	v2 =	vld [tilespmem:$0x9E80];
	[tilespmem:s31], [sflag:$0x1] =	stream.linear.gather [hbm4b:s17+s22], $0x190, $0x38  }
0x36: {  	s20 =	rddreg [dreg:$0x9]  }
0x37: {  	[tilespmem:s0], [sflag:$0x1] =	stream.linear.gather [hbm4b:s20+s22], $0x190, $0x38;
	[tilespmem:$0xFE00] =	vst v63  }
0x38: {  	s23 =	rddreg [dreg:$0xa]  }
0x39: {  	[tilespmem:s2], [sflag:$0x2] =	stream.linear.gather [hbm4b:s23+s22], $0x190, $0x38;
	[tilespmem:$0xFE00] =	vst v63  }
0x3a: {  	s24 =	rddreg [dreg:$0xb]  }
0x3b: {  	[tilespmem:s30], [sflag:$0x2] =	stream.linear.gather [hbm4b:s24+s22], $0x190, $0x38;
	[tilespmem:$0xFE00] =	vst v63  }
.LBB2_4:
0x3c: {  	_ =	swait.ge [sflag:s4], $0x190  }
0x3d: {  	[sflag:s4] =	ssyncset.done $0x0  }
0x3e: {  	[sflag:s4] =	ssyncadd.s32 $0xFFFFFE70  }
0x3f: {  	_ =	swait.ge [sflag:s4], $0x190  }
0x40: {  	p0 =	seq.s32 s22, $0x0;
	[sflag:s4] =	ssyncset.done $0x0  }
0x41: {  	s17 =	simm.s32 @!p0 $0x3;
	[sflag:s4] =	ssyncadd.s32 $0xFFFFFE70  }
0x42: {  	_ =	swait.ge @!p0 [sflag:s17], $0x190  }
0x43: {  	[sflag:s17] =	ssyncset.done @!p0 $0x0  }
0x44: {  	[sflag:s17] =	ssyncadd.s32 @!p0 $0xFFFFFE70  }
0x45: {  	s23 =	smul.u32 $0x320, s22;
	_ =	swait.ge @!p0 [sflag:s17], $0x190  }
0x46: {  	[sflag:s17] =	ssyncset.done @!p0 $0x0  }
0x47: {  	s20 =	simm.s32 $0x0;
	s24 =	sadd.s32 s9, s23;
	[sflag:s17] =	ssyncadd.s32 @!p0 $0xFFFFFE70  }
.LBB2_5:
0x48: {  	s17 =	sshra.s32 s20, $0x2  }
0x49: {  	v3 =	vld [tilespmem:s17+$0xEE00]  }
0x4a: {  	v4 =	vld [tilespmem:s17+$0xF200];
	_ =	sdelay $0x6  }
0x4b: {  	v5 =	vld.idx.msk [tilespmem:v3+s3+$0x0], $0xffff  }
0x4c: {  	v6 =	vld.idx.msk [tilespmem:v4+s26+$0x0], $0xffff  }
0x4d: {  	v7 =	vld.idx.msk [tilespmem:v3+s28+$0x0], $0xffff  }
0x4e: {  	v4 =	vld.idx.msk [tilespmem:v4+s29+$0x0], $0xffff;
	_ =	sdelay $0x2  }
0x4f: {  	v6 =	vadd.f32 v6, v5  }
0x50: {  	v5 =	vadd.f32 v5, v1  }
0x51: {  	v4 =	vadd.f32 v4, v7;
	v7 =	vadd.f32 v7, v2;
	v8 =	vmul.f32 $2.000000030e-01, v6  }
0x52: {  	vm0 =	vge.f32 v6, $0.0e+00;
	v29 =	vmul.f32 $2.000000030e-01, v5;
	vm10 =	vge.f32 v5, $0.0e+00  }
0x53: {  	v9 =	vmul.f32 $2.000000030e-01, v4;
	v10 =	vmul.f32 $2.000000030e-01, v7;
	vm11 =	vge.f32 v4, $0.0e+00  }
0x54: {  	vm1 =	vge.f32 v7, $0.0e+00;
	v6 =	vsel vm0, v6, v8;
	v5 =	vsel vm10, v5, v29  }
0x55: {  	v4 =	vsel vm11, v4, v9;
	v30 =	vsel vm1, v7, v10;
	v5 =	vsub.f32 v6, v5  }
0x56: {  	v4 =	vsub.f32 v4, v30  }
0x57: {  	v5 =	vmul.f32 $1.442695020e+00, v5  }
0x58: {  	v4 =	vmul.f32 $1.442695020e+00, v4  }
0x59: {  	(erf) = vpow2.f32 v5  }
0x5a: {  	(erf) = vpow2.f32 v4;
	_ =	sdelay $0x7  }
0x5b: {  	v31 =	vpop (erf)  }
0x5c: {  	v32 =	vpop (erf);
	[tilespmem:v3+s5+$0x0] =	vst.idx.add.f32.msk $0xffff, v31  }
0x5d: {  	[tilespmem:v3+s6+$0x0] =	vst.idx.add.f32.msk $0xffff, v32  }
0x5e: {  	v3 =	vld [tilespmem:s17+$0xEE10]  }
0x5f: {  	v33 =	vld [tilespmem:s17+$0xF210];
	_ =	sdelay $0x4  }
0x60: {  	[tilespmem:s17+$0xF600] =	vst v31  }
0x61: {  	[tilespmem:s17+$0xFA00] =	vst v32  }
0x62: {  	v4 =	vld.idx.msk [tilespmem:v3+s3+$0x0], $0xffff  }
0x63: {  	v5 =	vld.idx.msk [tilespmem:v33+s26+$0x0], $0xffff  }
0x64: {  	v34 =	vld.idx.msk [tilespmem:v3+s28+$0x0], $0xffff  }
0x65: {  	v6 =	vld.idx.msk [tilespmem:v33+s29+$0x0], $0xffff;
	_ =	sdelay $0x2  }
0x66: {  	v5 =	vadd.f32 v5, v4  }
0x67: {  	v4 =	vadd.f32 v4, v1  }
0x68: {  	v6 =	vadd.f32 v6, v34;
	v7 =	vadd.f32 v34, v2;
	v35 =	vmul.f32 $2.000000030e-01, v5  }
0x69: {  	vm12 =	vge.f32 v5, $0.0e+00;
	v36 =	vmul.f32 $2.000000030e-01, v4;
	vm13 =	vge.f32 v4, $0.0e+00  }
0x6a: {  	v37 =	vmul.f32 $2.000000030e-01, v6;
	v38 =	vmul.f32 $2.000000030e-01, v7;
	vm14 =	vge.f32 v6, $0.0e+00  }
0x6b: {  	vm15 =	vge.f32 v7, $0.0e+00;
	v5 =	vsel vm12, v5, v35;
	v4 =	vsel vm13, v4, v36  }
0x6c: {  	v39 =	vsel vm14, v6, v37;
	v40 =	vsel vm15, v7, v38;
	v4 =	vsub.f32 v5, v4  }
0x6d: {  	v5 =	vsub.f32 v39, v40  }
0x6e: {  	v4 =	vmul.f32 $1.442695020e+00, v4  }
0x6f: {  	v5 =	vmul.f32 $1.442695020e+00, v5  }
0x70: {  	(erf) = vpow2.f32 v4  }
0x71: {  	(erf) = vpow2.f32 v5;
	_ =	sdelay $0x7  }
0x72: {  	v4 =	vpop (erf)  }
0x73: {  	v5 =	vpop (erf);
	[tilespmem:v3+s5+$0x0] =	vst.idx.add.f32.msk $0xffff, v4  }
0x74: {  	[tilespmem:v3+s6+$0x0] =	vst.idx.add.f32.msk $0xffff, v5  }
0x75: {  	v3 =	vld [tilespmem:s17+$0xEE20]  }
0x76: {  	v41 =	vld [tilespmem:s17+$0xF220];
	_ =	sdelay $0x4  }
0x77: {  	[tilespmem:s17+$0xF610] =	vst v4  }
0x78: {  	[tilespmem:s17+$0xFA10] =	vst v5  }
0x79: {  	v4 =	vld.idx.msk [tilespmem:v3+s3+$0x0], $0xffff  }
0x7a: {  	v5 =	vld.idx.msk [tilespmem:v41+s26+$0x0], $0xffff  }
0x7b: {  	v42 =	vld.idx.msk [tilespmem:v3+s28+$0x0], $0xffff  }
0x7c: {  	v6 =	vld.idx.msk [tilespmem:v41+s29+$0x0], $0xffff;
	_ =	sdelay $0x2  }
0x7d: {  	v5 =	vadd.f32 v5, v4  }
0x7e: {  	v4 =	vadd.f32 v4, v1  }
0x7f: {  	v6 =	vadd.f32 v6, v42;
	v7 =	vadd.f32 v42, v2;
	v43 =	vmul.f32 $2.000000030e-01, v5  }
0x80: {  	vm4 =	vge.f32 v5, $0.0e+00;
	v44 =	vmul.f32 $2.000000030e-01, v4;
	vm5 =	vge.f32 v4, $0.0e+00  }
0x81: {  	v45 =	vmul.f32 $2.000000030e-01, v6;
	v46 =	vmul.f32 $2.000000030e-01, v7;
	vm6 =	vge.f32 v6, $0.0e+00  }
0x82: {  	vm7 =	vge.f32 v7, $0.0e+00;
	v5 =	vsel vm4, v5, v43;
	v4 =	vsel vm5, v4, v44  }
0x83: {  	v47 =	vsel vm6, v6, v45;
	v48 =	vsel vm7, v7, v46;
	v4 =	vsub.f32 v5, v4  }
0x84: {  	v5 =	vsub.f32 v47, v48  }
0x85: {  	v4 =	vmul.f32 $1.442695020e+00, v4  }
0x86: {  	v5 =	vmul.f32 $1.442695020e+00, v5  }
0x87: {  	(erf) = vpow2.f32 v4  }
0x88: {  	(erf) = vpow2.f32 v5;
	_ =	sdelay $0x7  }
0x89: {  	v4 =	vpop (erf)  }
0x8a: {  	v5 =	vpop (erf);
	[tilespmem:v3+s5+$0x0] =	vst.idx.add.f32.msk $0xffff, v4  }
0x8b: {  	[tilespmem:v3+s6+$0x0] =	vst.idx.add.f32.msk $0xffff, v5  }
0x8c: {  	v3 =	vld [tilespmem:s17+$0xEE30]  }
0x8d: {  	v49 =	vld [tilespmem:s17+$0xF230];
	_ =	sdelay $0x4  }
0x8e: {  	[tilespmem:s17+$0xF620] =	vst v4  }
0x8f: {  	[tilespmem:s17+$0xFA20] =	vst v5  }
0x90: {  	v4 =	vld.idx.msk [tilespmem:v3+s3+$0x0], $0xffff  }
0x91: {  	v5 =	vld.idx.msk [tilespmem:v49+s26+$0x0], $0xffff  }
0x92: {  	v50 =	vld.idx.msk [tilespmem:v3+s28+$0x0], $0xffff  }
0x93: {  	v6 =	vld.idx.msk [tilespmem:v49+s29+$0x0], $0xffff;
	_ =	sdelay $0x2  }
0x94: {  	v5 =	vadd.f32 v5, v4  }
0x95: {  	v4 =	vadd.f32 v4, v1  }
0x96: {  	v6 =	vadd.f32 v6, v50;
	v7 =	vadd.f32 v50, v2;
	v51 =	vmul.f32 $2.000000030e-01, v5  }
0x97: {  	vm8 =	vge.f32 v5, $0.0e+00;
	v52 =	vmul.f32 $2.000000030e-01, v4;
	vm9 =	vge.f32 v4, $0.0e+00  }
0x98: {  	v53 =	vmul.f32 $2.000000030e-01, v6;
	v54 =	vmul.f32 $2.000000030e-01, v7;
	vm10 =	vge.f32 v6, $0.0e+00  }
0x99: {  	vm11 =	vge.f32 v7, $0.0e+00;
	v5 =	vsel vm8, v5, v51;
	v4 =	vsel vm9, v4, v52  }
0x9a: {  	v55 =	vsel vm10, v6, v53;
	v56 =	vsel vm11, v7, v54;
	v4 =	vsub.f32 v5, v4  }
0x9b: {  	v5 =	vsub.f32 v55, v56  }
0x9c: {  	v4 =	vmul.f32 $1.442695020e+00, v4  }
0x9d: {  	v5 =	vmul.f32 $1.442695020e+00, v5  }
0x9e: {  	(erf) = vpow2.f32 v4  }
0x9f: {  	(erf) = vpow2.f32 v5;
	_ =	sdelay $0x7  }
0xa0: {  	v4 =	vpop (erf)  }
0xa1: {  	v5 =	vpop (erf);
	[tilespmem:v3+s5+$0x0] =	vst.idx.add.f32.msk $0xffff, v4  }
0xa2: {  	[tilespmem:v3+s6+$0x0] =	vst.idx.add.f32.msk $0xffff, v5  }
0xa3: {  	v3 =	vld [tilespmem:s17+$0xEE40]  }
0xa4: {  	v57 =	vld [tilespmem:s17+$0xF240];
	_ =	sdelay $0x4  }
0xa5: {  	[tilespmem:s17+$0xF630] =	vst v4  }
0xa6: {  	[tilespmem:s17+$0xFA30] =	vst v5  }
0xa7: {  	v4 =	vld.idx.msk [tilespmem:v3+s3+$0x0], $0xffff  }
0xa8: {  	v5 =	vld.idx.msk [tilespmem:v57+s26+$0x0], $0xffff  }
0xa9: {  	v58 =	vld.idx.msk [tilespmem:v3+s28+$0x0], $0xffff  }
0xaa: {  	v6 =	vld.idx.msk [tilespmem:v57+s29+$0x0], $0xffff;
	_ =	sdelay $0x2  }
0xab: {  	v5 =	vadd.f32 v5, v4  }
0xac: {  	v4 =	vadd.f32 v4, v1  }
0xad: {  	v6 =	vadd.f32 v6, v58;
	v7 =	vadd.f32 v58, v2;
	v59 =	vmul.f32 $2.000000030e-01, v5  }
0xae: {  	vm12 =	vge.f32 v5, $0.0e+00;
	v60 =	vmul.f32 $2.000000030e-01, v4;
	vm13 =	vge.f32 v4, $0.0e+00  }
0xaf: {  	v61 =	vmul.f32 $2.000000030e-01, v6;
	v62 =	vmul.f32 $2.000000030e-01, v7;
	vm14 =	vge.f32 v6, $0.0e+00  }
0xb0: {  	vm15 =	vge.f32 v7, $0.0e+00;
	v5 =	vsel vm12, v5, v59;
	v4 =	vsel vm13, v4, v60  }
0xb1: {  	v6 =	vsel vm14, v6, v61;
	v63 =	vsel vm15, v7, v62;
	v4 =	vsub.f32 v5, v4  }
0xb2: {  	v5 =	vsub.f32 v6, v63  }
0xb3: {  	v4 =	vmul.f32 $1.442695020e+00, v4  }
0xb4: {  	v5 =	vmul.f32 $1.442695020e+00, v5  }
0xb5: {  	(erf) = vpow2.f32 v4  }
0xb6: {  	(erf) = vpow2.f32 v5;
	_ =	sdelay $0x6  }
0xb7: {  	p1 =	sne.s32 s20, $0x500  }
.Ltmp1:
0xb8: {  	v4 =	vpop (erf);
	(pc) =	sbr.rel @p1 .LBB2_5-.Ltmp1, $4  }
0xb9: {  	v5 =	vpop (erf);
	[tilespmem:v3+s5+$0x0] =	vst.idx.add.f32.msk $0xffff, v4  }
0xba: {  	[tilespmem:v3+s6+$0x0] =	vst.idx.add.f32.msk $0xffff, v5  }
0xbb: {  	[tilespmem:s17+$0xF640] =	vst v4  }
0xbc: {  	s20 =	sadd.s32 $0x140, s20;
	[tilespmem:s17+$0xFA40] =	vst v5  }
0xbd: {  	s17 =	sshrl.u32 s24, $0x3  }
0xbe: {  	s20 =	sadd.s32 s11, s17  }
0xbf: {  	[hbm4b:s20+s3] =	stream.linear.scatter [tilespmem:s7], [sflag:$0x3], $0x190, $0x38;
	[tilespmem:$0xFE00] =	vst v63  }
0xc0: {  	s17 =	sadd.s32 s12, s17;
	s20 =	sadd.s32 s23, s18  }
0xc1: {  	[hbm4b:s17+s3] =	stream.linear.scatter [tilespmem:s8], [sflag:$0x3], $0x190, $0x38;
	[tilespmem:$0xFE00] =	vst v63  }
0xc2: {  	s17 =	sshrl.u32 s20, $0x3  }
0xc3: {  	s24 =	sadd.s32 s10, s17  }
0xc4: {  	[tilespmem:s31], [sflag:$0x1] =	stream.linear.gather [hbm4b:s24+s3], $0x190, $0x38;
	[tilespmem:$0xFE00] =	vst v63  }
0xc5: {  	s17 =	sadd.s32 s1, s17  }
0xc6: {  	[tilespmem:s0], [sflag:$0x1] =	stream.linear.gather [hbm4b:s17+s3], $0x190, $0x38;
	[tilespmem:$0xFE00] =	vst v63  }
0xc7: {  	_ =	swait.ge [sflag:s14], $0x190  }
0xc8: {  	[sflag:s14] =	ssyncset.done $0x0  }
0xc9: {  	[sflag:s14] =	ssyncadd.s32 $0xFFFFFE70  }
0xca: {  	_ =	swait.ge [sflag:s14], $0x190  }
0xcb: {  	[sflag:s14] =	ssyncset.done $0x0  }
0xcc: {  	s17 =	simm.s32 @!p0 $0x4;
	[sflag:s14] =	ssyncadd.s32 $0xFFFFFE70  }
0xcd: {  	_ =	swait.ge @!p0 [sflag:s17], $0x190  }
0xce: {  	[sflag:s17] =	ssyncset.done @!p0 $0x0  }
0xcf: {  	[sflag:s17] =	ssyncadd.s32 @!p0 $0xFFFFFE70  }
0xd0: {  	_ =	swait.ge @!p0 [sflag:s17], $0x190  }
0xd1: {  	[sflag:s17] =	ssyncset.done @!p0 $0x0  }
0xd2: {  	s20 =	simm.s32 $0x0;
	s24 =	sadd.s32 s23, s13;
	[sflag:s17] =	ssyncadd.s32 @!p0 $0xFFFFFE70  }
.LBB2_7:
0xd3: {  	s17 =	sshra.s32 s20, $0x2  }
0xd4: {  	v3 =	vld [tilespmem:s17+$0xF000]  }
0xd5: {  	v4 =	vld [tilespmem:s17+$0xF400];
	_ =	sdelay $0x6  }
0xd6: {  	v5 =	vld.idx.msk [tilespmem:v3+s3+$0x0], $0xffff  }
0xd7: {  	v6 =	vld.idx.msk [tilespmem:v4+s26+$0x0], $0xffff  }
0xd8: {  	v7 =	vld.idx.msk [tilespmem:v3+s28+$0x0], $0xffff  }
0xd9: {  	v4 =	vld.idx.msk [tilespmem:v4+s29+$0x0], $0xffff;
	_ =	sdelay $0x2  }
0xda: {  	v6 =	vadd.f32 v6, v5  }
0xdb: {  	v5 =	vadd.f32 v5, v1  }
0xdc: {  	v4 =	vadd.f32 v4, v7;
	v7 =	vadd.f32 v7, v2;
	v8 =	vmul.f32 $2.000000030e-01, v6  }
0xdd: {  	vm0 =	vge.f32 v6, $0.0e+00;
	v29 =	vmul.f32 $2.000000030e-01, v5;
	vm10 =	vge.f32 v5, $0.0e+00  }
0xde: {  	v9 =	vmul.f32 $2.000000030e-01, v4;
	v10 =	vmul.f32 $2.000000030e-01, v7;
	vm11 =	vge.f32 v4, $0.0e+00  }
0xdf: {  	vm1 =	vge.f32 v7, $0.0e+00;
	v6 =	vsel vm0, v6, v8;
	v5 =	vsel vm10, v5, v29  }
0xe0: {  	v4 =	vsel vm11, v4, v9;
	v30 =	vsel vm1, v7, v10;
	v5 =	vsub.f32 v6, v5  }
0xe1: {  	v4 =	vsub.f32 v4, v30  }
0xe2: {  	v5 =	vmul.f32 $1.442695020e+00, v5  }
0xe3: {  	v4 =	vmul.f32 $1.442695020e+00, v4  }
0xe4: {  	(erf) = vpow2.f32 v5  }
0xe5: {  	(erf) = vpow2.f32 v4;
	_ =	sdelay $0x7  }
0xe6: {  	v31 =	vpop (erf)  }
0xe7: {  	v32 =	vpop (erf);
	[tilespmem:v3+s5+$0x0] =	vst.idx.add.f32.msk $0xffff, v31  }
0xe8: {  	[tilespmem:v3+s6+$0x0] =	vst.idx.add.f32.msk $0xffff, v32  }
0xe9: {  	v3 =	vld [tilespmem:s17+$0xF010]  }
0xea: {  	v33 =	vld [tilespmem:s17+$0xF410];
	_ =	sdelay $0x4  }
0xeb: {  	[tilespmem:s17+$0xF800] =	vst v31  }
0xec: {  	[tilespmem:s17+$0xFC00] =	vst v32  }
0xed: {  	v4 =	vld.idx.msk [tilespmem:v3+s3+$0x0], $0xffff  }
0xee: {  	v5 =	vld.idx.msk [tilespmem:v33+s26+$0x0], $0xffff  }
0xef: {  	v34 =	vld.idx.msk [tilespmem:v3+s28+$0x0], $0xffff  }
0xf0: {  	v6 =	vld.idx.msk [tilespmem:v33+s29+$0x0], $0xffff;
	_ =	sdelay $0x2  }
0xf1: {  	v5 =	vadd.f32 v5, v4  }
0xf2: {  	v4 =	vadd.f32 v4, v1  }
0xf3: {  	v6 =	vadd.f32 v6, v34;
	v7 =	vadd.f32 v34, v2;
	v35 =	vmul.f32 $2.000000030e-01, v5  }
0xf4: {  	vm12 =	vge.f32 v5, $0.0e+00;
	v36 =	vmul.f32 $2.000000030e-01, v4;
	vm13 =	vge.f32 v4, $0.0e+00  }
0xf5: {  	v37 =	vmul.f32 $2.000000030e-01, v6;
	v38 =	vmul.f32 $2.000000030e-01, v7;
	vm14 =	vge.f32 v6, $0.0e+00  }
0xf6: {  	vm15 =	vge.f32 v7, $0.0e+00;
	v5 =	vsel vm12, v5, v35;
	v4 =	vsel vm13, v4, v36  }
0xf7: {  	v39 =	vsel vm14, v6, v37;
	v40 =	vsel vm15, v7, v38;
	v4 =	vsub.f32 v5, v4  }
0xf8: {  	v5 =	vsub.f32 v39, v40  }
0xf9: {  	v4 =	vmul.f32 $1.442695020e+00, v4  }
0xfa: {  	v5 =	vmul.f32 $1.442695020e+00, v5  }
0xfb: {  	(erf) = vpow2.f32 v4  }
0xfc: {  	(erf) = vpow2.f32 v5;
	_ =	sdelay $0x7  }
0xfd: {  	v4 =	vpop (erf)  }
0xfe: {  	v5 =	vpop (erf);
	[tilespmem:v3+s5+$0x0] =	vst.idx.add.f32.msk $0xffff, v4  }
0xff: {  	[tilespmem:v3+s6+$0x0] =	vst.idx.add.f32.msk $0xffff, v5  }
0x100: {  	v3 =	vld [tilespmem:s17+$0xF020]  }
0x101: {  	v41 =	vld [tilespmem:s17+$0xF420];
	_ =	sdelay $0x4  }
0x102: {  	[tilespmem:s17+$0xF810] =	vst v4  }
0x103: {  	[tilespmem:s17+$0xFC10] =	vst v5  }
0x104: {  	v4 =	vld.idx.msk [tilespmem:v3+s3+$0x0], $0xffff  }
0x105: {  	v5 =	vld.idx.msk [tilespmem:v41+s26+$0x0], $0xffff  }
0x106: {  	v42 =	vld.idx.msk [tilespmem:v3+s28+$0x0], $0xffff  }
0x107: {  	v6 =	vld.idx.msk [tilespmem:v41+s29+$0x0], $0xffff;
	_ =	sdelay $0x2  }
0x108: {  	v5 =	vadd.f32 v5, v4  }
0x109: {  	v4 =	vadd.f32 v4, v1  }
0x10a: {  	v6 =	vadd.f32 v6, v42;
	v7 =	vadd.f32 v42, v2;
	v43 =	vmul.f32 $2.000000030e-01, v5  }
0x10b: {  	vm4 =	vge.f32 v5, $0.0e+00;
	v44 =	vmul.f32 $2.000000030e-01, v4;
	vm5 =	vge.f32 v4, $0.0e+00  }
0x10c: {  	v45 =	vmul.f32 $2.000000030e-01, v6;
	v46 =	vmul.f32 $2.000000030e-01, v7;
	vm6 =	vge.f32 v6, $0.0e+00  }
0x10d: {  	vm7 =	vge.f32 v7, $0.0e+00;
	v5 =	vsel vm4, v5, v43;
	v4 =	vsel vm5, v4, v44  }
0x10e: {  	v47 =	vsel vm6, v6, v45;
	v48 =	vsel vm7, v7, v46;
	v4 =	vsub.f32 v5, v4  }
0x10f: {  	v5 =	vsub.f32 v47, v48  }
0x110: {  	v4 =	vmul.f32 $1.442695020e+00, v4  }
0x111: {  	v5 =	vmul.f32 $1.442695020e+00, v5  }
0x112: {  	(erf) = vpow2.f32 v4  }
0x113: {  	(erf) = vpow2.f32 v5;
	_ =	sdelay $0x7  }
0x114: {  	v4 =	vpop (erf)  }
0x115: {  	v5 =	vpop (erf);
	[tilespmem:v3+s5+$0x0] =	vst.idx.add.f32.msk $0xffff, v4  }
0x116: {  	[tilespmem:v3+s6+$0x0] =	vst.idx.add.f32.msk $0xffff, v5  }
0x117: {  	v3 =	vld [tilespmem:s17+$0xF030]  }
0x118: {  	v49 =	vld [tilespmem:s17+$0xF430];
	_ =	sdelay $0x4  }
0x119: {  	[tilespmem:s17+$0xF820] =	vst v4  }
0x11a: {  	[tilespmem:s17+$0xFC20] =	vst v5  }
0x11b: {  	v4 =	vld.idx.msk [tilespmem:v3+s3+$0x0], $0xffff  }
0x11c: {  	v5 =	vld.idx.msk [tilespmem:v49+s26+$0x0], $0xffff  }
0x11d: {  	v50 =	vld.idx.msk [tilespmem:v3+s28+$0x0], $0xffff  }
0x11e: {  	v6 =	vld.idx.msk [tilespmem:v49+s29+$0x0], $0xffff;
	_ =	sdelay $0x2  }
0x11f: {  	v5 =	vadd.f32 v5, v4  }
0x120: {  	v4 =	vadd.f32 v4, v1  }
0x121: {  	v6 =	vadd.f32 v6, v50;
	v7 =	vadd.f32 v50, v2;
	v51 =	vmul.f32 $2.000000030e-01, v5  }
0x122: {  	vm8 =	vge.f32 v5, $0.0e+00;
	v52 =	vmul.f32 $2.000000030e-01, v4;
	vm9 =	vge.f32 v4, $0.0e+00  }
0x123: {  	v53 =	vmul.f32 $2.000000030e-01, v6;
	v54 =	vmul.f32 $2.000000030e-01, v7;
	vm10 =	vge.f32 v6, $0.0e+00  }
0x124: {  	vm11 =	vge.f32 v7, $0.0e+00;
	v5 =	vsel vm8, v5, v51;
	v4 =	vsel vm9, v4, v52  }
0x125: {  	v55 =	vsel vm10, v6, v53;
	v56 =	vsel vm11, v7, v54;
	v4 =	vsub.f32 v5, v4  }
0x126: {  	v5 =	vsub.f32 v55, v56  }
0x127: {  	v4 =	vmul.f32 $1.442695020e+00, v4  }
0x128: {  	v5 =	vmul.f32 $1.442695020e+00, v5  }
0x129: {  	(erf) = vpow2.f32 v4  }
0x12a: {  	(erf) = vpow2.f32 v5;
	_ =	sdelay $0x7  }
0x12b: {  	v4 =	vpop (erf)  }
0x12c: {  	v5 =	vpop (erf);
	[tilespmem:v3+s5+$0x0] =	vst.idx.add.f32.msk $0xffff, v4  }
0x12d: {  	[tilespmem:v3+s6+$0x0] =	vst.idx.add.f32.msk $0xffff, v5  }
0x12e: {  	v3 =	vld [tilespmem:s17+$0xF040]  }
0x12f: {  	v57 =	vld [tilespmem:s17+$0xF440];
	_ =	sdelay $0x4  }
0x130: {  	[tilespmem:s17+$0xF830] =	vst v4  }
0x131: {  	[tilespmem:s17+$0xFC30] =	vst v5  }
0x132: {  	v4 =	vld.idx.msk [tilespmem:v3+s3+$0x0], $0xffff  }
0x133: {  	v5 =	vld.idx.msk [tilespmem:v57+s26+$0x0], $0xffff  }
0x134: {  	v58 =	vld.idx.msk [tilespmem:v3+s28+$0x0], $0xffff  }
0x135: {  	v6 =	vld.idx.msk [tilespmem:v57+s29+$0x0], $0xffff;
	_ =	sdelay $0x2  }
0x136: {  	v5 =	vadd.f32 v5, v4  }
0x137: {  	v4 =	vadd.f32 v4, v1  }
0x138: {  	v6 =	vadd.f32 v6, v58;
	v7 =	vadd.f32 v58, v2;
	v59 =	vmul.f32 $2.000000030e-01, v5  }
0x139: {  	vm12 =	vge.f32 v5, $0.0e+00;
	v60 =	vmul.f32 $2.000000030e-01, v4;
	vm13 =	vge.f32 v4, $0.0e+00  }
0x13a: {  	v61 =	vmul.f32 $2.000000030e-01, v6;
	v62 =	vmul.f32 $2.000000030e-01, v7;
	vm14 =	vge.f32 v6, $0.0e+00  }
0x13b: {  	vm15 =	vge.f32 v7, $0.0e+00;
	v5 =	vsel vm12, v5, v59;
	v4 =	vsel vm13, v4, v60  }
0x13c: {  	v6 =	vsel vm14, v6, v61;
	v63 =	vsel vm15, v7, v62;
	v4 =	vsub.f32 v5, v4  }
0x13d: {  	v5 =	vsub.f32 v6, v63  }
0x13e: {  	v4 =	vmul.f32 $1.442695020e+00, v4  }
0x13f: {  	v5 =	vmul.f32 $1.442695020e+00, v5  }
0x140: {  	(erf) = vpow2.f32 v4  }
0x141: {  	(erf) = vpow2.f32 v5;
	_ =	sdelay $0x6  }
0x142: {  	p0 =	sne.s32 s20, $0x500  }
.Ltmp2:
0x143: {  	v4 =	vpop (erf);
	(pc) =	sbr.rel @p0 .LBB2_7-.Ltmp2, $4  }
0x144: {  	v5 =	vpop (erf);
	[tilespmem:v3+s5+$0x0] =	vst.idx.add.f32.msk $0xffff, v4  }
0x145: {  	[tilespmem:v3+s6+$0x0] =	vst.idx.add.f32.msk $0xffff, v5  }
0x146: {  	[tilespmem:s17+$0xF840] =	vst v4  }
0x147: {  	s20 =	sadd.s32 $0x140, s20;
	[tilespmem:s17+$0xFC40] =	vst v5  }
0x148: {  	p0 =	seq.s32 s22, $0xB  }
.Ltmp3:
0x149: {  	s17 =	sshrl.u32 s24, $0x3;
	(pc) =	sbr.rel @p0 .LBB2_10-.Ltmp3, $4  }
0x14a: {  	s20 =	sadd.s32 s11, s17  }
0x14b: {  	[hbm4b:s20+s3] =	stream.linear.scatter [tilespmem:s15], [sflag:$0x4], $0x190, $0x38;
	[tilespmem:$0xFE00] =	vst v63  }
0x14c: {  	s17 =	sadd.s32 s12, s17  }
0x14d: {  	[hbm4b:s17+s3] =	stream.linear.scatter [tilespmem:s16], [sflag:$0x4], $0x190, $0x38;
	[tilespmem:$0xFE00] =	vst v63  }
0x14e: {  	s17 =	sadd.s32 s23, s19  }
.Ltmp4:
0x14f: {  	s17 =	sshrl.u32 s17, $0x3;
	(pc) =	sbr.rel .LBB2_4-.Ltmp4, $4  }
0x150: {  	s20 =	sadd.s32 s10, s17  }
0x151: {  	[tilespmem:s2], [sflag:$0x2] =	stream.linear.gather [hbm4b:s20+s3], $0x190, $0x38;
	[tilespmem:$0xFE00] =	vst v63  }
0x152: {  	s22 =	sadd.s32 $0x1, s22;
	s17 =	sadd.s32 s1, s17  }
0x153: {  	[tilespmem:s30], [sflag:$0x2] =	stream.linear.gather [hbm4b:s17+s3], $0x190, $0x38;
	[tilespmem:$0xFE00] =	vst v63  }
.LBB2_10:
0x154: {  	_ =	swait.ge [sflag:s4], $0x190  }
0x155: {  	[sflag:s4] =	ssyncset.done $0x0  }
0x156: {  	[sflag:s4] =	ssyncadd.s32 $0xFFFFFE70  }
0x157: {  	_ =	swait.ge [sflag:s4], $0x190  }
0x158: {  	[sflag:s4] =	ssyncset.done $0x0  }
0x159: {  	s22 =	simm.s32 $0x3;
	[sflag:s4] =	ssyncadd.s32 $0xFFFFFE70  }
0x15a: {  	_ =	swait.ge [sflag:s22], $0x190  }
0x15b: {  	[sflag:s22] =	ssyncset.done $0x0  }
0x15c: {  	[sflag:s22] =	ssyncadd.s32 $0xFFFFFE70  }
0x15d: {  	_ =	swait.ge [sflag:s22], $0x190  }
0x15e: {  	[sflag:s22] =	ssyncset.done $0x0  }
0x15f: {  	s20 =	simm.s32 $0x0;
	[sflag:s22] =	ssyncadd.s32 $0xFFFFFE70  }
.LBB2_11:
0x160: {  	s17 =	sshra.s32 s20, $0x2  }
0x161: {  	v3 =	vld [tilespmem:s17+$0xEE00]  }
0x162: {  	v4 =	vld [tilespmem:s17+$0xF200];
	_ =	sdelay $0x6  }
0x163: {  	v5 =	vld.idx.msk [tilespmem:v3+s3+$0x0], $0xffff  }
0x164: {  	v6 =	vld.idx.msk [tilespmem:v4+s26+$0x0], $0xffff  }
0x165: {  	v7 =	vld.idx.msk [tilespmem:v3+s28+$0x0], $0xffff  }
0x166: {  	v4 =	vld.idx.msk [tilespmem:v4+s29+$0x0], $0xffff;
	_ =	sdelay $0x2  }
0x167: {  	v6 =	vadd.f32 v6, v5  }
0x168: {  	v5 =	vadd.f32 v5, v1  }
0x169: {  	v4 =	vadd.f32 v4, v7;
	v7 =	vadd.f32 v7, v2;
	v8 =	vmul.f32 $2.000000030e-01, v6  }
0x16a: {  	vm0 =	vge.f32 v6, $0.0e+00;
	v29 =	vmul.f32 $2.000000030e-01, v5;
	vm10 =	vge.f32 v5, $0.0e+00  }
0x16b: {  	v9 =	vmul.f32 $2.000000030e-01, v4;
	v10 =	vmul.f32 $2.000000030e-01, v7;
	vm11 =	vge.f32 v4, $0.0e+00  }
0x16c: {  	vm1 =	vge.f32 v7, $0.0e+00;
	v6 =	vsel vm0, v6, v8;
	v5 =	vsel vm10, v5, v29  }
0x16d: {  	v4 =	vsel vm11, v4, v9;
	v30 =	vsel vm1, v7, v10;
	v5 =	vsub.f32 v6, v5  }
0x16e: {  	v4 =	vsub.f32 v4, v30  }
0x16f: {  	v5 =	vmul.f32 $1.442695020e+00, v5  }
0x170: {  	v4 =	vmul.f32 $1.442695020e+00, v4  }
0x171: {  	(erf) = vpow2.f32 v5  }
0x172: {  	(erf) = vpow2.f32 v4;
	_ =	sdelay $0x7  }
0x173: {  	v31 =	vpop (erf)  }
0x174: {  	v32 =	vpop (erf);
	[tilespmem:v3+s5+$0x0] =	vst.idx.add.f32.msk $0xffff, v31  }
0x175: {  	[tilespmem:v3+s6+$0x0] =	vst.idx.add.f32.msk $0xffff, v32  }
0x176: {  	v3 =	vld [tilespmem:s17+$0xEE10]  }
0x177: {  	v33 =	vld [tilespmem:s17+$0xF210];
	_ =	sdelay $0x4  }
0x178: {  	[tilespmem:s17+$0xF600] =	vst v31  }
0x179: {  	[tilespmem:s17+$0xFA00] =	vst v32  }
0x17a: {  	v4 =	vld.idx.msk [tilespmem:v3+s3+$0x0], $0xffff  }
0x17b: {  	v5 =	vld.idx.msk [tilespmem:v33+s26+$0x0], $0xffff  }
0x17c: {  	v34 =	vld.idx.msk [tilespmem:v3+s28+$0x0], $0xffff  }
0x17d: {  	v6 =	vld.idx.msk [tilespmem:v33+s29+$0x0], $0xffff;
	_ =	sdelay $0x2  }
0x17e: {  	v5 =	vadd.f32 v5, v4  }
0x17f: {  	v4 =	vadd.f32 v4, v1  }
0x180: {  	v6 =	vadd.f32 v6, v34;
	v7 =	vadd.f32 v34, v2;
	v35 =	vmul.f32 $2.000000030e-01, v5  }
0x181: {  	vm12 =	vge.f32 v5, $0.0e+00;
	v36 =	vmul.f32 $2.000000030e-01, v4;
	vm13 =	vge.f32 v4, $0.0e+00  }
0x182: {  	v37 =	vmul.f32 $2.000000030e-01, v6;
	v38 =	vmul.f32 $2.000000030e-01, v7;
	vm14 =	vge.f32 v6, $0.0e+00  }
0x183: {  	vm15 =	vge.f32 v7, $0.0e+00;
	v5 =	vsel vm12, v5, v35;
	v4 =	vsel vm13, v4, v36  }
0x184: {  	v39 =	vsel vm14, v6, v37;
	v40 =	vsel vm15, v7, v38;
	v4 =	vsub.f32 v5, v4  }
0x185: {  	v5 =	vsub.f32 v39, v40  }
0x186: {  	v4 =	vmul.f32 $1.442695020e+00, v4  }
0x187: {  	v5 =	vmul.f32 $1.442695020e+00, v5  }
0x188: {  	(erf) = vpow2.f32 v4  }
0x189: {  	(erf) = vpow2.f32 v5;
	_ =	sdelay $0x7  }
0x18a: {  	v4 =	vpop (erf)  }
0x18b: {  	v5 =	vpop (erf);
	[tilespmem:v3+s5+$0x0] =	vst.idx.add.f32.msk $0xffff, v4  }
0x18c: {  	[tilespmem:v3+s6+$0x0] =	vst.idx.add.f32.msk $0xffff, v5  }
0x18d: {  	v3 =	vld [tilespmem:s17+$0xEE20]  }
0x18e: {  	v41 =	vld [tilespmem:s17+$0xF220];
	_ =	sdelay $0x4  }
0x18f: {  	[tilespmem:s17+$0xF610] =	vst v4  }
0x190: {  	[tilespmem:s17+$0xFA10] =	vst v5  }
0x191: {  	v4 =	vld.idx.msk [tilespmem:v3+s3+$0x0], $0xffff  }
0x192: {  	v5 =	vld.idx.msk [tilespmem:v41+s26+$0x0], $0xffff  }
0x193: {  	v42 =	vld.idx.msk [tilespmem:v3+s28+$0x0], $0xffff  }
0x194: {  	v6 =	vld.idx.msk [tilespmem:v41+s29+$0x0], $0xffff;
	_ =	sdelay $0x2  }
0x195: {  	v5 =	vadd.f32 v5, v4  }
0x196: {  	v4 =	vadd.f32 v4, v1  }
0x197: {  	v6 =	vadd.f32 v6, v42;
	v7 =	vadd.f32 v42, v2;
	v43 =	vmul.f32 $2.000000030e-01, v5  }
0x198: {  	vm4 =	vge.f32 v5, $0.0e+00;
	v44 =	vmul.f32 $2.000000030e-01, v4;
	vm5 =	vge.f32 v4, $0.0e+00  }
0x199: {  	v45 =	vmul.f32 $2.000000030e-01, v6;
	v46 =	vmul.f32 $2.000000030e-01, v7;
	vm6 =	vge.f32 v6, $0.0e+00  }
0x19a: {  	vm7 =	vge.f32 v7, $0.0e+00;
	v5 =	vsel vm4, v5, v43;
	v4 =	vsel vm5, v4, v44  }
0x19b: {  	v47 =	vsel vm6, v6, v45;
	v48 =	vsel vm7, v7, v46;
	v4 =	vsub.f32 v5, v4  }
0x19c: {  	v5 =	vsub.f32 v47, v48  }
0x19d: {  	v4 =	vmul.f32 $1.442695020e+00, v4  }
0x19e: {  	v5 =	vmul.f32 $1.442695020e+00, v5  }
0x19f: {  	(erf) = vpow2.f32 v4  }
0x1a0: {  	(erf) = vpow2.f32 v5;
	_ =	sdelay $0x7  }
0x1a1: {  	v4 =	vpop (erf)  }
0x1a2: {  	v5 =	vpop (erf);
	[tilespmem:v3+s5+$0x0] =	vst.idx.add.f32.msk $0xffff, v4  }
0x1a3: {  	[tilespmem:v3+s6+$0x0] =	vst.idx.add.f32.msk $0xffff, v5  }
0x1a4: {  	v3 =	vld [tilespmem:s17+$0xEE30]  }
0x1a5: {  	v49 =	vld [tilespmem:s17+$0xF230];
	_ =	sdelay $0x4  }
0x1a6: {  	[tilespmem:s17+$0xF620] =	vst v4  }
0x1a7: {  	[tilespmem:s17+$0xFA20] =	vst v5  }
0x1a8: {  	v4 =	vld.idx.msk [tilespmem:v3+s3+$0x0], $0xffff  }
0x1a9: {  	v5 =	vld.idx.msk [tilespmem:v49+s26+$0x0], $0xffff  }
0x1aa: {  	v50 =	vld.idx.msk [tilespmem:v3+s28+$0x0], $0xffff  }
0x1ab: {  	v6 =	vld.idx.msk [tilespmem:v49+s29+$0x0], $0xffff;
	_ =	sdelay $0x2  }
0x1ac: {  	v5 =	vadd.f32 v5, v4  }
0x1ad: {  	v4 =	vadd.f32 v4, v1  }
0x1ae: {  	v6 =	vadd.f32 v6, v50;
	v7 =	vadd.f32 v50, v2;
	v51 =	vmul.f32 $2.000000030e-01, v5  }
0x1af: {  	vm8 =	vge.f32 v5, $0.0e+00;
	v52 =	vmul.f32 $2.000000030e-01, v4;
	vm9 =	vge.f32 v4, $0.0e+00  }
0x1b0: {  	v53 =	vmul.f32 $2.000000030e-01, v6;
	v54 =	vmul.f32 $2.000000030e-01, v7;
	vm10 =	vge.f32 v6, $0.0e+00  }
0x1b1: {  	vm11 =	vge.f32 v7, $0.0e+00;
	v5 =	vsel vm8, v5, v51;
	v4 =	vsel vm9, v4, v52  }
0x1b2: {  	v55 =	vsel vm10, v6, v53;
	v56 =	vsel vm11, v7, v54;
	v4 =	vsub.f32 v5, v4  }
0x1b3: {  	v5 =	vsub.f32 v55, v56  }
0x1b4: {  	v4 =	vmul.f32 $1.442695020e+00, v4  }
0x1b5: {  	v5 =	vmul.f32 $1.442695020e+00, v5  }
0x1b6: {  	(erf) = vpow2.f32 v4  }
0x1b7: {  	(erf) = vpow2.f32 v5;
	_ =	sdelay $0x7  }
0x1b8: {  	v4 =	vpop (erf)  }
0x1b9: {  	v5 =	vpop (erf);
	[tilespmem:v3+s5+$0x0] =	vst.idx.add.f32.msk $0xffff, v4  }
0x1ba: {  	[tilespmem:v3+s6+$0x0] =	vst.idx.add.f32.msk $0xffff, v5  }
0x1bb: {  	v3 =	vld [tilespmem:s17+$0xEE40]  }
0x1bc: {  	v57 =	vld [tilespmem:s17+$0xF240];
	_ =	sdelay $0x4  }
0x1bd: {  	[tilespmem:s17+$0xF630] =	vst v4  }
0x1be: {  	[tilespmem:s17+$0xFA30] =	vst v5  }
0x1bf: {  	v4 =	vld.idx.msk [tilespmem:v3+s3+$0x0], $0xffff  }
0x1c0: {  	v5 =	vld.idx.msk [tilespmem:v57+s26+$0x0], $0xffff  }
0x1c1: {  	v58 =	vld.idx.msk [tilespmem:v3+s28+$0x0], $0xffff  }
0x1c2: {  	v6 =	vld.idx.msk [tilespmem:v57+s29+$0x0], $0xffff;
	_ =	sdelay $0x2  }
0x1c3: {  	v5 =	vadd.f32 v5, v4  }
0x1c4: {  	v4 =	vadd.f32 v4, v1  }
0x1c5: {  	v6 =	vadd.f32 v6, v58;
	v7 =	vadd.f32 v58, v2;
	v59 =	vmul.f32 $2.000000030e-01, v5  }
0x1c6: {  	vm12 =	vge.f32 v5, $0.0e+00;
	v60 =	vmul.f32 $2.000000030e-01, v4;
	vm13 =	vge.f32 v4, $0.0e+00  }
0x1c7: {  	v61 =	vmul.f32 $2.000000030e-01, v6;
	v62 =	vmul.f32 $2.000000030e-01, v7;
	vm14 =	vge.f32 v6, $0.0e+00  }
0x1c8: {  	vm15 =	vge.f32 v7, $0.0e+00;
	v5 =	vsel vm12, v5, v59;
	v4 =	vsel vm13, v4, v60  }
0x1c9: {  	v6 =	vsel vm14, v6, v61;
	v63 =	vsel vm15, v7, v62;
	v4 =	vsub.f32 v5, v4  }
0x1ca: {  	v5 =	vsub.f32 v6, v63  }
0x1cb: {  	v4 =	vmul.f32 $1.442695020e+00, v4  }
0x1cc: {  	v5 =	vmul.f32 $1.442695020e+00, v5  }
0x1cd: {  	(erf) = vpow2.f32 v4  }
0x1ce: {  	(erf) = vpow2.f32 v5;
	_ =	sdelay $0x6  }
0x1cf: {  	p0 =	sne.s32 s20, $0x500  }
.Ltmp5:
0x1d0: {  	v4 =	vpop (erf);
	(pc) =	sbr.rel @p0 .LBB2_11-.Ltmp5, $4  }
0x1d1: {  	v5 =	vpop (erf);
	[tilespmem:v3+s5+$0x0] =	vst.idx.add.f32.msk $0xffff, v4  }
0x1d2: {  	[tilespmem:v3+s6+$0x0] =	vst.idx.add.f32.msk $0xffff, v5  }
0x1d3: {  	[tilespmem:s17+$0xF640] =	vst v4  }
0x1d4: {  	s20 =	sadd.s32 $0x140, s20;
	[tilespmem:s17+$0xFA40] =	vst v5  }
0x1d5: {  	s17 =	rddreg [dreg:$0xc]  }
0x1d6: {  	[hbm4b:s17+s3] =	stream.linear.scatter [tilespmem:s7], [sflag:$0x3], $0x190, $0x38;
	[tilespmem:$0xFE00] =	vst v63  }
0x1d7: {  	s24 =	rddreg [dreg:$0xd];
	s20 =	simm.s32 $0x4  }
0x1d8: {  	[hbm4b:s24+s3] =	stream.linear.scatter [tilespmem:s8], [sflag:$0x3], $0x190, $0x38;
	[tilespmem:$0xFE00] =	vst v63  }
0x1d9: {  	_ =	swait.ge [sflag:s20], $0x190  }
0x1da: {  	[sflag:s20] =	ssyncset.done $0x0  }
0x1db: {  	[sflag:s20] =	ssyncadd.s32 $0xFFFFFE70  }
0x1dc: {  	_ =	swait.ge [sflag:s20], $0x190  }
0x1dd: {  	[sflag:s20] =	ssyncset.done $0x0  }
0x1de: {  	[sflag:s20] =	ssyncadd.s32 $0xFFFFFE70  }
0x1df: {  	_ =	swait.ge [sflag:s22], $0x190  }
0x1e0: {  	[sflag:s22] =	ssyncset.done $0x0  }
0x1e1: {  	[sflag:s22] =	ssyncadd.s32 $0xFFFFFE70  }
0x1e2: {  	_ =	swait.ge [sflag:s22], $0x190  }
0x1e3: {  	[sflag:s22] =	ssyncset.done $0x0  }
0x1e4: {  	[sflag:s22] =	ssyncadd.s32 $0xFFFFFE70;
	s22 =	rddreg [dreg:$0xe]  }
0x1e5: {  	[hbm4b:s22+s3] =	stream.linear.scatter [tilespmem:s5], [sflag:$0x5], $0x2710, $0x38;
	[tilespmem:$0xFE00] =	vst v63  }
0x1e6: {  	_ =	swait.ge [sflag:s25], $0x2710  }
0x1e7: {  	[sflag:s25] =	ssyncset.done $0x0  }
0x1e8: {  	s23 =	rddreg [dreg:$0xf];
	[sflag:s25] =	ssyncadd.s32 $0xFFFFD8F0  }
0x1e9: {  	[hbm4b:s23+s3] =	stream.linear.scatter [tilespmem:s6], [sflag:$0x5], $0x2710, $0x38;
	[tilespmem:$0xFE00] =	vst v63  }
0x1ea: {  	_ =	swait.ge [sflag:s25], $0x2710  }
0x1eb: {  	s21 =	sadd.s32 $0x1, s21;
	s24 =	rddreg [dreg:$0x10]  }
0x1ec: {  	p0 =	sne.s32 s21, s24  }
.Ltmp6:
0x1ed: {  	_ = 	snop;
	(pc) =	sbr.rel @p0 .LBB2_1-.Ltmp6, $3  }
0x1ee: {  	_ =	sdelay $0x1  }
0x1ef: {  	[sflag:s25] =	ssyncset.done $0x0  }
0x1f0: {  	[sflag:s25] =	ssyncadd.s32 $0xFFFFD8F0  }
0x1f1: {  	_ =	sfence.sel $0x180000  }
0x1f2: {  	[bflag:$0x0] =	sbarrier.arrive $0xFFFF  }
0x1f3: {  	_ =	strace $0x90000047  }
0x1f4: {  	s0 =	stileid.u32;
	[bflag:$0x2] =	sbarrier.arrive $0xFFFF  }
0x1f5: {  	p0 =	sne.s32 s0, $0x0;
	s0 =	rddreg [dreg:$0x2]  }
0x1f6: {  	s0 =	sadd.s32 @!p0 $0x100000, s0  }
0x1f7: {  	[sflag:s0] =	ssyncadd.tile.s32 @!p0 $0x1;
	_ =	shalt  }
.Lfunc_end2:
_tile_overlayer_lowered:
.L_overlay_start_2:
0x1f8: {  	(tag) =	ssettag $0x2  }
0x1f9: {  	s0 =	rddreg [dreg:$0x0];
	s2 =	stileid.u32  }
0x1fa: {  	s1 =	rddreg [dreg:$0x1];
	p0 =	sne.s32 s2, $0x0  }
0x1fb: {  	s3 =	rddreg [dreg:$0x2];
	[bflag:$0x3] =	sbarrier.arrive $0xFFFF;
	s2 =	simm.s32 @!p0 $0x1C05  }
0x1fc: {  	[timem:s3], [sflag:s2] =	dma.local @!p0 [hbm:s0], s1  }
0x1fd: {  	s0 =	simm.s32 @!p0 $0x5  }
0x1fe: {  	_ =	swait.ge @!p0 [sflag:s0], s1  }
0x1ff: {  	s1 =	ssub.s32 @!p0 $0x0, s1;
	[sflag:s0] =	ssyncset.done @!p0 $0x0  }
0x200: {  	[sflag:s0] =	ssyncadd.s32 @!p0 s1  }
0x201: {  	[bflag:$0x3] =	sbarrier.arrive $0xFFFF  }
0x202: {  	_ =	shalt  }

</sc_bundles>
